<compile_context>
chip_gen: v7x
topology: tpu7x:2x2x1
jax: 0.10.2.dev20260603
libtpu: 0.0.44.dev20260713+nightly
codegen_flags: <defaults>
</compile_context>

<pallas_src>
import functools

import jax
import jax.numpy as jnp
from jax import lax
from jax.experimental import pallas as pl
from jax.experimental.pallas import tpu as pltpu
from jax.experimental.pallas import tpu_sc as plsc

NG = 4762
NC = 847
D = 256
E_ENC = 150000
E_DEC = 200000

GP = 4768
CP = 864

NCORES = 2
NSUB = 16
NW = NCORES * NSUB

WIN = 128
CH_ENC = 4736
NWIN = CH_ENC // WIN
E_ENC_PAD = NW * CH_ENC

CH_DEC = 6272
E_DEC_PAD = NW * CH_DEC

f32 = jnp.float32
i32 = jnp.int32


SEG = 2 * GP + 2 * CP


def _deg_body(g2cs, g2cd, c2gs, c2gd, deg_out,
              ci_v, cgo, cci, cco, cgi):
    c = lax.axis_index("c")
    s = lax.axis_index("s")
    k = c * NSUB + s
    ones16 = jnp.ones((16,), f32)

    for buf, n in ((cgo, GP), (cci, CP), (cco, CP), (cgi, GP)):
        def zb(i, _, buf=buf):
            buf[pl.ds(i * 16, 16)] = jnp.zeros((16,), f32)
            return 0
        lax.fori_loop(0, n // 16, zb, 0)

    for idx_hbm, cnt in ((g2cs, cgo), (g2cd, cci), (c2gs, cco), (c2gd, cgi)):
        pltpu.sync_copy(idx_hbm.at[pl.ds(k * CH_ENC, CH_ENC)], ci_v)

        def b(i, _, cnt=cnt):
            ii = ci_v[pl.ds(i * 16, 16)]
            plsc.addupdate_scatter(cnt, [ii], ones16)
            return 0
        lax.fori_loop(0, CH_ENC // 16, b, 0)

    base = k * SEG
    pltpu.sync_copy(cgo, deg_out.at[pl.ds(base, GP)])
    pltpu.sync_copy(cci, deg_out.at[pl.ds(base + GP, CP)])
    pltpu.sync_copy(cco, deg_out.at[pl.ds(base + GP + CP, CP)])
    pltpu.sync_copy(cgi, deg_out.at[pl.ds(base + GP + 2 * CP, GP)])


def _scale_body(gp_ref, cp_ref, deg_ref, xg_ref, xc_ref, ds_ref):
    dsum = jnp.sum(deg_ref[...], axis=0)
    dgo = lax.slice(dsum, (0,), (GP,))
    dco = lax.slice(dsum, (GP + CP,), (GP + 2 * CP,))
    rg = lax.rsqrt(jnp.clip(dgo, 1.0, None))
    rc = lax.rsqrt(jnp.clip(dco, 1.0, None))
    xg_ref[...] = gp_ref[...] * rg[:, None]
    xc_ref[...] = cp_ref[...] * rc[:, None]
    ds_ref[...] = dsum


_scale_call = pl.pallas_call(
    _scale_body,
    out_shape=[
        jax.ShapeDtypeStruct((GP, D), f32),
        jax.ShapeDtypeStruct((CP, D), f32),
        jax.ShapeDtypeStruct((SEG,), f32),
    ],
)


def _gat_body(srcidx, tab, out, sidx_v, msg_v, sem):
    c = lax.axis_index("c")
    s = lax.axis_index("s")
    k = c * NSUB + s

    def win_body(w, _):
        base = k * CH_ENC + w * WIN
        pltpu.sync_copy(srcidx.at[pl.ds(base, WIN)], sidx_v.at[0])
        pltpu.async_copy(tab.at[sidx_v.at[0]], msg_v, sem).wait()
        pltpu.sync_copy(msg_v, out.at[pl.ds(base, WIN)])
        return 0
    lax.fori_loop(0, NWIN, win_body, 0)


def _head_body(aggc_ref, aggg_ref, ds_ref,
               wgc_ref, bgc_ref, wcg_ref, bcg_ref,
               wpg_ref, wpc_ref, bp_ref,
               hg_ref, hc_ref, sg_ref, sc_ref):
    dsum = ds_ref[...]
    dci = lax.slice(dsum, (GP,), (GP + CP,))
    dgi = lax.slice(dsum, (GP + 2 * CP,), (SEG,))
    ric = lax.rsqrt(jnp.clip(dci, 1.0, None))
    rig = lax.rsqrt(jnp.clip(dgi, 1.0, None))
    aggc = aggc_ref[...] * ric[:, None]
    aggg = aggg_ref[...] * rig[:, None]
    h_cell = jnp.maximum(
        jnp.dot(aggc, wgc_ref[...], preferred_element_type=f32)
        + bgc_ref[...], 0.0)
    h_gene = jnp.maximum(
        jnp.dot(aggg, wcg_ref[...], preferred_element_type=f32)
        + bcg_ref[...], 0.0)
    hg_ref[...] = h_gene
    hc_ref[...] = h_cell
    sg_ref[...] = jnp.dot(h_gene, wpg_ref[...], preferred_element_type=f32)
    sc_ref[...] = (jnp.dot(h_cell, wpc_ref[...], preferred_element_type=f32)
                   + bp_ref[0, 0])


_head_call = pl.pallas_call(
    _head_body,
    out_shape=[
        jax.ShapeDtypeStruct((GP, D), f32),
        jax.ShapeDtypeStruct((CP, D), f32),
        jax.ShapeDtypeStruct((GP, 1), f32),
        jax.ShapeDtypeStruct((CP, 1), f32),
    ],
)


def _dec_body(sg_hbm, sc_hbm, dsrc, ddst, score_out,
              sg_v, sc_v, si_v, di_v, out_v):
    c = lax.axis_index("c")
    s = lax.axis_index("s")
    k = c * NSUB + s
    base = k * CH_DEC

    pltpu.sync_copy(sg_hbm, sg_v)
    pltpu.sync_copy(sc_hbm, sc_v)
    pltpu.sync_copy(dsrc.at[pl.ds(base, CH_DEC)], si_v)
    pltpu.sync_copy(ddst.at[pl.ds(base, CH_DEC)], di_v)

    def body(i, _):
        a = plsc.load_gather(sg_v, [si_v[pl.ds(i * 16, 16)]])
        b = plsc.load_gather(sc_v, [di_v[pl.ds(i * 16, 16)]])
        out_v[pl.ds(i * 16, 16)] = a + b
        return 0

    lax.fori_loop(0, CH_DEC // 16, body, 0)

    pltpu.sync_copy(out_v, score_out.at[pl.ds(base, CH_DEC)])


@functools.cache
def _sc_kernels():
    mesh = plsc.VectorSubcoreMesh(
        core_axis_name="c", subcore_axis_name="s", num_cores=NCORES)
    deg = pl.kernel(
        _deg_body,
        out_type=jax.ShapeDtypeStruct((NW * SEG,), f32),
        mesh=mesh,
        compiler_params=pltpu.CompilerParams(needs_layout_passes=False),
        scratch_types=[
            pltpu.VMEM((CH_ENC,), i32),
            pltpu.VMEM((GP,), f32),
            pltpu.VMEM((CP,), f32),
            pltpu.VMEM((CP,), f32),
            pltpu.VMEM((GP,), f32),
        ],
    )
    gat = pl.kernel(
        _gat_body,
        out_type=jax.ShapeDtypeStruct((E_ENC_PAD, D), f32),
        mesh=mesh,
        scratch_types=[
            pltpu.VMEM((1, WIN), i32),
            pltpu.VMEM((WIN, D), f32),
            pltpu.SemaphoreType.DMA,
        ],
    )
    dec = pl.kernel(
        _dec_body,
        out_type=jax.ShapeDtypeStruct((E_DEC_PAD,), f32),
        mesh=mesh,
        compiler_params=pltpu.CompilerParams(needs_layout_passes=False),
        scratch_types=[
            pltpu.VMEM((GP,), f32),
            pltpu.VMEM((CP,), f32),
            pltpu.VMEM((CH_DEC,), i32),
            pltpu.VMEM((CH_DEC,), i32),
            pltpu.VMEM((CH_DEC,), f32),
        ],
    )
    return deg, gat, dec


def kernel(enc_g2c_src, enc_g2c_dst, enc_c2g_src, enc_c2g_dst,
           dec_src, dec_dst,
           gene_emb, cell_emb, W_g2c, b_g2c, W_c2g, b_c2g, Wp, bp):
    pad_n = E_ENC_PAD - E_ENC
    padg = (jnp.arange(pad_n, dtype=i32) % (GP - NG)) + NG
    padc = (jnp.arange(pad_n, dtype=i32) % (CP - NC)) + NC
    g2cs = jnp.concatenate([enc_g2c_src.astype(i32), padg])
    g2cd = jnp.concatenate([enc_g2c_dst.astype(i32), padc])
    c2gs = jnp.concatenate([enc_c2g_src.astype(i32), padc])
    c2gd = jnp.concatenate([enc_c2g_dst.astype(i32), padg])

    padd = jnp.zeros((E_DEC_PAD - E_DEC,), i32)
    dsrc = jnp.concatenate([dec_src.astype(i32), padd])
    ddst = jnp.concatenate([dec_dst.astype(i32), padd])

    gp = jnp.zeros((GP, D), f32).at[:NG].set(gene_emb)
    cp = jnp.zeros((CP, D), f32).at[:NC].set(cell_emb)

    deg_k, gat_k, dec_k = _sc_kernels()
    degall = deg_k(g2cs, g2cd, c2gs, c2gd).reshape(NW, SEG)
    xg, xc, dsum = _scale_call(gp, cp, degall)

    msgs_g = gat_k(g2cs, xg)
    msgs_c = gat_k(c2gs, xc)
    aggc = jnp.zeros((CP, D), f32).at[g2cd].add(msgs_g)
    aggg = jnp.zeros((GP, D), f32).at[c2gd].add(msgs_c)

    hg, hc, sg, sc = _head_call(
        aggc, aggg, dsum,
        W_g2c, b_g2c.reshape(1, D), W_c2g, b_c2g.reshape(1, D),
        Wp[:D], Wp[D:], bp.reshape(1, 1))
    score = dec_k(sg.reshape(GP), sc.reshape(CP), dsrc, ddst)

    return (score[:E_DEC].reshape(E_DEC, 1), hg[:NG], hc[:NC])

# --- scband reference (transcript-rebuilt; emitter-appended) ---
"""Pipeline reference for scband-rgcn-7739531067737 (READ-ONLY COPY).

The authoritative reference and input builder live on the scoring server;
editing this copy changes nothing except your own understanding.
"""

import jax, jax.numpy as jnp
import numpy as np

NG = 4762   # genes (hard-coded nn.Embedding(4762, 256))
NC = 847    # cells (hard-coded nn.Embedding(847, 256))
D = 256
E_ENC = 150000
E_DEC = 200000


def setup_inputs(seed: int = 0) -> dict:
    key = jax.random.key(seed)
    ks = jax.random.split(key, 16)
    inp = {
        # encoder graph: relation gene2cell (src=gene, dst=cell)
        "enc_g2c_src": jax.random.randint(ks[0], (E_ENC,), 0, NG),
        "enc_g2c_dst": jax.random.randint(ks[1], (E_ENC,), 0, NC),
        # encoder graph: relation cell2gene (src=cell, dst=gene)
        "enc_c2g_src": jax.random.randint(ks[2], (E_ENC,), 0, NC),
        "enc_c2g_dst": jax.random.randint(ks[3], (E_ENC,), 0, NG),
        # decoder graph edges (src=gene, dst=cell)
        "dec_src": jax.random.randint(ks[4], (E_DEC,), 0, NG),
        "dec_dst": jax.random.randint(ks[5], (E_DEC,), 0, NC),
        # learned parameters
        "gene_emb": jax.random.normal(ks[6], (NG, D), dtype=jnp.float32),
        "cell_emb": jax.random.normal(ks[7], (NC, D), dtype=jnp.float32),
        "W_g2c": jax.random.normal(ks[8], (D, D), dtype=jnp.float32) * 0.05,
        "b_g2c": jnp.zeros((D,), dtype=jnp.float32),
        "W_c2g": jax.random.normal(ks[9], (D, D), dtype=jnp.float32) * 0.05,
        "b_c2g": jnp.zeros((D,), dtype=jnp.float32),
        "Wp": jax.random.normal(ks[10], (2 * D, 1), dtype=jnp.float32) * 0.05,
        "bp": jnp.zeros((1,), dtype=jnp.float32),
    }
    return inp


def _graph_conv(x_src, src, dst, n_src, n_dst, W, b):
    # DGL GraphConv with norm='both': D_dst^{-1/2} A D_src^{-1/2} X W + b
    deg_out = jnp.clip(jnp.bincount(src, length=n_src), 1).astype(x_src.dtype)
    deg_in = jnp.clip(jnp.bincount(dst, length=n_dst), 1).astype(x_src.dtype)
    x = x_src * jax.lax.rsqrt(deg_out)[:, None]
    msg = jnp.take(x, src, axis=0)                      # gather
    agg = jnp.zeros((n_dst, x.shape[1]), x.dtype).at[dst].add(msg)  # scatter-add
    agg = agg * jax.lax.rsqrt(deg_in)[:, None]
    return agg @ W + b


def reference(enc_g2c_src, enc_g2c_dst, enc_c2g_src, enc_c2g_dst,
              dec_src, dec_dst,
              gene_emb, cell_emb, W_g2c, b_g2c, W_c2g, b_c2g, Wp, bp):
    # conv1 = HeteroGraphConv (aggregate='sum'); each ntype receives from one relation
    h_cell = jax.nn.relu(_graph_conv(gene_emb, enc_g2c_src, enc_g2c_dst, NG, NC, W_g2c, b_g2c))
    h_gene = jax.nn.relu(_graph_conv(cell_emb, enc_c2g_src, enc_c2g_dst, NC, NG, W_c2g, b_c2g))
    # HeteroMLPPredictor: score = Linear(cat([h_src, h_dst], 1)) on decoder edges
    e_feat = jnp.concatenate([jnp.take(h_gene, dec_src, axis=0),
                              jnp.take(h_cell, dec_dst, axis=0)], axis=1)
    score = e_feat @ Wp + bp
    return (score, h_gene, h_cell)

if __name__ == "__main__":
    import jax
    _d = setup_inputs()
    print(jax.jit(kernel)(*tuple(_d.values())))

</pallas_src>

<mosaic_0001>
#map = affine_map<(d0, d1) -> (0)>
#map1 = affine_map<(d0, d1) -> (0, 0)>
module attributes {stable_mosaic.version = 14 : i64} {
  func.func @_gat_body(%arg0: i32, %arg1: i32, %arg2: memref<151552xi32, #tpu.memory_space<hbm>>, %arg3: memref<864x256xf32, #tpu.memory_space<hbm>>, %arg4: memref<151552x256xf32, #tpu.memory_space<hbm>>, %arg5: memref<1x128xi32, #tpu.memory_space<vmem>>, %arg6: memref<128x256xf32, #tpu.memory_space<vmem>>, %arg7: memref<!tpu.dma_semaphore, #tpu.memory_space<semaphore_mem>>) attributes {dimension_semantics = [#tpu.dimension_semantics<core_parallel>, #tpu.dimension_semantics<subcore_parallel>], iteration_bounds = array<i64: 2, 16>, scalar_prefetch = 0 : i64, scratch_operands = 3 : i64, tpu.core_type = #tpu.core_type<sc_vector_subcore>, window_params = [{transform_indices = #map}, {transform_indices = #map1}, {transform_indices = #map1}]} {
    %mul3A = arith.constant 16 : i32
    %mul3A_0 = arith.muli %arg0, %mul3A : i32
    %add3A = arith.addi %mul3A_0, %arg1 : i32
    %scan3A = arith.constant 0 : i32
    %scan3A_1 = arith.constant 0 : i32
    %scan3A_2 = arith.constant 37 : i32
    %scan3A_3 = arith.addi %scan3A_1, %scan3A_2 : i32
    %scan3A_4 = arith.constant 1 : i32
    %scan3A_5 = scf.for %scan3A_7 = %scan3A_1 to %scan3A_3 step %scan3A_4 iter_args(%scan3A_8 = %scan3A) -> (i32)  : i32 {
      %mul3A_9 = arith.constant 4736 : i32
      %mul3A_10 = arith.muli %add3A, %mul3A_9 : i32
      %mul3A_11 = arith.constant 128 : i32
      %mul3A_12 = arith.muli %scan3A_7, %mul3A_11 : i32
      %add3A_13 = arith.addi %mul3A_10, %mul3A_12 : i32
      %run_scoped3A = arith.constant 0 : i32
      "tpu.region"() ({
        %run_scoped3A_27 = tpu.sem_alloc : memref<!tpu.dma_semaphore, #tpu.memory_space<semaphore_mem>>
        %dma_start3A_28 = arith.constant 0 : i32
        %dma_start3A_29 = tpu.memref_slice %arg5[%run_scoped3A, %dma_start3A_28] : memref<1x128xi32, #tpu.memory_space<vmem>> -> memref<1x128xi32, #tpu.memory_space<vmem>>
        %dma_start3A_30 = tpu.memref_squeeze %dma_start3A_29 : memref<1x128xi32, #tpu.memory_space<vmem>> -> memref<128xi32, #tpu.memory_space<vmem>>
        %dma_start3A_31 = tpu.memref_slice %arg2[%add3A_13] : memref<151552xi32, #tpu.memory_space<hbm>> -> memref<128xi32, #tpu.memory_space<hbm>>
        %dma_start3A_32 = arith.constant 0 : i32
        %dma_start3A_33 = tpu.memref_slice %arg5[%run_scoped3A, %dma_start3A_32] : memref<1x128xi32, #tpu.memory_space<vmem>> -> memref<1x128xi32, #tpu.memory_space<vmem>>
        %dma_start3A_34 = tpu.memref_squeeze %dma_start3A_33 : memref<1x128xi32, #tpu.memory_space<vmem>> -> memref<128xi32, #tpu.memory_space<vmem>>
        %dma_start3A_35 = tpu.memref_slice %arg2[%add3A_13] : memref<151552xi32, #tpu.memory_space<hbm>> -> memref<128xi32, #tpu.memory_space<hbm>>
        tpu.enqueue_dma source(%dma_start3A_35 : memref<128xi32, #tpu.memory_space<hbm>>) target(%dma_start3A_34 : memref<128xi32, #tpu.memory_space<vmem>>) target_semaphore(%run_scoped3A_27 : memref<!tpu.dma_semaphore, #tpu.memory_space<semaphore_mem>>)
        %dma_wait3A_36 = arith.constant 0 : i32
        %dma_wait3A_37 = tpu.memref_slice %arg5[%run_scoped3A, %dma_wait3A_36] : memref<1x128xi32, #tpu.memory_space<vmem>> -> memref<1x128xi32, #tpu.memory_space<vmem>>
        %dma_wait3A_38 = tpu.memref_squeeze %dma_wait3A_37 : memref<1x128xi32, #tpu.memory_space<vmem>> -> memref<128xi32, #tpu.memory_space<vmem>>
        %dma_wait3A_39 = tpu.memref_slice %arg2[%add3A_13] : memref<151552xi32, #tpu.memory_space<hbm>> -> memref<128xi32, #tpu.memory_space<hbm>>
        %dma_wait3A_40 = arith.constant 0 : i32
        %dma_wait3A_41 = tpu.memref_slice %arg5[%run_scoped3A, %dma_wait3A_40] : memref<1x128xi32, #tpu.memory_space<vmem>> -> memref<1x128xi32, #tpu.memory_space<vmem>>
        %dma_wait3A_42 = tpu.memref_squeeze %dma_wait3A_41 : memref<1x128xi32, #tpu.memory_space<vmem>> -> memref<128xi32, #tpu.memory_space<vmem>>
        %dma_wait3A_43 = tpu.memref_slice %arg2[%add3A_13] : memref<151552xi32, #tpu.memory_space<hbm>> -> memref<128xi32, #tpu.memory_space<hbm>>
        tpu.wait_dma2 semaphore(%run_scoped3A_27 : memref<!tpu.dma_semaphore, #tpu.memory_space<semaphore_mem>>) src(%dma_wait3A_43 : memref<128xi32, #tpu.memory_space<hbm>>) dst(%dma_wait3A_42 : memref<128xi32, #tpu.memory_space<vmem>>)
        tpu.yield
      }) : () -> ()
      %dma_start3A = arith.constant 0 : i32
      %dma_start3A_14 = arith.constant 0 : i32
      %dma_start3A_15 = tpu.memref_slice %arg5[%dma_start3A, %dma_start3A_14] : memref<1x128xi32, #tpu.memory_space<vmem>> -> memref<1x128xi32, #tpu.memory_space<vmem>>
      %dma_start3A_16 = tpu.memref_squeeze %dma_start3A_15 : memref<1x128xi32, #tpu.memory_space<vmem>> -> memref<128xi32, #tpu.memory_space<vmem>>
      %dma_start3A_17 = arith.constant 0 : i32
      %dma_start3A_18 = arith.constant 0 : i32
      %dma_start3A_19 = tpu.memref_slice %arg3[%dma_start3A_17, %dma_start3A_18] : memref<864x256xf32, #tpu.memory_space<hbm>> -> memref<864x256xf32, #tpu.memory_space<hbm>>
      tpu.enqueue_indirect_dma source(%dma_start3A_19 : memref<864x256xf32, #tpu.memory_space<hbm>>) target(%arg6 : memref<128x256xf32, #tpu.memory_space<vmem>>) offsets(%dma_start3A_16 : memref<128xi32, #tpu.memory_space<vmem>>) semaphore(%arg7 : memref<!tpu.dma_semaphore, #tpu.memory_space<semaphore_mem>>)
      %dma_wait3A = arith.constant 0 : i32
      %dma_wait3A_20 = arith.constant 0 : i32
      %dma_wait3A_21 = tpu.memref_slice %arg5[%dma_wait3A, %dma_wait3A_20] : memref<1x128xi32, #tpu.memory_space<vmem>> -> memref<1x128xi32, #tpu.memory_space<vmem>>
      %dma_wait3A_22 = tpu.memref_squeeze %dma_wait3A_21 : memref<1x128xi32, #tpu.memory_space<vmem>> -> memref<128xi32, #tpu.memory_space<vmem>>
      %dma_wait3A_23 = arith.constant 0 : i32
      %dma_wait3A_24 = arith.constant 0 : i32
      %dma_wait3A_25 = tpu.memref_slice %arg3[%dma_wait3A_23, %dma_wait3A_24] : memref<864x256xf32, #tpu.memory_space<hbm>> -> memref<864x256xf32, #tpu.memory_space<hbm>>
      tpu.wait_indirect_dma semaphore(%arg7 : memref<!tpu.dma_semaphore, #tpu.memory_space<semaphore_mem>>) src(%dma_wait3A_25 : memref<864x256xf32, #tpu.memory_space<hbm>>) dst(%arg6 : memref<128x256xf32, #tpu.memory_space<vmem>>)
      "tpu.region"() ({
        %run_scoped3A_27 = tpu.sem_alloc : memref<!tpu.dma_semaphore, #tpu.memory_space<semaphore_mem>>
        %dma_start3A_28 = arith.constant 0 : i32
        %dma_start3A_29 = tpu.memref_slice %arg4[%add3A_13, %dma_start3A_28] : memref<151552x256xf32, #tpu.memory_space<hbm>> -> memref<128x256xf32, #tpu.memory_space<hbm>>
        %dma_start3A_30 = arith.constant 0 : i32
        %dma_start3A_31 = tpu.memref_slice %arg4[%add3A_13, %dma_start3A_30] : memref<151552x256xf32, #tpu.memory_space<hbm>> -> memref<128x256xf32, #tpu.memory_space<hbm>>
        tpu.enqueue_dma source(%arg6 : memref<128x256xf32, #tpu.memory_space<vmem>>) target(%dma_start3A_31 : memref<128x256xf32, #tpu.memory_space<hbm>>) target_semaphore(%run_scoped3A_27 : memref<!tpu.dma_semaphore, #tpu.memory_space<semaphore_mem>>)
        %dma_wait3A_32 = arith.constant 0 : i32
        %dma_wait3A_33 = tpu.memref_slice %arg4[%add3A_13, %dma_wait3A_32] : memref<151552x256xf32, #tpu.memory_space<hbm>> -> memref<128x256xf32, #tpu.memory_space<hbm>>
        %dma_wait3A_34 = arith.constant 0 : i32
        %dma_wait3A_35 = tpu.memref_slice %arg4[%add3A_13, %dma_wait3A_34] : memref<151552x256xf32, #tpu.memory_space<hbm>> -> memref<128x256xf32, #tpu.memory_space<hbm>>
        tpu.wait_dma2 semaphore(%run_scoped3A_27 : memref<!tpu.dma_semaphore, #tpu.memory_space<semaphore_mem>>) src(%arg6 : memref<128x256xf32, #tpu.memory_space<vmem>>) dst(%dma_wait3A_35 : memref<128x256xf32, #tpu.memory_space<hbm>>)
        tpu.yield
      }) : () -> ()
      %scan3A_26 = arith.constant 0 : i32
      scf.yield %scan3A_26 : i32
    }
    %scan3A_6 = arith.constant 37 : i32
    return
  }
}

#map = affine_map<(d0, d1) -> (0)>
module attributes {stable_mosaic.version = 14 : i64} {
  func.func @_deg_body(%arg0: i32, %arg1: i32, %arg2: memref<151552xi32, #tpu.memory_space<hbm>>, %arg3: memref<151552xi32, #tpu.memory_space<hbm>>, %arg4: memref<151552xi32, #tpu.memory_space<hbm>>, %arg5: memref<151552xi32, #tpu.memory_space<hbm>>, %arg6: memref<360448xf32, #tpu.memory_space<hbm>>, %arg7: memref<4736xi32, #tpu.memory_space<vmem>>, %arg8: memref<4768xf32, #tpu.memory_space<vmem>>, %arg9: memref<864xf32, #tpu.memory_space<vmem>>, %arg10: memref<864xf32, #tpu.memory_space<vmem>>, %arg11: memref<4768xf32, #tpu.memory_space<vmem>>) attributes {dimension_semantics = [#tpu.dimension_semantics<core_parallel>, #tpu.dimension_semantics<subcore_parallel>], iteration_bounds = array<i64: 2, 16>, scalar_prefetch = 0 : i64, scratch_operands = 5 : i64, tpu.core_type = #tpu.core_type<sc_vector_subcore>, window_params = [{transform_indices = #map}, {transform_indices = #map}, {transform_indices = #map}, {transform_indices = #map}, {transform_indices = #map}]} {
    %mul3A = arith.constant 16 : i32
    %mul3A_0 = arith.muli %arg0, %mul3A : i32
    %add3A = arith.addi %mul3A_0, %arg1 : i32
    %broadcast_in_dim3A = arith.constant 1.000000e+00 : f32
    %broadcast_in_dim3A_1 = vector.broadcast %broadcast_in_dim3A : f32 to vector<16xf32>
    %scan3A = arith.constant 0 : i32
    %scan3A_2 = arith.constant 0 : i32
    %scan3A_3 = arith.constant 298 : i32
    %scan3A_4 = arith.addi %scan3A_2, %scan3A_3 : i32
    %scan3A_5 = arith.constant 1 : i32
    %scan3A_6 = scf.for %scan3A_77 = %scan3A_2 to %scan3A_4 step %scan3A_5 iter_args(%scan3A_78 = %scan3A) -> (i32)  : i32 {
      %broadcast_in_dim3A_79 = arith.constant 0.000000e+00 : f32
      %broadcast_in_dim3A_80 = vector.broadcast %broadcast_in_dim3A_79 : f32 to vector<16xf32>
      %mul3A_81 = arith.constant 16 : i32
      %mul3A_82 = arith.muli %scan3A_77, %mul3A_81 : i32
      %swap3A = arith.index_cast %mul3A_82 : i32 to index
      %swap3A_83 = tpu.vector_load %arg8[%swap3A] {strides = array<i32>} : memref<4768xf32, #tpu.memory_space<vmem>>, vector<16xf32>,
      tpu.vector_store %arg8[%swap3A], %broadcast_in_dim3A_80 {strides = array<i32>} : memref<4768xf32, #tpu.memory_space<vmem>>, vector<16xf32>,
      %scan3A_84 = arith.constant 0 : i32
      scf.yield %scan3A_84 : i32
    }
    %scan3A_7 = arith.constant 298 : i32
    %scan3A_8 = arith.constant 0 : i32
    %scan3A_9 = arith.constant 0 : i32
    %scan3A_10 = arith.constant 54 : i32
    %scan3A_11 = arith.addi %scan3A_9, %scan3A_10 : i32
    %scan3A_12 = arith.constant 1 : i32
    %scan3A_13 = scf.for %scan3A_77 = %scan3A_9 to %scan3A_11 step %scan3A_12 iter_args(%scan3A_78 = %scan3A_8) -> (i32)  : i32 {
      %broadcast_in_dim3A_79 = arith.constant 0.000000e+00 : f32
      %broadcast_in_dim3A_80 = vector.broadcast %broadcast_in_dim3A_79 : f32 to vector<16xf32>
      %mul3A_81 = arith.constant 16 : i32
      %mul3A_82 = arith.muli %scan3A_77, %mul3A_81 : i32
      %swap3A = arith.index_cast %mul3A_82 : i32 to index
      %swap3A_83 = tpu.vector_load %arg9[%swap3A] {strides = array<i32>} : memref<864xf32, #tpu.memory_space<vmem>>, vector<16xf32>,
      tpu.vector_store %arg9[%swap3A], %broadcast_in_dim3A_80 {strides = array<i32>} : memref<864xf32, #tpu.memory_space<vmem>>, vector<16xf32>,
      %scan3A_84 = arith.constant 0 : i32
      scf.yield %scan3A_84 : i32
    }
    %scan3A_14 = arith.constant 54 : i32
    %scan3A_15 = arith.constant 0 : i32
    %scan3A_16 = arith.constant 0 : i32
    %scan3A_17 = arith.constant 54 : i32
    %scan3A_18 = arith.addi %scan3A_16, %scan3A_17 : i32
    %scan3A_19 = arith.constant 1 : i32
    %scan3A_20 = scf.for %scan3A_77 = %scan3A_16 to %scan3A_18 step %scan3A_19 iter_args(%scan3A_78 = %scan3A_15) -> (i32)  : i32 {
      %broadcast_in_dim3A_79 = arith.constant 0.000000e+00 : f32
      %broadcast_in_dim3A_80 = vector.broadcast %broadcast_in_dim3A_79 : f32 to vector<16xf32>
      %mul3A_81 = arith.constant 16 : i32
      %mul3A_82 = arith.muli %scan3A_77, %mul3A_81 : i32
      %swap3A = arith.index_cast %mul3A_82 : i32 to index
      %swap3A_83 = tpu.vector_load %arg10[%swap3A] {strides = array<i32>} : memref<864xf32, #tpu.memory_space<vmem>>, vector<16xf32>,
      tpu.vector_store %arg10[%swap3A], %broadcast_in_dim3A_80 {strides = array<i32>} : memref<864xf32, #tpu.memory_space<vmem>>, vector<16xf32>,
      %scan3A_84 = arith.constant 0 : i32
      scf.yield %scan3A_84 : i32
    }
    %scan3A_21 = arith.constant 54 : i32
    %scan3A_22 = arith.constant 0 : i32
    %scan3A_23 = arith.constant 0 : i32
    %scan3A_24 = arith.constant 298 : i32
    %scan3A_25 = arith.addi %scan3A_23, %scan3A_24 : i32
    %scan3A_26 = arith.constant 1 : i32
    %scan3A_27 = scf.for %scan3A_77 = %scan3A_23 to %scan3A_25 step %scan3A_26 iter_args(%scan3A_78 = %scan3A_22) -> (i32)  : i32 {
      %broadcast_in_dim3A_79 = arith.constant 0.000000e+00 : f32
      %broadcast_in_dim3A_80 = vector.broadcast %broadcast_in_dim3A_79 : f32 to vector<16xf32>
      %mul3A_81 = arith.constant 16 : i32
      %mul3A_82 = arith.muli %scan3A_77, %mul3A_81 : i32
      %swap3A = arith.index_cast %mul3A_82 : i32 to index
      %swap3A_83 = tpu.vector_load %arg11[%swap3A] {strides = array<i32>} : memref<4768xf32, #tpu.memory_space<vmem>>, vector<16xf32>,
      tpu.vector_store %arg11[%swap3A], %broadcast_in_dim3A_80 {strides = array<i32>} : memref<4768xf32, #tpu.memory_space<vmem>>, vector<16xf32>,
      %scan3A_84 = arith.constant 0 : i32
      scf.yield %scan3A_84 : i32
    }
    %scan3A_28 = arith.constant 298 : i32
    %mul3A_29 = arith.constant 4736 : i32
    %mul3A_30 = arith.muli %add3A, %mul3A_29 : i32
    "tpu.region"() ({
      %run_scoped3A = tpu.sem_alloc : memref<!tpu.dma_semaphore, #tpu.memory_space<semaphore_mem>>
      %dma_start3A = tpu.memref_slice %arg2[%mul3A_30] : memref<151552xi32, #tpu.memory_space<hbm>> -> memref<4736xi32, #tpu.memory_space<hbm>>
      %dma_start3A_77 = tpu.memref_slice %arg2[%mul3A_30] : memref<151552xi32, #tpu.memory_space<hbm>> -> memref<4736xi32, #tpu.memory_space<hbm>>
      tpu.enqueue_dma source(%dma_start3A_77 : memref<4736xi32, #tpu.memory_space<hbm>>) target(%arg7 : memref<4736xi32, #tpu.memory_space<vmem>>) target_semaphore(%run_scoped3A : memref<!tpu.dma_semaphore, #tpu.memory_space<semaphore_mem>>)
      %dma_wait3A = tpu.memref_slice %arg2[%mul3A_30] : memref<151552xi32, #tpu.memory_space<hbm>> -> memref<4736xi32, #tpu.memory_space<hbm>>
      %dma_wait3A_78 = tpu.memref_slice %arg2[%mul3A_30] : memref<151552xi32, #tpu.memory_space<hbm>> -> memref<4736xi32, #tpu.memory_space<hbm>>
      tpu.wait_dma2 semaphore(%run_scoped3A : memref<!tpu.dma_semaphore, #tpu.memory_space<semaphore_mem>>) src(%dma_wait3A_78 : memref<4736xi32, #tpu.memory_space<hbm>>) dst(%arg7 : memref<4736xi32, #tpu.memory_space<vmem>>)
      tpu.yield
    }) : () -> ()
    %scan3A_31 = arith.constant 0 : i32
    %scan3A_32 = arith.constant 0 : i32
    %scan3A_33 = arith.constant 296 : i32
    %scan3A_34 = arith.addi %scan3A_32, %scan3A_33 : i32
    %scan3A_35 = arith.constant 1 : i32
    %scan3A_36 = scf.for %scan3A_77 = %scan3A_32 to %scan3A_34 step %scan3A_35 iter_args(%scan3A_78 = %scan3A_31) -> (i32)  : i32 {
      %mul3A_79 = arith.constant 16 : i32
      %mul3A_80 = arith.muli %scan3A_77, %mul3A_79 : i32
      %get3A = arith.index_cast %mul3A_80 : i32 to index
      %get3A_81 = tpu.vector_load %arg7[%get3A] {strides = array<i32>} : memref<4736xi32, #tpu.memory_space<vmem>>, vector<16xi32>,
      tpu.vector_store_idx %arg8[%get3A_81], %broadcast_in_dim3A_1 {add = true} : memref<4768xf32, #tpu.memory_space<vmem>>[vector<16xi32>], vector<16xf32>,
      %scan3A_82 = arith.constant 0 : i32
      scf.yield %scan3A_82 : i32
    }
    %scan3A_37 = arith.constant 296 : i32
    %mul3A_38 = arith.constant 4736 : i32
    %mul3A_39 = arith.muli %add3A, %mul3A_38 : i32
    "tpu.region"() ({
      %run_scoped3A = tpu.sem_alloc : memref<!tpu.dma_semaphore, #tpu.memory_space<semaphore_mem>>
      %dma_start3A = tpu.memref_slice %arg3[%mul3A_39] : memref<151552xi32, #tpu.memory_space<hbm>> -> memref<4736xi32, #tpu.memory_space<hbm>>
      %dma_start3A_77 = tpu.memref_slice %arg3[%mul3A_39] : memref<151552xi32, #tpu.memory_space<hbm>> -> memref<4736xi32, #tpu.memory_space<hbm>>
      tpu.enqueue_dma source(%dma_start3A_77 : memref<4736xi32, #tpu.memory_space<hbm>>) target(%arg7 : memref<4736xi32, #tpu.memory_space<vmem>>) target_semaphore(%run_scoped3A : memref<!tpu.dma_semaphore, #tpu.memory_space<semaphore_mem>>)
      %dma_wait3A = tpu.memref_slice %arg3[%mul3A_39] : memref<151552xi32, #tpu.memory_space<hbm>> -> memref<4736xi32, #tpu.memory_space<hbm>>
      %dma_wait3A_78 = tpu.memref_slice %arg3[%mul3A_39] : memref<151552xi32, #tpu.memory_space<hbm>> -> memref<4736xi32, #tpu.memory_space<hbm>>
      tpu.wait_dma2 semaphore(%run_scoped3A : memref<!tpu.dma_semaphore, #tpu.memory_space<semaphore_mem>>) src(%dma_wait3A_78 : memref<4736xi32, #tpu.memory_space<hbm>>) dst(%arg7 : memref<4736xi32, #tpu.memory_space<vmem>>)
      tpu.yield
    }) : () -> ()
    %scan3A_40 = arith.constant 0 : i32
    %scan3A_41 = arith.constant 0 : i32
    %scan3A_42 = arith.constant 296 : i32
    %scan3A_43 = arith.addi %scan3A_41, %scan3A_42 : i32
    %scan3A_44 = arith.constant 1 : i32
    %scan3A_45 = scf.for %scan3A_77 = %scan3A_41 to %scan3A_43 step %scan3A_44 iter_args(%scan3A_78 = %scan3A_40) -> (i32)  : i32 {
      %mul3A_79 = arith.constant 16 : i32
      %mul3A_80 = arith.muli %scan3A_77, %mul3A_79 : i32
      %get3A = arith.index_cast %mul3A_80 : i32 to index
      %get3A_81 = tpu.vector_load %arg7[%get3A] {strides = array<i32>} : memref<4736xi32, #tpu.memory_space<vmem>>, vector<16xi32>,
      tpu.vector_store_idx %arg9[%get3A_81], %broadcast_in_dim3A_1 {add = true} : memref<864xf32, #tpu.memory_space<vmem>>[vector<16xi32>], vector<16xf32>,
      %scan3A_82 = arith.constant 0 : i32
      scf.yield %scan3A_82 : i32
    }
    %scan3A_46 = arith.constant 296 : i32
    %mul3A_47 = arith.constant 4736 : i32
    %mul3A_48 = arith.muli %add3A, %mul3A_47 : i32
    "tpu.region"() ({
      %run_scoped3A = tpu.sem_alloc : memref<!tpu.dma_semaphore, #tpu.memory_space<semaphore_mem>>
      %dma_start3A = tpu.memref_slice %arg4[%mul3A_48] : memref<151552xi32, #tpu.memory_space<hbm>> -> memref<4736xi32, #tpu.memory_space<hbm>>
      %dma_start3A_77 = tpu.memref_slice %arg4[%mul3A_48] : memref<151552xi32, #tpu.memory_space<hbm>> -> memref<4736xi32, #tpu.memory_space<hbm>>
      tpu.enqueue_dma source(%dma_start3A_77 : memref<4736xi32, #tpu.memory_space<hbm>>) target(%arg7 : memref<4736xi32, #tpu.memory_space<vmem>>) target_semaphore(%run_scoped3A : memref<!tpu.dma_semaphore, #tpu.memory_space<semaphore_mem>>)
      %dma_wait3A = tpu.memref_slice %arg4[%mul3A_48] : memref<151552xi32, #tpu.memory_space<hbm>> -> memref<4736xi32, #tpu.memory_space<hbm>>
      %dma_wait3A_78 = tpu.memref_slice %arg4[%mul3A_48] : memref<151552xi32, #tpu.memory_space<hbm>> -> memref<4736xi32, #tpu.memory_space<hbm>>
      tpu.wait_dma2 semaphore(%run_scoped3A : memref<!tpu.dma_semaphore, #tpu.memory_space<semaphore_mem>>) src(%dma_wait3A_78 : memref<4736xi32, #tpu.memory_space<hbm>>) dst(%arg7 : memref<4736xi32, #tpu.memory_space<vmem>>)
      tpu.yield
    }) : () -> ()
    %scan3A_49 = arith.constant 0 : i32
    %scan3A_50 = arith.constant 0 : i32
    %scan3A_51 = arith.constant 296 : i32
    %scan3A_52 = arith.addi %scan3A_50, %scan3A_51 : i32
    %scan3A_53 = arith.constant 1 : i32
    %scan3A_54 = scf.for %scan3A_77 = %scan3A_50 to %scan3A_52 step %scan3A_53 iter_args(%scan3A_78 = %scan3A_49) -> (i32)  : i32 {
      %mul3A_79 = arith.constant 16 : i32
      %mul3A_80 = arith.muli %scan3A_77, %mul3A_79 : i32
      %get3A = arith.index_cast %mul3A_80 : i32 to index
      %get3A_81 = tpu.vector_load %arg7[%get3A] {strides = array<i32>} : memref<4736xi32, #tpu.memory_space<vmem>>, vector<16xi32>,
      tpu.vector_store_idx %arg10[%get3A_81], %broadcast_in_dim3A_1 {add = true} : memref<864xf32, #tpu.memory_space<vmem>>[vector<16xi32>], vector<16xf32>,
      %scan3A_82 = arith.constant 0 : i32
      scf.yield %scan3A_82 : i32
    }
    %scan3A_55 = arith.constant 296 : i32
    %mul3A_56 = arith.constant 4736 : i32
    %mul3A_57 = arith.muli %add3A, %mul3A_56 : i32
    "tpu.region"() ({
      %run_scoped3A = tpu.sem_alloc : memref<!tpu.dma_semaphore, #tpu.memory_space<semaphore_mem>>
      %dma_start3A = tpu.memref_slice %arg5[%mul3A_57] : memref<151552xi32, #tpu.memory_space<hbm>> -> memref<4736xi32, #tpu.memory_space<hbm>>
      %dma_start3A_77 = tpu.memref_slice %arg5[%mul3A_57] : memref<151552xi32, #tpu.memory_space<hbm>> -> memref<4736xi32, #tpu.memory_space<hbm>>
      tpu.enqueue_dma source(%dma_start3A_77 : memref<4736xi32, #tpu.memory_space<hbm>>) target(%arg7 : memref<4736xi32, #tpu.memory_space<vmem>>) target_semaphore(%run_scoped3A : memref<!tpu.dma_semaphore, #tpu.memory_space<semaphore_mem>>)
      %dma_wait3A = tpu.memref_slice %arg5[%mul3A_57] : memref<151552xi32, #tpu.memory_space<hbm>> -> memref<4736xi32, #tpu.memory_space<hbm>>
      %dma_wait3A_78 = tpu.memref_slice %arg5[%mul3A_57] : memref<151552xi32, #tpu.memory_space<hbm>> -> memref<4736xi32, #tpu.memory_space<hbm>>
      tpu.wait_dma2 semaphore(%run_scoped3A : memref<!tpu.dma_semaphore, #tpu.memory_space<semaphore_mem>>) src(%dma_wait3A_78 : memref<4736xi32, #tpu.memory_space<hbm>>) dst(%arg7 : memref<4736xi32, #tpu.memory_space<vmem>>)
      tpu.yield
    }) : () -> ()
    %scan3A_58 = arith.constant 0 : i32
    %scan3A_59 = arith.constant 0 : i32
    %scan3A_60 = arith.constant 296 : i32
    %scan3A_61 = arith.addi %scan3A_59, %scan3A_60 : i32
    %scan3A_62 = arith.constant 1 : i32
    %scan3A_63 = scf.for %scan3A_77 = %scan3A_59 to %scan3A_61 step %scan3A_62 iter_args(%scan3A_78 = %scan3A_58) -> (i32)  : i32 {
      %mul3A_79 = arith.constant 16 : i32
      %mul3A_80 = arith.muli %scan3A_77, %mul3A_79 : i32
      %get3A = arith.index_cast %mul3A_80 : i32 to index
      %get3A_81 = tpu.vector_load %arg7[%get3A] {strides = array<i32>} : memref<4736xi32, #tpu.memory_space<vmem>>, vector<16xi32>,
      tpu.vector_store_idx %arg11[%get3A_81], %broadcast_in_dim3A_1 {add = true} : memref<4768xf32, #tpu.memory_space<vmem>>[vector<16xi32>], vector<16xf32>,
      %scan3A_82 = arith.constant 0 : i32
      scf.yield %scan3A_82 : i32
    }
    %scan3A_64 = arith.constant 296 : i32
    %mul3A_65 = arith.constant 11264 : i32
    %mul3A_66 = arith.muli %add3A, %mul3A_65 : i32
    "tpu.region"() ({
      %run_scoped3A = tpu.sem_alloc : memref<!tpu.dma_semaphore, #tpu.memory_space<semaphore_mem>>
      %dma_start3A = tpu.memref_slice %arg6[%mul3A_66] : memref<360448xf32, #tpu.memory_space<hbm>> -> memref<4768xf32, #tpu.memory_space<hbm>>
      %dma_start3A_77 = tpu.memref_slice %arg6[%mul3A_66] : memref<360448xf32, #tpu.memory_space<hbm>> -> memref<4768xf32, #tpu.memory_space<hbm>>
      tpu.enqueue_dma source(%arg8 : memref<4768xf32, #tpu.memory_space<vmem>>) target(%dma_start3A_77 : memref<4768xf32, #tpu.memory_space<hbm>>) target_semaphore(%run_scoped3A : memref<!tpu.dma_semaphore, #tpu.memory_space<semaphore_mem>>)
      %dma_wait3A = tpu.memref_slice %arg6[%mul3A_66] : memref<360448xf32, #tpu.memory_space<hbm>> -> memref<4768xf32, #tpu.memory_space<hbm>>
      %dma_wait3A_78 = tpu.memref_slice %arg6[%mul3A_66] : memref<360448xf32, #tpu.memory_space<hbm>> -> memref<4768xf32, #tpu.memory_space<hbm>>
      tpu.wait_dma2 semaphore(%run_scoped3A : memref<!tpu.dma_semaphore, #tpu.memory_space<semaphore_mem>>) src(%arg8 : memref<4768xf32, #tpu.memory_space<vmem>>) dst(%dma_wait3A_78 : memref<4768xf32, #tpu.memory_space<hbm>>)
      tpu.yield
    }) : () -> ()
    %add3A_67 = arith.constant 4768 : i32
    %add3A_68 = arith.addi %mul3A_66, %add3A_67 : i32
    "tpu.region"() ({
      %run_scoped3A = tpu.sem_alloc : memref<!tpu.dma_semaphore, #tpu.memory_space<semaphore_mem>>
      %dma_start3A = tpu.memref_slice %arg6[%add3A_68] : memref<360448xf32, #tpu.memory_space<hbm>> -> memref<864xf32, #tpu.memory_space<hbm>>
      %dma_start3A_77 = tpu.memref_slice %arg6[%add3A_68] : memref<360448xf32, #tpu.memory_space<hbm>> -> memref<864xf32, #tpu.memory_space<hbm>>
      tpu.enqueue_dma source(%arg9 : memref<864xf32, #tpu.memory_space<vmem>>) target(%dma_start3A_77 : memref<864xf32, #tpu.memory_space<hbm>>) target_semaphore(%run_scoped3A : memref<!tpu.dma_semaphore, #tpu.memory_space<semaphore_mem>>)
      %dma_wait3A = tpu.memref_slice %arg6[%add3A_68] : memref<360448xf32, #tpu.memory_space<hbm>> -> memref<864xf32, #tpu.memory_space<hbm>>
      %dma_wait3A_78 = tpu.memref_slice %arg6[%add3A_68] : memref<360448xf32, #tpu.memory_space<hbm>> -> memref<864xf32, #tpu.memory_space<hbm>>
      tpu.wait_dma2 semaphore(%run_scoped3A : memref<!tpu.dma_semaphore, #tpu.memory_space<semaphore_mem>>) src(%arg9 : memref<864xf32, #tpu.memory_space<vmem>>) dst(%dma_wait3A_78 : memref<864xf32, #tpu.memory_space<hbm>>)
      tpu.yield
    }) : () -> ()
    %add3A_69 = arith.constant 4768 : i32
    %add3A_70 = arith.addi %mul3A_66, %add3A_69 : i32
    %add3A_71 = arith.constant 864 : i32
    %add3A_72 = arith.addi %add3A_70, %add3A_71 : i32
    "tpu.region"() ({
      %run_scoped3A = tpu.sem_alloc : memref<!tpu.dma_semaphore, #tpu.memory_space<semaphore_mem>>
      %dma_start3A = tpu.memref_slice %arg6[%add3A_72] : memref<360448xf32, #tpu.memory_space<hbm>> -> memref<864xf32, #tpu.memory_space<hbm>>
      %dma_start3A_77 = tpu.memref_slice %arg6[%add3A_72] : memref<360448xf32, #tpu.memory_space<hbm>> -> memref<864xf32, #tpu.memory_space<hbm>>
      tpu.enqueue_dma source(%arg10 : memref<864xf32, #tpu.memory_space<vmem>>) target(%dma_start3A_77 : memref<864xf32, #tpu.memory_space<hbm>>) target_semaphore(%run_scoped3A : memref<!tpu.dma_semaphore, #tpu.memory_space<semaphore_mem>>)
      %dma_wait3A = tpu.memref_slice %arg6[%add3A_72] : memref<360448xf32, #tpu.memory_space<hbm>> -> memref<864xf32, #tpu.memory_space<hbm>>
      %dma_wait3A_78 = tpu.memref_slice %arg6[%add3A_72] : memref<360448xf32, #tpu.memory_space<hbm>> -> memref<864xf32, #tpu.memory_space<hbm>>
      tpu.wait_dma2 semaphore(%run_scoped3A : memref<!tpu.dma_semaphore, #tpu.memory_space<semaphore_mem>>) src(%arg10 : memref<864xf32, #tpu.memory_space<vmem>>) dst(%dma_wait3A_78 : memref<864xf32, #tpu.memory_space<hbm>>)
      tpu.yield
    }) : () -> ()
    %add3A_73 = arith.constant 4768 : i32
    %add3A_74 = arith.addi %mul3A_66, %add3A_73 : i32
    %add3A_75 = arith.constant 1728 : i32
    %add3A_76 = arith.addi %add3A_74, %add3A_75 : i32
    "tpu.region"() ({
      %run_scoped3A = tpu.sem_alloc : memref<!tpu.dma_semaphore, #tpu.memory_space<semaphore_mem>>
      %dma_start3A = tpu.memref_slice %arg6[%add3A_76] : memref<360448xf32, #tpu.memory_space<hbm>> -> memref<4768xf32, #tpu.memory_space<hbm>>
      %dma_start3A_77 = tpu.memref_slice %arg6[%add3A_76] : memref<360448xf32, #tpu.memory_space<hbm>> -> memref<4768xf32, #tpu.memory_space<hbm>>
      tpu.enqueue_dma source(%arg11 : memref<4768xf32, #tpu.memory_space<vmem>>) target(%dma_start3A_77 : memref<4768xf32, #tpu.memory_space<hbm>>) target_semaphore(%run_scoped3A : memref<!tpu.dma_semaphore, #tpu.memory_space<semaphore_mem>>)
      %dma_wait3A = tpu.memref_slice %arg6[%add3A_76] : memref<360448xf32, #tpu.memory_space<hbm>> -> memref<4768xf32, #tpu.memory_space<hbm>>
      %dma_wait3A_78 = tpu.memref_slice %arg6[%add3A_76] : memref<360448xf32, #tpu.memory_space<hbm>> -> memref<4768xf32, #tpu.memory_space<hbm>>
      tpu.wait_dma2 semaphore(%run_scoped3A : memref<!tpu.dma_semaphore, #tpu.memory_space<semaphore_mem>>) src(%arg11 : memref<4768xf32, #tpu.memory_space<vmem>>) dst(%dma_wait3A_78 : memref<4768xf32, #tpu.memory_space<hbm>>)
      tpu.yield
    }) : () -> ()
    return
  }
}

#map = affine_map<(d0, d1) -> (0)>
#map1 = affine_map<(d0, d1) -> (0, 0)>
module attributes {stable_mosaic.version = 14 : i64} {
  func.func @_gat_body(%arg0: i32, %arg1: i32, %arg2: memref<151552xi32, #tpu.memory_space<hbm>>, %arg3: memref<4768x256xf32, #tpu.memory_space<hbm>>, %arg4: memref<151552x256xf32, #tpu.memory_space<hbm>>, %arg5: memref<1x128xi32, #tpu.memory_space<vmem>>, %arg6: memref<128x256xf32, #tpu.memory_space<vmem>>, %arg7: memref<!tpu.dma_semaphore, #tpu.memory_space<semaphore_mem>>) attributes {dimension_semantics = [#tpu.dimension_semantics<core_parallel>, #tpu.dimension_semantics<subcore_parallel>], iteration_bounds = array<i64: 2, 16>, scalar_prefetch = 0 : i64, scratch_operands = 3 : i64, tpu.core_type = #tpu.core_type<sc_vector_subcore>, window_params = [{transform_indices = #map}, {transform_indices = #map1}, {transform_indices = #map1}]} {
    %mul3A = arith.constant 16 : i32
    %mul3A_0 = arith.muli %arg0, %mul3A : i32
    %add3A = arith.addi %mul3A_0, %arg1 : i32
    %scan3A = arith.constant 0 : i32
    %scan3A_1 = arith.constant 0 : i32
    %scan3A_2 = arith.constant 37 : i32
    %scan3A_3 = arith.addi %scan3A_1, %scan3A_2 : i32
    %scan3A_4 = arith.constant 1 : i32
    %scan3A_5 = scf.for %scan3A_7 = %scan3A_1 to %scan3A_3 step %scan3A_4 iter_args(%scan3A_8 = %scan3A) -> (i32)  : i32 {
      %mul3A_9 = arith.constant 4736 : i32
      %mul3A_10 = arith.muli %add3A, %mul3A_9 : i32
      %mul3A_11 = arith.constant 128 : i32
      %mul3A_12 = arith.muli %scan3A_7, %mul3A_11 : i32
      %add3A_13 = arith.addi %mul3A_10, %mul3A_12 : i32
      %run_scoped3A = arith.constant 0 : i32
      "tpu.region"() ({
        %run_scoped3A_27 = tpu.sem_alloc : memref<!tpu.dma_semaphore, #tpu.memory_space<semaphore_mem>>
        %dma_start3A_28 = arith.constant 0 : i32
        %dma_start3A_29 = tpu.memref_slice %arg5[%run_scoped3A, %dma_start3A_28] : memref<1x128xi32, #tpu.memory_space<vmem>> -> memref<1x128xi32, #tpu.memory_space<vmem>>
        %dma_start3A_30 = tpu.memref_squeeze %dma_start3A_29 : memref<1x128xi32, #tpu.memory_space<vmem>> -> memref<128xi32, #tpu.memory_space<vmem>>
        %dma_start3A_31 = tpu.memref_slice %arg2[%add3A_13] : memref<151552xi32, #tpu.memory_space<hbm>> -> memref<128xi32, #tpu.memory_space<hbm>>
        %dma_start3A_32 = arith.constant 0 : i32
        %dma_start3A_33 = tpu.memref_slice %arg5[%run_scoped3A, %dma_start3A_32] : memref<1x128xi32, #tpu.memory_space<vmem>> -> memref<1x128xi32, #tpu.memory_space<vmem>>
        %dma_start3A_34 = tpu.memref_squeeze %dma_start3A_33 : memref<1x128xi32, #tpu.memory_space<vmem>> -> memref<128xi32, #tpu.memory_space<vmem>>
        %dma_start3A_35 = tpu.memref_slice %arg2[%add3A_13] : memref<151552xi32, #tpu.memory_space<hbm>> -> memref<128xi32, #tpu.memory_space<hbm>>
        tpu.enqueue_dma source(%dma_start3A_35 : memref<128xi32, #tpu.memory_space<hbm>>) target(%dma_start3A_34 : memref<128xi32, #tpu.memory_space<vmem>>) target_semaphore(%run_scoped3A_27 : memref<!tpu.dma_semaphore, #tpu.memory_space<semaphore_mem>>)
        %dma_wait3A_36 = arith.constant 0 : i32
        %dma_wait3A_37 = tpu.memref_slice %arg5[%run_scoped3A, %dma_wait3A_36] : memref<1x128xi32, #tpu.memory_space<vmem>> -> memref<1x128xi32, #tpu.memory_space<vmem>>
        %dma_wait3A_38 = tpu.memref_squeeze %dma_wait3A_37 : memref<1x128xi32, #tpu.memory_space<vmem>> -> memref<128xi32, #tpu.memory_space<vmem>>
        %dma_wait3A_39 = tpu.memref_slice %arg2[%add3A_13] : memref<151552xi32, #tpu.memory_space<hbm>> -> memref<128xi32, #tpu.memory_space<hbm>>
        %dma_wait3A_40 = arith.constant 0 : i32
        %dma_wait3A_41 = tpu.memref_slice %arg5[%run_scoped3A, %dma_wait3A_40] : memref<1x128xi32, #tpu.memory_space<vmem>> -> memref<1x128xi32, #tpu.memory_space<vmem>>
        %dma_wait3A_42 = tpu.memref_squeeze %dma_wait3A_41 : memref<1x128xi32, #tpu.memory_space<vmem>> -> memref<128xi32, #tpu.memory_space<vmem>>
        %dma_wait3A_43 = tpu.memref_slice %arg2[%add3A_13] : memref<151552xi32, #tpu.memory_space<hbm>> -> memref<128xi32, #tpu.memory_space<hbm>>
        tpu.wait_dma2 semaphore(%run_scoped3A_27 : memref<!tpu.dma_semaphore, #tpu.memory_space<semaphore_mem>>) src(%dma_wait3A_43 : memref<128xi32, #tpu.memory_space<hbm>>) dst(%dma_wait3A_42 : memref<128xi32, #tpu.memory_space<vmem>>)
        tpu.yield
      }) : () -> ()
      %dma_start3A = arith.constant 0 : i32
      %dma_start3A_14 = arith.constant 0 : i32
      %dma_start3A_15 = tpu.memref_slice %arg5[%dma_start3A, %dma_start3A_14] : memref<1x128xi32, #tpu.memory_space<vmem>> -> memref<1x128xi32, #tpu.memory_space<vmem>>
      %dma_start3A_16 = tpu.memref_squeeze %dma_start3A_15 : memref<1x128xi32, #tpu.memory_space<vmem>> -> memref<128xi32, #tpu.memory_space<vmem>>
      %dma_start3A_17 = arith.constant 0 : i32
      %dma_start3A_18 = arith.constant 0 : i32
      %dma_start3A_19 = tpu.memref_slice %arg3[%dma_start3A_17, %dma_start3A_18] : memref<4768x256xf32, #tpu.memory_space<hbm>> -> memref<4768x256xf32, #tpu.memory_space<hbm>>
      tpu.enqueue_indirect_dma source(%dma_start3A_19 : memref<4768x256xf32, #tpu.memory_space<hbm>>) target(%arg6 : memref<128x256xf32, #tpu.memory_space<vmem>>) offsets(%dma_start3A_16 : memref<128xi32, #tpu.memory_space<vmem>>) semaphore(%arg7 : memref<!tpu.dma_semaphore, #tpu.memory_space<semaphore_mem>>)
      %dma_wait3A = arith.constant 0 : i32
      %dma_wait3A_20 = arith.constant 0 : i32
      %dma_wait3A_21 = tpu.memref_slice %arg5[%dma_wait3A, %dma_wait3A_20] : memref<1x128xi32, #tpu.memory_space<vmem>> -> memref<1x128xi32, #tpu.memory_space<vmem>>
      %dma_wait3A_22 = tpu.memref_squeeze %dma_wait3A_21 : memref<1x128xi32, #tpu.memory_space<vmem>> -> memref<128xi32, #tpu.memory_space<vmem>>
      %dma_wait3A_23 = arith.constant 0 : i32
      %dma_wait3A_24 = arith.constant 0 : i32
      %dma_wait3A_25 = tpu.memref_slice %arg3[%dma_wait3A_23, %dma_wait3A_24] : memref<4768x256xf32, #tpu.memory_space<hbm>> -> memref<4768x256xf32, #tpu.memory_space<hbm>>
      tpu.wait_indirect_dma semaphore(%arg7 : memref<!tpu.dma_semaphore, #tpu.memory_space<semaphore_mem>>) src(%dma_wait3A_25 : memref<4768x256xf32, #tpu.memory_space<hbm>>) dst(%arg6 : memref<128x256xf32, #tpu.memory_space<vmem>>)
      "tpu.region"() ({
        %run_scoped3A_27 = tpu.sem_alloc : memref<!tpu.dma_semaphore, #tpu.memory_space<semaphore_mem>>
        %dma_start3A_28 = arith.constant 0 : i32
        %dma_start3A_29 = tpu.memref_slice %arg4[%add3A_13, %dma_start3A_28] : memref<151552x256xf32, #tpu.memory_space<hbm>> -> memref<128x256xf32, #tpu.memory_space<hbm>>
        %dma_start3A_30 = arith.constant 0 : i32
        %dma_start3A_31 = tpu.memref_slice %arg4[%add3A_13, %dma_start3A_30] : memref<151552x256xf32, #tpu.memory_space<hbm>> -> memref<128x256xf32, #tpu.memory_space<hbm>>
        tpu.enqueue_dma source(%arg6 : memref<128x256xf32, #tpu.memory_space<vmem>>) target(%dma_start3A_31 : memref<128x256xf32, #tpu.memory_space<hbm>>) target_semaphore(%run_scoped3A_27 : memref<!tpu.dma_semaphore, #tpu.memory_space<semaphore_mem>>)
        %dma_wait3A_32 = arith.constant 0 : i32
        %dma_wait3A_33 = tpu.memref_slice %arg4[%add3A_13, %dma_wait3A_32] : memref<151552x256xf32, #tpu.memory_space<hbm>> -> memref<128x256xf32, #tpu.memory_space<hbm>>
        %dma_wait3A_34 = arith.constant 0 : i32
        %dma_wait3A_35 = tpu.memref_slice %arg4[%add3A_13, %dma_wait3A_34] : memref<151552x256xf32, #tpu.memory_space<hbm>> -> memref<128x256xf32, #tpu.memory_space<hbm>>
        tpu.wait_dma2 semaphore(%run_scoped3A_27 : memref<!tpu.dma_semaphore, #tpu.memory_space<semaphore_mem>>) src(%arg6 : memref<128x256xf32, #tpu.memory_space<vmem>>) dst(%dma_wait3A_35 : memref<128x256xf32, #tpu.memory_space<hbm>>)
        tpu.yield
      }) : () -> ()
      %scan3A_26 = arith.constant 0 : i32
      scf.yield %scan3A_26 : i32
    }
    %scan3A_6 = arith.constant 37 : i32
    return
  }
}

#map = affine_map<(d0, d1) -> (0)>
module attributes {stable_mosaic.version = 14 : i64} {
  func.func @_dec_body(%arg0: i32, %arg1: i32, %arg2: memref<4768xf32, #tpu.memory_space<hbm>>, %arg3: memref<864xf32, #tpu.memory_space<hbm>>, %arg4: memref<200704xi32, #tpu.memory_space<hbm>>, %arg5: memref<200704xi32, #tpu.memory_space<hbm>>, %arg6: memref<200704xf32, #tpu.memory_space<hbm>>, %arg7: memref<4768xf32, #tpu.memory_space<vmem>>, %arg8: memref<864xf32, #tpu.memory_space<vmem>>, %arg9: memref<6272xi32, #tpu.memory_space<vmem>>, %arg10: memref<6272xi32, #tpu.memory_space<vmem>>, %arg11: memref<6272xf32, #tpu.memory_space<vmem>>) attributes {dimension_semantics = [#tpu.dimension_semantics<core_parallel>, #tpu.dimension_semantics<subcore_parallel>], iteration_bounds = array<i64: 2, 16>, scalar_prefetch = 0 : i64, scratch_operands = 5 : i64, tpu.core_type = #tpu.core_type<sc_vector_subcore>, window_params = [{transform_indices = #map}, {transform_indices = #map}, {transform_indices = #map}, {transform_indices = #map}, {transform_indices = #map}]} {
    %mul3A = arith.constant 16 : i32
    %mul3A_0 = arith.muli %arg0, %mul3A : i32
    %add3A = arith.addi %mul3A_0, %arg1 : i32
    %mul3A_1 = arith.constant 6272 : i32
    %mul3A_2 = arith.muli %add3A, %mul3A_1 : i32
    "tpu.region"() ({
      %run_scoped3A = tpu.sem_alloc : memref<!tpu.dma_semaphore, #tpu.memory_space<semaphore_mem>>
      tpu.enqueue_dma source(%arg2 : memref<4768xf32, #tpu.memory_space<hbm>>) target(%arg7 : memref<4768xf32, #tpu.memory_space<vmem>>) target_semaphore(%run_scoped3A : memref<!tpu.dma_semaphore, #tpu.memory_space<semaphore_mem>>)
      tpu.wait_dma2 semaphore(%run_scoped3A : memref<!tpu.dma_semaphore, #tpu.memory_space<semaphore_mem>>) src(%arg2 : memref<4768xf32, #tpu.memory_space<hbm>>) dst(%arg7 : memref<4768xf32, #tpu.memory_space<vmem>>)
      tpu.yield
    }) : () -> ()
    "tpu.region"() ({
      %run_scoped3A = tpu.sem_alloc : memref<!tpu.dma_semaphore, #tpu.memory_space<semaphore_mem>>
      tpu.enqueue_dma source(%arg3 : memref<864xf32, #tpu.memory_space<hbm>>) target(%arg8 : memref<864xf32, #tpu.memory_space<vmem>>) target_semaphore(%run_scoped3A : memref<!tpu.dma_semaphore, #tpu.memory_space<semaphore_mem>>)
      tpu.wait_dma2 semaphore(%run_scoped3A : memref<!tpu.dma_semaphore, #tpu.memory_space<semaphore_mem>>) src(%arg3 : memref<864xf32, #tpu.memory_space<hbm>>) dst(%arg8 : memref<864xf32, #tpu.memory_space<vmem>>)
      tpu.yield
    }) : () -> ()
    "tpu.region"() ({
      %run_scoped3A = tpu.sem_alloc : memref<!tpu.dma_semaphore, #tpu.memory_space<semaphore_mem>>
      %dma_start3A = tpu.memref_slice %arg4[%mul3A_2] : memref<200704xi32, #tpu.memory_space<hbm>> -> memref<6272xi32, #tpu.memory_space<hbm>>
      %dma_start3A_9 = tpu.memref_slice %arg4[%mul3A_2] : memref<200704xi32, #tpu.memory_space<hbm>> -> memref<6272xi32, #tpu.memory_space<hbm>>
      tpu.enqueue_dma source(%dma_start3A_9 : memref<6272xi32, #tpu.memory_space<hbm>>) target(%arg9 : memref<6272xi32, #tpu.memory_space<vmem>>) target_semaphore(%run_scoped3A : memref<!tpu.dma_semaphore, #tpu.memory_space<semaphore_mem>>)
      %dma_wait3A = tpu.memref_slice %arg4[%mul3A_2] : memref<200704xi32, #tpu.memory_space<hbm>> -> memref<6272xi32, #tpu.memory_space<hbm>>
      %dma_wait3A_10 = tpu.memref_slice %arg4[%mul3A_2] : memref<200704xi32, #tpu.memory_space<hbm>> -> memref<6272xi32, #tpu.memory_space<hbm>>
      tpu.wait_dma2 semaphore(%run_scoped3A : memref<!tpu.dma_semaphore, #tpu.memory_space<semaphore_mem>>) src(%dma_wait3A_10 : memref<6272xi32, #tpu.memory_space<hbm>>) dst(%arg9 : memref<6272xi32, #tpu.memory_space<vmem>>)
      tpu.yield
    }) : () -> ()
    "tpu.region"() ({
      %run_scoped3A = tpu.sem_alloc : memref<!tpu.dma_semaphore, #tpu.memory_space<semaphore_mem>>
      %dma_start3A = tpu.memref_slice %arg5[%mul3A_2] : memref<200704xi32, #tpu.memory_space<hbm>> -> memref<6272xi32, #tpu.memory_space<hbm>>
      %dma_start3A_9 = tpu.memref_slice %arg5[%mul3A_2] : memref<200704xi32, #tpu.memory_space<hbm>> -> memref<6272xi32, #tpu.memory_space<hbm>>
      tpu.enqueue_dma source(%dma_start3A_9 : memref<6272xi32, #tpu.memory_space<hbm>>) target(%arg10 : memref<6272xi32, #tpu.memory_space<vmem>>) target_semaphore(%run_scoped3A : memref<!tpu.dma_semaphore, #tpu.memory_space<semaphore_mem>>)
      %dma_wait3A = tpu.memref_slice %arg5[%mul3A_2] : memref<200704xi32, #tpu.memory_space<hbm>> -> memref<6272xi32, #tpu.memory_space<hbm>>
      %dma_wait3A_10 = tpu.memref_slice %arg5[%mul3A_2] : memref<200704xi32, #tpu.memory_space<hbm>> -> memref<6272xi32, #tpu.memory_space<hbm>>
      tpu.wait_dma2 semaphore(%run_scoped3A : memref<!tpu.dma_semaphore, #tpu.memory_space<semaphore_mem>>) src(%dma_wait3A_10 : memref<6272xi32, #tpu.memory_space<hbm>>) dst(%arg10 : memref<6272xi32, #tpu.memory_space<vmem>>)
      tpu.yield
    }) : () -> ()
    %scan3A = arith.constant 0 : i32
    %scan3A_3 = arith.constant 0 : i32
    %scan3A_4 = arith.constant 392 : i32
    %scan3A_5 = arith.addi %scan3A_3, %scan3A_4 : i32
    %scan3A_6 = arith.constant 1 : i32
    %scan3A_7 = scf.for %scan3A_9 = %scan3A_3 to %scan3A_5 step %scan3A_6 iter_args(%scan3A_10 = %scan3A) -> (i32)  : i32 {
      %mul3A_11 = arith.constant 16 : i32
      %mul3A_12 = arith.muli %scan3A_9, %mul3A_11 : i32
      %get3A = arith.index_cast %mul3A_12 : i32 to index
      %get3A_13 = tpu.vector_load %arg9[%get3A] {strides = array<i32>} : memref<6272xi32, #tpu.memory_space<vmem>>, vector<16xi32>,
      %gather3A = tpu.vector_load_idx %arg7[%get3A_13] : memref<4768xf32, #tpu.memory_space<vmem>>[vector<16xi32>], vector<16xf32>,
      %mul3A_14 = arith.constant 16 : i32
      %mul3A_15 = arith.muli %scan3A_9, %mul3A_14 : i32
      %get3A_16 = arith.index_cast %mul3A_15 : i32 to index
      %get3A_17 = tpu.vector_load %arg10[%get3A_16] {strides = array<i32>} : memref<6272xi32, #tpu.memory_space<vmem>>, vector<16xi32>,
      %gather3A_18 = tpu.vector_load_idx %arg8[%get3A_17] : memref<864xf32, #tpu.memory_space<vmem>>[vector<16xi32>], vector<16xf32>,
      %add3A_19 = arith.addf %gather3A, %gather3A_18 : vector<16xf32>
      %mul3A_20 = arith.constant 16 : i32
      %mul3A_21 = arith.muli %scan3A_9, %mul3A_20 : i32
      %swap3A = arith.index_cast %mul3A_21 : i32 to index
      %swap3A_22 = tpu.vector_load %arg11[%swap3A] {strides = array<i32>} : memref<6272xf32, #tpu.memory_space<vmem>>, vector<16xf32>,
      tpu.vector_store %arg11[%swap3A], %add3A_19 {strides = array<i32>} : memref<6272xf32, #tpu.memory_space<vmem>>, vector<16xf32>,
      %scan3A_23 = arith.constant 0 : i32
      scf.yield %scan3A_23 : i32
    }
    %scan3A_8 = arith.constant 392 : i32
    "tpu.region"() ({
      %run_scoped3A = tpu.sem_alloc : memref<!tpu.dma_semaphore, #tpu.memory_space<semaphore_mem>>
      %dma_start3A = tpu.memref_slice %arg6[%mul3A_2] : memref<200704xf32, #tpu.memory_space<hbm>> -> memref<6272xf32, #tpu.memory_space<hbm>>
      %dma_start3A_9 = tpu.memref_slice %arg6[%mul3A_2] : memref<200704xf32, #tpu.memory_space<hbm>> -> memref<6272xf32, #tpu.memory_space<hbm>>
      tpu.enqueue_dma source(%arg11 : memref<6272xf32, #tpu.memory_space<vmem>>) target(%dma_start3A_9 : memref<6272xf32, #tpu.memory_space<hbm>>) target_semaphore(%run_scoped3A : memref<!tpu.dma_semaphore, #tpu.memory_space<semaphore_mem>>)
      %dma_wait3A = tpu.memref_slice %arg6[%mul3A_2] : memref<200704xf32, #tpu.memory_space<hbm>> -> memref<6272xf32, #tpu.memory_space<hbm>>
      %dma_wait3A_10 = tpu.memref_slice %arg6[%mul3A_2] : memref<200704xf32, #tpu.memory_space<hbm>> -> memref<6272xf32, #tpu.memory_space<hbm>>
      tpu.wait_dma2 semaphore(%run_scoped3A : memref<!tpu.dma_semaphore, #tpu.memory_space<semaphore_mem>>) src(%arg11 : memref<6272xf32, #tpu.memory_space<vmem>>) dst(%dma_wait3A_10 : memref<6272xf32, #tpu.memory_space<hbm>>)
      tpu.yield
    }) : () -> ()
    return
  }
}

module attributes {stable_mosaic.version = 14 : i64} {
  func.func @_scale_body(%arg0: memref<4768x256xf32, #tpu.memory_space<vmem>>, %arg1: memref<864x256xf32, #tpu.memory_space<vmem>>, %arg2: memref<32x11264xf32, #tpu.memory_space<vmem>>, %arg3: memref<4768x256xf32, #tpu.memory_space<vmem>>, %arg4: memref<864x256xf32, #tpu.memory_space<vmem>>, %arg5: memref<11264xf32, #tpu.memory_space<vmem>>) attributes {dimension_semantics = [], scalar_prefetch = 0 : i64, scratch_operands = 0 : i64, tpu.core_type = #tpu.core_type<tc>} {
    %get3A = arith.constant 0 : index
    %get3A_0 = arith.constant 0 : index
    %get3A_1 = vector.load %arg2[%get3A, %get3A_0] : memref<32x11264xf32, #tpu.memory_space<vmem>>, vector<32x11264xf32>
    %reduce_sum3A = arith.constant dense<0.000000e+00> : vector<11264xf32>
    %reduce_sum3A_2 = vector.multi_reduction <add>, %get3A_1, %reduce_sum3A [0] : vector<32x11264xf32> to vector<11264xf32>
    %slice3A = vector.extract_strided_slice %reduce_sum3A_2 {offsets = [0], sizes = [4768], strides = [1]} : vector<11264xf32> to vector<4768xf32>
    %slice3A_3 = vector.extract_strided_slice %reduce_sum3A_2 {offsets = [5632], sizes = [864], strides = [1]} : vector<11264xf32> to vector<864xf32>
    %jit3A = arith.constant 1.000000e+00 : f32
    %max3A = vector.broadcast %jit3A : f32 to vector<4768xf32>
    %max3A_4 = arith.maximumf %max3A, %slice3A : vector<4768xf32>
    %rsqrt3A = math.rsqrt %max3A_4 : vector<4768xf32>
    %jit3A_5 = arith.constant 1.000000e+00 : f32
    %max3A_6 = vector.broadcast %jit3A_5 : f32 to vector<864xf32>
    %max3A_7 = arith.maximumf %max3A_6, %slice3A_3 : vector<864xf32>
    %rsqrt3A_8 = math.rsqrt %max3A_7 : vector<864xf32>
    %get3A_9 = arith.constant 0 : index
    %get3A_10 = arith.constant 0 : index
    %get3A_11 = vector.load %arg0[%get3A_9, %get3A_10] : memref<4768x256xf32, #tpu.memory_space<vmem>>, vector<4768x256xf32>
    %broadcast_in_dim3A = vector.shape_cast %rsqrt3A : vector<4768xf32> to vector<4768x1xf32>
    %mul3A = vector.broadcast %broadcast_in_dim3A : vector<4768x1xf32> to vector<4768x256xf32>
    %mul3A_12 = arith.mulf %get3A_11, %mul3A : vector<4768x256xf32>
    %swap3A = arith.constant 0 : index
    %swap3A_13 = arith.constant 0 : index
    %swap3A_14 = vector.load %arg3[%swap3A, %swap3A_13] : memref<4768x256xf32, #tpu.memory_space<vmem>>, vector<4768x256xf32>
    tpu.vector_store %arg3[%swap3A, %swap3A_13], %mul3A_12 {strides = array<i32>} : memref<4768x256xf32, #tpu.memory_space<vmem>>, vector<4768x256xf32>,
    %get3A_15 = arith.constant 0 : index
    %get3A_16 = arith.constant 0 : index
    %get3A_17 = vector.load %arg1[%get3A_15, %get3A_16] : memref<864x256xf32, #tpu.memory_space<vmem>>, vector<864x256xf32>
    %broadcast_in_dim3A_18 = vector.shape_cast %rsqrt3A_8 : vector<864xf32> to vector<864x1xf32>
    %mul3A_19 = vector.broadcast %broadcast_in_dim3A_18 : vector<864x1xf32> to vector<864x256xf32>
    %mul3A_20 = arith.mulf %get3A_17, %mul3A_19 : vector<864x256xf32>
    %swap3A_21 = arith.constant 0 : index
    %swap3A_22 = arith.constant 0 : index
    %swap3A_23 = vector.load %arg4[%swap3A_21, %swap3A_22] : memref<864x256xf32, #tpu.memory_space<vmem>>, vector<864x256xf32>
    tpu.vector_store %arg4[%swap3A_21, %swap3A_22], %mul3A_20 {strides = array<i32>} : memref<864x256xf32, #tpu.memory_space<vmem>>, vector<864x256xf32>,
    %swap3A_24 = arith.constant 0 : index
    %swap3A_25 = vector.load %arg5[%swap3A_24] : memref<11264xf32, #tpu.memory_space<vmem>>, vector<11264xf32>
    tpu.vector_store %arg5[%swap3A_24], %reduce_sum3A_2 {strides = array<i32>} : memref<11264xf32, #tpu.memory_space<vmem>>, vector<11264xf32>,
    return
  }
}

module attributes {stable_mosaic.version = 14 : i64} {
  func.func @_head_body(%arg0: memref<864x256xf32, #tpu.memory_space<vmem>>, %arg1: memref<4768x256xf32, #tpu.memory_space<vmem>>, %arg2: memref<11264xf32, #tpu.memory_space<vmem>>, %arg3: memref<256x256xf32, #tpu.memory_space<vmem>>, %arg4: memref<1x256xf32, #tpu.memory_space<vmem>>, %arg5: memref<256x256xf32, #tpu.memory_space<vmem>>, %arg6: memref<1x256xf32, #tpu.memory_space<vmem>>, %arg7: memref<256x1xf32, #tpu.memory_space<vmem>>, %arg8: memref<256x1xf32, #tpu.memory_space<vmem>>, %arg9: memref<1x1xf32, #tpu.memory_space<vmem>>, %arg10: memref<4768x256xf32, #tpu.memory_space<vmem>>, %arg11: memref<864x256xf32, #tpu.memory_space<vmem>>, %arg12: memref<4768x1xf32, #tpu.memory_space<vmem>>, %arg13: memref<864x1xf32, #tpu.memory_space<vmem>>) attributes {dimension_semantics = [], scalar_prefetch = 0 : i64, scratch_operands = 0 : i64, tpu.core_type = #tpu.core_type<tc>} {
    %get3A = arith.constant 0 : index
    %get3A_0 = vector.load %arg2[%get3A] : memref<11264xf32, #tpu.memory_space<vmem>>, vector<11264xf32>
    %slice3A = vector.extract_strided_slice %get3A_0 {offsets = [4768], sizes = [864], strides = [1]} : vector<11264xf32> to vector<864xf32>
    %slice3A_1 = vector.extract_strided_slice %get3A_0 {offsets = [6496], sizes = [4768], strides = [1]} : vector<11264xf32> to vector<4768xf32>
    %jit3A = arith.constant 1.000000e+00 : f32
    %max3A = vector.broadcast %jit3A : f32 to vector<864xf32>
    %max3A_2 = arith.maximumf %max3A, %slice3A : vector<864xf32>
    %rsqrt3A = math.rsqrt %max3A_2 : vector<864xf32>
    %jit3A_3 = arith.constant 1.000000e+00 : f32
    %max3A_4 = vector.broadcast %jit3A_3 : f32 to vector<4768xf32>
    %max3A_5 = arith.maximumf %max3A_4, %slice3A_1 : vector<4768xf32>
    %rsqrt3A_6 = math.rsqrt %max3A_5 : vector<4768xf32>
    %get3A_7 = arith.constant 0 : index
    %get3A_8 = arith.constant 0 : index
    %get3A_9 = vector.load %arg0[%get3A_7, %get3A_8] : memref<864x256xf32, #tpu.memory_space<vmem>>, vector<864x256xf32>
    %broadcast_in_dim3A = vector.shape_cast %rsqrt3A : vector<864xf32> to vector<864x1xf32>
    %mul3A = vector.broadcast %broadcast_in_dim3A : vector<864x1xf32> to vector<864x256xf32>
    %mul3A_10 = arith.mulf %get3A_9, %mul3A : vector<864x256xf32>
    %get3A_11 = arith.constant 0 : index
    %get3A_12 = arith.constant 0 : index
    %get3A_13 = vector.load %arg1[%get3A_11, %get3A_12] : memref<4768x256xf32, #tpu.memory_space<vmem>>, vector<4768x256xf32>
    %broadcast_in_dim3A_14 = vector.shape_cast %rsqrt3A_6 : vector<4768xf32> to vector<4768x1xf32>
    %mul3A_15 = vector.broadcast %broadcast_in_dim3A_14 : vector<4768x1xf32> to vector<4768x256xf32>
    %mul3A_16 = arith.mulf %get3A_13, %mul3A_15 : vector<4768x256xf32>
    %get3A_17 = arith.constant 0 : index
    %get3A_18 = arith.constant 0 : index
    %get3A_19 = vector.load %arg3[%get3A_17, %get3A_18] : memref<256x256xf32, #tpu.memory_space<vmem>>, vector<256x256xf32>
    %dot_general3A = arith.constant dense<0.000000e+00> : vector<864x256xf32>
    %dot_general3A_20 = tpu.matmul %mul3A_10, %get3A_19, %dot_general3A {dimension_numbers = #tpu.dot_dimension_numbers<[1], [0], [0], [1], [0, 0, 1, 1], [], []>, transpose_lhs_hint = false} : vector<864x256xf32>, vector<256x256xf32>, vector<864x256xf32> -> vector<864x256xf32>
    %get3A_21 = arith.constant 0 : index
    %get3A_22 = arith.constant 0 : index
    %get3A_23 = vector.load %arg4[%get3A_21, %get3A_22] : memref<1x256xf32, #tpu.memory_space<vmem>>, vector<1x256xf32>
    %add3A = vector.broadcast %get3A_23 : vector<1x256xf32> to vector<864x256xf32>
    %add3A_24 = arith.addf %dot_general3A_20, %add3A : vector<864x256xf32>
    %max3A_25 = arith.constant 0.000000e+00 : f32
    %max3A_26 = vector.broadcast %max3A_25 : f32 to vector<864x256xf32>
    %max3A_27 = arith.maximumf %add3A_24, %max3A_26 : vector<864x256xf32>
    %get3A_28 = arith.constant 0 : index
    %get3A_29 = arith.constant 0 : index
    %get3A_30 = vector.load %arg5[%get3A_28, %get3A_29] : memref<256x256xf32, #tpu.memory_space<vmem>>, vector<256x256xf32>
    %dot_general3A_31 = arith.constant dense<0.000000e+00> : vector<4768x256xf32>
    %dot_general3A_32 = tpu.matmul %mul3A_16, %get3A_30, %dot_general3A_31 {dimension_numbers = #tpu.dot_dimension_numbers<[1], [0], [0], [1], [0, 0, 1, 1], [], []>, transpose_lhs_hint = false} : vector<4768x256xf32>, vector<256x256xf32>, vector<4768x256xf32> -> vector<4768x256xf32>
    %get3A_33 = arith.constant 0 : index
    %get3A_34 = arith.constant 0 : index
    %get3A_35 = vector.load %arg6[%get3A_33, %get3A_34] : memref<1x256xf32, #tpu.memory_space<vmem>>, vector<1x256xf32>
    %add3A_36 = vector.broadcast %get3A_35 : vector<1x256xf32> to vector<4768x256xf32>
    %add3A_37 = arith.addf %dot_general3A_32, %add3A_36 : vector<4768x256xf32>
    %max3A_38 = arith.constant 0.000000e+00 : f32
    %max3A_39 = vector.broadcast %max3A_38 : f32 to vector<4768x256xf32>
    %max3A_40 = arith.maximumf %add3A_37, %max3A_39 : vector<4768x256xf32>
    %swap3A = arith.constant 0 : index
    %swap3A_41 = arith.constant 0 : index
    %swap3A_42 = vector.load %arg10[%swap3A, %swap3A_41] : memref<4768x256xf32, #tpu.memory_space<vmem>>, vector<4768x256xf32>
    tpu.vector_store %arg10[%swap3A, %swap3A_41], %max3A_40 {strides = array<i32>} : memref<4768x256xf32, #tpu.memory_space<vmem>>, vector<4768x256xf32>,
    %swap3A_43 = arith.constant 0 : index
    %swap3A_44 = arith.constant 0 : index
    %swap3A_45 = vector.load %arg11[%swap3A_43, %swap3A_44] : memref<864x256xf32, #tpu.memory_space<vmem>>, vector<864x256xf32>
    tpu.vector_store %arg11[%swap3A_43, %swap3A_44], %max3A_27 {strides = array<i32>} : memref<864x256xf32, #tpu.memory_space<vmem>>, vector<864x256xf32>,
    %get3A_46 = arith.constant 0 : index
    %get3A_47 = arith.constant 0 : index
    %get3A_48 = vector.load %arg7[%get3A_46, %get3A_47] : memref<256x1xf32, #tpu.memory_space<vmem>>, vector<256x1xf32>
    %dot_general3A_49 = arith.constant dense<0.000000e+00> : vector<4768x1xf32>
    %dot_general3A_50 = tpu.matmul %max3A_40, %get3A_48, %dot_general3A_49 {dimension_numbers = #tpu.dot_dimension_numbers<[1], [0], [0], [1], [0, 0, 1, 1], [], []>, transpose_lhs_hint = false} : vector<4768x256xf32>, vector<256x1xf32>, vector<4768x1xf32> -> vector<4768x1xf32>
    %swap3A_51 = arith.constant 0 : index
    %swap3A_52 = arith.constant 0 : index
    %swap3A_53 = vector.load %arg12[%swap3A_51, %swap3A_52] : memref<4768x1xf32, #tpu.memory_space<vmem>>, vector<4768x1xf32>
    tpu.vector_store %arg12[%swap3A_51, %swap3A_52], %dot_general3A_50 {strides = array<i32>} : memref<4768x1xf32, #tpu.memory_space<vmem>>, vector<4768x1xf32>,
    %get3A_54 = arith.constant 0 : index
    %get3A_55 = arith.constant 0 : index
    %get3A_56 = vector.load %arg8[%get3A_54, %get3A_55] : memref<256x1xf32, #tpu.memory_space<vmem>>, vector<256x1xf32>
    %dot_general3A_57 = arith.constant dense<0.000000e+00> : vector<864x1xf32>
    %dot_general3A_58 = tpu.matmul %max3A_27, %get3A_56, %dot_general3A_57 {dimension_numbers = #tpu.dot_dimension_numbers<[1], [0], [0], [1], [0, 0, 1, 1], [], []>, transpose_lhs_hint = false} : vector<864x256xf32>, vector<256x1xf32>, vector<864x1xf32> -> vector<864x1xf32>
    %get3A_59 = arith.constant 0 : index
    %get3A_60 = arith.constant 0 : index
    %get3A_61 = vector.load %arg9[%get3A_59, %get3A_60] : memref<1x1xf32, #tpu.memory_space<vmem>>, vector<1x1xf32>
    %get3A_62 = vector.extract %get3A_61[0, 0] : f32 from vector<1x1xf32>
    %add3A_63 = vector.broadcast %get3A_62 : f32 to vector<864x1xf32>
    %add3A_64 = arith.addf %dot_general3A_58, %add3A_63 : vector<864x1xf32>
    %swap3A_65 = arith.constant 0 : index
    %swap3A_66 = arith.constant 0 : index
    %swap3A_67 = vector.load %arg13[%swap3A_65, %swap3A_66] : memref<864x1xf32, #tpu.memory_space<vmem>>, vector<864x1xf32>
    tpu.vector_store %arg13[%swap3A_65, %swap3A_66], %add3A_64 {strides = array<i32>} : memref<864x1xf32, #tpu.memory_space<vmem>>, vector<864x1xf32>,
    return
  }
}

</mosaic_0001>

<sc_bundles>
// kernel: kernel.11.cloned.1.call-start
scs
__scs_entry_jumppad:
0x0: {  	(pc) =	sbr.rel $0x88, $3  }
0x1: {  	(tag) =	ssettag $0x0;
	lr =	simm.s32 $0x1  }
0x2: {  	[smem:$0x3F93] =	sst lr;
	_ =	strace $0xD0000000  }
0x3: {  	_ = 	snop  }
0x4: {  	_ = 	snop  }
0x5: {  	_ = 	snop  }
0x6: {  	_ = 	snop  }
0x7: {  	_ = 	snop  }
__scs_overlays_trampoline_lowered:
0x8: {  	[smem:$0x3FA2] =	sst s0  }
0x9: {  	[smem:$0x3FA3] =	sst s1  }
0xa: {  	[smem:$0x3FA4] =	sst s2  }
0xb: {  	[smem:$0x3FA5] =	sst s3  }
0xc: {  	[smem:$0x3FA6] =	sst s4  }
0xd: {  	[smem:$0x3FA7] =	sst s5  }
0xe: {  	[smem:$0x3FA8] =	sst s6  }
0xf: {  	[smem:$0x3FA9] =	sst s7  }
0x10: {  	[smem:$0x3FAA] =	sst s8  }
0x11: {  	[smem:$0x3FAB] =	sst s9;
	s0 =	simm.s32 @!p0 $0x0  }
0x12: {  	s1 =	sld [smem:$0x3F91];
	s0 =	simm.s32 @p0 $0x1  }
0x13: {  	[smem:$0x3FAC] =	sst s0;
	s0 =	simm.s32 @!p1 $0x0  }
0x14: {  	s2 =	sld [smem:$0x3F90];
	s0 =	simm.s32 @p1 $0x1  }
0x15: {  	[smem:$0x3FAD] =	sst s0;
	s0 =	simm.s32 @!p2 $0x0  }
0x16: {  	s3 =	sld [smem:$0x3FDB];
	s0 =	simm.s32 @p2 $0x1  }
0x17: {  	s4 =	simm.s32 $0x1BF5;
	[smem:$0x3FAF] =	sst s0  }
0x18: {  	s0 =	sld [smem:$0x3F92];
	_ =	swait.ge [sflag:s4], $0x0  }
0x19: {  	s7 =	sld [smem:$0x3F93]  }
0x1a: {  	s8 =	sadd.s32 $0xFFFFE003, lr  }
0x1b: {  	s9 =	sadd.s32 $0xFFFFFEF7, lr;
	s5 =	simm.s32 $0xFFFFFFFF;
	p2 =	slt.u32 s8, $0xFFFFF086  }
0x1c: {  	p1 =	slt.u32 s9, $0xF7A;
	s5 =	simm.s32 @!p2 $0x0  }
0x1d: {  	s5 =	simm.s32 @p1 $0x1;
	p0 =	seq.s32 s7, s2  }
0x1e: {  	s7 =	smul.u32 @!p0 $0xF7A, s2;
	p2 =	seq.s32 @!p0 s5, $0x0  }
0x1f: {  	s9 =	smul.u32 $0xF7A, s1;
	s8 =	simm.s32 @!p0 $0x1BF5;
	p2 =	por !p2, p0  }
0x20: {  	[sflag:s8] =	ssyncset.s32 @!p0 $0xFFFFF086;
	s6 =	sadd.s32 @!p0 s3, s7;
	s7 =	simm.s32 @!p0 $0x108  }
0x21: {  	s3 =	sadd.s32 s3, s9;
	s6 =	sadd.s32 @!p0 $0x88, s6;
	s7 =	simm.s32 @p2 $0x1082  }
0x22: {  	[simem:s7], [sflag:s8] =	dma.local @!p0 [hbm:s6], $0xF7A  }
0x23: {  	s9 =	sor.u32 $0xD0000000, s2;
	s6 =	simm.s32 $0x108;
	_ =	swait.ge @!p0 [sflag:s8], $0x0  }
0x24: {  	s3 =	sadd.s32 $0x88, s3;
	s6 =	simm.s32 @!p1 $0x1082;
	[sflag:s4] =	ssyncset.s32 $0xFFFFF086  }
0x25: {  	[simem:s6], [sflag:s4] =	dma.local [hbm:s3], $0xF7A  }
0x26: {  	[smem:$0x3F93] =	sst s1;
	(tag) =	ssettag s2;
	_ =	strace s9  }
0x27: {  	s1 =	sld [smem:$0x3FA3]  }
0x28: {  	s2 =	sld [smem:$0x3FA4]  }
0x29: {  	s4 =	sld [smem:$0x3FA6]  }
0x2a: {  	p0 =	seq.s32 s5, $0x0;
	s5 =	sld [smem:$0x3FA7]  }
0x2b: {  	s6 =	sld [smem:$0x3FA8]  }
0x2c: {  	s7 =	sld [smem:$0x3FA9]  }
0x2d: {  	s3 =	simm.s32 $0x108;
	s8 =	sld [smem:$0x3FAA]  }
0x2e: {  	s3 =	simm.s32 @!p0 $0x1082;
	s9 =	sld [smem:$0x3FAB]  }
0x2f: {  	lr =	sadd.s32 s0, s3;
	s0 =	sld [smem:$0x3FA2]  }
0x30: {  	s3 =	sld [smem:$0x3FA5]  }
0x31: {  	[smem:$0x3FAE] =	sst s10  }
0x32: {  	s10 =	sld [smem:$0x3FAC];
	_ =	sdelay $0x3  }
0x33: {  	p0 =	seq.s32 s10, $0x1;
	s10 =	sld [smem:$0x3FAE];
	_ =	sdelay $0x3  }
0x34: {  	[smem:$0x3FAE] =	sst s10  }
0x35: {  	s10 =	sld [smem:$0x3FAD];
	_ =	sdelay $0x3  }
0x36: {  	p1 =	seq.s32 s10, $0x1;
	s10 =	sld [smem:$0x3FAE];
	_ =	sdelay $0x3  }
0x37: {  	[smem:$0x3FAE] =	sst s10  }
0x38: {  	s10 =	sld [smem:$0x3FAF]  }
0x39: {  	_ = 	snop;
	(pc) =	sbr.ind lr, $3  }
0x3a: {  	_ = 	snop  }
0x3b: {  	_ = 	snop  }
0x3c: {  	p2 =	seq.s32 s10, $0x1;
	s10 =	sld [smem:$0x3FAE]  }
0x3d: {  	_ =	shalt  }
0x3e: {  	_ =	shalt  }
0x3f: {  	_ =	shalt  }
0x40: {  	_ =	shalt  }
0x41: {  	_ =	shalt  }
0x42: {  	_ =	shalt  }
0x43: {  	_ =	shalt  }
0x44: {  	_ =	shalt  }
0x45: {  	_ =	shalt  }
0x46: {  	_ =	shalt  }
0x47: {  	_ =	shalt  }
0x48: {  	_ =	shalt  }
0x49: {  	_ =	shalt  }
0x4a: {  	_ =	shalt  }
0x4b: {  	_ =	shalt  }
0x4c: {  	_ =	shalt  }
0x4d: {  	_ =	shalt  }
0x4e: {  	_ =	shalt  }
0x4f: {  	_ =	shalt  }
0x50: {  	_ =	shalt  }
0x51: {  	_ =	shalt  }
0x52: {  	_ =	shalt  }
0x53: {  	_ =	shalt  }
0x54: {  	_ =	shalt  }
0x55: {  	_ =	shalt  }
0x56: {  	_ =	shalt  }
0x57: {  	_ =	shalt  }
0x58: {  	_ =	shalt  }
0x59: {  	_ =	shalt  }
0x5a: {  	_ =	shalt  }
0x5b: {  	_ =	shalt  }
0x5c: {  	_ =	shalt  }
0x5d: {  	_ =	shalt  }
0x5e: {  	_ =	shalt  }
0x5f: {  	_ =	shalt  }
0x60: {  	_ =	shalt  }
0x61: {  	_ =	shalt  }
0x62: {  	_ =	shalt  }
0x63: {  	_ =	shalt  }
0x64: {  	_ =	shalt  }
0x65: {  	_ =	shalt  }
0x66: {  	_ =	shalt  }
0x67: {  	_ =	shalt  }
0x68: {  	_ =	shalt  }
0x69: {  	_ =	shalt  }
0x6a: {  	_ =	shalt  }
0x6b: {  	_ =	shalt  }
0x6c: {  	_ =	shalt  }
0x6d: {  	_ =	shalt  }
0x6e: {  	_ =	shalt  }
0x6f: {  	_ =	shalt  }
0x70: {  	_ =	shalt  }
0x71: {  	_ =	shalt  }
0x72: {  	_ =	shalt  }
0x73: {  	_ =	shalt  }
0x74: {  	_ =	shalt  }
0x75: {  	_ =	shalt  }
0x76: {  	_ =	shalt  }
0x77: {  	_ =	shalt  }
0x78: {  	_ =	shalt  }
0x79: {  	_ =	shalt  }
0x7a: {  	_ =	shalt  }
0x7b: {  	_ =	shalt  }
0x7c: {  	_ =	shalt  }
0x7d: {  	_ =	shalt  }
0x7e: {  	_ =	shalt  }
0x7f: {  	_ =	shalt  }
0x80: {  	_ =	shalt  }
0x81: {  	_ =	shalt  }
0x82: {  	_ =	shalt  }
0x83: {  	_ =	shalt  }
0x84: {  	_ =	shalt  }
0x85: {  	_ =	shalt  }
0x86: {  	_ =	shalt  }
0x87: {  	_ =	shalt  }
.Lfunc_end0:
.L_simem_size_0:
called_computation.3_lowered:
.L_overlay_start_0:
0x88: {  	s2 =	sld [smem:$0x3FD9]  }
0x89: {  	s3 =	sld [smem:$0x3FFE];
	_ =	sdelay $0x1  }
0x8a: {  	s1 =	srdreg.scid  }
0x8b: {  	s0 =	sand.u32 $0x1, s1  }
0x8c: {  	s14 =	sshll.u32 s0, $0xA;
	s2 =	sadd.s32 s3, s2  }
0x8d: {  	s2 =	sadd.s32 s2, s14  }
0x8e: {  	[smem:$0x3FBA] =	sst s2  }
0x8f: {  	_ = 	snop  }
0x90: {  	s2 =	sld [smem:$0x3FD0];
	_ =	sdelay $0x2  }
0x91: {  	s15 =	simm.s32 $0xB;
	s4 =	simm.s32 $0x10  }
0x92: {  	[smem:s4], [sflag:s15] =	dma.local [hbm:s2], $0x1  }
0x93: {  	_ =	swait.eq [sflag:s15], $0x1  }
0x94: {  	[sflag:s15] =	ssyncset.done $0x0  }
0x95: {  	[sflag:s15] =	ssyncadd.s32 $0xFFFFFFFF  }
0x96: {  	s16 =	sld [smem:$0x11];
	(tm) =	ssettm $0x1  }
0x97: {  	s17 =	sld [smem:$0x3FFB];
	_ =	sdelay $0x3  }
0x98: {  	_ =	strace s17  }
0x99: {  	s3 =	sld [smem:$0x3FFC];
	_ =	sdelay $0x3  }
0x9a: {  	_ =	strace s3  }
0x9b: {  	s3 =	sld [smem:$0x3FFD];
	_ =	sdelay $0x3  }
0x9c: {  	_ =	strace s3  }
0x9d: {  	_ =	strace $0x8FFFFFFF  }
0x9e: {  	s18 =	sld [smem:$0x3FDB];
	_ =	sdelay $0x1  }
0x9f: {  	s19 =	simm.s32 $_scs_section_size  }
0xa0: {  	s5 =	simm.s32 $_size__tile_overlayer_lowered;
	s6 =	simm.s32 $_tile_overlayer_lowered  }
0xa1: {  	s22 =	simm.s32 $0x1BFF;
	s21 =	sshll.u32 s6, $0x1;
	s3 =	sadd.s32 s19, s18  }
0xa2: {  	s7 =	simm.s32 $0x0;
	s20 =	sshll.u32 s5, $0x1;
	s5 =	sadd.s32 s21, s3  }
0xa3: {  	[timem:s7], [sflag:s22] =	dma.local [hbm:s5], s20  }
0xa4: {  	_ =	swait.ge [sflag:s22], s20  }
0xa5: {  	s4 =	ssub.s32 $0x0, s20;
	[sflag:s22] =	ssyncset.done $0x0  }
0xa6: {  	[sflag:s22] =	ssyncadd.s32 s4;
	_ =	sdelay $0x1  }
0xa7: {  	s23 =	simm.s32 $0x1B8B  }
0xa8: {  	_ =	swait.ge [sflag:s23], $0x1  }
0xa9: {  	[sflag:s23] =	ssyncset.done $0x0  }
0xaa: {  	s25 =	simm.s32 $0x1B8E;
	s24 =	sld [smem:$0x3FFE];
	[sflag:s23] =	ssyncadd.s32 $0xFFFFFFFF  }
0xab: {  	s26 =	simm.s32 $execute0_lowered;
	[smem:$0x3FD2] =	sst s25  }
0xac: {  	s5 =	sshll.u32 s26, $0x1;
	_ =	strace $0x80000049;
	[dreg:$0x1] =	wrdreg $0xFFFFFFFF  }
0xad: {  	s28 =	simm.s32 $_size_execute0_lowered;
	s3 =	sadd.s32 s3, s5;
	[dreg:$0x0] =	wrdreg $0x0  }
0xae: {  	s5 =	sshll.u32 s28, $0x1;
	[dreg:$0x2] =	wrdreg s3  }
0xaf: {  	[dreg:$0x3] =	wrdreg s5  }
0xb0: {  	[dreg:$0x4] =	wrdreg $0xC0  }
0xb1: {  	_ =	task [dreg:s7], $0x5FFFF  }
0xb2: {  	[dreg:$0x1] =	wrdreg $0xFFFFFFFF  }
0xb3: {  	[dreg:$0x0] =	wrdreg $0x60  }
0xb4: {  	[dreg:$0x2] =	wrdreg s24  }
0xb5: {  	[dreg:$0x3] =	wrdreg s16  }
0xb6: {  	[dreg:$0x4] =	wrdreg $0x9  }
0xb7: {  	_ =	task.clear_ibuf [dreg:s7], $0x5FFFF;
	_ =	strace $0x90000049  }
0xb8: {  	s29 =	simm.s32 $0x9;
	_ =	strace $0x8000004B  }
0xb9: {  	_ =	swait.ge [sflag:s29], $0x1  }
0xba: {  	[sflag:s29] =	ssyncadd.s32 $0xFFFFFFFF  }
0xbb: {  	_ =	strace $0x9000004B  }
0xbc: {  	_ =	sfence  }
0xbd: {  	s30 =	sld [smem:$0x0];
	_ =	sdelay $0x2  }
0xbe: {  	s31 =	sshll.u32 s1, $0xD;
	s1 =	sshrl.u32 s1, $0x2  }
0xbf: {  	s3 =	sand.u32 $0x4000, s31;
	s1 =	sadd.s32 s1, s30  }
0xc0: {  	s0 =	sor.u32 s3, s0;
	s1 =	sshll.u32 s1, $0x11  }
0xc1: {  	s0 =	sor.u32 s1, s0  }
0xc2: {  	s0 =	sadd.s32 $0x8F2B, s0  }
0xc3: {  	[sflag:s0] =	ssyncadd.remote.s32 $0x1  }
0xc4: {  	_ =	sfence.sel $0xFFFF  }
0xc5: {  	[dreg:$0x0] =	wrdreg $0xFFFFFFFF;
	(pc) =	sbr.abs _section_cstart, $3  }
0xc6: {  	[dreg:$0x1] =	wrdreg $0xFFFFFFFF  }
0xc7: {  	_ =	task.clear_ibuf [dreg:s7], $0x2FFFF;
	_ =	strace $0x9FFFFFFF  }
0xc8: {  	(tm) =	ssettm $0x7FFFFFFF  }
0xc9: {  	_ =	shalt  }
tec
execute0_lowered:
.L_overlay_start_1:
0x0: {  	(tag) =	ssettag $0x1  }
0x1: {  	s4 =	rddreg [dreg:$0x0]  }
0x2: {  	s1 =	rddreg [dreg:$0x1]  }
0x3: {  	s2 =	srdreg.scid;
	s0 =	rddreg [dreg:$0x2]  }
0x4: {  	s3 =	simm.s32 $0x0;
	s10 =	simm.s32 $0x1080;
	s11 =	simm.s32 $0x1880  }
0x5: {  	s12 =	simm.s32 $0x2080;
	s13 =	simm.s32 $0x2880;
	s14 =	simm.s32 $0x3080  }
0x6: {  	s15 =	simm.s32 $0x3880;
	s16 =	simm.s32 $0x4080;
	s17 =	simm.s32 $0x4880  }
0x7: {  	s18 =	simm.s32 $0x5080;
	s19 =	simm.s32 $0x5880;
	s20 =	simm.s32 $0x6080  }
0x8: {  	s21 =	simm.s32 $0x6880;
	s22 =	simm.s32 $0x7080;
	s5 =	sand.u32 $0x1, s2  }
0x9: {  	s23 =	simm.s32 $0x7880;
	s2 =	stileid.u32;
	s6 =	smul.u32 $0x12800, s5  }
0xa: {  	s24 =	simm.s32 $0x1;
	s25 =	simm.s32 $0x0;
	s7 =	smul.u32 $0x1280, s2  }
0xb: {  	[smem:$0x7FF] =	sst s3;
	s8 =	smul.u32 $0x250000, s5;
	s5 =	ssub.s32 $0x2, s5  }
0xc: {  	_ =	strace $0x8000004A;
	s9 =	smul.u32 $0x25000, s2;
	s30 =	sshrl.u32 s5, $0x1  }
0xd: {  	s6 =	sadd.s32 s7, s6;
	s8 =	sadd.s32 s8, s4;
	s5 =	ssub.s32 s5, s30  }
0xe: {  	v2 =	vlaneseq.u32;
	s7 =	simm.s32 $0x2;
	s6 =	sshrl.u32 s6, $0x3;
	s31 =	sadd.s32 s9, s8  }
0xf: {  	vm0 =	vmmov $0xffff;
	v1 =	vshrl.u32 v2, $0x3;
	s8 =	simm.s32 $0x80;
	s9 =	simm.s32 $0x880;
	s6 =	sadd.s32 s6, s4  }
0x10: {  	v0 =	vand.u32 $0x7, v2;
	v2 =	vor.u32 $0x8, v2;
	v1 =	vmul.u32 $0x8, v1;
	s4 =	smax.u32 s5, $0x1;
	s5 =	sadd.s32 $0x12800, s31;
	s6 =	sadd.s32 $0x2200, s6  }
.LBB2_1:
0x11: {  	s26 =	smov.u32 s5;
	s28 =	simm.s32 $0x0  }
.LBB2_2:
0x12: {  	s29 =	sadd.s32 s28, s6  }
0x13: {  	[tilespmem:s3], [sflag:$0x2] =	stream.linear.gather [hbm4b:s29+s3], $0x80, $0x38;
	[tilespmem:$0x8080] =	vst v63  }
0x14: {  	_ =	swait.ge [sflag:s7], $0x80  }
0x15: {  	[sflag:s7] =	ssyncset.done $0x0  }
0x16: {  	[sflag:s7] =	ssyncadd.s32 $0xFFFFFF80  }
0x17: {  	v3 =	vld [tilespmem:$0x0];
	_ =	sdelay $0x4  }
0x18: {  	v4 =	vshll.u32 v3, $0x1  }
0x19: {  	v3 =	vand.u32 $0x7, v3;
	v4 =	vand.u32 $0xFFFFFFF0, v4  }
0x1a: {  	v3 =	vor.u32 v3, v4  }
0x1b: {  	v4 =	vperm.xlane v3, v0;
	_ =	sdelay $0x1  }
0x1c: {  	v3 =	vperm.xlane v3, v2;
	v4 =	vadd.s32 v1, v4;
	_ =	sdelay $0x1  }
0x1d: {  	v3 =	vadd.s32 v1, v3;
	_ =	sdelay $0x2  }
0x1e: {  	[tilespmem:s8], [sflag:$0x1] =	stream.indirect_vreg.gather [hbm4b:s1+s3], $0x80, v4, vm0, $0xb8;
	[tilespmem:$0x8080] =	vst v63  }
0x1f: {  	_ = 	snop  }
0x20: {  	[tilespmem:s9], [sflag:$0x1] =	stream.indirect_vreg.gather [hbm4b:s1+s3], $0x80, v3, vm0, $0xb8;
	[tilespmem:$0x8080] =	vst v63  }
0x21: {  	v3 =	vld [tilespmem:$0x10];
	_ =	sdelay $0x4  }
0x22: {  	v57 =	vshll.u32 v3, $0x1  }
0x23: {  	v3 =	vand.u32 $0x7, v3;
	v4 =	vand.u32 $0xFFFFFFF0, v57  }
0x24: {  	v3 =	vor.u32 v3, v4  }
0x25: {  	v4 =	vperm.xlane v3, v0;
	_ =	sdelay $0x1  }
0x26: {  	v3 =	vperm.xlane v3, v2;
	v4 =	vadd.s32 v1, v4;
	_ =	sdelay $0x1  }
0x27: {  	v3 =	vadd.s32 v1, v3;
	_ =	sdelay $0x2  }
0x28: {  	[tilespmem:s10], [sflag:$0x1] =	stream.indirect_vreg.gather [hbm4b:s1+s3], $0x80, v4, vm0, $0xb8;
	[tilespmem:$0x8080] =	vst v63  }
0x29: {  	_ = 	snop  }
0x2a: {  	[tilespmem:s11], [sflag:$0x1] =	stream.indirect_vreg.gather [hbm4b:s1+s3], $0x80, v3, vm0, $0xb8;
	[tilespmem:$0x8080] =	vst v63  }
0x2b: {  	v3 =	vld [tilespmem:$0x20];
	_ =	sdelay $0x4  }
0x2c: {  	v58 =	vshll.u32 v3, $0x1  }
0x2d: {  	v3 =	vand.u32 $0x7, v3;
	v4 =	vand.u32 $0xFFFFFFF0, v58  }
0x2e: {  	v3 =	vor.u32 v3, v4  }
0x2f: {  	v4 =	vperm.xlane v3, v0;
	_ =	sdelay $0x1  }
0x30: {  	v3 =	vperm.xlane v3, v2;
	v4 =	vadd.s32 v1, v4;
	_ =	sdelay $0x1  }
0x31: {  	v3 =	vadd.s32 v1, v3;
	_ =	sdelay $0x2  }
0x32: {  	[tilespmem:s12], [sflag:$0x1] =	stream.indirect_vreg.gather [hbm4b:s1+s3], $0x80, v4, vm0, $0xb8;
	[tilespmem:$0x8080] =	vst v63  }
0x33: {  	_ = 	snop  }
0x34: {  	[tilespmem:s13], [sflag:$0x1] =	stream.indirect_vreg.gather [hbm4b:s1+s3], $0x80, v3, vm0, $0xb8;
	[tilespmem:$0x8080] =	vst v63  }
0x35: {  	v3 =	vld [tilespmem:$0x30];
	_ =	sdelay $0x4  }
0x36: {  	v59 =	vshll.u32 v3, $0x1  }
0x37: {  	v3 =	vand.u32 $0x7, v3;
	v4 =	vand.u32 $0xFFFFFFF0, v59  }
0x38: {  	v3 =	vor.u32 v3, v4  }
0x39: {  	v4 =	vperm.xlane v3, v0;
	_ =	sdelay $0x1  }
0x3a: {  	v3 =	vperm.xlane v3, v2;
	v4 =	vadd.s32 v1, v4;
	_ =	sdelay $0x1  }
0x3b: {  	v3 =	vadd.s32 v1, v3;
	_ =	sdelay $0x2  }
0x3c: {  	[tilespmem:s14], [sflag:$0x1] =	stream.indirect_vreg.gather [hbm4b:s1+s3], $0x80, v4, vm0, $0xb8;
	[tilespmem:$0x8080] =	vst v63  }
0x3d: {  	_ = 	snop  }
0x3e: {  	[tilespmem:s15], [sflag:$0x1] =	stream.indirect_vreg.gather [hbm4b:s1+s3], $0x80, v3, vm0, $0xb8;
	[tilespmem:$0x8080] =	vst v63  }
0x3f: {  	v3 =	vld [tilespmem:$0x40];
	_ =	sdelay $0x4  }
0x40: {  	v60 =	vshll.u32 v3, $0x1  }
0x41: {  	v3 =	vand.u32 $0x7, v3;
	v4 =	vand.u32 $0xFFFFFFF0, v60  }
0x42: {  	v3 =	vor.u32 v3, v4  }
0x43: {  	v4 =	vperm.xlane v3, v0;
	_ =	sdelay $0x1  }
0x44: {  	v3 =	vperm.xlane v3, v2;
	v4 =	vadd.s32 v1, v4;
	_ =	sdelay $0x1  }
0x45: {  	v3 =	vadd.s32 v1, v3;
	_ =	sdelay $0x2  }
0x46: {  	[tilespmem:s16], [sflag:$0x1] =	stream.indirect_vreg.gather [hbm4b:s1+s3], $0x80, v4, vm0, $0xb8;
	[tilespmem:$0x8080] =	vst v63  }
0x47: {  	_ = 	snop  }
0x48: {  	[tilespmem:s17], [sflag:$0x1] =	stream.indirect_vreg.gather [hbm4b:s1+s3], $0x80, v3, vm0, $0xb8;
	[tilespmem:$0x8080] =	vst v63  }
0x49: {  	v3 =	vld [tilespmem:$0x50];
	_ =	sdelay $0x4  }
0x4a: {  	v61 =	vshll.u32 v3, $0x1  }
0x4b: {  	v3 =	vand.u32 $0x7, v3;
	v4 =	vand.u32 $0xFFFFFFF0, v61  }
0x4c: {  	v3 =	vor.u32 v3, v4  }
0x4d: {  	v4 =	vperm.xlane v3, v0;
	_ =	sdelay $0x1  }
0x4e: {  	v3 =	vperm.xlane v3, v2;
	v4 =	vadd.s32 v1, v4;
	_ =	sdelay $0x1  }
0x4f: {  	v3 =	vadd.s32 v1, v3;
	_ =	sdelay $0x2  }
0x50: {  	[tilespmem:s18], [sflag:$0x1] =	stream.indirect_vreg.gather [hbm4b:s1+s3], $0x80, v4, vm0, $0xb8;
	[tilespmem:$0x8080] =	vst v63  }
0x51: {  	_ = 	snop  }
0x52: {  	[tilespmem:s19], [sflag:$0x1] =	stream.indirect_vreg.gather [hbm4b:s1+s3], $0x80, v3, vm0, $0xb8;
	[tilespmem:$0x8080] =	vst v63  }
0x53: {  	v3 =	vld [tilespmem:$0x60];
	_ =	sdelay $0x4  }
0x54: {  	v62 =	vshll.u32 v3, $0x1  }
0x55: {  	v3 =	vand.u32 $0x7, v3;
	v4 =	vand.u32 $0xFFFFFFF0, v62  }
0x56: {  	v3 =	vor.u32 v3, v4  }
0x57: {  	v4 =	vperm.xlane v3, v0;
	_ =	sdelay $0x1  }
0x58: {  	v3 =	vperm.xlane v3, v2;
	v4 =	vadd.s32 v1, v4;
	_ =	sdelay $0x1  }
0x59: {  	v3 =	vadd.s32 v1, v3;
	_ =	sdelay $0x2  }
0x5a: {  	[tilespmem:s20], [sflag:$0x1] =	stream.indirect_vreg.gather [hbm4b:s1+s3], $0x80, v4, vm0, $0xb8;
	[tilespmem:$0x8080] =	vst v63  }
0x5b: {  	_ = 	snop  }
0x5c: {  	[tilespmem:s21], [sflag:$0x1] =	stream.indirect_vreg.gather [hbm4b:s1+s3], $0x80, v3, vm0, $0xb8;
	[tilespmem:$0x8080] =	vst v63  }
0x5d: {  	v3 =	vld [tilespmem:$0x70];
	_ =	sdelay $0x4  }
0x5e: {  	v63 =	vshll.u32 v3, $0x1  }
0x5f: {  	v3 =	vand.u32 $0x7, v3;
	v4 =	vand.u32 $0xFFFFFFF0, v63  }
0x60: {  	v3 =	vor.u32 v3, v4  }
0x61: {  	v4 =	vperm.xlane v3, v0;
	_ =	sdelay $0x1  }
0x62: {  	v3 =	vperm.xlane v3, v2;
	v4 =	vadd.s32 v1, v4;
	_ =	sdelay $0x1  }
0x63: {  	v3 =	vadd.s32 v1, v3;
	_ =	sdelay $0x2  }
0x64: {  	[tilespmem:s22], [sflag:$0x1] =	stream.indirect_vreg.gather [hbm4b:s1+s3], $0x80, v4, vm0, $0xb8;
	[tilespmem:$0x8080] =	vst v63  }
0x65: {  	_ = 	snop  }
0x66: {  	[tilespmem:s23], [sflag:$0x1] =	stream.indirect_vreg.gather [hbm4b:s1+s3], $0x80, v3, vm0, $0xb8;
	[tilespmem:$0x8080] =	vst v63  }
0x67: {  	_ =	swait.ge [sflag:s24], $0x8000  }
0x68: {  	p0 =	sne.s32 s28, $0x240;
	[sflag:s24] =	ssyncset.done $0x0  }
.Ltmp0:
0x69: {  	[sflag:s24] =	ssyncadd.s32 $0xFFFF8000;
	(pc) =	sbr.rel @p0 .LBB2_2-.Ltmp0, $4  }
0x6a: {  	[hbm4b:s26+s3] =	stream.linear.scatter [tilespmem:s8], [sflag:$0x2], $0x8000, $0x38;
	[tilespmem:$0x8080] =	vst v63  }
0x6b: {  	_ =	swait.ge [sflag:s7], $0x8000  }
0x6c: {  	[sflag:s7] =	ssyncset.done $0x0  }
0x6d: {  	s28 =	sadd.s32 $0x10, s28;
	s26 =	sadd.s32 $0x1000, s26;
	[sflag:s7] =	ssyncadd.s32 $0xFFFF8000  }
0x6e: {  	s25 =	sadd.s32 $0x1, s25  }
0x6f: {  	p0 =	sne.s32 s25, s4  }
.Ltmp1:
0x70: {  	_ = 	snop;
	(pc) =	sbr.rel @p0 .LBB2_1-.Ltmp1, $1  }
0x71: {  	_ =	sdelay $0x3  }
0x72: {  	_ =	sfence.sel $0x180000  }
0x73: {  	[bflag:$0x0] =	sbarrier.arrive $0xFFFF  }
0x74: {  	p0 =	sne.s32 s2, $0x0;
	_ =	strace $0x9000004A  }
0x75: {  	s0 =	sadd.s32 @!p0 $0x100000, s0;
	[bflag:$0x2] =	sbarrier.arrive $0xFFFF  }
0x76: {  	[sflag:s0] =	ssyncadd.tile.s32 @!p0 $0x1;
	_ =	shalt  }
.Lfunc_end2:
_tile_overlayer_lowered:
.L_overlay_start_2:
0x77: {  	(tag) =	ssettag $0x2  }
0x78: {  	s0 =	rddreg [dreg:$0x0];
	s2 =	stileid.u32  }
0x79: {  	s1 =	rddreg [dreg:$0x1];
	p0 =	sne.s32 s2, $0x0  }
0x7a: {  	s3 =	rddreg [dreg:$0x2];
	[bflag:$0x3] =	sbarrier.arrive $0xFFFF;
	s2 =	simm.s32 @!p0 $0x1C02  }
0x7b: {  	[timem:s3], [sflag:s2] =	dma.local @!p0 [hbm:s0], s1  }
0x7c: {  	s0 =	simm.s32 @!p0 $0x2  }
0x7d: {  	_ =	swait.ge @!p0 [sflag:s0], s1  }
0x7e: {  	s1 =	ssub.s32 @!p0 $0x0, s1;
	[sflag:s0] =	ssyncset.done @!p0 $0x0  }
0x7f: {  	[sflag:s0] =	ssyncadd.s32 @!p0 s1  }
0x80: {  	[bflag:$0x3] =	sbarrier.arrive $0xFFFF  }
0x81: {  	_ =	shalt  }

// kernel: kernel.14.cloned.1.call-start
scs
__scs_entry_jumppad:
0x0: {  	(pc) =	sbr.rel $0x88, $3  }
0x1: {  	(tag) =	ssettag $0x0;
	lr =	simm.s32 $0x1  }
0x2: {  	[smem:$0x3F93] =	sst lr;
	_ =	strace $0xD0000000  }
0x3: {  	_ = 	snop  }
0x4: {  	_ = 	snop  }
0x5: {  	_ = 	snop  }
0x6: {  	_ = 	snop  }
0x7: {  	_ = 	snop  }
__scs_overlays_trampoline_lowered:
0x8: {  	[smem:$0x3FA2] =	sst s0  }
0x9: {  	[smem:$0x3FA3] =	sst s1  }
0xa: {  	[smem:$0x3FA4] =	sst s2  }
0xb: {  	[smem:$0x3FA5] =	sst s3  }
0xc: {  	[smem:$0x3FA6] =	sst s4  }
0xd: {  	[smem:$0x3FA7] =	sst s5  }
0xe: {  	[smem:$0x3FA8] =	sst s6  }
0xf: {  	[smem:$0x3FA9] =	sst s7  }
0x10: {  	[smem:$0x3FAA] =	sst s8  }
0x11: {  	[smem:$0x3FAB] =	sst s9;
	s0 =	simm.s32 @!p0 $0x0  }
0x12: {  	s1 =	sld [smem:$0x3F91];
	s0 =	simm.s32 @p0 $0x1  }
0x13: {  	[smem:$0x3FAC] =	sst s0;
	s0 =	simm.s32 @!p1 $0x0  }
0x14: {  	s2 =	sld [smem:$0x3F90];
	s0 =	simm.s32 @p1 $0x1  }
0x15: {  	[smem:$0x3FAD] =	sst s0;
	s0 =	simm.s32 @!p2 $0x0  }
0x16: {  	s3 =	sld [smem:$0x3FDB];
	s0 =	simm.s32 @p2 $0x1  }
0x17: {  	s4 =	simm.s32 $0x1BF5;
	[smem:$0x3FAF] =	sst s0  }
0x18: {  	s0 =	sld [smem:$0x3F92];
	_ =	swait.ge [sflag:s4], $0x0  }
0x19: {  	s7 =	sld [smem:$0x3F93]  }
0x1a: {  	s8 =	sadd.s32 $0xFFFFE003, lr  }
0x1b: {  	s9 =	sadd.s32 $0xFFFFFEF7, lr;
	s5 =	simm.s32 $0xFFFFFFFF;
	p2 =	slt.u32 s8, $0xFFFFF086  }
0x1c: {  	p1 =	slt.u32 s9, $0xF7A;
	s5 =	simm.s32 @!p2 $0x0  }
0x1d: {  	s5 =	simm.s32 @p1 $0x1;
	p0 =	seq.s32 s7, s2  }
0x1e: {  	s7 =	smul.u32 @!p0 $0xF7A, s2;
	p2 =	seq.s32 @!p0 s5, $0x0  }
0x1f: {  	s9 =	smul.u32 $0xF7A, s1;
	s8 =	simm.s32 @!p0 $0x1BF5;
	p2 =	por !p2, p0  }
0x20: {  	[sflag:s8] =	ssyncset.s32 @!p0 $0xFFFFF086;
	s6 =	sadd.s32 @!p0 s3, s7;
	s7 =	simm.s32 @!p0 $0x108  }
0x21: {  	s3 =	sadd.s32 s3, s9;
	s6 =	sadd.s32 @!p0 $0x88, s6;
	s7 =	simm.s32 @p2 $0x1082  }
0x22: {  	[simem:s7], [sflag:s8] =	dma.local @!p0 [hbm:s6], $0xF7A  }
0x23: {  	s9 =	sor.u32 $0xD0000000, s2;
	s6 =	simm.s32 $0x108;
	_ =	swait.ge @!p0 [sflag:s8], $0x0  }
0x24: {  	s3 =	sadd.s32 $0x88, s3;
	s6 =	simm.s32 @!p1 $0x1082;
	[sflag:s4] =	ssyncset.s32 $0xFFFFF086  }
0x25: {  	[simem:s6], [sflag:s4] =	dma.local [hbm:s3], $0xF7A  }
0x26: {  	[smem:$0x3F93] =	sst s1;
	(tag) =	ssettag s2;
	_ =	strace s9  }
0x27: {  	s1 =	sld [smem:$0x3FA3]  }
0x28: {  	s2 =	sld [smem:$0x3FA4]  }
0x29: {  	s4 =	sld [smem:$0x3FA6]  }
0x2a: {  	p0 =	seq.s32 s5, $0x0;
	s5 =	sld [smem:$0x3FA7]  }
0x2b: {  	s6 =	sld [smem:$0x3FA8]  }
0x2c: {  	s7 =	sld [smem:$0x3FA9]  }
0x2d: {  	s3 =	simm.s32 $0x108;
	s8 =	sld [smem:$0x3FAA]  }
0x2e: {  	s3 =	simm.s32 @!p0 $0x1082;
	s9 =	sld [smem:$0x3FAB]  }
0x2f: {  	lr =	sadd.s32 s0, s3;
	s0 =	sld [smem:$0x3FA2]  }
0x30: {  	s3 =	sld [smem:$0x3FA5]  }
0x31: {  	[smem:$0x3FAE] =	sst s10  }
0x32: {  	s10 =	sld [smem:$0x3FAC];
	_ =	sdelay $0x3  }
0x33: {  	p0 =	seq.s32 s10, $0x1;
	s10 =	sld [smem:$0x3FAE];
	_ =	sdelay $0x3  }
0x34: {  	[smem:$0x3FAE] =	sst s10  }
0x35: {  	s10 =	sld [smem:$0x3FAD];
	_ =	sdelay $0x3  }
0x36: {  	p1 =	seq.s32 s10, $0x1;
	s10 =	sld [smem:$0x3FAE];
	_ =	sdelay $0x3  }
0x37: {  	[smem:$0x3FAE] =	sst s10  }
0x38: {  	s10 =	sld [smem:$0x3FAF]  }
0x39: {  	_ = 	snop;
	(pc) =	sbr.ind lr, $3  }
0x3a: {  	_ = 	snop  }
0x3b: {  	_ = 	snop  }
0x3c: {  	p2 =	seq.s32 s10, $0x1;
	s10 =	sld [smem:$0x3FAE]  }
0x3d: {  	_ =	shalt  }
0x3e: {  	_ =	shalt  }
0x3f: {  	_ =	shalt  }
0x40: {  	_ =	shalt  }
0x41: {  	_ =	shalt  }
0x42: {  	_ =	shalt  }
0x43: {  	_ =	shalt  }
0x44: {  	_ =	shalt  }
0x45: {  	_ =	shalt  }
0x46: {  	_ =	shalt  }
0x47: {  	_ =	shalt  }
0x48: {  	_ =	shalt  }
0x49: {  	_ =	shalt  }
0x4a: {  	_ =	shalt  }
0x4b: {  	_ =	shalt  }
0x4c: {  	_ =	shalt  }
0x4d: {  	_ =	shalt  }
0x4e: {  	_ =	shalt  }
0x4f: {  	_ =	shalt  }
0x50: {  	_ =	shalt  }
0x51: {  	_ =	shalt  }
0x52: {  	_ =	shalt  }
0x53: {  	_ =	shalt  }
0x54: {  	_ =	shalt  }
0x55: {  	_ =	shalt  }
0x56: {  	_ =	shalt  }
0x57: {  	_ =	shalt  }
0x58: {  	_ =	shalt  }
0x59: {  	_ =	shalt  }
0x5a: {  	_ =	shalt  }
0x5b: {  	_ =	shalt  }
0x5c: {  	_ =	shalt  }
0x5d: {  	_ =	shalt  }
0x5e: {  	_ =	shalt  }
0x5f: {  	_ =	shalt  }
0x60: {  	_ =	shalt  }
0x61: {  	_ =	shalt  }
0x62: {  	_ =	shalt  }
0x63: {  	_ =	shalt  }
0x64: {  	_ =	shalt  }
0x65: {  	_ =	shalt  }
0x66: {  	_ =	shalt  }
0x67: {  	_ =	shalt  }
0x68: {  	_ =	shalt  }
0x69: {  	_ =	shalt  }
0x6a: {  	_ =	shalt  }
0x6b: {  	_ =	shalt  }
0x6c: {  	_ =	shalt  }
0x6d: {  	_ =	shalt  }
0x6e: {  	_ =	shalt  }
0x6f: {  	_ =	shalt  }
0x70: {  	_ =	shalt  }
0x71: {  	_ =	shalt  }
0x72: {  	_ =	shalt  }
0x73: {  	_ =	shalt  }
0x74: {  	_ =	shalt  }
0x75: {  	_ =	shalt  }
0x76: {  	_ =	shalt  }
0x77: {  	_ =	shalt  }
0x78: {  	_ =	shalt  }
0x79: {  	_ =	shalt  }
0x7a: {  	_ =	shalt  }
0x7b: {  	_ =	shalt  }
0x7c: {  	_ =	shalt  }
0x7d: {  	_ =	shalt  }
0x7e: {  	_ =	shalt  }
0x7f: {  	_ =	shalt  }
0x80: {  	_ =	shalt  }
0x81: {  	_ =	shalt  }
0x82: {  	_ =	shalt  }
0x83: {  	_ =	shalt  }
0x84: {  	_ =	shalt  }
0x85: {  	_ =	shalt  }
0x86: {  	_ =	shalt  }
0x87: {  	_ =	shalt  }
.Lfunc_end0:
.L_simem_size_0:
called_computation.4_lowered:
.L_overlay_start_0:
0x88: {  	s2 =	sld [smem:$0x3FD9]  }
0x89: {  	s3 =	sld [smem:$0x3FFE];
	_ =	sdelay $0x1  }
0x8a: {  	s1 =	srdreg.scid  }
0x8b: {  	s0 =	sand.u32 $0x1, s1  }
0x8c: {  	s17 =	sshll.u32 s0, $0xA;
	s2 =	sadd.s32 s3, s2  }
0x8d: {  	s2 =	sadd.s32 s2, s17  }
0x8e: {  	[smem:$0x3FBA] =	sst s2  }
0x8f: {  	_ = 	snop  }
0x90: {  	(tm) =	ssettm $0x1  }
0x91: {  	s18 =	sld [smem:$0x3FFB];
	_ =	sdelay $0x3  }
0x92: {  	_ =	strace s18  }
0x93: {  	s2 =	sld [smem:$0x3FFC];
	_ =	sdelay $0x3  }
0x94: {  	_ =	strace s2  }
0x95: {  	s2 =	sld [smem:$0x3FFD];
	_ =	sdelay $0x3  }
0x96: {  	_ =	strace s2  }
0x97: {  	_ =	strace $0x8FFFFFFF  }
0x98: {  	s19 =	sld [smem:$0x3FDB];
	_ =	sdelay $0x1  }
0x99: {  	s20 =	simm.s32 $_scs_section_size  }
0x9a: {  	s4 =	simm.s32 $_size__tile_overlayer_lowered;
	s5 =	simm.s32 $_tile_overlayer_lowered  }
0x9b: {  	s6 =	simm.s32 $0x1BFF;
	s21 =	sshll.u32 s5, $0x1;
	s3 =	sadd.s32 s20, s19  }
0x9c: {  	s22 =	simm.s32 $0x0;
	s4 =	sshll.u32 s4, $0x1;
	s5 =	sadd.s32 s21, s3  }
0x9d: {  	[timem:s22], [sflag:s6] =	dma.local [hbm:s5], s4  }
0x9e: {  	_ =	swait.ge [sflag:s6], s4  }
0x9f: {  	s4 =	ssub.s32 $0x0, s4;
	[sflag:s6] =	ssyncset.done $0x0  }
0xa0: {  	[sflag:s6] =	ssyncadd.s32 s4;
	_ =	sdelay $0x1  }
0xa1: {  	s23 =	simm.s32 $0x1B8B  }
0xa2: {  	_ =	swait.ge [sflag:s23], $0x1  }
0xa3: {  	[sflag:s23] =	ssyncset.done $0x0  }
0xa4: {  	[sflag:s23] =	ssyncadd.s32 $0xFFFFFFFF  }
0xa5: {  	s4 =	sld [smem:$0x0]  }
0xa6: {  	s5 =	sand.u32 $0xFFFFFFFE, s1  }
0xa7: {  	p0 =	sne.s32 s1, s5  }
0xa8: {  	s5 =	sshll.u32 @p0 s5, $0xE  }
0xa9: {  	s5 =	sadd.s32 @p0 $0x11B8D, s5;
	s6 =	sshll.u32 @p0 s4, $0x11  }
0xaa: {  	s5 =	sor.u32 @p0 s6, s5  }
0xab: {  	[sflag:s5] =	ssyncadd.remote.s32 @p0 $0x1;
	_ =	sdelay $0x1  }
0xac: {  	s5 =	simm.s32 @p0 $0x1B8D  }
0xad: {  	_ =	swait.eq @p0 [sflag:s5], $0x1  }
0xae: {  	[sflag:s5] =	ssyncadd.s32 @p0 $0xFFFFFFFF  }
0xaf: {  	s6 =	sshll.u32 @!p0 s1, $0xE  }
0xb0: {  	s6 =	sor.u32 @!p0 $0x4000, s6;
	s5 =	simm.s32 @!p0 $0x1B8D  }
0xb1: {  	s4 =	sshll.u32 @!p0 s4, $0x11;
	s6 =	sadd.s32 @!p0 $0x11B8D, s6;
	_ =	swait.eq @!p0 [sflag:s5], $0x1  }
0xb2: {  	s4 =	sor.u32 @!p0 s4, s6;
	[sflag:s5] =	ssyncadd.s32 @!p0 $0xFFFFFFFF  }
0xb3: {  	s25 =	simm.s32 $0x1B8E;
	s24 =	sld [smem:$0x3FFE];
	[sflag:s4] =	ssyncadd.remote.s32 @!p0 $0x1  }
0xb4: {  	s26 =	simm.s32 $execute0_lowered;
	[smem:$0x3FD2] =	sst s25  }
0xb5: {  	s5 =	sshll.u32 s26, $0x1;
	_ =	strace $0x8000004C;
	[dreg:$0x1] =	wrdreg $0xFFFFFFFF  }
0xb6: {  	s28 =	simm.s32 $_size_execute0_lowered;
	s3 =	sadd.s32 s3, s5;
	[dreg:$0x0] =	wrdreg $0x0  }
0xb7: {  	s5 =	sshll.u32 s28, $0x1;
	[dreg:$0x2] =	wrdreg s3  }
0xb8: {  	[dreg:$0x3] =	wrdreg s5  }
0xb9: {  	[dreg:$0x4] =	wrdreg $0xC0  }
0xba: {  	_ =	task [dreg:s22], $0x5FFFF  }
0xbb: {  	[dreg:$0x1] =	wrdreg $0xFFFFFFFF  }
0xbc: {  	[dreg:$0x0] =	wrdreg $0x60  }
0xbd: {  	[dreg:$0x2] =	wrdreg s24  }
0xbe: {  	[dreg:$0x3] =	wrdreg $0xA  }
0xbf: {  	_ =	task.clear_ibuf [dreg:s22], $0x4FFFF;
	_ =	strace $0x9000004C  }
0xc0: {  	s29 =	simm.s32 $0xA;
	_ =	strace $0x8000004E  }
0xc1: {  	_ =	swait.ge [sflag:s29], $0x1  }
0xc2: {  	[sflag:s29] =	ssyncadd.s32 $0xFFFFFFFF  }
0xc3: {  	_ =	strace $0x9000004E  }
0xc4: {  	_ =	sfence  }
0xc5: {  	s30 =	sld [smem:$0x0];
	_ =	sdelay $0x2  }
0xc6: {  	s31 =	sshll.u32 s1, $0xD;
	s1 =	sshrl.u32 s1, $0x2  }
0xc7: {  	s4 =	sand.u32 $0x4000, s31;
	s1 =	sadd.s32 s1, s30  }
0xc8: {  	s0 =	sor.u32 s4, s0;
	s1 =	sshll.u32 s1, $0x11  }
0xc9: {  	s0 =	sor.u32 s1, s0  }
0xca: {  	s0 =	sadd.s32 $0x8F2B, s0  }
0xcb: {  	[sflag:s0] =	ssyncadd.remote.s32 $0x1  }
0xcc: {  	_ =	sfence.sel $0xFFFF  }
0xcd: {  	[dreg:$0x0] =	wrdreg $0xFFFFFFFF;
	(pc) =	sbr.abs _section_cstart, $3  }
0xce: {  	[dreg:$0x1] =	wrdreg $0xFFFFFFFF  }
0xcf: {  	_ =	task.clear_ibuf [dreg:s22], $0x2FFFF;
	_ =	strace $0x9FFFFFFF  }
0xd0: {  	(tm) =	ssettm $0x7FFFFFFF  }
0xd1: {  	_ =	shalt  }
tec
execute0_lowered:
.L_overlay_start_1:
0x0: {  	(tag) =	ssettag $0x1  }
0x1: {  	s3 =	rddreg [dreg:$0x0]  }
0x2: {  	s1 =	srdreg.scid;
	s0 =	rddreg [dreg:$0x1];
	s2 =	simm.s32 $0x0  }
0x3: {  	s10 =	simm.s32 $0x1080;
	s11 =	simm.s32 $0x1880;
	s12 =	simm.s32 $0x2080  }
0x4: {  	s13 =	simm.s32 $0x2880;
	s14 =	simm.s32 $0x3080;
	s15 =	simm.s32 $0x3880  }
0x5: {  	s16 =	simm.s32 $0x4080;
	s17 =	simm.s32 $0x4880;
	s18 =	simm.s32 $0x5080  }
0x6: {  	s19 =	simm.s32 $0x5880;
	s20 =	simm.s32 $0x6080;
	s21 =	simm.s32 $0x6880  }
0x7: {  	s22 =	simm.s32 $0x7080;
	s23 =	simm.s32 $0x7880;
	s4 =	sand.u32 $0x1, s1  }
0x8: {  	s24 =	simm.s32 $0x1;
	s1 =	stileid.u32;
	s5 =	smul.u32 $0x12800, s4  }
0x9: {  	s25 =	simm.s32 $0x0;
	[smem:$0x7FF] =	sst s2;
	s6 =	smul.u32 $0x1280, s1  }
0xa: {  	_ =	strace $0x8000004D;
	s30 =	smul.u32 $0x250000, s4;
	s4 =	ssub.s32 $0x2, s4  }
0xb: {  	s8 =	smul.u32 $0x25000, s1;
	s7 =	sshrl.u32 s4, $0x1;
	s5 =	sadd.s32 s6, s5  }
0xc: {  	s31 =	sadd.s32 s30, s3;
	s4 =	ssub.s32 s4, s7;
	s5 =	sshrl.u32 s5, $0x3  }
0xd: {  	v2 =	vlaneseq.u32;
	s7 =	simm.s32 $0x2;
	s4 =	smax.u32 s4, $0x1;
	s9 =	sadd.s32 s5, s3  }
0xe: {  	vm0 =	vmmov $0xffff;
	v1 =	vshrl.u32 v2, $0x3;
	s3 =	sadd.s32 $0xB600, s3;
	s5 =	sadd.s32 s8, s31;
	s8 =	simm.s32 $0x80  }
0xf: {  	v0 =	vand.u32 $0x7, v2;
	v2 =	vor.u32 $0x8, v2;
	v1 =	vmul.u32 $0x8, v1;
	s5 =	sadd.s32 $0x4B2800, s5;
	s6 =	sadd.s32 $0x6C00, s9;
	s9 =	simm.s32 $0x880  }
.LBB2_1:
0x10: {  	s26 =	smov.u32 s5;
	s28 =	simm.s32 $0x0  }
.LBB2_2:
0x11: {  	s29 =	sadd.s32 s28, s6  }
0x12: {  	[tilespmem:s2], [sflag:$0x2] =	stream.linear.gather [hbm4b:s29+s2], $0x80, $0x38;
	[tilespmem:$0x8080] =	vst v63  }
0x13: {  	_ =	swait.ge [sflag:s7], $0x80  }
0x14: {  	[sflag:s7] =	ssyncset.done $0x0  }
0x15: {  	[sflag:s7] =	ssyncadd.s32 $0xFFFFFF80  }
0x16: {  	v3 =	vld [tilespmem:$0x0];
	_ =	sdelay $0x4  }
0x17: {  	v4 =	vshll.u32 v3, $0x1  }
0x18: {  	v3 =	vand.u32 $0x7, v3;
	v4 =	vand.u32 $0xFFFFFFF0, v4  }
0x19: {  	v3 =	vor.u32 v3, v4  }
0x1a: {  	v4 =	vperm.xlane v3, v0;
	_ =	sdelay $0x1  }
0x1b: {  	v3 =	vperm.xlane v3, v2;
	v4 =	vadd.s32 v1, v4;
	_ =	sdelay $0x1  }
0x1c: {  	v3 =	vadd.s32 v1, v3;
	_ =	sdelay $0x2  }
0x1d: {  	[tilespmem:s8], [sflag:$0x1] =	stream.indirect_vreg.gather [hbm4b:s3+s2], $0x80, v4, vm0, $0xb8;
	[tilespmem:$0x8080] =	vst v63  }
0x1e: {  	_ = 	snop  }
0x1f: {  	[tilespmem:s9], [sflag:$0x1] =	stream.indirect_vreg.gather [hbm4b:s3+s2], $0x80, v3, vm0, $0xb8;
	[tilespmem:$0x8080] =	vst v63  }
0x20: {  	v3 =	vld [tilespmem:$0x10];
	_ =	sdelay $0x4  }
0x21: {  	v57 =	vshll.u32 v3, $0x1  }
0x22: {  	v3 =	vand.u32 $0x7, v3;
	v4 =	vand.u32 $0xFFFFFFF0, v57  }
0x23: {  	v3 =	vor.u32 v3, v4  }
0x24: {  	v4 =	vperm.xlane v3, v0;
	_ =	sdelay $0x1  }
0x25: {  	v3 =	vperm.xlane v3, v2;
	v4 =	vadd.s32 v1, v4;
	_ =	sdelay $0x1  }
0x26: {  	v3 =	vadd.s32 v1, v3;
	_ =	sdelay $0x2  }
0x27: {  	[tilespmem:s10], [sflag:$0x1] =	stream.indirect_vreg.gather [hbm4b:s3+s2], $0x80, v4, vm0, $0xb8;
	[tilespmem:$0x8080] =	vst v63  }
0x28: {  	_ = 	snop  }
0x29: {  	[tilespmem:s11], [sflag:$0x1] =	stream.indirect_vreg.gather [hbm4b:s3+s2], $0x80, v3, vm0, $0xb8;
	[tilespmem:$0x8080] =	vst v63  }
0x2a: {  	v3 =	vld [tilespmem:$0x20];
	_ =	sdelay $0x4  }
0x2b: {  	v58 =	vshll.u32 v3, $0x1  }
0x2c: {  	v3 =	vand.u32 $0x7, v3;
	v4 =	vand.u32 $0xFFFFFFF0, v58  }
0x2d: {  	v3 =	vor.u32 v3, v4  }
0x2e: {  	v4 =	vperm.xlane v3, v0;
	_ =	sdelay $0x1  }
0x2f: {  	v3 =	vperm.xlane v3, v2;
	v4 =	vadd.s32 v1, v4;
	_ =	sdelay $0x1  }
0x30: {  	v3 =	vadd.s32 v1, v3;
	_ =	sdelay $0x2  }
0x31: {  	[tilespmem:s12], [sflag:$0x1] =	stream.indirect_vreg.gather [hbm4b:s3+s2], $0x80, v4, vm0, $0xb8;
	[tilespmem:$0x8080] =	vst v63  }
0x32: {  	_ = 	snop  }
0x33: {  	[tilespmem:s13], [sflag:$0x1] =	stream.indirect_vreg.gather [hbm4b:s3+s2], $0x80, v3, vm0, $0xb8;
	[tilespmem:$0x8080] =	vst v63  }
0x34: {  	v3 =	vld [tilespmem:$0x30];
	_ =	sdelay $0x4  }
0x35: {  	v59 =	vshll.u32 v3, $0x1  }
0x36: {  	v3 =	vand.u32 $0x7, v3;
	v4 =	vand.u32 $0xFFFFFFF0, v59  }
0x37: {  	v3 =	vor.u32 v3, v4  }
0x38: {  	v4 =	vperm.xlane v3, v0;
	_ =	sdelay $0x1  }
0x39: {  	v3 =	vperm.xlane v3, v2;
	v4 =	vadd.s32 v1, v4;
	_ =	sdelay $0x1  }
0x3a: {  	v3 =	vadd.s32 v1, v3;
	_ =	sdelay $0x2  }
0x3b: {  	[tilespmem:s14], [sflag:$0x1] =	stream.indirect_vreg.gather [hbm4b:s3+s2], $0x80, v4, vm0, $0xb8;
	[tilespmem:$0x8080] =	vst v63  }
0x3c: {  	_ = 	snop  }
0x3d: {  	[tilespmem:s15], [sflag:$0x1] =	stream.indirect_vreg.gather [hbm4b:s3+s2], $0x80, v3, vm0, $0xb8;
	[tilespmem:$0x8080] =	vst v63  }
0x3e: {  	v3 =	vld [tilespmem:$0x40];
	_ =	sdelay $0x4  }
0x3f: {  	v60 =	vshll.u32 v3, $0x1  }
0x40: {  	v3 =	vand.u32 $0x7, v3;
	v4 =	vand.u32 $0xFFFFFFF0, v60  }
0x41: {  	v3 =	vor.u32 v3, v4  }
0x42: {  	v4 =	vperm.xlane v3, v0;
	_ =	sdelay $0x1  }
0x43: {  	v3 =	vperm.xlane v3, v2;
	v4 =	vadd.s32 v1, v4;
	_ =	sdelay $0x1  }
0x44: {  	v3 =	vadd.s32 v1, v3;
	_ =	sdelay $0x2  }
0x45: {  	[tilespmem:s16], [sflag:$0x1] =	stream.indirect_vreg.gather [hbm4b:s3+s2], $0x80, v4, vm0, $0xb8;
	[tilespmem:$0x8080] =	vst v63  }
0x46: {  	_ = 	snop  }
0x47: {  	[tilespmem:s17], [sflag:$0x1] =	stream.indirect_vreg.gather [hbm4b:s3+s2], $0x80, v3, vm0, $0xb8;
	[tilespmem:$0x8080] =	vst v63  }
0x48: {  	v3 =	vld [tilespmem:$0x50];
	_ =	sdelay $0x4  }
0x49: {  	v61 =	vshll.u32 v3, $0x1  }
0x4a: {  	v3 =	vand.u32 $0x7, v3;
	v4 =	vand.u32 $0xFFFFFFF0, v61  }
0x4b: {  	v3 =	vor.u32 v3, v4  }
0x4c: {  	v4 =	vperm.xlane v3, v0;
	_ =	sdelay $0x1  }
0x4d: {  	v3 =	vperm.xlane v3, v2;
	v4 =	vadd.s32 v1, v4;
	_ =	sdelay $0x1  }
0x4e: {  	v3 =	vadd.s32 v1, v3;
	_ =	sdelay $0x2  }
0x4f: {  	[tilespmem:s18], [sflag:$0x1] =	stream.indirect_vreg.gather [hbm4b:s3+s2], $0x80, v4, vm0, $0xb8;
	[tilespmem:$0x8080] =	vst v63  }
0x50: {  	_ = 	snop  }
0x51: {  	[tilespmem:s19], [sflag:$0x1] =	stream.indirect_vreg.gather [hbm4b:s3+s2], $0x80, v3, vm0, $0xb8;
	[tilespmem:$0x8080] =	vst v63  }
0x52: {  	v3 =	vld [tilespmem:$0x60];
	_ =	sdelay $0x4  }
0x53: {  	v62 =	vshll.u32 v3, $0x1  }
0x54: {  	v3 =	vand.u32 $0x7, v3;
	v4 =	vand.u32 $0xFFFFFFF0, v62  }
0x55: {  	v3 =	vor.u32 v3, v4  }
0x56: {  	v4 =	vperm.xlane v3, v0;
	_ =	sdelay $0x1  }
0x57: {  	v3 =	vperm.xlane v3, v2;
	v4 =	vadd.s32 v1, v4;
	_ =	sdelay $0x1  }
0x58: {  	v3 =	vadd.s32 v1, v3;
	_ =	sdelay $0x2  }
0x59: {  	[tilespmem:s20], [sflag:$0x1] =	stream.indirect_vreg.gather [hbm4b:s3+s2], $0x80, v4, vm0, $0xb8;
	[tilespmem:$0x8080] =	vst v63  }
0x5a: {  	_ = 	snop  }
0x5b: {  	[tilespmem:s21], [sflag:$0x1] =	stream.indirect_vreg.gather [hbm4b:s3+s2], $0x80, v3, vm0, $0xb8;
	[tilespmem:$0x8080] =	vst v63  }
0x5c: {  	v3 =	vld [tilespmem:$0x70];
	_ =	sdelay $0x4  }
0x5d: {  	v63 =	vshll.u32 v3, $0x1  }
0x5e: {  	v3 =	vand.u32 $0x7, v3;
	v4 =	vand.u32 $0xFFFFFFF0, v63  }
0x5f: {  	v3 =	vor.u32 v3, v4  }
0x60: {  	v4 =	vperm.xlane v3, v0;
	_ =	sdelay $0x1  }
0x61: {  	v3 =	vperm.xlane v3, v2;
	v4 =	vadd.s32 v1, v4;
	_ =	sdelay $0x1  }
0x62: {  	v3 =	vadd.s32 v1, v3;
	_ =	sdelay $0x2  }
0x63: {  	[tilespmem:s22], [sflag:$0x1] =	stream.indirect_vreg.gather [hbm4b:s3+s2], $0x80, v4, vm0, $0xb8;
	[tilespmem:$0x8080] =	vst v63  }
0x64: {  	_ = 	snop  }
0x65: {  	[tilespmem:s23], [sflag:$0x1] =	stream.indirect_vreg.gather [hbm4b:s3+s2], $0x80, v3, vm0, $0xb8;
	[tilespmem:$0x8080] =	vst v63  }
0x66: {  	_ =	swait.ge [sflag:s24], $0x8000  }
0x67: {  	p0 =	sne.s32 s28, $0x240;
	[sflag:s24] =	ssyncset.done $0x0  }
.Ltmp0:
0x68: {  	[sflag:s24] =	ssyncadd.s32 $0xFFFF8000;
	(pc) =	sbr.rel @p0 .LBB2_2-.Ltmp0, $4  }
0x69: {  	[hbm4b:s26+s2] =	stream.linear.scatter [tilespmem:s8], [sflag:$0x2], $0x8000, $0x38;
	[tilespmem:$0x8080] =	vst v63  }
0x6a: {  	_ =	swait.ge [sflag:s7], $0x8000  }
0x6b: {  	[sflag:s7] =	ssyncset.done $0x0  }
0x6c: {  	s28 =	sadd.s32 $0x10, s28;
	s26 =	sadd.s32 $0x1000, s26;
	[sflag:s7] =	ssyncadd.s32 $0xFFFF8000  }
0x6d: {  	s25 =	sadd.s32 $0x1, s25  }
0x6e: {  	p0 =	sne.s32 s25, s4  }
.Ltmp1:
0x6f: {  	_ = 	snop;
	(pc) =	sbr.rel @p0 .LBB2_1-.Ltmp1, $1  }
0x70: {  	_ =	sdelay $0x3  }
0x71: {  	_ =	sfence.sel $0x180000  }
0x72: {  	[bflag:$0x0] =	sbarrier.arrive $0xFFFF  }
0x73: {  	p0 =	sne.s32 s1, $0x0;
	_ =	strace $0x9000004D  }
0x74: {  	s0 =	sadd.s32 @!p0 $0x100000, s0;
	[bflag:$0x2] =	sbarrier.arrive $0xFFFF  }
0x75: {  	[sflag:s0] =	ssyncadd.tile.s32 @!p0 $0x1;
	_ =	shalt  }
.Lfunc_end2:
_tile_overlayer_lowered:
.L_overlay_start_2:
0x76: {  	(tag) =	ssettag $0x2  }
0x77: {  	s0 =	rddreg [dreg:$0x0];
	s2 =	stileid.u32  }
0x78: {  	s1 =	rddreg [dreg:$0x1];
	p0 =	sne.s32 s2, $0x0  }
0x79: {  	s3 =	rddreg [dreg:$0x2];
	[bflag:$0x3] =	sbarrier.arrive $0xFFFF;
	s2 =	simm.s32 @!p0 $0x1C02  }
0x7a: {  	[timem:s3], [sflag:s2] =	dma.local @!p0 [hbm:s0], s1  }
0x7b: {  	s0 =	simm.s32 @!p0 $0x2  }
0x7c: {  	_ =	swait.ge @!p0 [sflag:s0], s1  }
0x7d: {  	s1 =	ssub.s32 @!p0 $0x0, s1;
	[sflag:s0] =	ssyncset.done @!p0 $0x0  }
0x7e: {  	[sflag:s0] =	ssyncadd.s32 @!p0 s1  }
0x7f: {  	[bflag:$0x3] =	sbarrier.arrive $0xFFFF  }
0x80: {  	_ =	shalt  }

// kernel: kernel.17.cloned.1.call-start
scs
__scs_entry_jumppad:
0x0: {  	(pc) =	sbr.rel $0x88, $3  }
0x1: {  	(tag) =	ssettag $0x0;
	lr =	simm.s32 $0x1  }
0x2: {  	[smem:$0x3F93] =	sst lr;
	_ =	strace $0xD0000000  }
0x3: {  	_ = 	snop  }
0x4: {  	_ = 	snop  }
0x5: {  	_ = 	snop  }
0x6: {  	_ = 	snop  }
0x7: {  	_ = 	snop  }
__scs_overlays_trampoline_lowered:
0x8: {  	[smem:$0x3FA2] =	sst s0  }
0x9: {  	[smem:$0x3FA3] =	sst s1  }
0xa: {  	[smem:$0x3FA4] =	sst s2  }
0xb: {  	[smem:$0x3FA5] =	sst s3  }
0xc: {  	[smem:$0x3FA6] =	sst s4  }
0xd: {  	[smem:$0x3FA7] =	sst s5  }
0xe: {  	[smem:$0x3FA8] =	sst s6  }
0xf: {  	[smem:$0x3FA9] =	sst s7  }
0x10: {  	[smem:$0x3FAA] =	sst s8  }
0x11: {  	[smem:$0x3FAB] =	sst s9;
	s0 =	simm.s32 @!p0 $0x0  }
0x12: {  	s1 =	sld [smem:$0x3F91];
	s0 =	simm.s32 @p0 $0x1  }
0x13: {  	[smem:$0x3FAC] =	sst s0;
	s0 =	simm.s32 @!p1 $0x0  }
0x14: {  	s2 =	sld [smem:$0x3F90];
	s0 =	simm.s32 @p1 $0x1  }
0x15: {  	[smem:$0x3FAD] =	sst s0;
	s0 =	simm.s32 @!p2 $0x0  }
0x16: {  	s3 =	sld [smem:$0x3FDB];
	s0 =	simm.s32 @p2 $0x1  }
0x17: {  	s4 =	simm.s32 $0x1BF5;
	[smem:$0x3FAF] =	sst s0  }
0x18: {  	s0 =	sld [smem:$0x3F92];
	_ =	swait.ge [sflag:s4], $0x0  }
0x19: {  	s7 =	sld [smem:$0x3F93]  }
0x1a: {  	s8 =	sadd.s32 $0xFFFFE003, lr  }
0x1b: {  	s9 =	sadd.s32 $0xFFFFFEF7, lr;
	s5 =	simm.s32 $0xFFFFFFFF;
	p2 =	slt.u32 s8, $0xFFFFF086  }
0x1c: {  	p1 =	slt.u32 s9, $0xF7A;
	s5 =	simm.s32 @!p2 $0x0  }
0x1d: {  	s5 =	simm.s32 @p1 $0x1;
	p0 =	seq.s32 s7, s2  }
0x1e: {  	s7 =	smul.u32 @!p0 $0xF7A, s2;
	p2 =	seq.s32 @!p0 s5, $0x0  }
0x1f: {  	s9 =	smul.u32 $0xF7A, s1;
	s8 =	simm.s32 @!p0 $0x1BF5;
	p2 =	por !p2, p0  }
0x20: {  	[sflag:s8] =	ssyncset.s32 @!p0 $0xFFFFF086;
	s6 =	sadd.s32 @!p0 s3, s7;
	s7 =	simm.s32 @!p0 $0x108  }
0x21: {  	s3 =	sadd.s32 s3, s9;
	s6 =	sadd.s32 @!p0 $0x88, s6;
	s7 =	simm.s32 @p2 $0x1082  }
0x22: {  	[simem:s7], [sflag:s8] =	dma.local @!p0 [hbm:s6], $0xF7A  }
0x23: {  	s9 =	sor.u32 $0xD0000000, s2;
	s6 =	simm.s32 $0x108;
	_ =	swait.ge @!p0 [sflag:s8], $0x0  }
0x24: {  	s3 =	sadd.s32 $0x88, s3;
	s6 =	simm.s32 @!p1 $0x1082;
	[sflag:s4] =	ssyncset.s32 $0xFFFFF086  }
0x25: {  	[simem:s6], [sflag:s4] =	dma.local [hbm:s3], $0xF7A  }
0x26: {  	[smem:$0x3F93] =	sst s1;
	(tag) =	ssettag s2;
	_ =	strace s9  }
0x27: {  	s1 =	sld [smem:$0x3FA3]  }
0x28: {  	s2 =	sld [smem:$0x3FA4]  }
0x29: {  	s4 =	sld [smem:$0x3FA6]  }
0x2a: {  	p0 =	seq.s32 s5, $0x0;
	s5 =	sld [smem:$0x3FA7]  }
0x2b: {  	s6 =	sld [smem:$0x3FA8]  }
0x2c: {  	s7 =	sld [smem:$0x3FA9]  }
0x2d: {  	s3 =	simm.s32 $0x108;
	s8 =	sld [smem:$0x3FAA]  }
0x2e: {  	s3 =	simm.s32 @!p0 $0x1082;
	s9 =	sld [smem:$0x3FAB]  }
0x2f: {  	lr =	sadd.s32 s0, s3;
	s0 =	sld [smem:$0x3FA2]  }
0x30: {  	s3 =	sld [smem:$0x3FA5]  }
0x31: {  	[smem:$0x3FAE] =	sst s10  }
0x32: {  	s10 =	sld [smem:$0x3FAC];
	_ =	sdelay $0x3  }
0x33: {  	p0 =	seq.s32 s10, $0x1;
	s10 =	sld [smem:$0x3FAE];
	_ =	sdelay $0x3  }
0x34: {  	[smem:$0x3FAE] =	sst s10  }
0x35: {  	s10 =	sld [smem:$0x3FAD];
	_ =	sdelay $0x3  }
0x36: {  	p1 =	seq.s32 s10, $0x1;
	s10 =	sld [smem:$0x3FAE];
	_ =	sdelay $0x3  }
0x37: {  	[smem:$0x3FAE] =	sst s10  }
0x38: {  	s10 =	sld [smem:$0x3FAF]  }
0x39: {  	_ = 	snop;
	(pc) =	sbr.ind lr, $3  }
0x3a: {  	_ = 	snop  }
0x3b: {  	_ = 	snop  }
0x3c: {  	p2 =	seq.s32 s10, $0x1;
	s10 =	sld [smem:$0x3FAE]  }
0x3d: {  	_ =	shalt  }
0x3e: {  	_ =	shalt  }
0x3f: {  	_ =	shalt  }
0x40: {  	_ =	shalt  }
0x41: {  	_ =	shalt  }
0x42: {  	_ =	shalt  }
0x43: {  	_ =	shalt  }
0x44: {  	_ =	shalt  }
0x45: {  	_ =	shalt  }
0x46: {  	_ =	shalt  }
0x47: {  	_ =	shalt  }
0x48: {  	_ =	shalt  }
0x49: {  	_ =	shalt  }
0x4a: {  	_ =	shalt  }
0x4b: {  	_ =	shalt  }
0x4c: {  	_ =	shalt  }
0x4d: {  	_ =	shalt  }
0x4e: {  	_ =	shalt  }
0x4f: {  	_ =	shalt  }
0x50: {  	_ =	shalt  }
0x51: {  	_ =	shalt  }
0x52: {  	_ =	shalt  }
0x53: {  	_ =	shalt  }
0x54: {  	_ =	shalt  }
0x55: {  	_ =	shalt  }
0x56: {  	_ =	shalt  }
0x57: {  	_ =	shalt  }
0x58: {  	_ =	shalt  }
0x59: {  	_ =	shalt  }
0x5a: {  	_ =	shalt  }
0x5b: {  	_ =	shalt  }
0x5c: {  	_ =	shalt  }
0x5d: {  	_ =	shalt  }
0x5e: {  	_ =	shalt  }
0x5f: {  	_ =	shalt  }
0x60: {  	_ =	shalt  }
0x61: {  	_ =	shalt  }
0x62: {  	_ =	shalt  }
0x63: {  	_ =	shalt  }
0x64: {  	_ =	shalt  }
0x65: {  	_ =	shalt  }
0x66: {  	_ =	shalt  }
0x67: {  	_ =	shalt  }
0x68: {  	_ =	shalt  }
0x69: {  	_ =	shalt  }
0x6a: {  	_ =	shalt  }
0x6b: {  	_ =	shalt  }
0x6c: {  	_ =	shalt  }
0x6d: {  	_ =	shalt  }
0x6e: {  	_ =	shalt  }
0x6f: {  	_ =	shalt  }
0x70: {  	_ =	shalt  }
0x71: {  	_ =	shalt  }
0x72: {  	_ =	shalt  }
0x73: {  	_ =	shalt  }
0x74: {  	_ =	shalt  }
0x75: {  	_ =	shalt  }
0x76: {  	_ =	shalt  }
0x77: {  	_ =	shalt  }
0x78: {  	_ =	shalt  }
0x79: {  	_ =	shalt  }
0x7a: {  	_ =	shalt  }
0x7b: {  	_ =	shalt  }
0x7c: {  	_ =	shalt  }
0x7d: {  	_ =	shalt  }
0x7e: {  	_ =	shalt  }
0x7f: {  	_ =	shalt  }
0x80: {  	_ =	shalt  }
0x81: {  	_ =	shalt  }
0x82: {  	_ =	shalt  }
0x83: {  	_ =	shalt  }
0x84: {  	_ =	shalt  }
0x85: {  	_ =	shalt  }
0x86: {  	_ =	shalt  }
0x87: {  	_ =	shalt  }
.Lfunc_end0:
.L_simem_size_0:
called_computation.5_lowered:
.L_overlay_start_0:
0x88: {  	s2 =	sld [smem:$0x3FD9]  }
0x89: {  	s3 =	sld [smem:$0x3FFE];
	_ =	sdelay $0x1  }
0x8a: {  	s1 =	srdreg.scid  }
0x8b: {  	s0 =	sand.u32 $0x1, s1  }
0x8c: {  	s14 =	sshll.u32 s0, $0xA;
	s2 =	sadd.s32 s3, s2  }
0x8d: {  	s2 =	sadd.s32 s2, s14  }
0x8e: {  	[smem:$0x3FBA] =	sst s2  }
0x8f: {  	_ = 	snop  }
0x90: {  	s2 =	sld [smem:$0x3FD0];
	_ =	sdelay $0x2  }
0x91: {  	s15 =	simm.s32 $0xB;
	s4 =	simm.s32 $0x10  }
0x92: {  	[smem:s4], [sflag:s15] =	dma.local [hbm:s2], $0x1  }
0x93: {  	_ =	swait.eq [sflag:s15], $0x1  }
0x94: {  	[sflag:s15] =	ssyncset.done $0x0  }
0x95: {  	[sflag:s15] =	ssyncadd.s32 $0xFFFFFFFF  }
0x96: {  	s16 =	sld [smem:$0x10];
	(tm) =	ssettm $0x1  }
0x97: {  	s17 =	sld [smem:$0x3FFB];
	_ =	sdelay $0x3  }
0x98: {  	_ =	strace s17  }
0x99: {  	s3 =	sld [smem:$0x3FFC];
	_ =	sdelay $0x3  }
0x9a: {  	_ =	strace s3  }
0x9b: {  	s3 =	sld [smem:$0x3FFD];
	_ =	sdelay $0x3  }
0x9c: {  	_ =	strace s3  }
0x9d: {  	_ =	strace $0x8FFFFFFF  }
0x9e: {  	s18 =	sld [smem:$0x3FDB];
	_ =	sdelay $0x1  }
0x9f: {  	s19 =	simm.s32 $_scs_section_size  }
0xa0: {  	s5 =	simm.s32 $_size__tile_overlayer_lowered;
	s6 =	simm.s32 $_tile_overlayer_lowered  }
0xa1: {  	s22 =	simm.s32 $0x1BFF;
	s21 =	sshll.u32 s6, $0x1;
	s3 =	sadd.s32 s19, s18  }
0xa2: {  	s7 =	simm.s32 $0x0;
	s20 =	sshll.u32 s5, $0x1;
	s5 =	sadd.s32 s21, s3  }
0xa3: {  	[timem:s7], [sflag:s22] =	dma.local [hbm:s5], s20  }
0xa4: {  	_ =	swait.ge [sflag:s22], s20  }
0xa5: {  	s4 =	ssub.s32 $0x0, s20;
	[sflag:s22] =	ssyncset.done $0x0  }
0xa6: {  	[sflag:s22] =	ssyncadd.s32 s4;
	_ =	sdelay $0x1  }
0xa7: {  	s23 =	simm.s32 $0x1B8B  }
0xa8: {  	_ =	swait.ge [sflag:s23], $0x1  }
0xa9: {  	[sflag:s23] =	ssyncset.done $0x0  }
0xaa: {  	s25 =	simm.s32 $0x1B8E;
	s24 =	sld [smem:$0x3FFE];
	[sflag:s23] =	ssyncadd.s32 $0xFFFFFFFF  }
0xab: {  	s26 =	simm.s32 $execute0_lowered;
	[smem:$0x3FD2] =	sst s25  }
0xac: {  	s5 =	sshll.u32 s26, $0x1;
	_ =	strace $0x80000055;
	[dreg:$0x1] =	wrdreg $0xFFFFFFFF  }
0xad: {  	s28 =	simm.s32 $_size_execute0_lowered;
	s3 =	sadd.s32 s3, s5;
	[dreg:$0x0] =	wrdreg $0x0  }
0xae: {  	s5 =	sshll.u32 s28, $0x1;
	[dreg:$0x2] =	wrdreg s3  }
0xaf: {  	[dreg:$0x3] =	wrdreg s5  }
0xb0: {  	[dreg:$0x4] =	wrdreg $0xC0  }
0xb1: {  	_ =	task [dreg:s7], $0x5FFFF  }
0xb2: {  	[dreg:$0x1] =	wrdreg $0xFFFFFFFF  }
0xb3: {  	[dreg:$0x0] =	wrdreg $0x60  }
0xb4: {  	[dreg:$0x2] =	wrdreg s16  }
0xb5: {  	[dreg:$0x3] =	wrdreg s24  }
0xb6: {  	[dreg:$0x4] =	wrdreg $0x9  }
0xb7: {  	_ =	task.clear_ibuf [dreg:s7], $0x5FFFF;
	_ =	strace $0x90000055  }
0xb8: {  	s29 =	simm.s32 $0x9;
	_ =	strace $0x80000057  }
0xb9: {  	_ =	swait.ge [sflag:s29], $0x1  }
0xba: {  	[sflag:s29] =	ssyncadd.s32 $0xFFFFFFFF  }
0xbb: {  	_ =	strace $0x90000057  }
0xbc: {  	_ =	sfence  }
0xbd: {  	s30 =	sld [smem:$0x0];
	_ =	sdelay $0x2  }
0xbe: {  	s31 =	sshll.u32 s1, $0xD;
	s1 =	sshrl.u32 s1, $0x2  }
0xbf: {  	s3 =	sand.u32 $0x4000, s31;
	s1 =	sadd.s32 s1, s30  }
0xc0: {  	s0 =	sor.u32 s3, s0;
	s1 =	sshll.u32 s1, $0x11  }
0xc1: {  	s0 =	sor.u32 s1, s0  }
0xc2: {  	s0 =	sadd.s32 $0x8F2B, s0  }
0xc3: {  	[sflag:s0] =	ssyncadd.remote.s32 $0x1  }
0xc4: {  	_ =	sfence.sel $0xFFFF  }
0xc5: {  	[dreg:$0x0] =	wrdreg $0xFFFFFFFF;
	(pc) =	sbr.abs _section_cstart, $3  }
0xc6: {  	[dreg:$0x1] =	wrdreg $0xFFFFFFFF  }
0xc7: {  	_ =	task.clear_ibuf [dreg:s7], $0x2FFFF;
	_ =	strace $0x9FFFFFFF  }
0xc8: {  	(tm) =	ssettm $0x7FFFFFFF  }
0xc9: {  	_ =	shalt  }
tec
execute0_lowered:
.L_overlay_start_1:
0x0: {  	(tag) =	ssettag $0x1  }
0x1: {  	s2 =	rddreg [dreg:$0x0]  }
0x2: {  	s0 =	srdreg.scid;
	s5 =	rddreg [dreg:$0x1]  }
0x3: {  	s3 =	simm.s32 $0x0;
	s10 =	simm.s32 $0x1300;
	s4 =	sand.u32 $0x1, s0  }
0x4: {  	s11 =	simm.s32 $0x1680;
	s0 =	stileid.u32;
	s1 =	sshll.u32 s4, $0x4  }
0x5: {  	s12 =	simm.s32 $0x2F00;
	s13 =	simm.s32 $0x4780;
	s6 =	sor.u32 s0, s1  }
0x6: {  	s14 =	simm.s32 $0x0;
	[smem:$0x7FF] =	sst s3;
	s6 =	smul.u32 $0x310, s6  }
0x7: {  	s7 =	ssub.s32 $0x2, s4;
	s4 =	sadd.s32 $0x1E00, s5;
	s1 =	rddreg [dreg:$0x2]  }
0x8: {  	_ =	strace $0x80000056;
	s31 =	sshrl.u32 s7, $0x1;
	s8 =	sadd.s32 s6, s5  }
0x9: {  	s9 =	ssub.s32 s7, s31;
	s5 =	sadd.s32 $0x6A00, s8;
	s6 =	sadd.s32 $0x95DE00, s8  }
0xa: {  	s7 =	sadd.s32 $0xCC00, s8;
	s8 =	smax.u32 s9, $0x1;
	s9 =	simm.s32 $0x1  }
.LBB2_1:
0xb: {  	[tilespmem:s3], [sflag:$0x1] =	stream.linear.gather [hbm4b:s2+s3], $0x1300, $0x38;
	[tilespmem:$0x6000] =	vst v63  }
0xc: {  	_ =	swait.ge [sflag:s9], $0x1300  }
0xd: {  	[sflag:s9] =	ssyncset.done $0x0  }
0xe: {  	[sflag:s9] =	ssyncadd.s32 $0xFFFFED00  }
0xf: {  	[tilespmem:s10], [sflag:$0x1] =	stream.linear.gather [hbm4b:s4+s3], $0x380, $0x38;
	[tilespmem:$0x6000] =	vst v63  }
0x10: {  	_ =	swait.ge [sflag:s9], $0x380  }
0x11: {  	[sflag:s9] =	ssyncset.done $0x0  }
0x12: {  	[sflag:s9] =	ssyncadd.s32 $0xFFFFFC80  }
0x13: {  	[tilespmem:s11], [sflag:$0x1] =	stream.linear.gather [hbm4b:s5+s3], $0x1880, $0x38;
	[tilespmem:$0x6000] =	vst v63  }
0x14: {  	_ =	swait.ge [sflag:s9], $0x1880  }
0x15: {  	[sflag:s9] =	ssyncset.done $0x0  }
0x16: {  	[sflag:s9] =	ssyncadd.s32 $0xFFFFE780  }
0x17: {  	[tilespmem:s12], [sflag:$0x1] =	stream.linear.gather [hbm4b:s6+s3], $0x1880, $0x38;
	[tilespmem:$0x6000] =	vst v63  }
0x18: {  	_ =	swait.ge [sflag:s9], $0x1880  }
0x19: {  	[sflag:s9] =	ssyncset.done $0x0  }
0x1a: {  	s15 =	simm.s32 $0x0;
	[sflag:s9] =	ssyncadd.s32 $0xFFFFE780  }
0x1b: {  	v0 =	vld [tilespmem:s15+$0x2F00]  }
0x1c: {  	v1 =	vld [tilespmem:s15+$0x1680];
	_ =	sdelay $0x6  }
0x1d: {  	v0 =	vld.idx.msk [tilespmem:v0+s10+$0x0], $0xffff  }
0x1e: {  	s16 =	simm.s32 $0x10;
	v2 =	vld.idx.msk [tilespmem:v1+s3+$0x0], $0xffff  }
0x1f: {  	s17 =	simm.s32 $0x80;
	v1 =	vld [tilespmem:s16+$0x2F00]  }
.LBB2_2:
0x20: {  	p0 =	sne.s32 s17, $0x61C0;
	v3 =	vld [tilespmem:s16+$0x1680];
	_ =	sdelay $0x3  }
0x21: {  	v0 =	vadd.f32 v0, v2  }
.Ltmp0:
0x22: {  	(pc) =	sbr.rel @p0 .LBB2_2-.Ltmp0, $4  }
0x23: {  	[tilespmem:s15+$0x4780] =	vst v0;
	s15 =	smov.u32 s16  }
0x24: {  	v0 =	vld.idx.msk [tilespmem:v1+s10+$0x0], $0xffff  }
0x25: {  	s16 =	sshra.s32 s17, $0x2;
	v2 =	vld.idx.msk [tilespmem:v3+s3+$0x0], $0xffff  }
0x26: {  	s17 =	sadd.s32 $0x40, s17;
	v1 =	vld [tilespmem:s16+$0x2F00]  }
0x27: {  	_ = 	snop  }
0x28: {  	v3 =	vld [tilespmem:s16+$0x1680];
	_ =	sdelay $0x3  }
0x29: {  	v0 =	vadd.f32 v0, v2;
	_ =	sdelay $0x1  }
0x2a: {  	[tilespmem:s15+$0x4780] =	vst v0  }
0x2b: {  	v0 =	vld.idx.msk [tilespmem:v1+s10+$0x0], $0xffff  }
0x2c: {  	v63 =	vld.idx.msk [tilespmem:v3+s3+$0x0], $0xffff;
	_ =	sdelay $0x4  }
0x2d: {  	s14 =	sadd.s32 $0x1, s14;
	v0 =	vadd.f32 v0, v63  }
0x2e: {  	p0 =	sne.s32 s14, s8  }
.Ltmp1:
0x2f: {  	[tilespmem:s16+$0x4780] =	vst v0;
	(pc) =	sbr.rel @p0 .LBB2_1-.Ltmp1, $4  }
0x30: {  	[hbm4b:s7+s3] =	stream.linear.scatter [tilespmem:s13], [sflag:$0x1], $0x1880, $0x38;
	[tilespmem:$0x6000] =	vst v63  }
0x31: {  	_ =	swait.ge [sflag:s9], $0x1880  }
0x32: {  	[sflag:s9] =	ssyncset.done $0x0  }
0x33: {  	[sflag:s9] =	ssyncadd.s32 $0xFFFFE780  }
0x34: {  	_ =	sfence.sel $0x180000  }
0x35: {  	[bflag:$0x0] =	sbarrier.arrive $0xFFFF  }
0x36: {  	p0 =	sne.s32 s0, $0x0;
	_ =	strace $0x90000056  }
0x37: {  	s0 =	sadd.s32 @!p0 $0x100000, s1;
	[bflag:$0x2] =	sbarrier.arrive $0xFFFF  }
0x38: {  	[sflag:s0] =	ssyncadd.tile.s32 @!p0 $0x1;
	_ =	shalt  }
.Lfunc_end2:
_tile_overlayer_lowered:
.L_overlay_start_2:
0x39: {  	(tag) =	ssettag $0x2  }
0x3a: {  	s0 =	rddreg [dreg:$0x0];
	s2 =	stileid.u32  }
0x3b: {  	s1 =	rddreg [dreg:$0x1];
	p0 =	sne.s32 s2, $0x0  }
0x3c: {  	s3 =	rddreg [dreg:$0x2];
	[bflag:$0x3] =	sbarrier.arrive $0xFFFF;
	s2 =	simm.s32 @!p0 $0x1C01  }
0x3d: {  	[timem:s3], [sflag:s2] =	dma.local @!p0 [hbm:s0], s1  }
0x3e: {  	s0 =	simm.s32 @!p0 $0x1  }
0x3f: {  	_ =	swait.ge @!p0 [sflag:s0], s1  }
0x40: {  	s1 =	ssub.s32 @!p0 $0x0, s1;
	[sflag:s0] =	ssyncset.done @!p0 $0x0  }
0x41: {  	[sflag:s0] =	ssyncadd.s32 @!p0 s1  }
0x42: {  	[bflag:$0x3] =	sbarrier.arrive $0xFFFF  }
0x43: {  	_ =	shalt  }

// kernel: kernel.8.cloned.1.call-start
scs
__scs_entry_jumppad:
0x0: {  	(pc) =	sbr.rel $0x88, $3  }
0x1: {  	(tag) =	ssettag $0x0;
	lr =	simm.s32 $0x1  }
0x2: {  	[smem:$0x3F93] =	sst lr;
	_ =	strace $0xD0000000  }
0x3: {  	_ = 	snop  }
0x4: {  	_ = 	snop  }
0x5: {  	_ = 	snop  }
0x6: {  	_ = 	snop  }
0x7: {  	_ = 	snop  }
__scs_overlays_trampoline_lowered:
0x8: {  	[smem:$0x3FA2] =	sst s0  }
0x9: {  	[smem:$0x3FA3] =	sst s1  }
0xa: {  	[smem:$0x3FA4] =	sst s2  }
0xb: {  	[smem:$0x3FA5] =	sst s3  }
0xc: {  	[smem:$0x3FA6] =	sst s4  }
0xd: {  	[smem:$0x3FA7] =	sst s5  }
0xe: {  	[smem:$0x3FA8] =	sst s6  }
0xf: {  	[smem:$0x3FA9] =	sst s7  }
0x10: {  	[smem:$0x3FAA] =	sst s8  }
0x11: {  	[smem:$0x3FAB] =	sst s9;
	s0 =	simm.s32 @!p0 $0x0  }
0x12: {  	s1 =	sld [smem:$0x3F91];
	s0 =	simm.s32 @p0 $0x1  }
0x13: {  	[smem:$0x3FAC] =	sst s0;
	s0 =	simm.s32 @!p1 $0x0  }
0x14: {  	s2 =	sld [smem:$0x3F90];
	s0 =	simm.s32 @p1 $0x1  }
0x15: {  	[smem:$0x3FAD] =	sst s0;
	s0 =	simm.s32 @!p2 $0x0  }
0x16: {  	s3 =	sld [smem:$0x3FDB];
	s0 =	simm.s32 @p2 $0x1  }
0x17: {  	s4 =	simm.s32 $0x1BF5;
	[smem:$0x3FAF] =	sst s0  }
0x18: {  	s0 =	sld [smem:$0x3F92];
	_ =	swait.ge [sflag:s4], $0x0  }
0x19: {  	s7 =	sld [smem:$0x3F93]  }
0x1a: {  	s8 =	sadd.s32 $0xFFFFE003, lr  }
0x1b: {  	s9 =	sadd.s32 $0xFFFFFEF7, lr;
	s5 =	simm.s32 $0xFFFFFFFF;
	p2 =	slt.u32 s8, $0xFFFFF086  }
0x1c: {  	p1 =	slt.u32 s9, $0xF7A;
	s5 =	simm.s32 @!p2 $0x0  }
0x1d: {  	s5 =	simm.s32 @p1 $0x1;
	p0 =	seq.s32 s7, s2  }
0x1e: {  	s7 =	smul.u32 @!p0 $0xF7A, s2;
	p2 =	seq.s32 @!p0 s5, $0x0  }
0x1f: {  	s9 =	smul.u32 $0xF7A, s1;
	s8 =	simm.s32 @!p0 $0x1BF5;
	p2 =	por !p2, p0  }
0x20: {  	[sflag:s8] =	ssyncset.s32 @!p0 $0xFFFFF086;
	s6 =	sadd.s32 @!p0 s3, s7;
	s7 =	simm.s32 @!p0 $0x108  }
0x21: {  	s3 =	sadd.s32 s3, s9;
	s6 =	sadd.s32 @!p0 $0x88, s6;
	s7 =	simm.s32 @p2 $0x1082  }
0x22: {  	[simem:s7], [sflag:s8] =	dma.local @!p0 [hbm:s6], $0xF7A  }
0x23: {  	s9 =	sor.u32 $0xD0000000, s2;
	s6 =	simm.s32 $0x108;
	_ =	swait.ge @!p0 [sflag:s8], $0x0  }
0x24: {  	s3 =	sadd.s32 $0x88, s3;
	s6 =	simm.s32 @!p1 $0x1082;
	[sflag:s4] =	ssyncset.s32 $0xFFFFF086  }
0x25: {  	[simem:s6], [sflag:s4] =	dma.local [hbm:s3], $0xF7A  }
0x26: {  	[smem:$0x3F93] =	sst s1;
	(tag) =	ssettag s2;
	_ =	strace s9  }
0x27: {  	s1 =	sld [smem:$0x3FA3]  }
0x28: {  	s2 =	sld [smem:$0x3FA4]  }
0x29: {  	s4 =	sld [smem:$0x3FA6]  }
0x2a: {  	p0 =	seq.s32 s5, $0x0;
	s5 =	sld [smem:$0x3FA7]  }
0x2b: {  	s6 =	sld [smem:$0x3FA8]  }
0x2c: {  	s7 =	sld [smem:$0x3FA9]  }
0x2d: {  	s3 =	simm.s32 $0x108;
	s8 =	sld [smem:$0x3FAA]  }
0x2e: {  	s3 =	simm.s32 @!p0 $0x1082;
	s9 =	sld [smem:$0x3FAB]  }
0x2f: {  	lr =	sadd.s32 s0, s3;
	s0 =	sld [smem:$0x3FA2]  }
0x30: {  	s3 =	sld [smem:$0x3FA5]  }
0x31: {  	[smem:$0x3FAE] =	sst s10  }
0x32: {  	s10 =	sld [smem:$0x3FAC];
	_ =	sdelay $0x3  }
0x33: {  	p0 =	seq.s32 s10, $0x1;
	s10 =	sld [smem:$0x3FAE];
	_ =	sdelay $0x3  }
0x34: {  	[smem:$0x3FAE] =	sst s10  }
0x35: {  	s10 =	sld [smem:$0x3FAD];
	_ =	sdelay $0x3  }
0x36: {  	p1 =	seq.s32 s10, $0x1;
	s10 =	sld [smem:$0x3FAE];
	_ =	sdelay $0x3  }
0x37: {  	[smem:$0x3FAE] =	sst s10  }
0x38: {  	s10 =	sld [smem:$0x3FAF]  }
0x39: {  	_ = 	snop;
	(pc) =	sbr.ind lr, $3  }
0x3a: {  	_ = 	snop  }
0x3b: {  	_ = 	snop  }
0x3c: {  	p2 =	seq.s32 s10, $0x1;
	s10 =	sld [smem:$0x3FAE]  }
0x3d: {  	_ =	shalt  }
0x3e: {  	_ =	shalt  }
0x3f: {  	_ =	shalt  }
0x40: {  	_ =	shalt  }
0x41: {  	_ =	shalt  }
0x42: {  	_ =	shalt  }
0x43: {  	_ =	shalt  }
0x44: {  	_ =	shalt  }
0x45: {  	_ =	shalt  }
0x46: {  	_ =	shalt  }
0x47: {  	_ =	shalt  }
0x48: {  	_ =	shalt  }
0x49: {  	_ =	shalt  }
0x4a: {  	_ =	shalt  }
0x4b: {  	_ =	shalt  }
0x4c: {  	_ =	shalt  }
0x4d: {  	_ =	shalt  }
0x4e: {  	_ =	shalt  }
0x4f: {  	_ =	shalt  }
0x50: {  	_ =	shalt  }
0x51: {  	_ =	shalt  }
0x52: {  	_ =	shalt  }
0x53: {  	_ =	shalt  }
0x54: {  	_ =	shalt  }
0x55: {  	_ =	shalt  }
0x56: {  	_ =	shalt  }
0x57: {  	_ =	shalt  }
0x58: {  	_ =	shalt  }
0x59: {  	_ =	shalt  }
0x5a: {  	_ =	shalt  }
0x5b: {  	_ =	shalt  }
0x5c: {  	_ =	shalt  }
0x5d: {  	_ =	shalt  }
0x5e: {  	_ =	shalt  }
0x5f: {  	_ =	shalt  }
0x60: {  	_ =	shalt  }
0x61: {  	_ =	shalt  }
0x62: {  	_ =	shalt  }
0x63: {  	_ =	shalt  }
0x64: {  	_ =	shalt  }
0x65: {  	_ =	shalt  }
0x66: {  	_ =	shalt  }
0x67: {  	_ =	shalt  }
0x68: {  	_ =	shalt  }
0x69: {  	_ =	shalt  }
0x6a: {  	_ =	shalt  }
0x6b: {  	_ =	shalt  }
0x6c: {  	_ =	shalt  }
0x6d: {  	_ =	shalt  }
0x6e: {  	_ =	shalt  }
0x6f: {  	_ =	shalt  }
0x70: {  	_ =	shalt  }
0x71: {  	_ =	shalt  }
0x72: {  	_ =	shalt  }
0x73: {  	_ =	shalt  }
0x74: {  	_ =	shalt  }
0x75: {  	_ =	shalt  }
0x76: {  	_ =	shalt  }
0x77: {  	_ =	shalt  }
0x78: {  	_ =	shalt  }
0x79: {  	_ =	shalt  }
0x7a: {  	_ =	shalt  }
0x7b: {  	_ =	shalt  }
0x7c: {  	_ =	shalt  }
0x7d: {  	_ =	shalt  }
0x7e: {  	_ =	shalt  }
0x7f: {  	_ =	shalt  }
0x80: {  	_ =	shalt  }
0x81: {  	_ =	shalt  }
0x82: {  	_ =	shalt  }
0x83: {  	_ =	shalt  }
0x84: {  	_ =	shalt  }
0x85: {  	_ =	shalt  }
0x86: {  	_ =	shalt  }
0x87: {  	_ =	shalt  }
.Lfunc_end0:
.L_simem_size_0:
called_computation.2_lowered:
.L_overlay_start_0:
0x88: {  	s2 =	sld [smem:$0x3FD9]  }
0x89: {  	s3 =	sld [smem:$0x3FFE];
	_ =	sdelay $0x1  }
0x8a: {  	s1 =	srdreg.scid  }
0x8b: {  	s0 =	sand.u32 $0x1, s1  }
0x8c: {  	s14 =	sshll.u32 s0, $0xA;
	s2 =	sadd.s32 s3, s2  }
0x8d: {  	s2 =	sadd.s32 s2, s14  }
0x8e: {  	[smem:$0x3FBA] =	sst s2  }
0x8f: {  	_ = 	snop  }
0x90: {  	s2 =	sld [smem:$0x3FD0];
	_ =	sdelay $0x2  }
0x91: {  	s15 =	simm.s32 $0xB;
	s4 =	simm.s32 $0x10  }
0x92: {  	[smem:s4], [sflag:s15] =	dma.local [hbm:s2], $0x1  }
0x93: {  	_ =	swait.eq [sflag:s15], $0x1  }
0x94: {  	s16 =	sld [smem:$0x10];
	[sflag:s15] =	ssyncset.done $0x0  }
0x95: {  	s17 =	sld [smem:$0x11];
	[sflag:s15] =	ssyncadd.s32 $0xFFFFFFFF  }
0x96: {  	s18 =	sld [smem:$0x12];
	(tm) =	ssettm $0x1  }
0x97: {  	s5 =	sld [smem:$0x3FFB];
	_ =	sdelay $0x3  }
0x98: {  	_ =	strace s5  }
0x99: {  	s5 =	sld [smem:$0x3FFC];
	_ =	sdelay $0x3  }
0x9a: {  	_ =	strace s5  }
0x9b: {  	s5 =	sld [smem:$0x3FFD];
	_ =	sdelay $0x3  }
0x9c: {  	_ =	strace s5  }
0x9d: {  	_ =	strace $0x8FFFFFFF  }
0x9e: {  	s19 =	sld [smem:$0x3FDB];
	_ =	sdelay $0x1  }
0x9f: {  	s6 =	simm.s32 $_scs_section_size  }
0xa0: {  	s7 =	simm.s32 $_size__tile_overlayer_lowered;
	s8 =	simm.s32 $_tile_overlayer_lowered  }
0xa1: {  	s22 =	simm.s32 $0x1BFF;
	s21 =	sshll.u32 s8, $0x1;
	s5 =	sadd.s32 s6, s19  }
0xa2: {  	s9 =	simm.s32 $0x0;
	s20 =	sshll.u32 s7, $0x1;
	s7 =	sadd.s32 s21, s5  }
0xa3: {  	[timem:s9], [sflag:s22] =	dma.local [hbm:s7], s20  }
0xa4: {  	_ =	swait.ge [sflag:s22], s20  }
0xa5: {  	s6 =	ssub.s32 $0x0, s20;
	[sflag:s22] =	ssyncset.done $0x0  }
0xa6: {  	[sflag:s22] =	ssyncadd.s32 s6;
	_ =	sdelay $0x1  }
0xa7: {  	s23 =	simm.s32 $0x1B8B  }
0xa8: {  	_ =	swait.ge [sflag:s23], $0x1  }
0xa9: {  	[sflag:s23] =	ssyncset.done $0x0  }
0xaa: {  	s25 =	simm.s32 $0x1B8E;
	s24 =	sld [smem:$0x3FFE];
	[sflag:s23] =	ssyncadd.s32 $0xFFFFFFFF  }
0xab: {  	s26 =	simm.s32 $execute0_lowered;
	[smem:$0x3FD2] =	sst s25  }
0xac: {  	s7 =	sshll.u32 s26, $0x1;
	_ =	strace $0x80000046;
	[dreg:$0x1] =	wrdreg $0xFFFFFFFF  }
0xad: {  	s28 =	simm.s32 $_size_execute0_lowered;
	s5 =	sadd.s32 s5, s7;
	[dreg:$0x0] =	wrdreg $0x0  }
0xae: {  	s7 =	sshll.u32 s28, $0x1;
	[dreg:$0x2] =	wrdreg s5  }
0xaf: {  	[dreg:$0x3] =	wrdreg s7  }
0xb0: {  	[dreg:$0x4] =	wrdreg $0xC0  }
0xb1: {  	_ =	task [dreg:s9], $0x5FFFF  }
0xb2: {  	[dreg:$0x1] =	wrdreg $0xFFFFFFFF  }
0xb3: {  	[dreg:$0x0] =	wrdreg $0x60  }
0xb4: {  	[dreg:$0x2] =	wrdreg s24  }
0xb5: {  	[dreg:$0x3] =	wrdreg s18  }
0xb6: {  	[dreg:$0x4] =	wrdreg s16  }
0xb7: {  	[dreg:$0x5] =	wrdreg s17  }
0xb8: {  	[dreg:$0x6] =	wrdreg $0x9  }
0xb9: {  	_ =	task.clear_ibuf [dreg:s9], $0x7FFFF;
	_ =	strace $0x90000046  }
0xba: {  	s29 =	simm.s32 $0x9;
	_ =	strace $0x80000048  }
0xbb: {  	_ =	swait.ge [sflag:s29], $0x1  }
0xbc: {  	[sflag:s29] =	ssyncadd.s32 $0xFFFFFFFF  }
0xbd: {  	_ =	strace $0x90000048  }
0xbe: {  	_ =	sfence  }
0xbf: {  	s30 =	sld [smem:$0x0];
	_ =	sdelay $0x2  }
0xc0: {  	s31 =	sshll.u32 s1, $0xD;
	s1 =	sshrl.u32 s1, $0x2  }
0xc1: {  	s3 =	sand.u32 $0x4000, s31;
	s1 =	sadd.s32 s1, s30  }
0xc2: {  	s0 =	sor.u32 s3, s0;
	s1 =	sshll.u32 s1, $0x11  }
0xc3: {  	s0 =	sor.u32 s1, s0  }
0xc4: {  	s0 =	sadd.s32 $0x8F2B, s0  }
0xc5: {  	[sflag:s0] =	ssyncadd.remote.s32 $0x1  }
0xc6: {  	_ =	sfence.sel $0xFFFF  }
0xc7: {  	[dreg:$0x0] =	wrdreg $0xFFFFFFFF;
	(pc) =	sbr.abs _section_cstart, $3  }
0xc8: {  	[dreg:$0x1] =	wrdreg $0xFFFFFFFF  }
0xc9: {  	_ =	task.clear_ibuf [dreg:s9], $0x2FFFF;
	_ =	strace $0x9FFFFFFF  }
0xca: {  	(tm) =	ssettm $0x7FFFFFFF  }
0xcb: {  	_ =	shalt  }
tec
execute0_lowered:
.L_overlay_start_1:
0x0: {  	(tag) =	ssettag $0x1  }
0x1: {  	s3 =	rddreg [dreg:$0x0]  }
0x2: {  	s4 =	rddreg [dreg:$0x1]  }
0x3: {  	s7 =	rddreg [dreg:$0x2]  }
0x4: {  	s0 =	srdreg.scid;
	s6 =	rddreg [dreg:$0x3]  }
0x5: {  	s2 =	simm.s32 $0x0;
	s13 =	simm.s32 $0x1280;
	s5 =	sand.u32 $0x1, s0  }
0x6: {  	s14 =	simm.s32 $0x2580;
	s0 =	stileid.u32;
	s1 =	sshll.u32 s5, $0x4  }
0x7: {  	s15 =	simm.s32 $0x2900;
	s16 =	simm.s32 $0x2C80;
	s8 =	sor.u32 s0, s1  }
0x8: {  	s17 =	simm.s32 $0x0;
	s5 =	ssub.s32 $0x2, s5;
	s9 =	smul.u32 $0x250, s8  }
0x9: {  	[smem:$0x7FF] =	sst s2;
	s10 =	sshrl.u32 s5, $0x1;
	s8 =	smul.u32 $0x2C00, s8  }
0xa: {  	s1 =	rddreg [dreg:$0x4];
	_ =	strace $0x80000047;
	s12 =	ssub.s32 s5, s10  }
0xb: {  	s11 =	sadd.s32 s9, s3;
	s31 =	sshrl.u32 s8, $0x3;
	s4 =	sadd.s32 s4, s9  }
0xc: {  	s7 =	sadd.s32 s7, s9;
	s3 =	sadd.s32 $0x2200, s11;
	s5 =	sadd.s32 s6, s31  }
0xd: {  	s6 =	sadd.s32 $0x6C00, s11;
	s11 =	smax.u32 s12, $0x1;
	s12 =	simm.s32 $0x1  }
0xe: {  	v0 =	vimm.f32 $0.0e+00;
	v1 =	vimm.f32 $1.000000000e+00;
	s8 =	sadd.s32 $0x254, s5;
	s9 =	sadd.s32 $0x2C0, s5;
	s10 =	sadd.s32 $0x32C, s5  }
.LBB2_1:
0xf: {  	s18 =	simm.s32 $0x40;
	s19 =	simm.s32 $0x0  }
.LBB2_2:
0x10: {  	p0 =	sne.s32 s18, $0x4A40;
	[tilespmem:s19+$0x1280] =	vst v0;
	s19 =	smov.u32 s18;
	s18 =	sadd.s32 $0x40, s18  }
.Ltmp0:
0x11: {  	(pc) =	sbr.rel @p0 .LBB2_2-.Ltmp0, $2  }
0x12: {  	_ =	sdelay $0x2  }
0x13: {  	s19 =	sshra.s32 s19, $0x2  }
0x14: {  	[tilespmem:s19+$0x1280] =	vst v0;
	s18 =	simm.s32 $0x0;
	s19 =	simm.s32 $0x40;
	s20 =	simm.s32 $0x0  }
.LBB2_4:
0x15: {  	p0 =	sne.s32 s19, $0xD40;
	[tilespmem:s20+$0x2580] =	vst v0;
	s20 =	smov.u32 s19;
	s19 =	sadd.s32 $0x40, s19  }
.Ltmp1:
0x16: {  	(pc) =	sbr.rel @p0 .LBB2_4-.Ltmp1, $2  }
0x17: {  	_ =	sdelay $0x2  }
0x18: {  	s20 =	sshra.s32 s20, $0x2  }
0x19: {  	[tilespmem:s20+$0x2580] =	vst v0  }
.LBB2_6:
0x1a: {  	p0 =	sne.s32 s18, $0xD40  }
.Ltmp2:
0x1b: {  	_ = 	snop;
	(pc) =	sbr.rel @p0 .LBB2_6-.Ltmp2, $3  }
0x1c: {  	_ =	sdelay $0x1  }
0x1d: {  	s19 =	sshra.s32 s18, $0x2  }
0x1e: {  	s18 =	sadd.s32 $0x40, s18;
	[tilespmem:s19+$0x2900] =	vst v0  }
0x1f: {  	s18 =	simm.s32 $0x40;
	s19 =	simm.s32 $0x0  }
.LBB2_8:
0x20: {  	p0 =	sne.s32 s18, $0x4A40;
	[tilespmem:s19+$0x2C80] =	vst v0;
	s19 =	smov.u32 s18;
	s18 =	sadd.s32 $0x40, s18  }
.Ltmp3:
0x21: {  	(pc) =	sbr.rel @p0 .LBB2_8-.Ltmp3, $2  }
0x22: {  	_ =	sdelay $0x2  }
0x23: {  	s19 =	sshra.s32 s19, $0x2  }
0x24: {  	[tilespmem:s19+$0x2C80] =	vst v0;
	s18 =	simm.s32 $0x0  }
0x25: {  	[tilespmem:s18], [sflag:$0x1] =	stream.linear.gather [hbm4b:s3+s18], $0x1280, $0x38;
	[tilespmem:$0x3F80] =	vst v63  }
0x26: {  	_ =	swait.ge [sflag:s12], $0x1280  }
0x27: {  	[sflag:s12] =	ssyncset.done $0x0  }
0x28: {  	s19 =	simm.s32 $0x0;
	s18 =	simm.s32 $0x40;
	[sflag:s12] =	ssyncadd.s32 $0xFFFFED80  }
.LBB2_10:
0x29: {  	p0 =	sne.s32 s18, $0x49C0;
	v2 =	vld [tilespmem:s19+$0x0];
	_ =	sdelay $0x3  }
.Ltmp4:
0x2a: {  	(pc) =	sbr.rel @p0 .LBB2_10-.Ltmp4, $2  }
0x2b: {  	_ =	sdelay $0x2  }
0x2c: {  	s19 =	sshra.s32 s18, $0x2;
	s18 =	sadd.s32 $0x40, s18;
	[tilespmem:v2+s13+$0x0] =	vst.idx.add.f32.msk $0xffff, v1  }
0x2d: {  	v2 =	vld [tilespmem:s19+$0x0];
	_ =	sdelay $0x7  }
0x2e: {  	s18 =	simm.s32 $0x0;
	[tilespmem:v2+s13+$0x0] =	vst.idx.add.f32.msk $0xffff, v1  }
0x2f: {  	[tilespmem:s18], [sflag:$0x1] =	stream.linear.gather [hbm4b:s4+s18], $0x1280, $0x38;
	[tilespmem:$0x3F80] =	vst v63  }
0x30: {  	_ =	swait.ge [sflag:s12], $0x1280  }
0x31: {  	[sflag:s12] =	ssyncset.done $0x0  }
0x32: {  	s19 =	simm.s32 $0x0;
	s18 =	simm.s32 $0x40;
	[sflag:s12] =	ssyncadd.s32 $0xFFFFED80  }
.LBB2_12:
0x33: {  	p0 =	sne.s32 s18, $0x49C0;
	v2 =	vld [tilespmem:s19+$0x0];
	_ =	sdelay $0x3  }
.Ltmp5:
0x34: {  	(pc) =	sbr.rel @p0 .LBB2_12-.Ltmp5, $2  }
0x35: {  	_ =	sdelay $0x2  }
0x36: {  	s19 =	sshra.s32 s18, $0x2;
	s18 =	sadd.s32 $0x40, s18;
	[tilespmem:v2+s14+$0x0] =	vst.idx.add.f32.msk $0xffff, v1  }
0x37: {  	v2 =	vld [tilespmem:s19+$0x0];
	_ =	sdelay $0x7  }
0x38: {  	s18 =	simm.s32 $0x0;
	[tilespmem:v2+s14+$0x0] =	vst.idx.add.f32.msk $0xffff, v1  }
0x39: {  	[tilespmem:s18], [sflag:$0x1] =	stream.linear.gather [hbm4b:s6+s18], $0x1280, $0x38;
	[tilespmem:$0x3F80] =	vst v63  }
0x3a: {  	_ =	swait.ge [sflag:s12], $0x1280  }
0x3b: {  	[sflag:s12] =	ssyncset.done $0x0  }
0x3c: {  	s19 =	simm.s32 $0x0;
	s18 =	simm.s32 $0x40;
	[sflag:s12] =	ssyncadd.s32 $0xFFFFED80  }
.LBB2_14:
0x3d: {  	p0 =	sne.s32 s18, $0x49C0;
	v2 =	vld [tilespmem:s19+$0x0];
	_ =	sdelay $0x3  }
.Ltmp6:
0x3e: {  	(pc) =	sbr.rel @p0 .LBB2_14-.Ltmp6, $2  }
0x3f: {  	_ =	sdelay $0x2  }
0x40: {  	s19 =	sshra.s32 s18, $0x2;
	s18 =	sadd.s32 $0x40, s18;
	[tilespmem:v2+s15+$0x0] =	vst.idx.add.f32.msk $0xffff, v1  }
0x41: {  	v2 =	vld [tilespmem:s19+$0x0];
	_ =	sdelay $0x7  }
0x42: {  	s18 =	simm.s32 $0x0;
	[tilespmem:v2+s15+$0x0] =	vst.idx.add.f32.msk $0xffff, v1  }
0x43: {  	[tilespmem:s18], [sflag:$0x1] =	stream.linear.gather [hbm4b:s7+s18], $0x1280, $0x38;
	[tilespmem:$0x3F80] =	vst v63  }
0x44: {  	_ =	swait.ge [sflag:s12], $0x1280  }
0x45: {  	[sflag:s12] =	ssyncset.done $0x0  }
0x46: {  	s19 =	simm.s32 $0x0;
	s18 =	simm.s32 $0x40;
	[sflag:s12] =	ssyncadd.s32 $0xFFFFED80  }
.LBB2_16:
0x47: {  	p0 =	sne.s32 s18, $0x49C0;
	v2 =	vld [tilespmem:s19+$0x0];
	_ =	sdelay $0x3  }
.Ltmp7:
0x48: {  	(pc) =	sbr.rel @p0 .LBB2_16-.Ltmp7, $2  }
0x49: {  	_ =	sdelay $0x2  }
0x4a: {  	s19 =	sshra.s32 s18, $0x2;
	s18 =	sadd.s32 $0x40, s18;
	[tilespmem:v2+s16+$0x0] =	vst.idx.add.f32.msk $0xffff, v1  }
0x4b: {  	v2 =	vld [tilespmem:s19+$0x0];
	_ =	sdelay $0x7  }
0x4c: {  	[tilespmem:v2+s16+$0x0] =	vst.idx.add.f32.msk $0xffff, v1  }
0x4d: {  	[hbm4b:s5+s2] =	stream.linear.scatter [tilespmem:s13], [sflag:$0x1], $0x12A0, $0x38;
	[tilespmem:$0x3F80] =	vst v63  }
0x4e: {  	_ =	swait.ge [sflag:s12], $0x12A0  }
0x4f: {  	[sflag:s12] =	ssyncset.done $0x0  }
0x50: {  	[sflag:s12] =	ssyncadd.s32 $0xFFFFED60  }
0x51: {  	[hbm4b:s8+s2] =	stream.linear.scatter [tilespmem:s14], [sflag:$0x1], $0x360, $0x38;
	[tilespmem:$0x3F80] =	vst v63  }
0x52: {  	_ =	swait.ge [sflag:s12], $0x360  }
0x53: {  	[sflag:s12] =	ssyncset.done $0x0  }
0x54: {  	[sflag:s12] =	ssyncadd.s32 $0xFFFFFCA0  }
0x55: {  	[hbm4b:s9+s2] =	stream.linear.scatter [tilespmem:s15], [sflag:$0x1], $0x360, $0x38;
	[tilespmem:$0x3F80] =	vst v63  }
0x56: {  	s17 =	sadd.s32 $0x1, s17;
	_ =	swait.ge [sflag:s12], $0x360  }
0x57: {  	p0 =	sne.s32 s17, s11;
	[sflag:s12] =	ssyncset.done $0x0  }
.Ltmp8:
0x58: {  	[sflag:s12] =	ssyncadd.s32 $0xFFFFFCA0;
	(pc) =	sbr.rel @p0 .LBB2_1-.Ltmp8, $4  }
0x59: {  	[hbm4b:s10+s2] =	stream.linear.scatter [tilespmem:s16], [sflag:$0x1], $0x12A0, $0x38;
	[tilespmem:$0x3F80] =	vst v63  }
0x5a: {  	_ =	swait.ge [sflag:s12], $0x12A0  }
0x5b: {  	[sflag:s12] =	ssyncset.done $0x0  }
0x5c: {  	[sflag:s12] =	ssyncadd.s32 $0xFFFFED60  }
0x5d: {  	_ =	sfence.sel $0x180000  }
0x5e: {  	[bflag:$0x0] =	sbarrier.arrive $0xFFFF  }
0x5f: {  	p0 =	sne.s32 s0, $0x0;
	_ =	strace $0x90000047  }
0x60: {  	s0 =	sadd.s32 @!p0 $0x100000, s1;
	[bflag:$0x2] =	sbarrier.arrive $0xFFFF  }
0x61: {  	[sflag:s0] =	ssyncadd.tile.s32 @!p0 $0x1;
	_ =	shalt  }
.Lfunc_end2:
_tile_overlayer_lowered:
.L_overlay_start_2:
0x62: {  	(tag) =	ssettag $0x2  }
0x63: {  	s0 =	rddreg [dreg:$0x0];
	s2 =	stileid.u32  }
0x64: {  	s1 =	rddreg [dreg:$0x1];
	p0 =	sne.s32 s2, $0x0  }
0x65: {  	s3 =	rddreg [dreg:$0x2];
	[bflag:$0x3] =	sbarrier.arrive $0xFFFF;
	s2 =	simm.s32 @!p0 $0x1C01  }
0x66: {  	[timem:s3], [sflag:s2] =	dma.local @!p0 [hbm:s0], s1  }
0x67: {  	s0 =	simm.s32 @!p0 $0x1  }
0x68: {  	_ =	swait.ge @!p0 [sflag:s0], s1  }
0x69: {  	s1 =	ssub.s32 @!p0 $0x0, s1;
	[sflag:s0] =	ssyncset.done @!p0 $0x0  }
0x6a: {  	[sflag:s0] =	ssyncadd.s32 @!p0 s1  }
0x6b: {  	[bflag:$0x3] =	sbarrier.arrive $0xFFFF  }
0x6c: {  	_ =	shalt  }

// kernel: scatter_offload_async_start.1
scs
__scs_entry_jumppad:
0x0: {  	(pc) =	sbr.rel $0x88, $3  }
0x1: {  	(tag) =	ssettag $0x0;
	lr =	simm.s32 $0x1  }
0x2: {  	[smem:$0x3F93] =	sst lr;
	_ =	strace $0xD0000000  }
0x3: {  	_ = 	snop  }
0x4: {  	_ = 	snop  }
0x5: {  	_ = 	snop  }
0x6: {  	_ = 	snop  }
0x7: {  	_ = 	snop  }
__scs_overlays_trampoline_lowered:
0x8: {  	[smem:$0x3FA2] =	sst s0  }
0x9: {  	[smem:$0x3FA3] =	sst s1  }
0xa: {  	[smem:$0x3FA4] =	sst s2  }
0xb: {  	[smem:$0x3FA5] =	sst s3  }
0xc: {  	[smem:$0x3FA6] =	sst s4  }
0xd: {  	[smem:$0x3FA7] =	sst s5  }
0xe: {  	[smem:$0x3FA8] =	sst s6  }
0xf: {  	[smem:$0x3FA9] =	sst s7  }
0x10: {  	[smem:$0x3FAA] =	sst s8  }
0x11: {  	[smem:$0x3FAB] =	sst s9;
	s0 =	simm.s32 @!p0 $0x0  }
0x12: {  	s1 =	sld [smem:$0x3F91];
	s0 =	simm.s32 @p0 $0x1  }
0x13: {  	[smem:$0x3FAC] =	sst s0;
	s0 =	simm.s32 @!p1 $0x0  }
0x14: {  	s2 =	sld [smem:$0x3F90];
	s0 =	simm.s32 @p1 $0x1  }
0x15: {  	[smem:$0x3FAD] =	sst s0;
	s0 =	simm.s32 @!p2 $0x0  }
0x16: {  	s3 =	sld [smem:$0x3FDB];
	s0 =	simm.s32 @p2 $0x1  }
0x17: {  	s4 =	simm.s32 $0x1BF5;
	[smem:$0x3FAF] =	sst s0  }
0x18: {  	s0 =	sld [smem:$0x3F92];
	_ =	swait.ge [sflag:s4], $0x0  }
0x19: {  	s7 =	sld [smem:$0x3F93]  }
0x1a: {  	s8 =	sadd.s32 $0xFFFFE003, lr  }
0x1b: {  	s9 =	sadd.s32 $0xFFFFFEF7, lr;
	s5 =	simm.s32 $0xFFFFFFFF;
	p2 =	slt.u32 s8, $0xFFFFF086  }
0x1c: {  	p1 =	slt.u32 s9, $0xF7A;
	s5 =	simm.s32 @!p2 $0x0  }
0x1d: {  	s5 =	simm.s32 @p1 $0x1;
	p0 =	seq.s32 s7, s2  }
0x1e: {  	s7 =	smul.u32 @!p0 $0xF7A, s2;
	p2 =	seq.s32 @!p0 s5, $0x0  }
0x1f: {  	s9 =	smul.u32 $0xF7A, s1;
	s8 =	simm.s32 @!p0 $0x1BF5;
	p2 =	por !p2, p0  }
0x20: {  	[sflag:s8] =	ssyncset.s32 @!p0 $0xFFFFF086;
	s6 =	sadd.s32 @!p0 s3, s7;
	s7 =	simm.s32 @!p0 $0x108  }
0x21: {  	s3 =	sadd.s32 s3, s9;
	s6 =	sadd.s32 @!p0 $0x88, s6;
	s7 =	simm.s32 @p2 $0x1082  }
0x22: {  	[simem:s7], [sflag:s8] =	dma.local @!p0 [hbm:s6], $0xF7A  }
0x23: {  	s9 =	sor.u32 $0xD0000000, s2;
	s6 =	simm.s32 $0x108;
	_ =	swait.ge @!p0 [sflag:s8], $0x0  }
0x24: {  	s3 =	sadd.s32 $0x88, s3;
	s6 =	simm.s32 @!p1 $0x1082;
	[sflag:s4] =	ssyncset.s32 $0xFFFFF086  }
0x25: {  	[simem:s6], [sflag:s4] =	dma.local [hbm:s3], $0xF7A  }
0x26: {  	[smem:$0x3F93] =	sst s1;
	(tag) =	ssettag s2;
	_ =	strace s9  }
0x27: {  	s1 =	sld [smem:$0x3FA3]  }
0x28: {  	s2 =	sld [smem:$0x3FA4]  }
0x29: {  	s4 =	sld [smem:$0x3FA6]  }
0x2a: {  	p0 =	seq.s32 s5, $0x0;
	s5 =	sld [smem:$0x3FA7]  }
0x2b: {  	s6 =	sld [smem:$0x3FA8]  }
0x2c: {  	s7 =	sld [smem:$0x3FA9]  }
0x2d: {  	s3 =	simm.s32 $0x108;
	s8 =	sld [smem:$0x3FAA]  }
0x2e: {  	s3 =	simm.s32 @!p0 $0x1082;
	s9 =	sld [smem:$0x3FAB]  }
0x2f: {  	lr =	sadd.s32 s0, s3;
	s0 =	sld [smem:$0x3FA2]  }
0x30: {  	s3 =	sld [smem:$0x3FA5]  }
0x31: {  	[smem:$0x3FAE] =	sst s10  }
0x32: {  	s10 =	sld [smem:$0x3FAC];
	_ =	sdelay $0x3  }
0x33: {  	p0 =	seq.s32 s10, $0x1;
	s10 =	sld [smem:$0x3FAE];
	_ =	sdelay $0x3  }
0x34: {  	[smem:$0x3FAE] =	sst s10  }
0x35: {  	s10 =	sld [smem:$0x3FAD];
	_ =	sdelay $0x3  }
0x36: {  	p1 =	seq.s32 s10, $0x1;
	s10 =	sld [smem:$0x3FAE];
	_ =	sdelay $0x3  }
0x37: {  	[smem:$0x3FAE] =	sst s10  }
0x38: {  	s10 =	sld [smem:$0x3FAF]  }
0x39: {  	_ = 	snop;
	(pc) =	sbr.ind lr, $3  }
0x3a: {  	_ = 	snop  }
0x3b: {  	_ = 	snop  }
0x3c: {  	p2 =	seq.s32 s10, $0x1;
	s10 =	sld [smem:$0x3FAE]  }
0x3d: {  	_ =	shalt  }
0x3e: {  	_ =	shalt  }
0x3f: {  	_ =	shalt  }
0x40: {  	_ =	shalt  }
0x41: {  	_ =	shalt  }
0x42: {  	_ =	shalt  }
0x43: {  	_ =	shalt  }
0x44: {  	_ =	shalt  }
0x45: {  	_ =	shalt  }
0x46: {  	_ =	shalt  }
0x47: {  	_ =	shalt  }
0x48: {  	_ =	shalt  }
0x49: {  	_ =	shalt  }
0x4a: {  	_ =	shalt  }
0x4b: {  	_ =	shalt  }
0x4c: {  	_ =	shalt  }
0x4d: {  	_ =	shalt  }
0x4e: {  	_ =	shalt  }
0x4f: {  	_ =	shalt  }
0x50: {  	_ =	shalt  }
0x51: {  	_ =	shalt  }
0x52: {  	_ =	shalt  }
0x53: {  	_ =	shalt  }
0x54: {  	_ =	shalt  }
0x55: {  	_ =	shalt  }
0x56: {  	_ =	shalt  }
0x57: {  	_ =	shalt  }
0x58: {  	_ =	shalt  }
0x59: {  	_ =	shalt  }
0x5a: {  	_ =	shalt  }
0x5b: {  	_ =	shalt  }
0x5c: {  	_ =	shalt  }
0x5d: {  	_ =	shalt  }
0x5e: {  	_ =	shalt  }
0x5f: {  	_ =	shalt  }
0x60: {  	_ =	shalt  }
0x61: {  	_ =	shalt  }
0x62: {  	_ =	shalt  }
0x63: {  	_ =	shalt  }
0x64: {  	_ =	shalt  }
0x65: {  	_ =	shalt  }
0x66: {  	_ =	shalt  }
0x67: {  	_ =	shalt  }
0x68: {  	_ =	shalt  }
0x69: {  	_ =	shalt  }
0x6a: {  	_ =	shalt  }
0x6b: {  	_ =	shalt  }
0x6c: {  	_ =	shalt  }
0x6d: {  	_ =	shalt  }
0x6e: {  	_ =	shalt  }
0x6f: {  	_ =	shalt  }
0x70: {  	_ =	shalt  }
0x71: {  	_ =	shalt  }
0x72: {  	_ =	shalt  }
0x73: {  	_ =	shalt  }
0x74: {  	_ =	shalt  }
0x75: {  	_ =	shalt  }
0x76: {  	_ =	shalt  }
0x77: {  	_ =	shalt  }
0x78: {  	_ =	shalt  }
0x79: {  	_ =	shalt  }
0x7a: {  	_ =	shalt  }
0x7b: {  	_ =	shalt  }
0x7c: {  	_ =	shalt  }
0x7d: {  	_ =	shalt  }
0x7e: {  	_ =	shalt  }
0x7f: {  	_ =	shalt  }
0x80: {  	_ =	shalt  }
0x81: {  	_ =	shalt  }
0x82: {  	_ =	shalt  }
0x83: {  	_ =	shalt  }
0x84: {  	_ =	shalt  }
0x85: {  	_ =	shalt  }
0x86: {  	_ =	shalt  }
0x87: {  	_ =	shalt  }
.Lfunc_end0:
.L_simem_size_0:
called_computation.1_lowered:
.L_overlay_start_0:
0x88: {  	s2 =	sld [smem:$0x3FD9]  }
0x89: {  	s3 =	sld [smem:$0x3FFE];
	_ =	sdelay $0x1  }
0x8a: {  	s1 =	srdreg.scid  }
0x8b: {  	s0 =	sand.u32 $0x1, s1  }
0x8c: {  	s15 =	sshll.u32 s0, $0xA;
	s2 =	sadd.s32 s3, s2  }
0x8d: {  	s2 =	sadd.s32 s2, s15  }
0x8e: {  	[smem:$0x3FBA] =	sst s2  }
0x8f: {  	_ = 	snop  }
0x90: {  	s2 =	sld [smem:$0x3FD0];
	_ =	sdelay $0x2  }
0x91: {  	s16 =	simm.s32 $0xB;
	s4 =	simm.s32 $0x10  }
0x92: {  	[smem:s4], [sflag:s16] =	dma.local [hbm:s2], $0x1  }
0x93: {  	_ =	swait.eq [sflag:s16], $0x1  }
0x94: {  	[sflag:s16] =	ssyncset.done $0x0  }
0x95: {  	[sflag:s16] =	ssyncadd.s32 $0xFFFFFFFF  }
0x96: {  	s17 =	sld [smem:$0x11];
	(tm) =	ssettm $0x1  }
0x97: {  	s18 =	sld [smem:$0x3FFB];
	_ =	sdelay $0x3  }
0x98: {  	_ =	strace s18  }
0x99: {  	s2 =	sld [smem:$0x3FFC];
	_ =	sdelay $0x3  }
0x9a: {  	_ =	strace s2  }
0x9b: {  	s2 =	sld [smem:$0x3FFD];
	_ =	sdelay $0x3  }
0x9c: {  	_ =	strace s2  }
0x9d: {  	_ =	strace $0x8FFFFFFF  }
0x9e: {  	s19 =	sld [smem:$0x3FDB];
	_ =	sdelay $0x1  }
0x9f: {  	s20 =	simm.s32 $_scs_section_size  }
0xa0: {  	s5 =	simm.s32 $_size__tile_overlayer_lowered;
	s6 =	simm.s32 $_tile_overlayer_lowered  }
0xa1: {  	s7 =	simm.s32 $0x1BFF;
	s21 =	sshll.u32 s6, $0x1;
	s4 =	sadd.s32 s20, s19  }
0xa2: {  	s22 =	simm.s32 $0x0;
	s5 =	sshll.u32 s5, $0x1;
	s6 =	sadd.s32 s21, s4  }
0xa3: {  	[timem:s22], [sflag:s7] =	dma.local [hbm:s6], s5  }
0xa4: {  	_ =	swait.ge [sflag:s7], s5  }
0xa5: {  	s5 =	ssub.s32 $0x0, s5;
	[sflag:s7] =	ssyncset.done $0x0  }
0xa6: {  	[sflag:s7] =	ssyncadd.s32 s5;
	_ =	sdelay $0x1  }
0xa7: {  	s23 =	simm.s32 $0x1B8B  }
0xa8: {  	_ =	swait.ge [sflag:s23], $0x1  }
0xa9: {  	[sflag:s23] =	ssyncset.done $0x0  }
0xaa: {  	[sflag:s23] =	ssyncadd.s32 $0xFFFFFFFF  }
0xab: {  	s5 =	sld [smem:$0x0]  }
0xac: {  	s6 =	sand.u32 $0xFFFFFFFE, s1  }
0xad: {  	p0 =	sne.s32 s1, s6  }
0xae: {  	s6 =	sshll.u32 @p0 s6, $0xE  }
0xaf: {  	s6 =	sadd.s32 @p0 $0x11B8D, s6;
	s7 =	sshll.u32 @p0 s5, $0x11  }
0xb0: {  	s6 =	sor.u32 @p0 s7, s6  }
0xb1: {  	[sflag:s6] =	ssyncadd.remote.s32 @p0 $0x1;
	_ =	sdelay $0x1  }
0xb2: {  	s6 =	simm.s32 @p0 $0x1B8D  }
0xb3: {  	_ =	swait.eq @p0 [sflag:s6], $0x1  }
0xb4: {  	[sflag:s6] =	ssyncadd.s32 @p0 $0xFFFFFFFF  }
0xb5: {  	s7 =	sshll.u32 @!p0 s1, $0xE  }
0xb6: {  	s7 =	sor.u32 @!p0 $0x4000, s7;
	s6 =	simm.s32 @!p0 $0x1B8D  }
0xb7: {  	s8 =	sshll.u32 @!p0 s5, $0x11;
	s7 =	sadd.s32 @!p0 $0x11B8D, s7;
	_ =	swait.eq @!p0 [sflag:s6], $0x1  }
0xb8: {  	[sflag:s6] =	ssyncadd.s32 @!p0 $0xFFFFFFFF;
	s6 =	sor.u32 @!p0 s8, s7  }
0xb9: {  	s25 =	simm.s32 $0x1B8E;
	s24 =	sld [smem:$0x3FFE];
	[sflag:s6] =	ssyncadd.remote.s32 @!p0 $0x1  }
0xba: {  	s26 =	simm.s32 $execute0_lowered;
	[smem:$0x3FD2] =	sst s25  }
0xbb: {  	s7 =	sshll.u32 s26, $0x1;
	_ =	strace $0x80000052;
	[dreg:$0x1] =	wrdreg $0xFFFFFFFF  }
0xbc: {  	s28 =	simm.s32 $_size_execute0_lowered;
	s4 =	sadd.s32 s4, s7;
	[dreg:$0x0] =	wrdreg $0x0  }
0xbd: {  	s7 =	sshll.u32 s28, $0x1;
	[dreg:$0x2] =	wrdreg s4  }
0xbe: {  	[dreg:$0x3] =	wrdreg s7  }
0xbf: {  	[dreg:$0x4] =	wrdreg $0xC0  }
0xc0: {  	_ =	task [dreg:s22], $0x5FFFF  }
0xc1: {  	[dreg:$0x1] =	wrdreg $0xFFFFFFFF  }
0xc2: {  	[dreg:$0x0] =	wrdreg $0x60  }
0xc3: {  	[dreg:$0x2] =	wrdreg s17  }
0xc4: {  	[dreg:$0x3] =	wrdreg s24  }
0xc5: {  	[dreg:$0x4] =	wrdreg s1  }
0xc6: {  	[dreg:$0x5] =	wrdreg s5  }
0xc7: {  	[dreg:$0x6] =	wrdreg $0xA  }
0xc8: {  	_ =	task.clear_ibuf [dreg:s22], $0x7FFFF;
	_ =	strace $0x90000052  }
0xc9: {  	s29 =	simm.s32 $0xA;
	_ =	strace $0x80000054  }
0xca: {  	_ =	swait.ge [sflag:s29], $0x1  }
0xcb: {  	[sflag:s29] =	ssyncadd.s32 $0xFFFFFFFF  }
0xcc: {  	_ =	strace $0x90000054  }
0xcd: {  	_ =	sfence  }
0xce: {  	s30 =	sld [smem:$0x0];
	_ =	sdelay $0x2  }
0xcf: {  	s31 =	sshll.u32 s1, $0xD;
	s1 =	sshrl.u32 s1, $0x2  }
0xd0: {  	s4 =	sand.u32 $0x4000, s31;
	s1 =	sadd.s32 s1, s30  }
0xd1: {  	s0 =	sor.u32 s4, s0;
	s1 =	sshll.u32 s1, $0x11  }
0xd2: {  	s0 =	sor.u32 s1, s0  }
0xd3: {  	s0 =	sadd.s32 $0x8F2B, s0  }
0xd4: {  	[sflag:s0] =	ssyncadd.remote.s32 $0x1  }
0xd5: {  	_ =	sfence.sel $0xFFFF  }
0xd6: {  	[dreg:$0x0] =	wrdreg $0xFFFFFFFF;
	(pc) =	sbr.abs _section_cstart, $3  }
0xd7: {  	[dreg:$0x1] =	wrdreg $0xFFFFFFFF  }
0xd8: {  	_ =	task.clear_ibuf [dreg:s22], $0x2FFFF;
	_ =	strace $0x9FFFFFFF  }
0xd9: {  	(tm) =	ssettm $0x7FFFFFFF  }
tec
execute0_lowered:
.L_overlay_start_1:
0x0: {  	(tag) =	ssettag $0x1  }
0x1: {  	s1 =	rddreg [dreg:$0x0]  }
0x2: {  	s2 =	rddreg [dreg:$0x1]  }
0x3: {  	s3 =	rddreg [dreg:$0x2];
	_ =	strace $0x80000053;
	s0 =	simm.s32 $0x1  }
0x4: {  	s5 =	simm.s32 $0x208;
	v0 =	vimm.s32 $0x0;
	[sflag:s0] =	ssyncpa.u1 $0x0  }
0x5: {  	[tilespmem:s5+$0x70] =	vst v0  }
0x6: {  	[tilespmem:s5+$0x60] =	vst v0  }
0x7: {  	[tilespmem:s5+$0x50] =	vst v0  }
0x8: {  	[tilespmem:s5+$0x40] =	vst v0  }
0x9: {  	[tilespmem:s5+$0x30] =	vst v0  }
0xa: {  	s0 =	sadd.s32 $0x1E00, s2;
	s6 =	sadd.s32 $0x4B2800, s2;
	[tilespmem:s5+$0x20] =	vst v0  }
0xb: {  	s4 =	sadd.s32 $0x959400, s2;
	s10 =	sand.u32 $0x1, s3;
	s2 =	simm.s32 $0x40;
	[tilespmem:s5+$0x10] =	vst v0  }
.LBB2_1:
0xc: {  	s2 =	sadd.s32 $0x40, s2;
	[tilespmem:s5+$0x0] =	vst v0;
	s5 =	sadd.s32 $0x80, s5  }
0xd: {  	p0 =	slt.u32 s2, $0x3880;
	[tilespmem:s5+$0x70] =	vst v0  }
0xe: {  	[tilespmem:s5+$0x60] =	vst v0  }
.Ltmp0:
0xf: {  	[tilespmem:s5+$0x50] =	vst v0;
	(pc) =	sbr.rel @p0 .LBB2_1-.Ltmp0, $4  }
0x10: {  	[tilespmem:s5+$0x40] =	vst v0  }
0x11: {  	[tilespmem:s5+$0x30] =	vst v0  }
0x12: {  	[tilespmem:s5+$0x20] =	vst v0  }
0x13: {  	[tilespmem:s5+$0x10] =	vst v0  }
0x14: {  	s11 =	stileid.u32  }
0x15: {  	s2 =	smul.u32 $0x2A, s11  }
0x16: {  	s3 =	smin.u32 s11, $0x5  }
0x17: {  	s2 =	sadd.s32 s3, s2  }
0x18: {  	p0 =	slt.u32 s11, $0x5;
	s20 =	smul.u32 $0x70, s2;
	s2 =	simm.s32 $0x12D0  }
0x19: {  	s2 =	simm.s32 @!p0 $0x1260  }
0x1a: {  	s2 =	sadd.s32 s2, s20  }
0x1b: {  	s8 =	smin.u32 s2, $0x12800  }
0x1c: {  	s26 =	simm.s32 $0x2;
	s2 =	ssub.s32 s8, s20  }
0x1d: {  	s9 =	simm.s32 $0x9;
	s29 =	simm.s32 $0xA;
	p0 =	sgt.s32 s2, $0x0  }
0x1e: {  	s30 =	simm.s32 $0xB;
	s31 =	smul.u32 $0x2500, s10;
	s2 =	simm.s32 @!p0 $0x0  }
0x1f: {  	[dreg:$0x5] =	wrdreg s10;
	s12 =	simm.s32 $0x1;
	s25 =	smulhi.u32 $0x92492493, s2  }
0x20: {  	s24 =	simm.s32 $0x0;
	p1 =	por $0x0, $0x0;
	s18 =	simm.s32 $0x80  }
0x21: {  	s19 =	simm.s32 $0x400;
	s17 =	simm.s32 $0xC;
	s3 =	sshrl.u32 s25, $0x6  }
0x22: {  	s21 =	simm.s32 $0x0;
	s23 =	simm.s32 $0x0;
	s28 =	smul.u32 $0x70, s3  }
.Ltmp1:
0x23: {  	[tilespmem:s5+$0x0] =	vst v0;
	v0 =	vimm.s32 $0xFFFFFFFF;
	[sflag:s26] =	ssyncpa.u1 $0x0;
	s16 =	sshll.u32 s11, $0x9;
	(pc) =	sbr.rel .LBB2_3-.Ltmp1, $4  }
0x24: {  	[tilespmem:$0xE408] =	vst v0;
	[sflag:s9] =	ssyncpa.u1 $0x0;
	p0 =	sne.s32 s2, s28;
	s2 =	simm.s32 $0x1  }
0x25: {  	s14 =	sadd.s32 s31, s4;
	[sflag:s29] =	ssyncpa.u1 $0x0;
	s2 =	simm.s32 @!p0 $0x0  }
0x26: {  	s15 =	sadd.s32 s31, s0;
	[sflag:s30] =	ssyncpa.u1 $0x0;
	s13 =	sadd.s32 s2, s3  }
0x27: {  	v0 =	vlaneseq.u32;
	s22 =	smov.u32 s20;
	p0 =	por $0x1, $0x1;
	s11 =	sadd.s32 $0x1, s13  }
.LBB2_24:
0x28: {  	s2 =	sshrl.u32 s4, $0x2  }
.LBB2_26:
0x29: {  	_ =	swait.ge [sflag:s17], s2  }
0x2a: {  	s31 =	ssub.s32 $0x0, s2;
	v1 =	vmov s26;
	vm0 =	veq.s32 v0, $0x0;
	[sflag:s17] =	ssyncset.done $0x0  }
0x2b: {  	vm15 =	veq.s32 v0, $0x2;
	v1 =	vsel vm0, s0, v1;
	[sflag:s17] =	ssyncadd.s32 s31  }
0x2c: {  	v1 =	vsel vm15, s24, v1;
	[sflag:s17] =	ssyncpa.u1 $0x1  }
0x2d: {  	[tilespmem:$0xE408] =	vst v1  }
.LBB2_27:
0x2e: {  	s0 =	sadd.s32 $0x70, s22  }
0x2f: {  	s2 =	smov.u32 s20;
	p2 =	slt.s32 s0, s8  }
0x30: {  	s2 =	smov.u32 @p2 s0;
	p2 =	sne.s32 s23, s11  }
.Ltmp2:
0x31: {  	_ = 	snop;
	(pc) =	sbr.rel @!p2 .LBB2_28-.Ltmp2, $4  }
0x32: {  	_ = 	snop  }
0x33: {  	s24 =	smov.u32 s21  }
0x34: {  	s31 =	sadd.s32 $0x1, s23;
	s21 =	smov.u32 s22;
	p0 =	por !p0, !p0  }
0x35: {  	p1 =	por !p1, !p1;
	s23 =	smov.u32 s31;
	s22 =	smov.u32 s2  }
.LBB2_3:
0x36: {  	p2 =	sge.u32 s23, s13  }
0x37: {  	s0 =	smulhi.u32 @!p2 $0xAAAAAAAB, s23  }
0x38: {  	s2 =	smov.u32 s22;
	p3 =	sgt.s32 @!p2 s22, $0x12790  }
0x39: {  	s3 =	sshra.s32 @!p2 s22, $0x1F;
	p3 =	por !p3, p2;
	s0 =	sshrl.u32 @!p2 s0, $0x1  }
0x3a: {  	s3 =	sand.u32 @!p2 s3, s22;
	s2 =	simm.s32 @p3 $0x12790;
	s0 =	smul.u32 @!p2 $0x3, s0  }
0x3b: {  	s2 =	ssub.s32 @!p2 s2, s3  }
0x3c: {  	s2 =	sadd.s32 @!p2 $0xFFFED870, s2;
	s0 =	ssub.s32 @!p2 s23, s0  }
0x3d: {  	s3 =	sshll.u32 @!p2 s2, $0x2;
	p3 =	sgt.s32 @!p2 s2, $0x6F;
	s0 =	smul.u32 @!p2 $0x1C0, s0  }
0x3e: {  	s4 =	sand.u32 @!p2 $0x7, s22;
	s2 =	ssub.s32 @!p2 $0x1C0, s3;
	p3 =	por !p3, p2  }
0x3f: {  	s3 =	sshrl.u32 @!p2 s22, $0x3;
	s2 =	sshrl.u32 @!p2 s2, $0x2;
	s0 =	sshrl.u32 @!p2 s0, $0x2  }
0x40: {  	s3 =	sadd.s32 @!p2 s3, s14;
	s2 =	simm.s32 @!p3 $0x0;
	s0 =	sadd.s32 @!p2 $0x10448, s0  }
0x41: {  	[tilespmem:s0], [sflag:$0xA] =	stream.linear.gather @!p2 [hbm4b:s3+s4], s2, $0x38;
	[tilespmem:$0x1E678] =	vst v63  }
0x42: {  	s2 =	sadd.s32 $0xFFFFFFFF, s23  }
0x43: {  	p2 =	sge.u32 s2, s13  }
0x44: {  	p3 =	sgt.s32 @!p2 s21, $0x12790  }
0x45: {  	s0 =	smov.u32 s21;
	s3 =	sshra.s32 @!p2 s21, $0x1F;
	p3 =	por !p3, p2  }
0x46: {  	s3 =	sand.u32 @!p2 s3, s21;
	s0 =	simm.s32 @p3 $0x12790  }
0x47: {  	s0 =	ssub.s32 @!p2 s0, s3  }
0x48: {  	s0 =	sadd.s32 @!p2 $0xFFFED870, s0  }
0x49: {  	s3 =	sshll.u32 @!p2 s0, $0x2  }
0x4a: {  	p3 =	sgt.s32 @!p2 s0, $0x6F;
	s0 =	ssub.s32 @!p2 $0x1C0, s3  }
0x4b: {  	p3 =	por !p3, p2;
	s0 =	sshrl.u32 @!p2 s0, $0x2  }
0x4c: {  	s4 =	simm.s32 @!p2 $0xA;
	s3 =	sand.u32 @!p2 $0x1, s2;
	s0 =	simm.s32 @!p3 $0x0  }
0x4d: {  	s3 =	smul.u32 @!p2 $0x1C0, s3;
	_ =	swait.ge @!p2 [sflag:s4], s0  }
0x4e: {  	s5 =	ssub.s32 @!p2 $0x0, s0;
	[sflag:s4] =	ssyncset.done @!p2 $0x0  }
0x4f: {  	s3 =	sshrl.u32 @!p2 s3, $0x2;
	[sflag:s4] =	ssyncadd.s32 @!p2 s5;
	s4 =	sshrl.u32 @!p2 s21, $0x3  }
0x50: {  	s3 =	sadd.s32 @!p2 $0x10598, s3;
	s5 =	sand.u32 @!p2 $0x7, s21;
	s4 =	sadd.s32 @!p2 s4, s15  }
0x51: {  	[tilespmem:s3], [sflag:$0xB] =	stream.linear.gather @!p2 [hbm4b:s4+s5], s0, $0x38;
	[tilespmem:$0x1E678] =	vst v63  }
0x52: {  	s0 =	ssub.s32 @!p2 $0x12800, s21  }
0x53: {  	p3 =	slt.s32 @!p2 s0, $0x1  }
0x54: {  	p3 =	por p2, p3  }
.Ltmp3:
0x55: {  	_ = 	snop;
	(pc) =	sbr.rel @p3 .LBB2_9-.Ltmp3, $1  }
0x56: {  	_ =	sdelay $0x3  }
0x57: {  	s3 =	smulhi.u32 $0xAAAAAAAB, s2;
	_ =	sdelay $0x1  }
0x58: {  	s3 =	sshrl.u32 s3, $0x1  }
0x59: {  	s3 =	smul.u32 $0x3, s3;
	_ =	sdelay $0x1  }
0x5a: {  	s30 =	ssub.s32 s2, s3  }
0x5b: {  	s4 =	simm.s32 $0x1;
	s2 =	smul.u32 $0x1C0, s30  }
.Ltmp4:
0x5c: {  	s4 =	simm.s32 @!p0 $0x0;
	(pc) =	sbr.rel .LBB2_6-.Ltmp4, $4  }
0x5d: {  	s31 =	smul.u32 $0x1C000, s4  }
0x5e: {  	p3 =	slt.s32 @!p2 s0, $0x70;
	s2 =	sshrl.u32 s2, $0x2  }
0x5f: {  	p2 =	por !p3, p2;
	s3 =	sshrl.u32 s31, $0x2;
	s5 =	sadd.s32 $0x10448, s2  }
0x60: {  	s0 =	simm.s32 @p2 $0x70;
	s4 =	sor.u32 $0x10678, s3;
	s2 =	simm.s32 $0x0;
	v1 =	vmov s5  }
.LBB2_5:
0x61: {  	p2 =	sge.s32 s2, s0  }
.Ltmp5:
0x62: {  	_ = 	snop;
	(pc) =	sbr.rel @p2 .LBB2_9-.Ltmp5, $2  }
0x63: {  	_ =	sdelay $0x2  }
0x64: {  	s4 =	sadd.s32 $0x1000, s4  }
.LBB2_6:
0x65: {  	p2 =	sle.s32 s0, s2  }
.Ltmp6:
0x66: {  	_ = 	snop;
	(pc) =	sbr.rel @p2 .LBB2_5-.Ltmp6, $2  }
0x67: {  	_ =	sdelay $0x2  }
0x68: {  	s5 =	smov.u32 s2;
	s2 =	sadd.s32 $0x10, s2  }
0x69: {  	s3 =	ssub.s32 s0, s5  }
0x6a: {  	p2 =	slt.s32 s3, $0x10  }
0x6b: {  	s3 =	simm.s32 @!p2 $0x10  }
0x6c: {  	v2 =	vmov s3  }
0x6d: {  	vm0 =	vgt.s32 v2, v0;
	_ =	sdelay $0x5  }
0x6e: {  	v2 =	vld.idx.msk [tilespmem:v1+s5+$0x0 ss:$0x1], vm0;
	_ =	sdelay $0x2  }
0x6f: {  	p2 =	slt.s32 s2, s0;
	s3 =	smov.u32 s0  }
0x70: {  	s9 =	smov.u32 s4;
	s25 =	simm.s32 $0x0;
	s3 =	smov.u32 @p2 s2  }
.LBB2_8:
0x71: {  	(v2sf) =	vpush v2, s25;
	_ =	sdelay $0xe  }
0x72: {  	s25 =	sadd.s32 $0x1, s25;
	s10 =	spop (v2sf)  }
0x73: {  	s31 =	sadd.s32 s25, s5;
	s26 =	sshll.u32 s10, $0x8;
	s10 =	sshll.u32 s10, $0x7  }
0x74: {  	p2 =	slt.s32 s31, s3;
	s26 =	sand.u32 $0xFFFFF800, s26;
	s10 =	sand.u32 $0x380, s10  }
.Ltmp7:
0x75: {  	s10 =	sor.u32 s10, s26;
	(pc) =	sbr.rel @p2 .LBB2_8-.Ltmp7, $4  }
0x76: {  	s10 =	sshrl.u32 s10, $0x3  }
0x77: {  	s10 =	sadd.s32 s6, s10  }
0x78: {  	[tilespmem:s9], [sflag:$0x9] =	stream.strided.gather [hbm4b:s10+s18], $0x100, s19, s18, $0x38;
	[tilespmem:$0x1E678] =	vst v63  }
0x79: {  	s9 =	sadd.s32 $0x100, s9  }
.Ltmp8:
0x7a: {  	_ = 	snop;
	(pc) =	sbr.rel .LBB2_5-.Ltmp8, $1  }
0x7b: {  	_ =	sdelay $0x3  }
.LBB2_9:
0x7c: {  	p2 =	slt.u32 s23, $0x2  }
.Ltmp9:
0x7d: {  	_ = 	snop;
	(pc) =	sbr.rel @p2 .LBB2_27-.Ltmp9, $1  }
0x7e: {  	_ =	sdelay $0x3  }
0x7f: {  	p2 =	sgt.s32 s24, $0x12790  }
0x80: {  	s0 =	smov.u32 s24;
	s2 =	sshra.s32 s24, $0x1F;
	s3 =	ssub.s32 $0x12800, s24  }
0x81: {  	s0 =	simm.s32 @!p2 $0x12790;
	s2 =	sand.u32 s2, s24;
	p2 =	slt.s32 s3, $0x70  }
0x82: {  	s0 =	ssub.s32 s0, s2;
	s3 =	simm.s32 @!p2 $0x70  }
0x83: {  	s0 =	sadd.s32 $0xFFFED870, s0;
	s9 =	sshll.u32 s3, $0x8  }
0x84: {  	s26 =	simm.s32 $0x9;
	s10 =	sshll.u32 s0, $0x2;
	s2 =	sand.u32 $0x3FFFFF00, s9  }
0x85: {  	p2 =	sgt.s32 s0, $0x6F;
	s25 =	ssub.s32 $0x1C0, s10;
	_ =	swait.ge [sflag:s26], s2  }
0x86: {  	s2 =	ssub.s32 $0x0, s2;
	[sflag:s26] =	ssyncset.done $0x0;
	s0 =	sshrl.u32 s25, $0x2  }
0x87: {  	s29 =	simm.s32 $0xB;
	[sflag:s26] =	ssyncadd.s32 s2;
	s0 =	simm.s32 @p2 $0x0  }
0x88: {  	_ =	swait.ge [sflag:s29], s0  }
0x89: {  	s0 =	ssub.s32 $0x0, s0;
	[sflag:s29] =	ssyncset.done $0x0  }
0x8a: {  	[sflag:s29] =	ssyncadd.s32 s0  }
0x8b: {  	v1 =	vld [tilespmem:$0xE408];
	_ =	sdelay $0x4  }
0x8c: {  	(v2sf) =	vpush v1, $0x0  }
0x8d: {  	(v2sf) =	vpush v1, $0x1  }
0x8e: {  	(v2sf) =	vpush v1, $0x2;
	_ =	sdelay $0x3  }
0x8f: {  	s0 =	sadd.s32 $0x70, s24  }
0x90: {  	s2 =	ssub.s32 $0x25000, s24;
	p2 =	slt.s32 s8, s0  }
0x91: {  	s0 =	smov.u32 @p2 s8;
	p2 =	sgt.s32 s2, $0x0  }
0x92: {  	s0 =	ssub.s32 s0, s24;
	s2 =	simm.s32 @!p2 $0x0  }
0x93: {  	p2 =	slt.s32 s2, s0  }
0x94: {  	s0 =	smov.u32 @p2 s2  }
0x95: {  	s4 =	simm.s32 $0x1;
	p2 =	slt.s32 s0, $0x1  }
.Ltmp10:
0x96: {  	s4 =	simm.s32 @!p1 $0x0;
	(pc) =	sbr.rel @p2 .LBB2_14-.Ltmp10, $4  }
0x97: {  	s30 =	smul.u32 $0x1C0, s4  }
0x98: {  	s5 =	spop (v2sf)  }
0x99: {  	s31 =	sshrl.u32 s30, $0x2;
	s28 =	spop (v2sf)  }
0x9a: {  	s25 =	sadd.s32 $0x10598, s31;
	s24 =	spop (v2sf)  }
0x9b: {  	s2 =	smin.u32 s0, $0x10  }
0x9c: {  	v1 =	vmov s2  }
0x9d: {  	vm1 =	vgt.u32 v1, v0  }
0x9e: {  	p3 =	sgt.s32 s0, $0x10  }
.Ltmp11:
0x9f: {  	_ = 	snop;
	(pc) =	sbr.rel @!p3 .LBB2_13-.Ltmp11, $2  }
0xa0: {  	_ =	sdelay $0x2  }
0xa1: {  	s26 =	simm.s32 $0x10;
	s29 =	sadd.s32 $0xFFFFFFF0, s0;
	s2 =	smov.u32 s25;
	vm0 =	vmmov vm1;
	v1 =	vld.msk [tilespmem:s25+$0x0 ss:$0x1], vm1  }
.LBB2_12:
0xa2: {  	s3 =	smin.u32 s29, $0x10;
	s26 =	sadd.s32 $0x10, s26  }
0xa3: {  	v2 =	vmov s3;
	p3 =	slt.s32 s26, s0  }
0xa4: {  	vm1 =	vgt.u32 v2, v0;
	_ =	sdelay $0x1  }
0xa5: {  	v2 =	vshll.u32 v1, $0x5;
	v1 =	vshll.u32 v1, $0x4  }
.Ltmp12:
0xa6: {  	v2 =	vand.u32 $0xFFFFFF00, v2;
	v1 =	vand.u32 $0x70, v1;
	(pc) =	sbr.rel @p3 .LBB2_12-.Ltmp12, $4  }
0xa7: {  	v1 =	vor.u32 v1, v2  }
0xa8: {  	[tilespmem:s2+$0x0] =	vst.msk vm0, v1;
	s2 =	sadd.s32 $0x10, s2;
	vm0 =	vmmov vm1  }
0xa9: {  	v1 =	vld.msk [tilespmem:s2+$0x0 ss:$0x1], vm1  }
0xaa: {  	s29 =	sadd.s32 $0xFFFFFFF0, s29  }
.LBB2_13:
0xab: {  	_ =	sdelay $0x3  }
0xac: {  	v2 =	vshll.u32 v1, $0x5;
	v1 =	vshll.u32 v1, $0x4  }
0xad: {  	v2 =	vand.u32 $0xFFFFFF00, v2;
	v1 =	vand.u32 $0x70, v1  }
0xae: {  	v1 =	vor.u32 v1, v2  }
0xaf: {  	[tilespmem:s2+$0x0] =	vst.msk vm0, v1  }
.LBB2_14:
0xb0: {  	s2 =	sand.u32 $0x1, s23  }
0xb1: {  	s2 =	smul.u32 $0x70, s2  }
0xb2: {  	p3 =	sne.s32 s28, $0xFFFFFFFF  }
0xb3: {  	v1 =	vld.msk @!p3 [tilespmem:s2+$0x10598], $0x1;
	_ =	sdelay $0x4  }
0xb4: {  	(v2sf) =	vpush @!p3 v1, $0x0;
	_ =	sdelay $0xc  }
.Ltmp13:
0xb5: {  	_ = 	snop;
	(pc) =	sbr.rel @p2 .LBB2_25-.Ltmp13, $4  }
0xb6: {  	_ = 	snop  }
0xb7: {  	s31 =	spop @!p3 (v2sf)  }
0xb8: {  	s24 =	simm.s32 @!p3 $0x0;
	s26 =	smov.u32 s31  }
0xb9: {  	[sflag:s17] =	ssyncpa.u1 $0x0;
	s31 =	smov.u32 @p3 s5;
	s26 =	smov.u32 @p3 s28  }
0xba: {  	v1 =	vld.msk [tilespmem:s25+$0x0], $0x1;
	_ =	sdelay $0x4  }
0xbb: {  	(v2sf) =	vpush v1, $0x0;
	_ =	sdelay $0xe  }
0xbc: {  	s7 =	smov.u32 s11;
	s5 =	spop (v2sf)  }
0xbd: {  	s17 =	smov.u32 s15;
	s2 =	smul.u32 $0x1C000, s4;
	p2 =	seq.s32 s31, s5  }
0xbe: {  	s3 =	smov.u32 s31;
	s29 =	ssub.s32 $0x0, s0;
	p3 =	sgt.s32 @!p2 s31, $0x0  }
0xbf: {  	s30 =	simm.s32 $0x0;
	s2 =	sshrl.u32 s2, $0x2;
	p3 =	por !p3, p2  }
0xc0: {  	s0 =	sadd.s32 $0x1, s29;
	s28 =	sor.u32 $0x106F8, s2;
	s3 =	simm.s32 @p3 $0x0  }
0xc1: {  	s2 =	simm.s32 @!p2 $0x1;
	p3 =	seq.s32 s0, $0x0;
	s3 =	smin.u32 @!p2 s3, $0x25370  }
.Ltmp14:
0xc2: {  	s4 =	simm.s32 @!p2 $0x7308;
	s9 =	sand.u32 @!p2 $0x3FFF8, s3;
	(pc) =	sbr.rel @p3 .LBB2_17-.Ltmp14, $4  }
0xc3: {  	s10 =	sadd.s32 @!p2 $0x80, s3;
	s11 =	sadd.s32 @!p2 s1, s9;
	s9 =	sand.u32 @!p2 $0x7, s3  }
0xc4: {  	[tilespmem:s4], [sflag:$0x2] =	stream.linear.gather @!p2 [hbm4b:s11+s9], $0x80, $0x38;
	[tilespmem:$0x1E678] =	vst v63  }
0xc5: {  	s15 =	smov.u32 s14;
	s2 =	smov.u32 @p2 s30;
	s4 =	sand.u32 @!p2 $0x7FFF8, s10  }
0xc6: {  	s3 =	simm.s32 @!p2 $0x7388;
	s10 =	sadd.s32 @!p2 s1, s4;
	s4 =	sadd.s32 $0x1, s25  }
.LBB2_16:
0xc7: {  	s11 =	smov.u32 s2  }
0xc8: {  	[tilespmem:s3], [sflag:$0x2] =	stream.linear.gather @!p2 [hbm4b:s10+s9], $0x80, $0x38;
	[tilespmem:$0x1E678] =	vst v63  }
0xc9: {  	s0 =	sadd.s32 $0x1, s0;
	s9 =	smov.u32 s5;
	v1 =	vld.msk [tilespmem:s4+$0x0], $0x1  }
0xca: {  	p3 =	seq.s32 s0, $0x0;
	_ =	sdelay $0x3  }
0xcb: {  	(v2sf) =	vpush v1, $0x0;
	_ =	sdelay $0xe  }
0xcc: {  	s5 =	spop (v2sf)  }
0xcd: {  	p2 =	seq.s32 s9, s5  }
0xce: {  	p4 =	sgt.s32 @!p2 s9, $0x0;
	s3 =	sshll.u32 @!p2 s2, $0xA;
	s2 =	sadd.s32 @!p2 $0x1, s2  }
0xcf: {  	p4 =	por !p4, p2;
	s3 =	sshra.s32 @!p2 s3, $0x2;
	s2 =	smov.u32 @p2 s11  }
0xd0: {  	s9 =	simm.s32 @p4 $0x0;
	s10 =	sadd.s32 @!p2 $0x7308, s3;
	s3 =	sadd.s32 @!p2 $0x7388, s3  }
.Ltmp15:
0xd1: {  	s9 =	smin.u32 @!p2 s9, $0x25370;
	(pc) =	sbr.rel @!p3 .LBB2_16-.Ltmp15, $4  }
0xd2: {  	s11 =	sand.u32 @!p2 $0x3FFF8, s9;
	s14 =	sadd.s32 @!p2 $0x80, s9  }
0xd3: {  	s9 =	sand.u32 @!p2 $0x7, s9;
	s11 =	sadd.s32 @!p2 s1, s11;
	s14 =	sand.u32 @!p2 $0x7FFF8, s14  }
0xd4: {  	[tilespmem:s10], [sflag:$0x2] =	stream.linear.gather @!p2 [hbm4b:s11+s9], $0x80, $0x38;
	[tilespmem:$0x1E678] =	vst v63  }
0xd5: {  	s4 =	sadd.s32 $0x1, s4;
	s10 =	sadd.s32 @!p2 s1, s14  }
.LBB2_17:
0xd6: {  	[tilespmem:s3], [sflag:$0x2] =	stream.linear.gather @!p2 [hbm4b:s10+s9], $0x80, $0x38;
	[tilespmem:$0x1E678] =	vst v63  }
0xd7: {  	s0 =	sshll.u32 s2, $0x8  }
.Ltmp16:
0xd8: {  	s14 =	simm.s32 $0x2;
	s0 =	sand.u32 $0x3FFFFF00, s0;
	(pc) =	sbr.rel .LBB2_18-.Ltmp16, $4  }
0xd9: {  	_ =	swait.ge [sflag:s14], s0  }
0xda: {  	s0 =	ssub.s32 $0x0, s0;
	[sflag:s14] =	ssyncset.done $0x0  }
0xdb: {  	s4 =	simm.s32 $0x0;
	s11 =	smov.u32 s7;
	[sflag:s14] =	ssyncadd.s32 s0  }
0xdc: {  	s14 =	smov.u32 s15;
	s15 =	smov.u32 s17;
	s17 =	simm.s32 $0xC  }
.LBB2_19:
0xdd: {  	v1 =	vld [tilespmem:s28+$0xFFFFFF80];
	_ =	sdelay $0x4  }
0xde: {  	[tilespmem:s5+$0x208] =	vst.add.f32.msk $0xffff, v1  }
0xdf: {  	v1 =	vld [tilespmem:s28+$0xFFFFFF90];
	_ =	sdelay $0x4  }
0xe0: {  	[tilespmem:s5+$0x218] =	vst.add.f32.msk $0xffff, v1  }
0xe1: {  	v1 =	vld [tilespmem:s28+$0xFFFFFFA0];
	_ =	sdelay $0x4  }
0xe2: {  	[tilespmem:s5+$0x228] =	vst.add.f32.msk $0xffff, v1  }
0xe3: {  	v1 =	vld [tilespmem:s28+$0xFFFFFFB0];
	_ =	sdelay $0x4  }
0xe4: {  	[tilespmem:s5+$0x238] =	vst.add.f32.msk $0xffff, v1  }
0xe5: {  	v1 =	vld [tilespmem:s28+$0xFFFFFFC0];
	_ =	sdelay $0x4  }
0xe6: {  	[tilespmem:s5+$0x248] =	vst.add.f32.msk $0xffff, v1  }
0xe7: {  	v1 =	vld [tilespmem:s28+$0xFFFFFFD0];
	_ =	sdelay $0x4  }
0xe8: {  	[tilespmem:s5+$0x258] =	vst.add.f32.msk $0xffff, v1  }
0xe9: {  	v1 =	vld [tilespmem:s28+$0xFFFFFFE0];
	_ =	sdelay $0x4  }
0xea: {  	[tilespmem:s5+$0x268] =	vst.add.f32.msk $0xffff, v1  }
0xeb: {  	v1 =	vld [tilespmem:s28+$0xFFFFFFF0];
	_ =	sdelay $0x4  }
0xec: {  	[tilespmem:s5+$0x278] =	vst.add.f32.msk $0xffff, v1  }
0xed: {  	v1 =	vld [tilespmem:s28+$0x0];
	_ =	sdelay $0x4  }
0xee: {  	[tilespmem:s5+$0x288] =	vst.add.f32.msk $0xffff, v1  }
0xef: {  	v1 =	vld [tilespmem:s28+$0x10];
	_ =	sdelay $0x4  }
0xf0: {  	[tilespmem:s5+$0x298] =	vst.add.f32.msk $0xffff, v1  }
0xf1: {  	v1 =	vld [tilespmem:s28+$0x20];
	_ =	sdelay $0x4  }
0xf2: {  	[tilespmem:s5+$0x2A8] =	vst.add.f32.msk $0xffff, v1  }
0xf3: {  	v1 =	vld [tilespmem:s28+$0x30];
	_ =	sdelay $0x4  }
0xf4: {  	[tilespmem:s5+$0x2B8] =	vst.add.f32.msk $0xffff, v1  }
0xf5: {  	v1 =	vld [tilespmem:s28+$0x40];
	_ =	sdelay $0x4  }
0xf6: {  	[tilespmem:s5+$0x2C8] =	vst.add.f32.msk $0xffff, v1  }
0xf7: {  	v1 =	vld [tilespmem:s28+$0x50];
	_ =	sdelay $0x4  }
0xf8: {  	[tilespmem:s5+$0x2D8] =	vst.add.f32.msk $0xffff, v1  }
0xf9: {  	v1 =	vld [tilespmem:s28+$0x60];
	_ =	sdelay $0x4  }
0xfa: {  	[tilespmem:s5+$0x2E8] =	vst.add.f32.msk $0xffff, v1  }
0xfb: {  	v1 =	vld [tilespmem:s28+$0x70];
	_ =	sdelay $0x4  }
0xfc: {  	[tilespmem:s5+$0x2F8] =	vst.add.f32.msk $0xffff, v1  }
.LBB2_23:
0xfd: {  	s29 =	sadd.s32 $0x1, s29  }
0xfe: {  	p2 =	seq.s32 s29, $0x0  }
.Ltmp17:
0xff: {  	_ = 	snop;
	(pc) =	sbr.rel @p2 .LBB2_24-.Ltmp17, $2  }
0x100: {  	_ =	sdelay $0x2  }
0x101: {  	s25 =	sadd.s32 $0x1, s25;
	s28 =	sadd.s32 $0x100, s28;
	s31 =	smov.u32 s0  }
.LBB2_18:
0x102: {  	v1 =	vld.msk [tilespmem:s25+$0x0], $0x1;
	_ =	sdelay $0x4  }
0x103: {  	(v2sf) =	vpush v1, $0x0;
	_ =	sdelay $0xe  }
0x104: {  	s0 =	spop (v2sf)  }
0x105: {  	p2 =	sne.s32 s31, s0  }
.Ltmp18:
0x106: {  	_ = 	snop;
	(pc) =	sbr.rel @!p2 .LBB2_19-.Ltmp18, $3  }
0x107: {  	_ =	sdelay $0x1  }
0x108: {  	s2 =	sshll.u32 s24, $0xA  }
0x109: {  	s5 =	sshra.s32 s2, $0x2  }
0x10a: {  	p2 =	seq.s32 s31, s26  }
.Ltmp19:
0x10b: {  	_ = 	snop;
	(pc) =	sbr.rel @!p2 .LBB2_21-.Ltmp19, $1  }
0x10c: {  	_ =	sdelay $0x3  }
.Ltmp20:
0x10d: {  	s2 =	sadd.s32 $0x208, s5;
	(pc) =	sbr.rel .LBB2_22-.Ltmp20, $4  }
0x10e: {  	[spmem:s16] =	stream.linear.scatter [tilespmem:s2], [sflag:$0x1], $0x100, $0x38;
	[tilespmem:$0x1E678] =	vst v63  }
0x10f: {  	_ =	swait.ge [sflag:s12], $0x100  }
0x110: {  	[sflag:s12] =	ssyncset.done $0x0  }
0x111: {  	[sflag:s12] =	ssyncadd.s32 $0xFFFFFF00  }
.LBB2_21:
0x112: {  	s2 =	sshll.u32 s30, $0xA  }
0x113: {  	s2 =	sshra.s32 s2, $0x2  }
0x114: {  	v1 =	vld [tilespmem:s2+$0x7308];
	_ =	sdelay $0x4  }
0x115: {  	[tilespmem:s5+$0x208] =	vst.add.f32.msk $0xffff, v1  }
0x116: {  	v1 =	vld [tilespmem:s2+$0x7318];
	_ =	sdelay $0x4  }
0x117: {  	[tilespmem:s5+$0x218] =	vst.add.f32.msk $0xffff, v1  }
0x118: {  	v1 =	vld [tilespmem:s2+$0x7328];
	_ =	sdelay $0x4  }
0x119: {  	[tilespmem:s5+$0x228] =	vst.add.f32.msk $0xffff, v1  }
0x11a: {  	v1 =	vld [tilespmem:s2+$0x7338];
	_ =	sdelay $0x4  }
0x11b: {  	[tilespmem:s5+$0x238] =	vst.add.f32.msk $0xffff, v1  }
0x11c: {  	v1 =	vld [tilespmem:s2+$0x7348];
	_ =	sdelay $0x4  }
0x11d: {  	[tilespmem:s5+$0x248] =	vst.add.f32.msk $0xffff, v1  }
0x11e: {  	v1 =	vld [tilespmem:s2+$0x7358];
	_ =	sdelay $0x4  }
0x11f: {  	[tilespmem:s5+$0x258] =	vst.add.f32.msk $0xffff, v1  }
0x120: {  	v1 =	vld [tilespmem:s2+$0x7368];
	_ =	sdelay $0x4  }
0x121: {  	[tilespmem:s5+$0x268] =	vst.add.f32.msk $0xffff, v1  }
0x122: {  	v1 =	vld [tilespmem:s2+$0x7378];
	_ =	sdelay $0x4  }
0x123: {  	[tilespmem:s5+$0x278] =	vst.add.f32.msk $0xffff, v1  }
0x124: {  	v1 =	vld [tilespmem:s2+$0x7388];
	_ =	sdelay $0x4  }
0x125: {  	[tilespmem:s5+$0x288] =	vst.add.f32.msk $0xffff, v1  }
0x126: {  	v1 =	vld [tilespmem:s2+$0x7398];
	_ =	sdelay $0x4  }
0x127: {  	[tilespmem:s5+$0x298] =	vst.add.f32.msk $0xffff, v1  }
0x128: {  	v1 =	vld [tilespmem:s2+$0x73A8];
	_ =	sdelay $0x4  }
0x129: {  	[tilespmem:s5+$0x2A8] =	vst.add.f32.msk $0xffff, v1  }
0x12a: {  	v1 =	vld [tilespmem:s2+$0x73B8];
	_ =	sdelay $0x4  }
0x12b: {  	[tilespmem:s5+$0x2B8] =	vst.add.f32.msk $0xffff, v1  }
0x12c: {  	v1 =	vld [tilespmem:s2+$0x73C8];
	_ =	sdelay $0x4  }
0x12d: {  	[tilespmem:s5+$0x2C8] =	vst.add.f32.msk $0xffff, v1  }
0x12e: {  	v1 =	vld [tilespmem:s2+$0x73D8];
	_ =	sdelay $0x4  }
0x12f: {  	[tilespmem:s5+$0x2D8] =	vst.add.f32.msk $0xffff, v1  }
0x130: {  	v1 =	vld [tilespmem:s2+$0x73E8];
	_ =	sdelay $0x4  }
0x131: {  	[tilespmem:s5+$0x2E8] =	vst.add.f32.msk $0xffff, v1  }
0x132: {  	v1 =	vld [tilespmem:s2+$0x73F8];
	_ =	sdelay $0x2  }
0x133: {  	p2 =	sgt.u32 s31, $0x25370  }
0x134: {  	s2 =	sand.u32 @!p2 $0x3FFF8, s31  }
0x135: {  	s3 =	sadd.s32 $0x208, s5;
	s9 =	sand.u32 @!p2 $0x7, s31;
	s2 =	sadd.s32 @!p2 s1, s2;
	[tilespmem:s5+$0x2F8] =	vst.add.f32.msk $0xffff, v1  }
0x136: {  	[hbm4b:s2+s9] =	stream.linear.scatter @!p2 [tilespmem:s3], [sflag:$0xC], $0x80, $0x38;
	[tilespmem:$0x1E678] =	vst v63  }
0x137: {  	s2 =	sadd.s32 @!p2 $0x80, s31  }
0x138: {  	s2 =	sand.u32 @!p2 $0x7FFF8, s2  }
0x139: {  	s3 =	sadd.s32 $0x288, s5;
	s2 =	sadd.s32 @!p2 s1, s2  }
0x13a: {  	[hbm4b:s2+s9] =	stream.linear.scatter @!p2 [tilespmem:s3], [sflag:$0xC], $0x80, $0x38;
	[tilespmem:$0x1E678] =	vst v63  }
0x13b: {  	s2 =	simm.s32 $0x0  }
0x13c: {  	s2 =	simm.s32 @!p2 $0x400  }
0x13d: {  	s4 =	sadd.s32 s2, s4  }
.LBB2_22:
0x13e: {  	s2 =	sadd.s32 $0x1, s24  }
0x13f: {  	s3 =	sshrl.u32 s2, $0x4  }
0x140: {  	s3 =	smulhi.u32 $0x24924925, s3  }
0x141: {  	v1 =	vld [tilespmem:s28+$0xFFFFFF80]  }
0x142: {  	s3 =	smul.u32 $0x70, s3;
	_ =	sdelay $0x1  }
0x143: {  	s24 =	ssub.s32 s2, s3  }
0x144: {  	s2 =	sshll.u32 s24, $0x8  }
0x145: {  	[tilespmem:s2+$0x208] =	vst v1  }
0x146: {  	v1 =	vld [tilespmem:s28+$0xFFFFFF90];
	_ =	sdelay $0x4  }
0x147: {  	[tilespmem:s2+$0x218] =	vst v1  }
0x148: {  	v1 =	vld [tilespmem:s28+$0xFFFFFFA0];
	_ =	sdelay $0x4  }
0x149: {  	[tilespmem:s2+$0x228] =	vst v1  }
0x14a: {  	v1 =	vld [tilespmem:s28+$0xFFFFFFB0];
	_ =	sdelay $0x4  }
0x14b: {  	[tilespmem:s2+$0x238] =	vst v1  }
0x14c: {  	v1 =	vld [tilespmem:s28+$0xFFFFFFC0];
	_ =	sdelay $0x4  }
0x14d: {  	[tilespmem:s2+$0x248] =	vst v1  }
0x14e: {  	v1 =	vld [tilespmem:s28+$0xFFFFFFD0];
	_ =	sdelay $0x4  }
0x14f: {  	[tilespmem:s2+$0x258] =	vst v1  }
0x150: {  	v1 =	vld [tilespmem:s28+$0xFFFFFFE0];
	_ =	sdelay $0x4  }
0x151: {  	[tilespmem:s2+$0x268] =	vst v1  }
0x152: {  	v1 =	vld [tilespmem:s28+$0xFFFFFFF0];
	_ =	sdelay $0x4  }
0x153: {  	[tilespmem:s2+$0x278] =	vst v1  }
0x154: {  	v1 =	vld [tilespmem:s28+$0x0];
	_ =	sdelay $0x4  }
0x155: {  	[tilespmem:s2+$0x288] =	vst v1  }
0x156: {  	v1 =	vld [tilespmem:s28+$0x10];
	_ =	sdelay $0x4  }
0x157: {  	[tilespmem:s2+$0x298] =	vst v1  }
0x158: {  	v1 =	vld [tilespmem:s28+$0x20];
	_ =	sdelay $0x4  }
0x159: {  	[tilespmem:s2+$0x2A8] =	vst v1  }
0x15a: {  	v1 =	vld [tilespmem:s28+$0x30];
	_ =	sdelay $0x4  }
0x15b: {  	[tilespmem:s2+$0x2B8] =	vst v1  }
0x15c: {  	v1 =	vld [tilespmem:s28+$0x40];
	_ =	sdelay $0x4  }
0x15d: {  	[tilespmem:s2+$0x2C8] =	vst v1  }
0x15e: {  	v1 =	vld [tilespmem:s28+$0x50];
	_ =	sdelay $0x4  }
0x15f: {  	[tilespmem:s2+$0x2D8] =	vst v1  }
0x160: {  	v1 =	vld [tilespmem:s28+$0x60];
	_ =	sdelay $0x4  }
0x161: {  	[tilespmem:s2+$0x2E8] =	vst v1  }
0x162: {  	v1 =	vld [tilespmem:s28+$0x70]  }
.Ltmp21:
0x163: {  	_ = 	snop;
	(pc) =	sbr.rel .LBB2_23-.Ltmp21, $2  }
0x164: {  	_ =	sdelay $0x2  }
0x165: {  	s30 =	sadd.s32 $0x1, s30;
	[tilespmem:s2+$0x2F8] =	vst v1  }
.LBB2_25:
.Ltmp22:
0x166: {  	(pc) =	sbr.rel .LBB2_26-.Ltmp22, $4  }
0x167: {  	_ = 	snop  }
0x168: {  	s0 =	simm.s32 $0x2  }
0x169: {  	_ =	swait.ge [sflag:s0], $0x0  }
0x16a: {  	s2 =	simm.s32 $0x0;
	[sflag:s0] =	ssyncset.done $0x0;
	s0 =	smov.u32 s31  }
.LBB2_28:
0x16b: {  	_ =	sfence.sel $0x180000  }
0x16c: {  	s0 =	simm.s32 $0x9;
	[bflag:$0x0] =	sbarrier.arrive $0xFFFF  }
0x16d: {  	s24 =	simm.s32 $0xA;
	[sflag:s0] =	ssyncpa.u1 $0x1  }
0x16e: {  	s25 =	simm.s32 $0xB;
	[sflag:s24] =	ssyncpa.u1 $0x1  }
0x16f: {  	s26 =	simm.s32 $0x2;
	[sflag:s25] =	ssyncpa.u1 $0x1  }
0x170: {  	[sflag:s26] =	ssyncpa.u1 $0x1  }
0x171: {  	v0 =	vld [tilespmem:$0xE408];
	_ =	sdelay $0x4  }
0x172: {  	(v2sf) =	vpush v0, $0x0  }
0x173: {  	(v2sf) =	vpush v0, $0x1;
	_ =	sdelay $0x1  }
0x174: {  	(v2sf) =	vpush v0, $0x2;
	_ =	sdelay $0xb  }
0x175: {  	s0 =	spop (v2sf)  }
0x176: {  	s2 =	spop (v2sf)  }
0x177: {  	s3 =	smov.u32 s0;
	p0 =	sne.s32 s0, s2  }
0x178: {  	s4 =	spop (v2sf);
	s3 =	simm.s32 @!p0 $0xFFFFFFFF  }
0x179: {  	v2 =	vimm.s32 $0x1;
	v3 =	vlaneseq.u32;
	p0 =	seq.s32 s4, $0xFFFFFFFF;
	v1 =	vmov s3  }
0x17a: {  	s15 =	stileid.u32;
	v0 =	vperm.xlane v0, v2;
	p1 =	sne.s32 @!p0 s0, s2;
	v1 =	vperm.xlane v1, v3  }
0x17b: {  	vm0 =	vcmask $0x3F04;
	s6 =	simm.s32 $0xE408;
	s0 =	simm.s32 @!p0 $0x1;
	p1 =	por !p1, p0  }
0x17c: {  	s3 =	sshll.u32 s15, $0x1;
	s2 =	sshll.u32 @!p0 s4, $0xA;
	s0 =	simm.s32 @p1 $0x0;
	v0 =	vsel vm0, v1, v0  }
0x17d: {  	s5 =	sor.u32 $0x2000, s3;
	s2 =	sshra.s32 @!p0 s2, $0x2;
	s0 =	sor.u32 @!p0 s0, s3;
	[tilespmem:$0xE408] =	vst v0  }
0x17e: {  	[spmem:s5] =	stream.linear.scatter [tilespmem:s6], [sflag:$0x1], $0x2, $0x38;
	[tilespmem:$0x1E678] =	vst v63  }
0x17f: {  	s2 =	sadd.s32 @!p0 $0x208, s2;
	s0 =	sshll.u32 @!p0 s0, $0x8  }
0x180: {  	[spmem:s0] =	stream.linear.scatter @!p0 [tilespmem:s2], [sflag:$0x1], $0x100, $0x38;
	[tilespmem:$0x1E678] =	vst v63  }
0x181: {  	s0 =	simm.s32 @!p0 $0x102  }
0x182: {  	s28 =	simm.s32 $0x1;
	s0 =	simm.s32 @p0 $0x2  }
0x183: {  	_ =	swait.ge [sflag:s28], s0  }
0x184: {  	s0 =	ssub.s32 $0x0, s0;
	[sflag:s28] =	ssyncset.done $0x0  }
0x185: {  	p0 =	sne.s32 s15, $0x0;
	[sflag:s28] =	ssyncadd.s32 s0  }
.Ltmp23:
0x186: {  	_ =	sfence.stream.spmem;
	(pc) =	sbr.rel @p0 .LBB2_45-.Ltmp23, $4  }
0x187: {  	s29 =	simm.s32 $0x3;
	[bflag:$0x0] =	sbarrier.arrive $0xFFFF  }
0x188: {  	s30 =	simm.s32 $0x4;
	[sflag:s29] =	ssyncpa.u1 $0x1  }
0x189: {  	s31 =	simm.s32 $0x3C;
	[sflag:s30] =	ssyncpa.u1 $0x1  }
0x18a: {  	s14 =	rddreg [dreg:$0x5];
	[sflag:s31] =	ssyncpa.u1 $0x1  }
0x18b: {  	_ =	sfence.stream.spmem;
	s0 =	simm.s32 $0x5  }
0x18c: {  	s2 =	simm.s32 $0x2000;
	s3 =	simm.s32 $0xE418;
	[sflag:s0] =	ssyncpa.u1 $0x0  }
0x18d: {  	[tilespmem:s3], [sflag:$0x5] =	stream.linear.gather [spmem:s2], $0x20, $0x38;
	[tilespmem:$0x1E678] =	vst v63  }
0x18e: {  	s26 =	simm.s32 $0x0;
	s28 =	simm.s32 $0xE438  }
0x18f: {  	[tilespmem:s28], [sflag:$0x5] =	stream.linear.gather [spmem:s26], $0x2000, $0x38;
	[tilespmem:$0x1E678] =	vst v63  }
0x190: {  	_ =	swait.ge [sflag:s0], $0x2020  }
0x191: {  	[sflag:s0] =	ssyncset.done $0x0  }
0x192: {  	s29 =	simm.s32 $0x0;
	[sflag:s0] =	ssyncadd.s32 $0xFFFFDFE0  }
0x193: {  	v0 =	vld.msk [tilespmem:s29+$0xE418], $0x1;
	_ =	sdelay $0x1  }
0x194: {  	s30 =	simm.s32 $0x1  }
0x195: {  	v1 =	vld.msk [tilespmem:s30+$0xE418], $0x1;
	_ =	sdelay $0x1  }
0x196: {  	(v2sf) =	vpush v0, $0x0;
	_ =	sdelay $0x2  }
0x197: {  	(v2sf) =	vpush v1, $0x0;
	_ =	sdelay $0x2  }
0x198: {  	s31 =	simm.s32 $0x2  }
0x199: {  	v0 =	vld.msk [tilespmem:s31+$0xE418], $0x1;
	_ =	sdelay $0x2  }
0x19a: {  	s2 =	simm.s32 $0xFFFFFFFF;
	s3 =	simm.s32 $0xFFFFFFFF;
	s0 =	simm.s32 $0xC  }
.LBB2_30:
0x19b: {  	s4 =	smov.u32 s3;
	s5 =	smov.u32 s2  }
0x19c: {  	s2 =	sshra.s32 s0, $0x2;
	p1 =	sne.s32 s0, $0x7C;
	s0 =	sadd.s32 $0x4, s0;
	(v2sf) =	vpush v0, $0x0  }
0x19d: {  	v0 =	vld.msk [tilespmem:s2+$0xE418], $0x1  }
.Ltmp24:
0x19e: {  	(pc) =	sbr.rel @p1 .LBB2_30-.Ltmp24, $4  }
0x19f: {  	s3 =	spop (v2sf)  }
0x1a0: {  	p2 =	sne.s32 s5, $0xFFFFFFFF;
	s2 =	smov.u32 s3  }
0x1a1: {  	p3 =	seq.s32 s3, $0xFFFFFFFF;
	s2 =	smov.u32 @p2 s5  }
0x1a2: {  	s3 =	smov.u32 @p3 s4;
	s2 =	smov.u32 @p3 s5  }
0x1a3: {  	(v2sf) =	vpush v0, $0x0;
	_ =	sdelay $0x8  }
0x1a4: {  	s0 =	spop (v2sf)  }
0x1a5: {  	p1 =	sne.s32 s2, $0xFFFFFFFF;
	s9 =	simm.s32 $0x6;
	s4 =	smov.u32 s0  }
0x1a6: {  	s6 =	simm.s32 $0x0;
	p2 =	seq.s32 s0, $0xFFFFFFFF;
	s4 =	smov.u32 @p1 s2  }
0x1a7: {  	s10 =	simm.s32 $0xE308;
	s4 =	smov.u32 @p2 s2;
	s2 =	spop (v2sf)  }
0x1a8: {  	s0 =	smov.u32 @p2 s3;
	p1 =	sne.s32 s4, $0xFFFFFFFF;
	s5 =	smov.u32 s2  }
.Ltmp25:
0x1a9: {  	p2 =	seq.s32 s2, $0xFFFFFFFF;
	s5 =	smov.u32 @p1 s4;
	(pc) =	sbr.rel .LBB2_32-.Ltmp25, $4  }
0x1aa: {  	s11 =	simm.s32 $0xE388;
	s5 =	smov.u32 @p2 s4;
	s7 =	spop (v2sf)  }
0x1ab: {  	s12 =	simm.s32 $0x0;
	p1 =	sne.s32 s5, $0xFFFFFFFF;
	s8 =	smov.u32 s7  }
0x1ac: {  	s2 =	smov.u32 @p2 s0;
	p2 =	seq.s32 s7, $0xFFFFFFFF;
	s8 =	smov.u32 @p1 s5  }
0x1ad: {  	[sflag:s9] =	ssyncpa.u1 $0x0;
	s7 =	smov.u32 @p2 s2;
	s8 =	smov.u32 @p2 s5  }
.LBB2_38:
0x1ae: {  	p1 =	sgt.u32 s0, $0x25370  }
0x1af: {  	p2 =	seq.s32 @!p1 s0, s8  }
0x1b0: {  	p1 =	por p1, p2  }
0x1b1: {  	p2 =	sne.s32 @!p1 s0, s7  }
0x1b2: {  	p1 =	por p1, !p2  }
0x1b3: {  	s0 =	sshll.u32 @p1 s12, $0xA  }
0x1b4: {  	s2 =	sand.u32 @!p1 $0x3FFF8, s0;
	s3 =	sand.u32 @!p1 $0x7, s0;
	s0 =	sadd.s32 @!p1 $0x80, s0  }
0x1b5: {  	s2 =	sadd.s32 @!p1 s1, s2;
	s0 =	sand.u32 @!p1 $0x7FFF8, s0  }
0x1b6: {  	[tilespmem:s10], [sflag:$0x6] =	stream.linear.gather @!p1 [hbm4b:s2+s3], $0x80, $0x38;
	[tilespmem:$0x1E678] =	vst v63  }
0x1b7: {  	s0 =	sadd.s32 @!p1 s1, s0  }
0x1b8: {  	[tilespmem:s11], [sflag:$0x6] =	stream.linear.gather @!p1 [hbm4b:s0+s3], $0x80, $0x38;
	[tilespmem:$0x1E678] =	vst v63  }
0x1b9: {  	_ =	swait.ge @!p1 [sflag:s9], $0x100  }
0x1ba: {  	[sflag:s9] =	ssyncset.done @!p1 $0x0  }
0x1bb: {  	[sflag:s9] =	ssyncadd.s32 @!p1 $0xFFFFFF00  }
0x1bc: {  	v1 =	vld @!p1 [tilespmem:$0xE308];
	_ =	sdelay $0x2  }
0x1bd: {  	s0 =	sshll.u32 @!p1 s12, $0xA  }
0x1be: {  	s2 =	sshrl.u32 @!p1 s0, $0x2  }
0x1bf: {  	[tilespmem:s2+$0xE438] =	vst.add.f32.msk @!p1 $0xffff, v1  }
0x1c0: {  	v1 =	vld @!p1 [tilespmem:$0xE318];
	_ =	sdelay $0x4  }
0x1c1: {  	[tilespmem:s2+$0xE448] =	vst.add.f32.msk @!p1 $0xffff, v1  }
0x1c2: {  	v1 =	vld @!p1 [tilespmem:$0xE328];
	_ =	sdelay $0x4  }
0x1c3: {  	[tilespmem:s2+$0xE458] =	vst.add.f32.msk @!p1 $0xffff, v1  }
0x1c4: {  	v1 =	vld @!p1 [tilespmem:$0xE338];
	_ =	sdelay $0x4  }
0x1c5: {  	[tilespmem:s2+$0xE468] =	vst.add.f32.msk @!p1 $0xffff, v1  }
0x1c6: {  	v1 =	vld @!p1 [tilespmem:$0xE348];
	_ =	sdelay $0x4  }
0x1c7: {  	[tilespmem:s2+$0xE478] =	vst.add.f32.msk @!p1 $0xffff, v1  }
0x1c8: {  	v1 =	vld @!p1 [tilespmem:$0xE358];
	_ =	sdelay $0x4  }
0x1c9: {  	[tilespmem:s2+$0xE488] =	vst.add.f32.msk @!p1 $0xffff, v1  }
0x1ca: {  	v1 =	vld @!p1 [tilespmem:$0xE368];
	_ =	sdelay $0x4  }
0x1cb: {  	[tilespmem:s2+$0xE498] =	vst.add.f32.msk @!p1 $0xffff, v1  }
0x1cc: {  	v1 =	vld @!p1 [tilespmem:$0xE378];
	_ =	sdelay $0x4  }
0x1cd: {  	[tilespmem:s2+$0xE4A8] =	vst.add.f32.msk @!p1 $0xffff, v1  }
0x1ce: {  	v1 =	vld @!p1 [tilespmem:$0xE388];
	_ =	sdelay $0x4  }
0x1cf: {  	[tilespmem:s2+$0xE4B8] =	vst.add.f32.msk @!p1 $0xffff, v1  }
0x1d0: {  	v1 =	vld @!p1 [tilespmem:$0xE398];
	_ =	sdelay $0x4  }
0x1d1: {  	[tilespmem:s2+$0xE4C8] =	vst.add.f32.msk @!p1 $0xffff, v1  }
0x1d2: {  	v1 =	vld @!p1 [tilespmem:$0xE3A8];
	_ =	sdelay $0x4  }
0x1d3: {  	[tilespmem:s2+$0xE4D8] =	vst.add.f32.msk @!p1 $0xffff, v1  }
0x1d4: {  	v1 =	vld @!p1 [tilespmem:$0xE3B8];
	_ =	sdelay $0x4  }
0x1d5: {  	[tilespmem:s2+$0xE4E8] =	vst.add.f32.msk @!p1 $0xffff, v1  }
0x1d6: {  	v1 =	vld @!p1 [tilespmem:$0xE3C8];
	_ =	sdelay $0x4  }
0x1d7: {  	[tilespmem:s2+$0xE4F8] =	vst.add.f32.msk @!p1 $0xffff, v1  }
0x1d8: {  	v1 =	vld @!p1 [tilespmem:$0xE3D8];
	_ =	sdelay $0x4  }
0x1d9: {  	[tilespmem:s2+$0xE508] =	vst.add.f32.msk @!p1 $0xffff, v1  }
0x1da: {  	v1 =	vld @!p1 [tilespmem:$0xE3E8];
	_ =	sdelay $0x4  }
0x1db: {  	[tilespmem:s2+$0xE518] =	vst.add.f32.msk @!p1 $0xffff, v1  }
0x1dc: {  	v1 =	vld @!p1 [tilespmem:$0xE3F8];
	_ =	sdelay $0x4  }
0x1dd: {  	[tilespmem:s2+$0xE528] =	vst.add.f32.msk @!p1 $0xffff, v1  }
0x1de: {  	s0 =	sshrl.u32 s0, $0x2;
	[tilespmem:s6+$0xE418] =	vst.msk $0x1, v0  }
0x1df: {  	v0 =	vld [tilespmem:s0+$0xE438];
	_ =	sdelay $0x2  }
0x1e0: {  	s31 =	sshll.u32 s6, $0xA  }
0x1e1: {  	s2 =	sshra.s32 s31, $0x2  }
0x1e2: {  	[tilespmem:s2+$0xE438] =	vst v0  }
0x1e3: {  	v0 =	vld [tilespmem:s0+$0xE448];
	_ =	sdelay $0x4  }
0x1e4: {  	[tilespmem:s2+$0xE448] =	vst v0  }
0x1e5: {  	v0 =	vld [tilespmem:s0+$0xE458];
	_ =	sdelay $0x4  }
0x1e6: {  	[tilespmem:s2+$0xE458] =	vst v0  }
0x1e7: {  	v0 =	vld [tilespmem:s0+$0xE468];
	_ =	sdelay $0x4  }
0x1e8: {  	[tilespmem:s2+$0xE468] =	vst v0  }
0x1e9: {  	v0 =	vld [tilespmem:s0+$0xE478];
	_ =	sdelay $0x4  }
0x1ea: {  	[tilespmem:s2+$0xE478] =	vst v0  }
0x1eb: {  	v0 =	vld [tilespmem:s0+$0xE488];
	_ =	sdelay $0x4  }
0x1ec: {  	[tilespmem:s2+$0xE488] =	vst v0  }
0x1ed: {  	v0 =	vld [tilespmem:s0+$0xE498];
	_ =	sdelay $0x4  }
0x1ee: {  	[tilespmem:s2+$0xE498] =	vst v0  }
0x1ef: {  	v0 =	vld [tilespmem:s0+$0xE4A8];
	_ =	sdelay $0x4  }
0x1f0: {  	[tilespmem:s2+$0xE4A8] =	vst v0  }
0x1f1: {  	v0 =	vld [tilespmem:s0+$0xE4B8];
	_ =	sdelay $0x4  }
0x1f2: {  	[tilespmem:s2+$0xE4B8] =	vst v0  }
0x1f3: {  	v0 =	vld [tilespmem:s0+$0xE4C8];
	_ =	sdelay $0x4  }
0x1f4: {  	[tilespmem:s2+$0xE4C8] =	vst v0  }
0x1f5: {  	v0 =	vld [tilespmem:s0+$0xE4D8];
	_ =	sdelay $0x4  }
0x1f6: {  	[tilespmem:s2+$0xE4D8] =	vst v0  }
0x1f7: {  	v0 =	vld [tilespmem:s0+$0xE4E8];
	_ =	sdelay $0x4  }
0x1f8: {  	[tilespmem:s2+$0xE4E8] =	vst v0  }
0x1f9: {  	v0 =	vld [tilespmem:s0+$0xE4F8];
	_ =	sdelay $0x4  }
0x1fa: {  	[tilespmem:s2+$0xE4F8] =	vst v0  }
0x1fb: {  	v0 =	vld [tilespmem:s0+$0xE508];
	_ =	sdelay $0x4  }
0x1fc: {  	[tilespmem:s2+$0xE508] =	vst v0  }
0x1fd: {  	v0 =	vld [tilespmem:s0+$0xE518];
	_ =	sdelay $0x4  }
0x1fe: {  	[tilespmem:s2+$0xE518] =	vst v0  }
0x1ff: {  	v0 =	vld [tilespmem:s0+$0xE528];
	_ =	sdelay $0x4  }
0x200: {  	s6 =	sadd.s32 $0x1, s6;
	[tilespmem:s2+$0xE528] =	vst v0  }
.LBB2_39:
0x201: {  	s12 =	sadd.s32 $0x1, s12  }
0x202: {  	p1 =	sne.s32 s12, $0x20  }
.Ltmp26:
0x203: {  	_ = 	snop;
	(pc) =	sbr.rel @!p1 .LBB2_40-.Ltmp26, $1  }
0x204: {  	_ =	sdelay $0x3  }
.LBB2_32:
0x205: {  	v0 =	vld.msk [tilespmem:s12+$0xE418], $0x1;
	_ =	sdelay $0x4  }
0x206: {  	(v2sf) =	vpush v0, $0x0;
	_ =	sdelay $0xe  }
0x207: {  	s0 =	spop (v2sf)  }
0x208: {  	p1 =	seq.s32 s0, $0xFFFFFFFF  }
.Ltmp27:
0x209: {  	_ = 	snop;
	(pc) =	sbr.rel @p1 .LBB2_39-.Ltmp27, $1  }
0x20a: {  	_ =	sdelay $0x3  }
0x20b: {  	p1 =	slt.s32 s6, $0x1  }
.Ltmp28:
0x20c: {  	_ = 	snop;
	(pc) =	sbr.rel @p1 .LBB2_38-.Ltmp28, $1  }
0x20d: {  	_ =	sdelay $0x3  }
0x20e: {  	s4 =	simm.s32 $0xE418;
	p1 =	por $0x0, $0x0  }
0x20f: {  	v1 =	vld.msk @!p1 [tilespmem:s4+$0x0], $0x1;
	_ =	sdelay $0x4  }
0x210: {  	(v2sf) =	vpush @!p1 v1, $0x0;
	_ =	sdelay $0xd  }
0x211: {  	p3 =	sne.s32 s6, $0x1  }
.Ltmp29:
0x212: {  	s2 =	spop @!p1 (v2sf);
	(pc) =	sbr.rel @!p3 .LBB2_36-.Ltmp29, $4  }
0x213: {  	p2 =	seq.s32 @!p1 s0, s2  }
0x214: {  	s5 =	simm.s32 $0x0;
	p2 =	por !p2, p1  }
0x215: {  	s2 =	simm.s32 $0xFFFFFFFF;
	s5 =	simm.s32 @p2 $0xFFFFFFFF  }
0x216: {  	s13 =	simm.s32 $0x1;
	s5 =	smov.u32 @p1 s2  }
.LBB2_35:
0x217: {  	s2 =	smov.u32 s5;
	p1 =	sne.s32 s5, $0xFFFFFFFF  }
0x218: {  	s4 =	sadd.s32 $0x1, s4;
	s5 =	smov.u32 s13;
	s13 =	sadd.s32 $0x1, s13  }
0x219: {  	p2 =	sne.s32 s6, s13;
	v1 =	vld.msk @!p1 [tilespmem:s4+$0x0], $0x1;
	_ =	sdelay $0x4  }
0x21a: {  	(v2sf) =	vpush @!p1 v1, $0x0;
	_ =	sdelay $0xe  }
.Ltmp30:
0x21b: {  	s3 =	spop @!p1 (v2sf);
	(pc) =	sbr.rel @p2 .LBB2_35-.Ltmp30, $4  }
0x21c: {  	p3 =	seq.s32 @!p1 s0, s3  }
0x21d: {  	p3 =	por !p3, p1  }
0x21e: {  	s5 =	simm.s32 @p3 $0xFFFFFFFF  }
0x21f: {  	s5 =	smov.u32 @p1 s2  }
.LBB2_36:
0x220: {  	p1 =	seq.s32 s5, $0xFFFFFFFF  }
.Ltmp31:
0x221: {  	_ = 	snop;
	(pc) =	sbr.rel @p1 .LBB2_38-.Ltmp31, $1  }
0x222: {  	_ =	sdelay $0x3  }
0x223: {  	s0 =	sshll.u32 s12, $0x8  }
0x224: {  	s0 =	sand.u32 $0x3FFFFF00, s0  }
0x225: {  	v0 =	vld [tilespmem:s0+$0xE438];
	_ =	sdelay $0x2  }
0x226: {  	s2 =	sshll.u32 s5, $0xA  }
0x227: {  	s2 =	sshra.s32 s2, $0x2  }
0x228: {  	[tilespmem:s2+$0xE438] =	vst.add.f32.msk $0xffff, v0  }
0x229: {  	v0 =	vld [tilespmem:s0+$0xE448];
	_ =	sdelay $0x4  }
0x22a: {  	[tilespmem:s2+$0xE448] =	vst.add.f32.msk $0xffff, v0  }
0x22b: {  	v0 =	vld [tilespmem:s0+$0xE458];
	_ =	sdelay $0x4  }
0x22c: {  	[tilespmem:s2+$0xE458] =	vst.add.f32.msk $0xffff, v0  }
0x22d: {  	v0 =	vld [tilespmem:s0+$0xE468];
	_ =	sdelay $0x4  }
0x22e: {  	[tilespmem:s2+$0xE468] =	vst.add.f32.msk $0xffff, v0  }
0x22f: {  	v0 =	vld [tilespmem:s0+$0xE478];
	_ =	sdelay $0x4  }
0x230: {  	[tilespmem:s2+$0xE478] =	vst.add.f32.msk $0xffff, v0  }
0x231: {  	v0 =	vld [tilespmem:s0+$0xE488];
	_ =	sdelay $0x4  }
0x232: {  	[tilespmem:s2+$0xE488] =	vst.add.f32.msk $0xffff, v0  }
0x233: {  	v0 =	vld [tilespmem:s0+$0xE498];
	_ =	sdelay $0x4  }
0x234: {  	[tilespmem:s2+$0xE498] =	vst.add.f32.msk $0xffff, v0  }
0x235: {  	v0 =	vld [tilespmem:s0+$0xE4A8];
	_ =	sdelay $0x4  }
0x236: {  	[tilespmem:s2+$0xE4A8] =	vst.add.f32.msk $0xffff, v0  }
0x237: {  	v0 =	vld [tilespmem:s0+$0xE4B8];
	_ =	sdelay $0x4  }
0x238: {  	[tilespmem:s2+$0xE4B8] =	vst.add.f32.msk $0xffff, v0  }
0x239: {  	v0 =	vld [tilespmem:s0+$0xE4C8];
	_ =	sdelay $0x4  }
0x23a: {  	[tilespmem:s2+$0xE4C8] =	vst.add.f32.msk $0xffff, v0  }
0x23b: {  	v0 =	vld [tilespmem:s0+$0xE4D8];
	_ =	sdelay $0x4  }
0x23c: {  	[tilespmem:s2+$0xE4D8] =	vst.add.f32.msk $0xffff, v0  }
0x23d: {  	v0 =	vld [tilespmem:s0+$0xE4E8];
	_ =	sdelay $0x4  }
0x23e: {  	[tilespmem:s2+$0xE4E8] =	vst.add.f32.msk $0xffff, v0  }
0x23f: {  	v0 =	vld [tilespmem:s0+$0xE4F8];
	_ =	sdelay $0x4  }
0x240: {  	[tilespmem:s2+$0xE4F8] =	vst.add.f32.msk $0xffff, v0  }
0x241: {  	v0 =	vld [tilespmem:s0+$0xE508];
	_ =	sdelay $0x4  }
0x242: {  	[tilespmem:s2+$0xE508] =	vst.add.f32.msk $0xffff, v0  }
0x243: {  	v0 =	vld [tilespmem:s0+$0xE518];
	_ =	sdelay $0x4  }
0x244: {  	[tilespmem:s2+$0xE518] =	vst.add.f32.msk $0xffff, v0  }
0x245: {  	v0 =	vld [tilespmem:s0+$0xE528]  }
.Ltmp32:
0x246: {  	_ = 	snop;
	(pc) =	sbr.rel .LBB2_39-.Ltmp32, $2  }
0x247: {  	_ =	sdelay $0x2  }
0x248: {  	[tilespmem:s2+$0xE528] =	vst.add.f32.msk $0xffff, v0  }
.LBB2_40:
0x249: {  	s0 =	simm.s32 $0x6;
	p1 =	seq.s32 s6, $0x0  }
0x24a: {  	[sflag:s0] =	ssyncpa.u1 $0x1;
	v0 =	vimm.s32 @p1 $0xFFFFFFFF  }
0x24b: {  	s0 =	sadd.s32 $0xFFFFFFFF, s6;
	[tilespmem:$0x10438] =	vst @p1 v0  }
0x24c: {  	v0 =	vld.msk @!p1 [tilespmem:s0+$0xE418], $0x1;
	_ =	sdelay $0x1  }
0x24d: {  	v1 =	vld.msk @!p1 [tilespmem:$0xE418], $0x1;
	_ =	sdelay $0x2  }
0x24e: {  	p2 =	seq.s32 @!p1 s0, $0x0;
	v0 =	vbroadcast @!p1 v0, $0x0  }
0x24f: {  	vm0 =	vmmov @!p1 $0x1;
	p2 =	por !p2, p1  }
0x250: {  	v1 =	vnsel @!p1 vm0, $0xFFFFFFFF, v1;
	vm0 =	vcmask @!p1 $0x308;
	v0 =	vpsel !p2, $0xFFFFFFFF, v0  }
0x251: {  	p2 =	sne.s32 @!p1 s8, s7;
	v0 =	vsel @!p1 vm0, v1, v0  }
0x252: {  	s2 =	simm.s32 @!p1 $0xE438;
	s3 =	simm.s32 @!p1 $0x0;
	p3 =	por !p2, p1;
	[tilespmem:$0x10438] =	vst @!p1 v0  }
0x253: {  	[spmem:s3] =	stream.linear.scatter @!p1 [tilespmem:s2], [sflag:$0x1], $0x100, $0x38;
	[tilespmem:$0x1E678] =	vst v63  }
0x254: {  	s2 =	sshll.u32 @!p3 s0, $0xA  }
0x255: {  	s2 =	sshra.s32 @!p3 s2, $0x2  }
0x256: {  	s3 =	simm.s32 @!p3 $0x100;
	s2 =	sadd.s32 @!p3 $0xE438, s2  }
0x257: {  	[spmem:s3] =	stream.linear.scatter @!p3 [tilespmem:s2], [sflag:$0x1], $0x100, $0x38;
	[tilespmem:$0x1E678] =	vst v63  }
0x258: {  	s2 =	simm.s32 @!p3 $0x1  }
0x259: {  	_ =	swait.ge @!p3 [sflag:s2], $0x200  }
0x25a: {  	p1 =	por p2, p1;
	[sflag:s2] =	ssyncset.done @!p3 $0x0  }
0x25b: {  	[sflag:s2] =	ssyncadd.s32 @!p3 $0xFFFFFE00;
	s2 =	simm.s32 @!p1 $0x1  }
0x25c: {  	_ =	swait.ge @!p1 [sflag:s2], $0x100  }
0x25d: {  	s29 =	simm.s32 $0x10438;
	[sflag:s2] =	ssyncset.done @!p1 $0x0  }
0x25e: {  	s30 =	simm.s32 $0x2000;
	s31 =	simm.s32 $0x1;
	[sflag:s2] =	ssyncadd.s32 @!p1 $0xFFFFFF00  }
0x25f: {  	[spmem:s30] =	stream.linear.scatter [tilespmem:s29], [sflag:$0x1], $0x10, $0x38;
	[tilespmem:$0x1E678] =	vst v63  }
0x260: {  	_ =	swait.ge [sflag:s31], $0x10  }
0x261: {  	[sflag:s31] =	ssyncset.done $0x0  }
0x262: {  	p1 =	seq.s32 s14, $0x0;
	s9 =	rddreg [dreg:$0x2];
	[sflag:s31] =	ssyncadd.s32 $0xFFFFFFF0  }
0x263: {  	s3 =	sshll.u32 @p1 s9, $0xE;
	s8 =	rddreg [dreg:$0x3]  }
0x264: {  	s2 =	sadd.s32 @p1 $0x15C3C, s3;
	s3 =	sshll.u32 @p1 s8, $0x11  }
0x265: {  	_ =	sfence.stream.spmem;
	s2 =	sor.u32 @p1 s3, s2  }
0x266: {  	[sflag:s2] =	ssyncadd.remote.s32 @p1 $0x1;
	s2 =	simm.s32 @p1 $0x4  }
0x267: {  	s4 =	simm.s32 @!p1 $0x3C;
	s3 =	sand.u32 $0xFFFFFFFE, s9;
	_ =	swait.ge @p1 [sflag:s2], $0x42  }
0x268: {  	s5 =	simm.s32 @!p1 $0x0;
	s3 =	sadd.s32 @!p1 $0x4, s3;
	[sflag:s2] =	ssyncset.done @p1 $0x0  }
0x269: {  	s7 =	simm.s32 @!p1 $0x200;
	[sflag:s2] =	ssyncadd.s32 @p1 $0xFFFFFFBE;
	s2 =	sshll.u32 @!p1 s3, $0x1A  }
0x26a: {  	s3 =	sshll.u32 @!p1 s3, $0xD;
	s2 =	sor.u32 @!p1 s2, s8;
	_ =	swait.eq @!p1 [sflag:s4], $0x1  }
0x26b: {  	s3 =	sor.u32 @!p1 $0x1C04, s3;
	s4 =	simm.s32 @!p1 $0x1C03;
	s2 =	sor.u32 @!p1 $0x80004000, s2  }
0x26c: {  	[spmem:s7], [sflag:s3] =	dma.general @!p1 [spmem:s5], [sflag:s4], length:$0x40, [dreg:$0x0], stride_count:$0x0, ici_dest:s2, dma_misc:DstOpCode:WRITE  }
0x26d: {  	p2 =	slt.s32 s0, $0x2;
	s5 =	simm.s32 @!p1 $0x400;
	s7 =	simm.s32 @!p1 $0x402  }
0x26e: {  	[spmem:s7], [sflag:s3] =	dma.general @!p1 [spmem:s5], [sflag:s4], length:$0x2, [dreg:$0x0], stride_count:$0x0, ici_dest:s2, dma_misc:DstOpCode:WRITE  }
.Ltmp33:
0x26f: {  	s2 =	simm.s32 @!p1 $0x3;
	(pc) =	sbr.rel @p2 .LBB2_44-.Ltmp33, $4  }
0x270: {  	s3 =	sshll.u32 @!p1 s9, $0xE;
	_ =	swait.ge @!p1 [sflag:s2], $0x42  }
0x271: {  	s4 =	sshll.u32 @!p1 s8, $0x11;
	s3 =	sadd.s32 @!p1 $0x11C3C, s3;
	[sflag:s2] =	ssyncset.done @!p1 $0x0  }
0x272: {  	[sflag:s2] =	ssyncadd.s32 @!p1 $0xFFFFFFBE;
	s2 =	sor.u32 @!p1 s4, s3  }
0x273: {  	s0 =	simm.s32 $0x0;
	[sflag:s2] =	ssyncadd.remote.s32 @!p1 $0xFFFFFFFF  }
0x274: {  	s0 =	simm.s32 $0xE419  }
0x275: {  	v0 =	vld.msk [tilespmem:s0+$0x0], $0x1;
	_ =	sdelay $0x4  }
0x276: {  	(v2sf) =	vpush v0, $0x0;
	_ =	sdelay $0xd  }
0x277: {  	s31 =	sadd.s32 $0xFFFFFFFE, s6  }
0x278: {  	s6 =	simm.s32 $0x0;
	s0 =	sadd.s32 $0xFFFFFFFF, s31;
	s2 =	spop (v2sf)  }
0x279: {  	s3 =	simm.s32 $0xE538;
	p1 =	sne.s32 s0, $0x0;
	p2 =	sgt.u32 s2, $0x25370  }
.Ltmp34:
0x27a: {  	s4 =	simm.s32 $0xE638;
	s5 =	sand.u32 @!p2 $0x3FFF8, s2;
	(pc) =	sbr.rel @!p1 .LBB2_43-.Ltmp34, $4  }
0x27b: {  	s7 =	sadd.s32 @!p2 $0x80, s2;
	s2 =	sand.u32 @!p2 $0x7, s2;
	s6 =	simm.s32 @!p2 $0x400  }
0x27c: {  	s5 =	sadd.s32 @!p2 s1, s5;
	s7 =	sand.u32 @!p2 $0x7FFF8, s7;
	s6 =	sadd.s32 $0x0, s6  }
0x27d: {  	[hbm4b:s5+s2] =	stream.linear.scatter @!p2 [tilespmem:s3], [sflag:$0x5], $0x80, $0x38;
	[tilespmem:$0x1E678] =	vst v63  }
0x27e: {  	s5 =	simm.s32 $0xE41A;
	s3 =	simm.s32 @!p2 $0xE5B8;
	s7 =	sadd.s32 @!p2 s1, s7  }
.LBB2_42:
0x27f: {  	[hbm4b:s7+s2] =	stream.linear.scatter @!p2 [tilespmem:s3], [sflag:$0x5], $0x80, $0x38;
	[tilespmem:$0x1E678] =	vst v63  }
0x280: {  	s0 =	sadd.s32 $0xFFFFFFFF, s0;
	s3 =	smov.u32 s4;
	v0 =	vld.msk [tilespmem:s5+$0x0], $0x1  }
0x281: {  	p1 =	sne.s32 s0, $0x0;
	_ =	sdelay $0x3  }
0x282: {  	(v2sf) =	vpush v0, $0x0;
	_ =	sdelay $0xe  }
0x283: {  	s4 =	sadd.s32 $0x100, s4;
	s8 =	simm.s32 $0x0;
	s2 =	spop (v2sf)  }
.Ltmp35:
0x284: {  	s5 =	sadd.s32 $0x1, s5;
	p2 =	sgt.u32 s2, $0x25370;
	(pc) =	sbr.rel @p1 .LBB2_42-.Ltmp35, $4  }
0x285: {  	s8 =	simm.s32 @!p2 $0x400;
	s7 =	sand.u32 @!p2 $0x3FFF8, s2;
	s9 =	sadd.s32 @!p2 $0x80, s2  }
0x286: {  	s2 =	sand.u32 @!p2 $0x7, s2;
	s7 =	sadd.s32 @!p2 s1, s7;
	s9 =	sand.u32 @!p2 $0x7FFF8, s9  }
0x287: {  	[hbm4b:s7+s2] =	stream.linear.scatter @!p2 [tilespmem:s3], [sflag:$0x5], $0x80, $0x38;
	[tilespmem:$0x1E678] =	vst v63  }
0x288: {  	s6 =	sadd.s32 s6, s8;
	s3 =	sadd.s32 @!p2 $0x80, s3;
	s7 =	sadd.s32 @!p2 s1, s9  }
.LBB2_43:
0x289: {  	[hbm4b:s7+s2] =	stream.linear.scatter @!p2 [tilespmem:s3], [sflag:$0x5], $0x80, $0x38;
	[tilespmem:$0x1E678] =	vst v63  }
0x28a: {  	s0 =	sshrl.u32 s6, $0x2  }
.LBB2_44:
0x28b: {  	s2 =	simm.s32 $0x5  }
0x28c: {  	_ =	swait.ge [sflag:s2], s0  }
0x28d: {  	s31 =	ssub.s32 $0x0, s0;
	[sflag:s2] =	ssyncset.done $0x0  }
0x28e: {  	[sflag:s2] =	ssyncadd.s32 s31  }
0x28f: {  	[sflag:s2] =	ssyncpa.u1 $0x1  }
.LBB2_45:
0x290: {  	s0 =	sor.u32 s14, s15  }
0x291: {  	p1 =	sne.s32 s0, $0x0  }
.Ltmp36:
0x292: {  	_ = 	snop;
	(pc) =	sbr.rel @p1 .LBB2_60-.Ltmp36, $3  }
0x293: {  	_ =	sdelay $0x1  }
0x294: {  	[bflag:$0x0] =	sbarrier.arrive $0xFFFF  }
0x295: {  	_ =	sfence  }
0x296: {  	s0 =	simm.s32 $0x7  }
0x297: {  	s2 =	simm.s32 $0x2000;
	s3 =	simm.s32 $0xE418;
	[sflag:s0] =	ssyncpa.u1 $0x0  }
0x298: {  	[tilespmem:s3], [sflag:$0x7] =	stream.linear.gather [spmem:s2], $0x20, $0x38;
	[tilespmem:$0x1E678] =	vst v63  }
0x299: {  	s30 =	simm.s32 $0xE438;
	s2 =	simm.s32 $0x0  }
0x29a: {  	[tilespmem:s30], [sflag:$0x7] =	stream.linear.gather [spmem:s2], $0x2000, $0x38;
	[tilespmem:$0x1E678] =	vst v63  }
.Ltmp37:
0x29b: {  	_ = 	snop;
	(pc) =	sbr.rel .LBB2_47-.Ltmp37, $4  }
0x29c: {  	_ =	swait.ge [sflag:s0], $0x2020  }
0x29d: {  	[sflag:s0] =	ssyncset.done $0x0  }
0x29e: {  	s31 =	simm.s32 $0x8;
	[sflag:s0] =	ssyncadd.s32 $0xFFFFDFE0  }
0x29f: {  	s3 =	simm.s32 $0x0;
	[sflag:s31] =	ssyncpa.u1 $0x0  }
.LBB2_53:
0x2a0: {  	p1 =	slt.u32 s0, $0x25371  }
0x2a1: {  	s4 =	sand.u32 @p1 $0x3FFF8, s0;
	s5 =	sand.u32 @p1 $0x7, s0;
	s0 =	sadd.s32 @p1 $0x80, s0  }
0x2a2: {  	s6 =	simm.s32 @p1 $0xE308;
	s4 =	sadd.s32 @p1 s1, s4;
	s0 =	sand.u32 @p1 $0x7FFF8, s0  }
0x2a3: {  	[tilespmem:s6], [sflag:$0x8] =	stream.linear.gather @p1 [hbm4b:s4+s5], $0x80, $0x38;
	[tilespmem:$0x1E678] =	vst v63  }
0x2a4: {  	s0 =	sadd.s32 @p1 s1, s0;
	s4 =	simm.s32 @p1 $0xE388  }
0x2a5: {  	[tilespmem:s4], [sflag:$0x8] =	stream.linear.gather @p1 [hbm4b:s0+s5], $0x80, $0x38;
	[tilespmem:$0x1E678] =	vst v63  }
0x2a6: {  	s0 =	simm.s32 @p1 $0x8  }
0x2a7: {  	_ =	swait.ge @p1 [sflag:s0], $0x100  }
0x2a8: {  	[sflag:s0] =	ssyncset.done @p1 $0x0  }
0x2a9: {  	[sflag:s0] =	ssyncadd.s32 @p1 $0xFFFFFF00  }
0x2aa: {  	v1 =	vld @p1 [tilespmem:$0xE308];
	_ =	sdelay $0x2  }
0x2ab: {  	s0 =	sshll.u32 @p1 s3, $0xA  }
0x2ac: {  	s4 =	sshrl.u32 @p1 s0, $0x2  }
0x2ad: {  	[tilespmem:s4+$0xE438] =	vst.add.f32.msk @p1 $0xffff, v1  }
0x2ae: {  	v1 =	vld @p1 [tilespmem:$0xE318];
	_ =	sdelay $0x4  }
0x2af: {  	[tilespmem:s4+$0xE448] =	vst.add.f32.msk @p1 $0xffff, v1  }
0x2b0: {  	v1 =	vld @p1 [tilespmem:$0xE328];
	_ =	sdelay $0x4  }
0x2b1: {  	[tilespmem:s4+$0xE458] =	vst.add.f32.msk @p1 $0xffff, v1  }
0x2b2: {  	v1 =	vld @p1 [tilespmem:$0xE338];
	_ =	sdelay $0x4  }
0x2b3: {  	[tilespmem:s4+$0xE468] =	vst.add.f32.msk @p1 $0xffff, v1  }
0x2b4: {  	v1 =	vld @p1 [tilespmem:$0xE348];
	_ =	sdelay $0x4  }
0x2b5: {  	[tilespmem:s4+$0xE478] =	vst.add.f32.msk @p1 $0xffff, v1  }
0x2b6: {  	v1 =	vld @p1 [tilespmem:$0xE358];
	_ =	sdelay $0x4  }
0x2b7: {  	[tilespmem:s4+$0xE488] =	vst.add.f32.msk @p1 $0xffff, v1  }
0x2b8: {  	v1 =	vld @p1 [tilespmem:$0xE368];
	_ =	sdelay $0x4  }
0x2b9: {  	[tilespmem:s4+$0xE498] =	vst.add.f32.msk @p1 $0xffff, v1  }
0x2ba: {  	v1 =	vld @p1 [tilespmem:$0xE378];
	_ =	sdelay $0x4  }
0x2bb: {  	[tilespmem:s4+$0xE4A8] =	vst.add.f32.msk @p1 $0xffff, v1  }
0x2bc: {  	v1 =	vld @p1 [tilespmem:$0xE388];
	_ =	sdelay $0x4  }
0x2bd: {  	[tilespmem:s4+$0xE4B8] =	vst.add.f32.msk @p1 $0xffff, v1  }
0x2be: {  	v1 =	vld @p1 [tilespmem:$0xE398];
	_ =	sdelay $0x4  }
0x2bf: {  	[tilespmem:s4+$0xE4C8] =	vst.add.f32.msk @p1 $0xffff, v1  }
0x2c0: {  	v1 =	vld @p1 [tilespmem:$0xE3A8];
	_ =	sdelay $0x4  }
0x2c1: {  	[tilespmem:s4+$0xE4D8] =	vst.add.f32.msk @p1 $0xffff, v1  }
0x2c2: {  	v1 =	vld @p1 [tilespmem:$0xE3B8];
	_ =	sdelay $0x4  }
0x2c3: {  	[tilespmem:s4+$0xE4E8] =	vst.add.f32.msk @p1 $0xffff, v1  }
0x2c4: {  	v1 =	vld @p1 [tilespmem:$0xE3C8];
	_ =	sdelay $0x4  }
0x2c5: {  	[tilespmem:s4+$0xE4F8] =	vst.add.f32.msk @p1 $0xffff, v1  }
0x2c6: {  	v1 =	vld @p1 [tilespmem:$0xE3D8];
	_ =	sdelay $0x4  }
0x2c7: {  	[tilespmem:s4+$0xE508] =	vst.add.f32.msk @p1 $0xffff, v1  }
0x2c8: {  	v1 =	vld @p1 [tilespmem:$0xE3E8];
	_ =	sdelay $0x4  }
0x2c9: {  	[tilespmem:s4+$0xE518] =	vst.add.f32.msk @p1 $0xffff, v1  }
0x2ca: {  	v1 =	vld @p1 [tilespmem:$0xE3F8];
	_ =	sdelay $0x3  }
0x2cb: {  	s5 =	sshll.u32 @!p1 s3, $0xA  }
0x2cc: {  	s5 =	smov.u32 @p1 s0;
	[tilespmem:s4+$0xE528] =	vst.add.f32.msk @p1 $0xffff, v1  }
0x2cd: {  	s0 =	sshrl.u32 s5, $0x2;
	[tilespmem:s2+$0xE418] =	vst.msk $0x1, v0  }
0x2ce: {  	v0 =	vld [tilespmem:s0+$0xE438];
	_ =	sdelay $0x2  }
0x2cf: {  	s31 =	sshll.u32 s2, $0xA  }
0x2d0: {  	s4 =	sshra.s32 s31, $0x2  }
0x2d1: {  	[tilespmem:s4+$0xE438] =	vst v0  }
0x2d2: {  	v0 =	vld [tilespmem:s0+$0xE448];
	_ =	sdelay $0x4  }
0x2d3: {  	[tilespmem:s4+$0xE448] =	vst v0  }
0x2d4: {  	v0 =	vld [tilespmem:s0+$0xE458];
	_ =	sdelay $0x4  }
0x2d5: {  	[tilespmem:s4+$0xE458] =	vst v0  }
0x2d6: {  	v0 =	vld [tilespmem:s0+$0xE468];
	_ =	sdelay $0x4  }
0x2d7: {  	[tilespmem:s4+$0xE468] =	vst v0  }
0x2d8: {  	v0 =	vld [tilespmem:s0+$0xE478];
	_ =	sdelay $0x4  }
0x2d9: {  	[tilespmem:s4+$0xE478] =	vst v0  }
0x2da: {  	v0 =	vld [tilespmem:s0+$0xE488];
	_ =	sdelay $0x4  }
0x2db: {  	[tilespmem:s4+$0xE488] =	vst v0  }
0x2dc: {  	v0 =	vld [tilespmem:s0+$0xE498];
	_ =	sdelay $0x4  }
0x2dd: {  	[tilespmem:s4+$0xE498] =	vst v0  }
0x2de: {  	v0 =	vld [tilespmem:s0+$0xE4A8];
	_ =	sdelay $0x4  }
0x2df: {  	[tilespmem:s4+$0xE4A8] =	vst v0  }
0x2e0: {  	v0 =	vld [tilespmem:s0+$0xE4B8];
	_ =	sdelay $0x4  }
0x2e1: {  	[tilespmem:s4+$0xE4B8] =	vst v0  }
0x2e2: {  	v0 =	vld [tilespmem:s0+$0xE4C8];
	_ =	sdelay $0x4  }
0x2e3: {  	[tilespmem:s4+$0xE4C8] =	vst v0  }
0x2e4: {  	v0 =	vld [tilespmem:s0+$0xE4D8];
	_ =	sdelay $0x4  }
0x2e5: {  	[tilespmem:s4+$0xE4D8] =	vst v0  }
0x2e6: {  	v0 =	vld [tilespmem:s0+$0xE4E8];
	_ =	sdelay $0x4  }
0x2e7: {  	[tilespmem:s4+$0xE4E8] =	vst v0  }
0x2e8: {  	v0 =	vld [tilespmem:s0+$0xE4F8];
	_ =	sdelay $0x4  }
0x2e9: {  	[tilespmem:s4+$0xE4F8] =	vst v0  }
0x2ea: {  	v0 =	vld [tilespmem:s0+$0xE508];
	_ =	sdelay $0x4  }
0x2eb: {  	[tilespmem:s4+$0xE508] =	vst v0  }
0x2ec: {  	v0 =	vld [tilespmem:s0+$0xE518];
	_ =	sdelay $0x4  }
0x2ed: {  	[tilespmem:s4+$0xE518] =	vst v0  }
0x2ee: {  	v0 =	vld [tilespmem:s0+$0xE528];
	_ =	sdelay $0x4  }
0x2ef: {  	s2 =	sadd.s32 $0x1, s2;
	[tilespmem:s4+$0xE528] =	vst v0  }
.LBB2_54:
0x2f0: {  	s3 =	sadd.s32 $0x1, s3  }
0x2f1: {  	p1 =	sne.s32 s3, $0x20  }
.Ltmp38:
0x2f2: {  	_ = 	snop;
	(pc) =	sbr.rel @!p1 .LBB2_55-.Ltmp38, $1  }
0x2f3: {  	_ =	sdelay $0x3  }
.LBB2_47:
0x2f4: {  	v0 =	vld.msk [tilespmem:s3+$0xE418], $0x1;
	_ =	sdelay $0x4  }
0x2f5: {  	(v2sf) =	vpush v0, $0x0;
	_ =	sdelay $0xe  }
0x2f6: {  	s0 =	spop (v2sf)  }
0x2f7: {  	p1 =	seq.s32 s0, $0xFFFFFFFF  }
.Ltmp39:
0x2f8: {  	_ = 	snop;
	(pc) =	sbr.rel @p1 .LBB2_54-.Ltmp39, $1  }
0x2f9: {  	_ =	sdelay $0x3  }
0x2fa: {  	p1 =	slt.s32 s2, $0x1  }
.Ltmp40:
0x2fb: {  	_ = 	snop;
	(pc) =	sbr.rel @p1 .LBB2_53-.Ltmp40, $1  }
0x2fc: {  	_ =	sdelay $0x3  }
0x2fd: {  	s4 =	simm.s32 $0xE418;
	p1 =	por $0x0, $0x0  }
0x2fe: {  	v1 =	vld.msk @!p1 [tilespmem:s4+$0x0], $0x1;
	_ =	sdelay $0x4  }
0x2ff: {  	(v2sf) =	vpush @!p1 v1, $0x0;
	_ =	sdelay $0xd  }
0x300: {  	p3 =	sne.s32 s2, $0x1  }
.Ltmp41:
0x301: {  	s5 =	spop @!p1 (v2sf);
	(pc) =	sbr.rel @!p3 .LBB2_51-.Ltmp41, $4  }
0x302: {  	p2 =	seq.s32 @!p1 s0, s5  }
0x303: {  	s5 =	simm.s32 $0x0;
	p2 =	por !p2, p1  }
0x304: {  	s7 =	simm.s32 $0xFFFFFFFF;
	s5 =	simm.s32 @p2 $0xFFFFFFFF  }
0x305: {  	s6 =	simm.s32 $0x1;
	s5 =	smov.u32 @p1 s7  }
.LBB2_50:
0x306: {  	s7 =	smov.u32 s5;
	p1 =	sne.s32 s5, $0xFFFFFFFF  }
0x307: {  	s4 =	sadd.s32 $0x1, s4;
	s5 =	smov.u32 s6;
	s6 =	sadd.s32 $0x1, s6  }
0x308: {  	p2 =	sne.s32 s2, s6;
	v1 =	vld.msk @!p1 [tilespmem:s4+$0x0], $0x1;
	_ =	sdelay $0x4  }
0x309: {  	(v2sf) =	vpush @!p1 v1, $0x0;
	_ =	sdelay $0xe  }
.Ltmp42:
0x30a: {  	s8 =	spop @!p1 (v2sf);
	(pc) =	sbr.rel @p2 .LBB2_50-.Ltmp42, $4  }
0x30b: {  	p3 =	seq.s32 @!p1 s0, s8  }
0x30c: {  	p3 =	por !p3, p1  }
0x30d: {  	s5 =	simm.s32 @p3 $0xFFFFFFFF  }
0x30e: {  	s5 =	smov.u32 @p1 s7  }
.LBB2_51:
0x30f: {  	p1 =	seq.s32 s5, $0xFFFFFFFF  }
.Ltmp43:
0x310: {  	_ = 	snop;
	(pc) =	sbr.rel @p1 .LBB2_53-.Ltmp43, $1  }
0x311: {  	_ =	sdelay $0x3  }
0x312: {  	s0 =	sshll.u32 s3, $0x8  }
0x313: {  	s0 =	sand.u32 $0x3FFFFF00, s0  }
0x314: {  	v0 =	vld [tilespmem:s0+$0xE438];
	_ =	sdelay $0x2  }
0x315: {  	s4 =	sshll.u32 s5, $0xA  }
0x316: {  	s4 =	sshra.s32 s4, $0x2  }
0x317: {  	[tilespmem:s4+$0xE438] =	vst.add.f32.msk $0xffff, v0  }
0x318: {  	v0 =	vld [tilespmem:s0+$0xE448];
	_ =	sdelay $0x4  }
0x319: {  	[tilespmem:s4+$0xE448] =	vst.add.f32.msk $0xffff, v0  }
0x31a: {  	v0 =	vld [tilespmem:s0+$0xE458];
	_ =	sdelay $0x4  }
0x31b: {  	[tilespmem:s4+$0xE458] =	vst.add.f32.msk $0xffff, v0  }
0x31c: {  	v0 =	vld [tilespmem:s0+$0xE468];
	_ =	sdelay $0x4  }
0x31d: {  	[tilespmem:s4+$0xE468] =	vst.add.f32.msk $0xffff, v0  }
0x31e: {  	v0 =	vld [tilespmem:s0+$0xE478];
	_ =	sdelay $0x4  }
0x31f: {  	[tilespmem:s4+$0xE478] =	vst.add.f32.msk $0xffff, v0  }
0x320: {  	v0 =	vld [tilespmem:s0+$0xE488];
	_ =	sdelay $0x4  }
0x321: {  	[tilespmem:s4+$0xE488] =	vst.add.f32.msk $0xffff, v0  }
0x322: {  	v0 =	vld [tilespmem:s0+$0xE498];
	_ =	sdelay $0x4  }
0x323: {  	[tilespmem:s4+$0xE498] =	vst.add.f32.msk $0xffff, v0  }
0x324: {  	v0 =	vld [tilespmem:s0+$0xE4A8];
	_ =	sdelay $0x4  }
0x325: {  	[tilespmem:s4+$0xE4A8] =	vst.add.f32.msk $0xffff, v0  }
0x326: {  	v0 =	vld [tilespmem:s0+$0xE4B8];
	_ =	sdelay $0x4  }
0x327: {  	[tilespmem:s4+$0xE4B8] =	vst.add.f32.msk $0xffff, v0  }
0x328: {  	v0 =	vld [tilespmem:s0+$0xE4C8];
	_ =	sdelay $0x4  }
0x329: {  	[tilespmem:s4+$0xE4C8] =	vst.add.f32.msk $0xffff, v0  }
0x32a: {  	v0 =	vld [tilespmem:s0+$0xE4D8];
	_ =	sdelay $0x4  }
0x32b: {  	[tilespmem:s4+$0xE4D8] =	vst.add.f32.msk $0xffff, v0  }
0x32c: {  	v0 =	vld [tilespmem:s0+$0xE4E8];
	_ =	sdelay $0x4  }
0x32d: {  	[tilespmem:s4+$0xE4E8] =	vst.add.f32.msk $0xffff, v0  }
0x32e: {  	v0 =	vld [tilespmem:s0+$0xE4F8];
	_ =	sdelay $0x4  }
0x32f: {  	[tilespmem:s4+$0xE4F8] =	vst.add.f32.msk $0xffff, v0  }
0x330: {  	v0 =	vld [tilespmem:s0+$0xE508];
	_ =	sdelay $0x4  }
0x331: {  	[tilespmem:s4+$0xE508] =	vst.add.f32.msk $0xffff, v0  }
0x332: {  	v0 =	vld [tilespmem:s0+$0xE518];
	_ =	sdelay $0x4  }
0x333: {  	[tilespmem:s4+$0xE518] =	vst.add.f32.msk $0xffff, v0  }
0x334: {  	v0 =	vld [tilespmem:s0+$0xE528]  }
.Ltmp44:
0x335: {  	_ = 	snop;
	(pc) =	sbr.rel .LBB2_54-.Ltmp44, $2  }
0x336: {  	_ =	sdelay $0x2  }
0x337: {  	[tilespmem:s4+$0xE528] =	vst.add.f32.msk $0xffff, v0  }
.LBB2_55:
0x338: {  	p1 =	slt.s32 s2, $0x1  }
.Ltmp45:
0x339: {  	_ = 	snop;
	(pc) =	sbr.rel @p1 .LBB2_59-.Ltmp45, $3  }
0x33a: {  	_ =	sdelay $0x1  }
0x33b: {  	s0 =	simm.s32 $0x8  }
0x33c: {  	s4 =	simm.s32 $0x0;
	[sflag:s0] =	ssyncpa.u1 $0x1  }
0x33d: {  	s0 =	simm.s32 $0xE418  }
0x33e: {  	v0 =	vld.msk [tilespmem:s0+$0x0], $0x1;
	_ =	sdelay $0x4  }
0x33f: {  	(v2sf) =	vpush v0, $0x0;
	_ =	sdelay $0xe  }
0x340: {  	s0 =	sadd.s32 $0xFFFFFFFF, s2;
	s3 =	spop (v2sf)  }
0x341: {  	s6 =	simm.s32 $0xE438;
	p1 =	sne.s32 s0, $0x0;
	p2 =	sgt.u32 s3, $0x25370  }
.Ltmp46:
0x342: {  	s2 =	simm.s32 $0xE538;
	s5 =	sand.u32 @!p2 $0x3FFF8, s3;
	(pc) =	sbr.rel @!p1 .LBB2_58-.Ltmp46, $4  }
0x343: {  	s7 =	sadd.s32 @!p2 $0x80, s3;
	s4 =	simm.s32 @!p2 $0x400;
	s8 =	sadd.s32 @!p2 s1, s5  }
0x344: {  	s5 =	sand.u32 @!p2 $0x7, s3;
	s3 =	simm.s32 $0xE419;
	s7 =	sand.u32 @!p2 $0x7FFF8, s7  }
0x345: {  	[hbm4b:s8+s5] =	stream.linear.scatter @!p2 [tilespmem:s6], [sflag:$0x7], $0x80, $0x38;
	[tilespmem:$0x1E678] =	vst v63  }
0x346: {  	s4 =	sadd.s32 $0x0, s4;
	s6 =	simm.s32 @!p2 $0xE4B8;
	s7 =	sadd.s32 @!p2 s1, s7  }
.LBB2_57:
0x347: {  	[hbm4b:s7+s5] =	stream.linear.scatter @!p2 [tilespmem:s6], [sflag:$0x7], $0x80, $0x38;
	[tilespmem:$0x1E678] =	vst v63  }
0x348: {  	s0 =	sadd.s32 $0xFFFFFFFF, s0;
	s6 =	smov.u32 s2;
	v0 =	vld.msk [tilespmem:s3+$0x0], $0x1  }
0x349: {  	p1 =	sne.s32 s0, $0x0;
	_ =	sdelay $0x3  }
0x34a: {  	(v2sf) =	vpush v0, $0x0;
	_ =	sdelay $0xe  }
0x34b: {  	s2 =	sadd.s32 $0x100, s2;
	s8 =	simm.s32 $0x0;
	s5 =	spop (v2sf)  }
.Ltmp47:
0x34c: {  	s3 =	sadd.s32 $0x1, s3;
	p2 =	sgt.u32 s5, $0x25370;
	(pc) =	sbr.rel @p1 .LBB2_57-.Ltmp47, $4  }
0x34d: {  	s8 =	simm.s32 @!p2 $0x400;
	s7 =	sand.u32 @!p2 $0x3FFF8, s5;
	s9 =	sadd.s32 @!p2 $0x80, s5  }
0x34e: {  	s5 =	sand.u32 @!p2 $0x7, s5;
	s7 =	sadd.s32 @!p2 s1, s7;
	s9 =	sand.u32 @!p2 $0x7FFF8, s9  }
0x34f: {  	[hbm4b:s7+s5] =	stream.linear.scatter @!p2 [tilespmem:s6], [sflag:$0x7], $0x80, $0x38;
	[tilespmem:$0x1E678] =	vst v63  }
0x350: {  	s4 =	sadd.s32 s4, s8;
	s6 =	sadd.s32 @!p2 $0x80, s6;
	s7 =	sadd.s32 @!p2 s1, s9  }
.LBB2_58:
0x351: {  	[hbm4b:s7+s5] =	stream.linear.scatter @!p2 [tilespmem:s6], [sflag:$0x7], $0x80, $0x38;
	[tilespmem:$0x1E678] =	vst v63  }
0x352: {  	s4 =	sshrl.u32 s4, $0x2  }
.LBB2_59:
0x353: {  	s0 =	simm.s32 $0x7  }
0x354: {  	_ =	swait.ge [sflag:s0], s4  }
0x355: {  	s1 =	ssub.s32 $0x0, s4;
	[sflag:s0] =	ssyncset.done $0x0  }
0x356: {  	[sflag:s0] =	ssyncadd.s32 s1  }
0x357: {  	[sflag:s0] =	ssyncpa.u1 $0x1  }
.LBB2_60:
0x358: {  	_ =	sfence;
	s0 =	simm.s32 $0x1  }
0x359: {  	[sflag:s0] =	ssyncpa.u1 $0x1  }
0x35a: {  	_ =	strace $0x90000053  }
0x35b: {  	[bflag:$0x2] =	sbarrier.arrive $0xFFFF  }
0x35c: {  	s0 =	rddreg [dreg:$0x4]  }
0x35d: {  	s0 =	sadd.s32 @!p0 $0x100000, s0  }
0x35e: {  	[sflag:s0] =	ssyncadd.tile.s32 @!p0 $0x1;
	_ =	shalt  }
.Lfunc_end2:
_tile_overlayer_lowered:
.L_overlay_start_2:
0x35f: {  	(tag) =	ssettag $0x2  }
0x360: {  	s0 =	rddreg [dreg:$0x0];
	s2 =	stileid.u32  }
0x361: {  	s1 =	rddreg [dreg:$0x1];
	p0 =	sne.s32 s2, $0x0  }
0x362: {  	s3 =	rddreg [dreg:$0x2];
	[bflag:$0x3] =	sbarrier.arrive $0xFFFF;
	s2 =	simm.s32 @!p0 $0x1C01  }
0x363: {  	[timem:s3], [sflag:s2] =	dma.local @!p0 [hbm:s0], s1  }
0x364: {  	s0 =	simm.s32 @!p0 $0x1  }
0x365: {  	_ =	swait.ge @!p0 [sflag:s0], s1  }
0x366: {  	s1 =	ssub.s32 @!p0 $0x0, s1;
	[sflag:s0] =	ssyncset.done @!p0 $0x0  }
0x367: {  	[sflag:s0] =	ssyncadd.s32 @!p0 s1  }
0x368: {  	[bflag:$0x3] =	sbarrier.arrive $0xFFFF  }
0x369: {  	_ =	shalt  }

// kernel: scatter_offload_async_start
scs
__scs_entry_jumppad:
0x0: {  	(pc) =	sbr.rel $0x88, $3  }
0x1: {  	(tag) =	ssettag $0x0;
	lr =	simm.s32 $0x1  }
0x2: {  	[smem:$0x3F93] =	sst lr;
	_ =	strace $0xD0000000  }
0x3: {  	_ = 	snop  }
0x4: {  	_ = 	snop  }
0x5: {  	_ = 	snop  }
0x6: {  	_ = 	snop  }
0x7: {  	_ = 	snop  }
__scs_overlays_trampoline_lowered:
0x8: {  	[smem:$0x3FA2] =	sst s0  }
0x9: {  	[smem:$0x3FA3] =	sst s1  }
0xa: {  	[smem:$0x3FA4] =	sst s2  }
0xb: {  	[smem:$0x3FA5] =	sst s3  }
0xc: {  	[smem:$0x3FA6] =	sst s4  }
0xd: {  	[smem:$0x3FA7] =	sst s5  }
0xe: {  	[smem:$0x3FA8] =	sst s6  }
0xf: {  	[smem:$0x3FA9] =	sst s7  }
0x10: {  	[smem:$0x3FAA] =	sst s8  }
0x11: {  	[smem:$0x3FAB] =	sst s9;
	s0 =	simm.s32 @!p0 $0x0  }
0x12: {  	s1 =	sld [smem:$0x3F91];
	s0 =	simm.s32 @p0 $0x1  }
0x13: {  	[smem:$0x3FAC] =	sst s0;
	s0 =	simm.s32 @!p1 $0x0  }
0x14: {  	s2 =	sld [smem:$0x3F90];
	s0 =	simm.s32 @p1 $0x1  }
0x15: {  	[smem:$0x3FAD] =	sst s0;
	s0 =	simm.s32 @!p2 $0x0  }
0x16: {  	s3 =	sld [smem:$0x3FDB];
	s0 =	simm.s32 @p2 $0x1  }
0x17: {  	s4 =	simm.s32 $0x1BF5;
	[smem:$0x3FAF] =	sst s0  }
0x18: {  	s0 =	sld [smem:$0x3F92];
	_ =	swait.ge [sflag:s4], $0x0  }
0x19: {  	s7 =	sld [smem:$0x3F93]  }
0x1a: {  	s8 =	sadd.s32 $0xFFFFE003, lr  }
0x1b: {  	s9 =	sadd.s32 $0xFFFFFEF7, lr;
	s5 =	simm.s32 $0xFFFFFFFF;
	p2 =	slt.u32 s8, $0xFFFFF086  }
0x1c: {  	p1 =	slt.u32 s9, $0xF7A;
	s5 =	simm.s32 @!p2 $0x0  }
0x1d: {  	s5 =	simm.s32 @p1 $0x1;
	p0 =	seq.s32 s7, s2  }
0x1e: {  	s7 =	smul.u32 @!p0 $0xF7A, s2;
	p2 =	seq.s32 @!p0 s5, $0x0  }
0x1f: {  	s9 =	smul.u32 $0xF7A, s1;
	s8 =	simm.s32 @!p0 $0x1BF5;
	p2 =	por !p2, p0  }
0x20: {  	[sflag:s8] =	ssyncset.s32 @!p0 $0xFFFFF086;
	s6 =	sadd.s32 @!p0 s3, s7;
	s7 =	simm.s32 @!p0 $0x108  }
0x21: {  	s3 =	sadd.s32 s3, s9;
	s6 =	sadd.s32 @!p0 $0x88, s6;
	s7 =	simm.s32 @p2 $0x1082  }
0x22: {  	[simem:s7], [sflag:s8] =	dma.local @!p0 [hbm:s6], $0xF7A  }
0x23: {  	s9 =	sor.u32 $0xD0000000, s2;
	s6 =	simm.s32 $0x108;
	_ =	swait.ge @!p0 [sflag:s8], $0x0  }
0x24: {  	s3 =	sadd.s32 $0x88, s3;
	s6 =	simm.s32 @!p1 $0x1082;
	[sflag:s4] =	ssyncset.s32 $0xFFFFF086  }
0x25: {  	[simem:s6], [sflag:s4] =	dma.local [hbm:s3], $0xF7A  }
0x26: {  	[smem:$0x3F93] =	sst s1;
	(tag) =	ssettag s2;
	_ =	strace s9  }
0x27: {  	s1 =	sld [smem:$0x3FA3]  }
0x28: {  	s2 =	sld [smem:$0x3FA4]  }
0x29: {  	s4 =	sld [smem:$0x3FA6]  }
0x2a: {  	p0 =	seq.s32 s5, $0x0;
	s5 =	sld [smem:$0x3FA7]  }
0x2b: {  	s6 =	sld [smem:$0x3FA8]  }
0x2c: {  	s7 =	sld [smem:$0x3FA9]  }
0x2d: {  	s3 =	simm.s32 $0x108;
	s8 =	sld [smem:$0x3FAA]  }
0x2e: {  	s3 =	simm.s32 @!p0 $0x1082;
	s9 =	sld [smem:$0x3FAB]  }
0x2f: {  	lr =	sadd.s32 s0, s3;
	s0 =	sld [smem:$0x3FA2]  }
0x30: {  	s3 =	sld [smem:$0x3FA5]  }
0x31: {  	[smem:$0x3FAE] =	sst s10  }
0x32: {  	s10 =	sld [smem:$0x3FAC];
	_ =	sdelay $0x3  }
0x33: {  	p0 =	seq.s32 s10, $0x1;
	s10 =	sld [smem:$0x3FAE];
	_ =	sdelay $0x3  }
0x34: {  	[smem:$0x3FAE] =	sst s10  }
0x35: {  	s10 =	sld [smem:$0x3FAD];
	_ =	sdelay $0x3  }
0x36: {  	p1 =	seq.s32 s10, $0x1;
	s10 =	sld [smem:$0x3FAE];
	_ =	sdelay $0x3  }
0x37: {  	[smem:$0x3FAE] =	sst s10  }
0x38: {  	s10 =	sld [smem:$0x3FAF]  }
0x39: {  	_ = 	snop;
	(pc) =	sbr.ind lr, $3  }
0x3a: {  	_ = 	snop  }
0x3b: {  	_ = 	snop  }
0x3c: {  	p2 =	seq.s32 s10, $0x1;
	s10 =	sld [smem:$0x3FAE]  }
0x3d: {  	_ =	shalt  }
0x3e: {  	_ =	shalt  }
0x3f: {  	_ =	shalt  }
0x40: {  	_ =	shalt  }
0x41: {  	_ =	shalt  }
0x42: {  	_ =	shalt  }
0x43: {  	_ =	shalt  }
0x44: {  	_ =	shalt  }
0x45: {  	_ =	shalt  }
0x46: {  	_ =	shalt  }
0x47: {  	_ =	shalt  }
0x48: {  	_ =	shalt  }
0x49: {  	_ =	shalt  }
0x4a: {  	_ =	shalt  }
0x4b: {  	_ =	shalt  }
0x4c: {  	_ =	shalt  }
0x4d: {  	_ =	shalt  }
0x4e: {  	_ =	shalt  }
0x4f: {  	_ =	shalt  }
0x50: {  	_ =	shalt  }
0x51: {  	_ =	shalt  }
0x52: {  	_ =	shalt  }
0x53: {  	_ =	shalt  }
0x54: {  	_ =	shalt  }
0x55: {  	_ =	shalt  }
0x56: {  	_ =	shalt  }
0x57: {  	_ =	shalt  }
0x58: {  	_ =	shalt  }
0x59: {  	_ =	shalt  }
0x5a: {  	_ =	shalt  }
0x5b: {  	_ =	shalt  }
0x5c: {  	_ =	shalt  }
0x5d: {  	_ =	shalt  }
0x5e: {  	_ =	shalt  }
0x5f: {  	_ =	shalt  }
0x60: {  	_ =	shalt  }
0x61: {  	_ =	shalt  }
0x62: {  	_ =	shalt  }
0x63: {  	_ =	shalt  }
0x64: {  	_ =	shalt  }
0x65: {  	_ =	shalt  }
0x66: {  	_ =	shalt  }
0x67: {  	_ =	shalt  }
0x68: {  	_ =	shalt  }
0x69: {  	_ =	shalt  }
0x6a: {  	_ =	shalt  }
0x6b: {  	_ =	shalt  }
0x6c: {  	_ =	shalt  }
0x6d: {  	_ =	shalt  }
0x6e: {  	_ =	shalt  }
0x6f: {  	_ =	shalt  }
0x70: {  	_ =	shalt  }
0x71: {  	_ =	shalt  }
0x72: {  	_ =	shalt  }
0x73: {  	_ =	shalt  }
0x74: {  	_ =	shalt  }
0x75: {  	_ =	shalt  }
0x76: {  	_ =	shalt  }
0x77: {  	_ =	shalt  }
0x78: {  	_ =	shalt  }
0x79: {  	_ =	shalt  }
0x7a: {  	_ =	shalt  }
0x7b: {  	_ =	shalt  }
0x7c: {  	_ =	shalt  }
0x7d: {  	_ =	shalt  }
0x7e: {  	_ =	shalt  }
0x7f: {  	_ =	shalt  }
0x80: {  	_ =	shalt  }
0x81: {  	_ =	shalt  }
0x82: {  	_ =	shalt  }
0x83: {  	_ =	shalt  }
0x84: {  	_ =	shalt  }
0x85: {  	_ =	shalt  }
0x86: {  	_ =	shalt  }
0x87: {  	_ =	shalt  }
.Lfunc_end0:
.L_simem_size_0:
called_computation_lowered:
.L_overlay_start_0:
0x88: {  	s2 =	sld [smem:$0x3FD9]  }
0x89: {  	s3 =	sld [smem:$0x3FFE];
	_ =	sdelay $0x1  }
0x8a: {  	s1 =	srdreg.scid  }
0x8b: {  	s0 =	sand.u32 $0x1, s1  }
0x8c: {  	s15 =	sshll.u32 s0, $0xA;
	s2 =	sadd.s32 s3, s2  }
0x8d: {  	s2 =	sadd.s32 s2, s15  }
0x8e: {  	[smem:$0x3FBA] =	sst s2  }
0x8f: {  	_ = 	snop  }
0x90: {  	s2 =	sld [smem:$0x3FD0];
	_ =	sdelay $0x2  }
0x91: {  	s4 =	simm.s32 $0xB;
	s16 =	simm.s32 $0x10  }
0x92: {  	[smem:s16], [sflag:s4] =	dma.local [hbm:s2], $0x1  }
0x93: {  	_ =	swait.eq [sflag:s4], $0x1  }
0x94: {  	[sflag:s4] =	ssyncset.done $0x0  }
0x95: {  	s17 =	sld [smem:$0x10];
	[sflag:s4] =	ssyncadd.s32 $0xFFFFFFFF  }
0x96: {  	s18 =	sld [smem:$0x12];
	(tm) =	ssettm $0x1  }
0x97: {  	s19 =	sld [smem:$0x3FFB];
	_ =	sdelay $0x3  }
0x98: {  	_ =	strace s19  }
0x99: {  	s2 =	sld [smem:$0x3FFC];
	_ =	sdelay $0x3  }
0x9a: {  	_ =	strace s2  }
0x9b: {  	s2 =	sld [smem:$0x3FFD];
	_ =	sdelay $0x3  }
0x9c: {  	_ =	strace s2  }
0x9d: {  	_ =	strace $0x8FFFFFFF  }
0x9e: {  	s20 =	sld [smem:$0x3FDB];
	_ =	sdelay $0x1  }
0x9f: {  	s5 =	simm.s32 $_scs_section_size  }
0xa0: {  	s6 =	simm.s32 $_size__tile_overlayer_lowered;
	s7 =	simm.s32 $_tile_overlayer_lowered  }
0xa1: {  	s8 =	simm.s32 $0x1BFF;
	s21 =	sshll.u32 s7, $0x1;
	s5 =	sadd.s32 s5, s20  }
0xa2: {  	s22 =	simm.s32 $0x0;
	s6 =	sshll.u32 s6, $0x1;
	s7 =	sadd.s32 s21, s5  }
0xa3: {  	[timem:s22], [sflag:s8] =	dma.local [hbm:s7], s6  }
0xa4: {  	_ =	swait.ge [sflag:s8], s6  }
0xa5: {  	s6 =	ssub.s32 $0x0, s6;
	[sflag:s8] =	ssyncset.done $0x0  }
0xa6: {  	[sflag:s8] =	ssyncadd.s32 s6;
	_ =	sdelay $0x1  }
0xa7: {  	s23 =	simm.s32 $0x1B8B  }
0xa8: {  	_ =	swait.ge [sflag:s23], $0x1  }
0xa9: {  	[sflag:s23] =	ssyncset.done $0x0  }
0xaa: {  	[sflag:s23] =	ssyncadd.s32 $0xFFFFFFFF  }
0xab: {  	s6 =	sld [smem:$0x0]  }
0xac: {  	s7 =	sand.u32 $0xFFFFFFFE, s1  }
0xad: {  	p0 =	sne.s32 s1, s7  }
0xae: {  	s7 =	sshll.u32 @p0 s7, $0xE  }
0xaf: {  	s7 =	sadd.s32 @p0 $0x11B8D, s7;
	s8 =	sshll.u32 @p0 s6, $0x11  }
0xb0: {  	s7 =	sor.u32 @p0 s8, s7  }
0xb1: {  	[sflag:s7] =	ssyncadd.remote.s32 @p0 $0x1;
	_ =	sdelay $0x1  }
0xb2: {  	s7 =	simm.s32 @p0 $0x1B8D  }
0xb3: {  	_ =	swait.eq @p0 [sflag:s7], $0x1  }
0xb4: {  	[sflag:s7] =	ssyncadd.s32 @p0 $0xFFFFFFFF  }
0xb5: {  	s8 =	sshll.u32 @!p0 s1, $0xE  }
0xb6: {  	s8 =	sor.u32 @!p0 $0x4000, s8;
	s7 =	simm.s32 @!p0 $0x1B8D  }
0xb7: {  	s9 =	sshll.u32 @!p0 s6, $0x11;
	s8 =	sadd.s32 @!p0 $0x11B8D, s8;
	_ =	swait.eq @!p0 [sflag:s7], $0x1  }
0xb8: {  	[sflag:s7] =	ssyncadd.s32 @!p0 $0xFFFFFFFF;
	s7 =	sor.u32 @!p0 s9, s8  }
0xb9: {  	s25 =	simm.s32 $0x1B8E;
	s24 =	sld [smem:$0x3FFE];
	[sflag:s7] =	ssyncadd.remote.s32 @!p0 $0x1  }
0xba: {  	s26 =	simm.s32 $execute0_lowered;
	[smem:$0x3FD2] =	sst s25  }
0xbb: {  	s8 =	sshll.u32 s26, $0x1;
	_ =	strace $0x8000004F;
	[dreg:$0x1] =	wrdreg $0xFFFFFFFF  }
0xbc: {  	s28 =	simm.s32 $_size_execute0_lowered;
	s5 =	sadd.s32 s5, s8;
	[dreg:$0x0] =	wrdreg $0x0  }
0xbd: {  	s8 =	sshll.u32 s28, $0x1;
	[dreg:$0x2] =	wrdreg s5  }
0xbe: {  	[dreg:$0x3] =	wrdreg s8  }
0xbf: {  	[dreg:$0x4] =	wrdreg $0xC0  }
0xc0: {  	_ =	task [dreg:s22], $0x5FFFF  }
0xc1: {  	[dreg:$0x1] =	wrdreg $0xFFFFFFFF  }
0xc2: {  	[dreg:$0x0] =	wrdreg $0x60  }
0xc3: {  	[dreg:$0x2] =	wrdreg s24  }
0xc4: {  	[dreg:$0x3] =	wrdreg s17  }
0xc5: {  	[dreg:$0x4] =	wrdreg s18  }
0xc6: {  	[dreg:$0x5] =	wrdreg s1  }
0xc7: {  	[dreg:$0x6] =	wrdreg s6  }
0xc8: {  	[dreg:$0x7] =	wrdreg $0x9  }
0xc9: {  	_ =	task.clear_ibuf [dreg:s22], $0x8FFFF;
	_ =	strace $0x9000004F  }
0xca: {  	s29 =	simm.s32 $0x9;
	_ =	strace $0x80000051  }
0xcb: {  	_ =	swait.ge [sflag:s29], $0x1  }
0xcc: {  	[sflag:s29] =	ssyncadd.s32 $0xFFFFFFFF  }
0xcd: {  	_ =	strace $0x90000051  }
0xce: {  	_ =	sfence  }
0xcf: {  	s30 =	sld [smem:$0x0];
	_ =	sdelay $0x2  }
0xd0: {  	s31 =	sshll.u32 s1, $0xD;
	s1 =	sshrl.u32 s1, $0x2  }
0xd1: {  	s4 =	sand.u32 $0x4000, s31;
	s1 =	sadd.s32 s1, s30  }
0xd2: {  	s0 =	sor.u32 s4, s0;
	s1 =	sshll.u32 s1, $0x11  }
0xd3: {  	s0 =	sor.u32 s1, s0  }
0xd4: {  	s0 =	sadd.s32 $0x8F2B, s0  }
0xd5: {  	[sflag:s0] =	ssyncadd.remote.s32 $0x1  }
0xd6: {  	_ =	sfence.sel $0xFFFF  }
0xd7: {  	[dreg:$0x0] =	wrdreg $0xFFFFFFFF;
	(pc) =	sbr.abs _section_cstart, $3  }
0xd8: {  	[dreg:$0x1] =	wrdreg $0xFFFFFFFF  }
0xd9: {  	_ =	task.clear_ibuf [dreg:s22], $0x2FFFF;
	_ =	strace $0x9FFFFFFF  }
0xda: {  	(tm) =	ssettm $0x7FFFFFFF  }
0xdb: {  	_ =	shalt  }
tec
execute0_lowered:
.L_overlay_start_1:
0x0: {  	(tag) =	ssettag $0x1  }
0x1: {  	s2 =	rddreg [dreg:$0x0]  }
0x2: {  	s0 =	rddreg [dreg:$0x1]  }
0x3: {  	s4 =	rddreg [dreg:$0x2]  }
0x4: {  	s3 =	rddreg [dreg:$0x3];
	_ =	strace $0x80000050;
	s1 =	simm.s32 $0x1  }
0x5: {  	s5 =	simm.s32 $0x208;
	v0 =	vimm.s32 $0x0;
	[sflag:s1] =	ssyncpa.u1 $0x0  }
0x6: {  	[tilespmem:s5+$0x70] =	vst v0  }
0x7: {  	[tilespmem:s5+$0x60] =	vst v0  }
0x8: {  	[tilespmem:s5+$0x50] =	vst v0  }
0x9: {  	[tilespmem:s5+$0x40] =	vst v0  }
0xa: {  	[tilespmem:s5+$0x30] =	vst v0  }
0xb: {  	s1 =	sadd.s32 $0x952800, s2;
	[tilespmem:s5+$0x20] =	vst v0  }
0xc: {  	s6 =	sadd.s32 $0x12800, s2;
	s10 =	sand.u32 $0x1, s3;
	s2 =	simm.s32 $0x40;
	[tilespmem:s5+$0x10] =	vst v0  }
.LBB2_1:
0xd: {  	s2 =	sadd.s32 $0x40, s2;
	[tilespmem:s5+$0x0] =	vst v0;
	s5 =	sadd.s32 $0x80, s5  }
0xe: {  	p0 =	slt.u32 s2, $0x3880;
	[tilespmem:s5+$0x70] =	vst v0  }
0xf: {  	[tilespmem:s5+$0x60] =	vst v0  }
.Ltmp0:
0x10: {  	[tilespmem:s5+$0x50] =	vst v0;
	(pc) =	sbr.rel @p0 .LBB2_1-.Ltmp0, $4  }
0x11: {  	[tilespmem:s5+$0x40] =	vst v0  }
0x12: {  	[tilespmem:s5+$0x30] =	vst v0  }
0x13: {  	[tilespmem:s5+$0x20] =	vst v0  }
0x14: {  	[tilespmem:s5+$0x10] =	vst v0  }
0x15: {  	s11 =	stileid.u32  }
0x16: {  	s2 =	smul.u32 $0x2A, s11  }
0x17: {  	s3 =	smin.u32 s11, $0x5  }
0x18: {  	s2 =	sadd.s32 s3, s2  }
0x19: {  	p0 =	slt.u32 s11, $0x5;
	s20 =	smul.u32 $0x70, s2;
	s2 =	simm.s32 $0x12D0  }
0x1a: {  	s2 =	simm.s32 @!p0 $0x1260  }
0x1b: {  	s2 =	sadd.s32 s2, s20  }
0x1c: {  	s8 =	smin.u32 s2, $0x12800  }
0x1d: {  	s26 =	simm.s32 $0x2;
	s2 =	ssub.s32 s8, s20  }
0x1e: {  	s9 =	simm.s32 $0x9;
	s29 =	simm.s32 $0xA;
	p0 =	sgt.s32 s2, $0x0  }
0x1f: {  	s30 =	simm.s32 $0xB;
	s31 =	smul.u32 $0x2500, s10;
	s2 =	simm.s32 @!p0 $0x0  }
0x20: {  	[dreg:$0x6] =	wrdreg s10;
	s12 =	simm.s32 $0x1;
	s25 =	smulhi.u32 $0x92492493, s2  }
0x21: {  	s24 =	simm.s32 $0x0;
	p1 =	por $0x0, $0x0;
	s18 =	simm.s32 $0x80  }
0x22: {  	s19 =	simm.s32 $0x400;
	s17 =	simm.s32 $0xC;
	s3 =	sshrl.u32 s25, $0x6  }
0x23: {  	s21 =	simm.s32 $0x0;
	s23 =	simm.s32 $0x0;
	s28 =	smul.u32 $0x70, s3  }
.Ltmp1:
0x24: {  	[tilespmem:s5+$0x0] =	vst v0;
	v0 =	vimm.s32 $0xFFFFFFFF;
	[sflag:s26] =	ssyncpa.u1 $0x0;
	s16 =	sshll.u32 s11, $0x9;
	(pc) =	sbr.rel .LBB2_3-.Ltmp1, $4  }
0x25: {  	[tilespmem:$0xE408] =	vst v0;
	[sflag:s9] =	ssyncpa.u1 $0x0;
	p0 =	sne.s32 s2, s28;
	s2 =	simm.s32 $0x1  }
0x26: {  	s14 =	sadd.s32 s31, s4;
	[sflag:s29] =	ssyncpa.u1 $0x0;
	s2 =	simm.s32 @!p0 $0x0  }
0x27: {  	s15 =	sadd.s32 s31, s0;
	[sflag:s30] =	ssyncpa.u1 $0x0;
	s13 =	sadd.s32 s2, s3  }
0x28: {  	v0 =	vlaneseq.u32;
	s22 =	smov.u32 s20;
	p0 =	por $0x1, $0x1;
	s11 =	sadd.s32 $0x1, s13  }
.LBB2_24:
0x29: {  	s2 =	sshrl.u32 s4, $0x2  }
.LBB2_26:
0x2a: {  	_ =	swait.ge [sflag:s17], s2  }
0x2b: {  	s31 =	ssub.s32 $0x0, s2;
	v1 =	vmov s26;
	vm0 =	veq.s32 v0, $0x0;
	[sflag:s17] =	ssyncset.done $0x0  }
0x2c: {  	vm15 =	veq.s32 v0, $0x2;
	v1 =	vsel vm0, s0, v1;
	[sflag:s17] =	ssyncadd.s32 s31  }
0x2d: {  	v1 =	vsel vm15, s24, v1;
	[sflag:s17] =	ssyncpa.u1 $0x1  }
0x2e: {  	[tilespmem:$0xE408] =	vst v1  }
.LBB2_27:
0x2f: {  	s0 =	sadd.s32 $0x70, s22  }
0x30: {  	s2 =	smov.u32 s20;
	p2 =	slt.s32 s0, s8  }
0x31: {  	s2 =	smov.u32 @p2 s0;
	p2 =	sne.s32 s23, s11  }
.Ltmp2:
0x32: {  	_ = 	snop;
	(pc) =	sbr.rel @!p2 .LBB2_28-.Ltmp2, $4  }
0x33: {  	_ = 	snop  }
0x34: {  	s24 =	smov.u32 s21  }
0x35: {  	s31 =	sadd.s32 $0x1, s23;
	s21 =	smov.u32 s22;
	p0 =	por !p0, !p0  }
0x36: {  	p1 =	por !p1, !p1;
	s23 =	smov.u32 s31;
	s22 =	smov.u32 s2  }
.LBB2_3:
0x37: {  	p2 =	sge.u32 s23, s13  }
0x38: {  	s0 =	smulhi.u32 @!p2 $0xAAAAAAAB, s23  }
0x39: {  	s2 =	smov.u32 s22;
	p3 =	sgt.s32 @!p2 s22, $0x12790  }
0x3a: {  	s3 =	sshra.s32 @!p2 s22, $0x1F;
	p3 =	por !p3, p2;
	s0 =	sshrl.u32 @!p2 s0, $0x1  }
0x3b: {  	s3 =	sand.u32 @!p2 s3, s22;
	s2 =	simm.s32 @p3 $0x12790;
	s0 =	smul.u32 @!p2 $0x3, s0  }
0x3c: {  	s2 =	ssub.s32 @!p2 s2, s3  }
0x3d: {  	s2 =	sadd.s32 @!p2 $0xFFFED870, s2;
	s0 =	ssub.s32 @!p2 s23, s0  }
0x3e: {  	s3 =	sshll.u32 @!p2 s2, $0x2;
	p3 =	sgt.s32 @!p2 s2, $0x6F;
	s0 =	smul.u32 @!p2 $0x1C0, s0  }
0x3f: {  	s4 =	sand.u32 @!p2 $0x7, s22;
	s2 =	ssub.s32 @!p2 $0x1C0, s3;
	p3 =	por !p3, p2  }
0x40: {  	s3 =	sshrl.u32 @!p2 s22, $0x3;
	s2 =	sshrl.u32 @!p2 s2, $0x2;
	s0 =	sshrl.u32 @!p2 s0, $0x2  }
0x41: {  	s3 =	sadd.s32 @!p2 s3, s14;
	s2 =	simm.s32 @!p3 $0x0;
	s0 =	sadd.s32 @!p2 $0x10448, s0  }
0x42: {  	[tilespmem:s0], [sflag:$0xA] =	stream.linear.gather @!p2 [hbm4b:s3+s4], s2, $0x38;
	[tilespmem:$0x1E678] =	vst v63  }
0x43: {  	s2 =	sadd.s32 $0xFFFFFFFF, s23  }
0x44: {  	p2 =	sge.u32 s2, s13  }
0x45: {  	p3 =	sgt.s32 @!p2 s21, $0x12790  }
0x46: {  	s0 =	smov.u32 s21;
	s3 =	sshra.s32 @!p2 s21, $0x1F;
	p3 =	por !p3, p2  }
0x47: {  	s3 =	sand.u32 @!p2 s3, s21;
	s0 =	simm.s32 @p3 $0x12790  }
0x48: {  	s0 =	ssub.s32 @!p2 s0, s3  }
0x49: {  	s0 =	sadd.s32 @!p2 $0xFFFED870, s0  }
0x4a: {  	s3 =	sshll.u32 @!p2 s0, $0x2  }
0x4b: {  	p3 =	sgt.s32 @!p2 s0, $0x6F;
	s0 =	ssub.s32 @!p2 $0x1C0, s3  }
0x4c: {  	p3 =	por !p3, p2;
	s0 =	sshrl.u32 @!p2 s0, $0x2  }
0x4d: {  	s4 =	simm.s32 @!p2 $0xA;
	s3 =	sand.u32 @!p2 $0x1, s2;
	s0 =	simm.s32 @!p3 $0x0  }
0x4e: {  	s3 =	smul.u32 @!p2 $0x1C0, s3;
	_ =	swait.ge @!p2 [sflag:s4], s0  }
0x4f: {  	s5 =	ssub.s32 @!p2 $0x0, s0;
	[sflag:s4] =	ssyncset.done @!p2 $0x0  }
0x50: {  	s3 =	sshrl.u32 @!p2 s3, $0x2;
	[sflag:s4] =	ssyncadd.s32 @!p2 s5;
	s4 =	sshrl.u32 @!p2 s21, $0x3  }
0x51: {  	s3 =	sadd.s32 @!p2 $0x10598, s3;
	s5 =	sand.u32 @!p2 $0x7, s21;
	s4 =	sadd.s32 @!p2 s4, s15  }
0x52: {  	[tilespmem:s3], [sflag:$0xB] =	stream.linear.gather @!p2 [hbm4b:s4+s5], s0, $0x38;
	[tilespmem:$0x1E678] =	vst v63  }
0x53: {  	s0 =	ssub.s32 @!p2 $0x12800, s21  }
0x54: {  	p3 =	slt.s32 @!p2 s0, $0x1  }
0x55: {  	p3 =	por p2, p3  }
.Ltmp3:
0x56: {  	_ = 	snop;
	(pc) =	sbr.rel @p3 .LBB2_9-.Ltmp3, $1  }
0x57: {  	_ =	sdelay $0x3  }
0x58: {  	s3 =	smulhi.u32 $0xAAAAAAAB, s2;
	_ =	sdelay $0x1  }
0x59: {  	s3 =	sshrl.u32 s3, $0x1  }
0x5a: {  	s3 =	smul.u32 $0x3, s3;
	_ =	sdelay $0x1  }
0x5b: {  	s30 =	ssub.s32 s2, s3  }
0x5c: {  	s4 =	simm.s32 $0x1;
	s2 =	smul.u32 $0x1C0, s30  }
.Ltmp4:
0x5d: {  	s4 =	simm.s32 @!p0 $0x0;
	(pc) =	sbr.rel .LBB2_6-.Ltmp4, $4  }
0x5e: {  	s31 =	smul.u32 $0x1C000, s4  }
0x5f: {  	p3 =	slt.s32 @!p2 s0, $0x70;
	s2 =	sshrl.u32 s2, $0x2  }
0x60: {  	p2 =	por !p3, p2;
	s3 =	sshrl.u32 s31, $0x2;
	s5 =	sadd.s32 $0x10448, s2  }
0x61: {  	s0 =	simm.s32 @p2 $0x70;
	s4 =	sor.u32 $0x10678, s3;
	s2 =	simm.s32 $0x0;
	v1 =	vmov s5  }
.LBB2_5:
0x62: {  	p2 =	sge.s32 s2, s0  }
.Ltmp5:
0x63: {  	_ = 	snop;
	(pc) =	sbr.rel @p2 .LBB2_9-.Ltmp5, $2  }
0x64: {  	_ =	sdelay $0x2  }
0x65: {  	s4 =	sadd.s32 $0x1000, s4  }
.LBB2_6:
0x66: {  	p2 =	sle.s32 s0, s2  }
.Ltmp6:
0x67: {  	_ = 	snop;
	(pc) =	sbr.rel @p2 .LBB2_5-.Ltmp6, $2  }
0x68: {  	_ =	sdelay $0x2  }
0x69: {  	s5 =	smov.u32 s2;
	s2 =	sadd.s32 $0x10, s2  }
0x6a: {  	s3 =	ssub.s32 s0, s5  }
0x6b: {  	p2 =	slt.s32 s3, $0x10  }
0x6c: {  	s3 =	simm.s32 @!p2 $0x10  }
0x6d: {  	v2 =	vmov s3  }
0x6e: {  	vm0 =	vgt.s32 v2, v0;
	_ =	sdelay $0x5  }
0x6f: {  	v2 =	vld.idx.msk [tilespmem:v1+s5+$0x0 ss:$0x1], vm0;
	_ =	sdelay $0x2  }
0x70: {  	p2 =	slt.s32 s2, s0;
	s3 =	smov.u32 s0  }
0x71: {  	s9 =	smov.u32 s4;
	s25 =	simm.s32 $0x0;
	s3 =	smov.u32 @p2 s2  }
.LBB2_8:
0x72: {  	(v2sf) =	vpush v2, s25;
	_ =	sdelay $0xe  }
0x73: {  	s25 =	sadd.s32 $0x1, s25;
	s10 =	spop (v2sf)  }
0x74: {  	s31 =	sadd.s32 s25, s5;
	s26 =	sshll.u32 s10, $0x8;
	s10 =	sshll.u32 s10, $0x7  }
0x75: {  	p2 =	slt.s32 s31, s3;
	s26 =	sand.u32 $0xFFFFF800, s26;
	s10 =	sand.u32 $0x380, s10  }
.Ltmp7:
0x76: {  	s10 =	sor.u32 s10, s26;
	(pc) =	sbr.rel @p2 .LBB2_8-.Ltmp7, $4  }
0x77: {  	s10 =	sshrl.u32 s10, $0x3  }
0x78: {  	s10 =	sadd.s32 s6, s10  }
0x79: {  	[tilespmem:s9], [sflag:$0x9] =	stream.strided.gather [hbm4b:s10+s18], $0x100, s19, s18, $0x38;
	[tilespmem:$0x1E678] =	vst v63  }
0x7a: {  	s9 =	sadd.s32 $0x100, s9  }
.Ltmp8:
0x7b: {  	_ = 	snop;
	(pc) =	sbr.rel .LBB2_5-.Ltmp8, $1  }
0x7c: {  	_ =	sdelay $0x3  }
.LBB2_9:
0x7d: {  	p2 =	slt.u32 s23, $0x2  }
.Ltmp9:
0x7e: {  	_ = 	snop;
	(pc) =	sbr.rel @p2 .LBB2_27-.Ltmp9, $1  }
0x7f: {  	_ =	sdelay $0x3  }
0x80: {  	p2 =	sgt.s32 s24, $0x12790  }
0x81: {  	s0 =	smov.u32 s24;
	s2 =	sshra.s32 s24, $0x1F;
	s3 =	ssub.s32 $0x12800, s24  }
0x82: {  	s0 =	simm.s32 @!p2 $0x12790;
	s2 =	sand.u32 s2, s24;
	p2 =	slt.s32 s3, $0x70  }
0x83: {  	s0 =	ssub.s32 s0, s2;
	s3 =	simm.s32 @!p2 $0x70  }
0x84: {  	s0 =	sadd.s32 $0xFFFED870, s0;
	s9 =	sshll.u32 s3, $0x8  }
0x85: {  	s26 =	simm.s32 $0x9;
	s10 =	sshll.u32 s0, $0x2;
	s2 =	sand.u32 $0x3FFFFF00, s9  }
0x86: {  	p2 =	sgt.s32 s0, $0x6F;
	s25 =	ssub.s32 $0x1C0, s10;
	_ =	swait.ge [sflag:s26], s2  }
0x87: {  	s2 =	ssub.s32 $0x0, s2;
	[sflag:s26] =	ssyncset.done $0x0;
	s0 =	sshrl.u32 s25, $0x2  }
0x88: {  	s29 =	simm.s32 $0xB;
	[sflag:s26] =	ssyncadd.s32 s2;
	s0 =	simm.s32 @p2 $0x0  }
0x89: {  	_ =	swait.ge [sflag:s29], s0  }
0x8a: {  	s0 =	ssub.s32 $0x0, s0;
	[sflag:s29] =	ssyncset.done $0x0  }
0x8b: {  	[sflag:s29] =	ssyncadd.s32 s0  }
0x8c: {  	v1 =	vld [tilespmem:$0xE408];
	_ =	sdelay $0x4  }
0x8d: {  	(v2sf) =	vpush v1, $0x0  }
0x8e: {  	(v2sf) =	vpush v1, $0x1  }
0x8f: {  	(v2sf) =	vpush v1, $0x2;
	_ =	sdelay $0x3  }
0x90: {  	s0 =	sadd.s32 $0x70, s24  }
0x91: {  	s2 =	ssub.s32 $0x25000, s24;
	p2 =	slt.s32 s8, s0  }
0x92: {  	s0 =	smov.u32 @p2 s8;
	p2 =	sgt.s32 s2, $0x0  }
0x93: {  	s0 =	ssub.s32 s0, s24;
	s2 =	simm.s32 @!p2 $0x0  }
0x94: {  	p2 =	slt.s32 s2, s0  }
0x95: {  	s0 =	smov.u32 @p2 s2  }
0x96: {  	s4 =	simm.s32 $0x1;
	p2 =	slt.s32 s0, $0x1  }
.Ltmp10:
0x97: {  	s4 =	simm.s32 @!p1 $0x0;
	(pc) =	sbr.rel @p2 .LBB2_14-.Ltmp10, $4  }
0x98: {  	s30 =	smul.u32 $0x1C0, s4  }
0x99: {  	s5 =	spop (v2sf)  }
0x9a: {  	s31 =	sshrl.u32 s30, $0x2;
	s28 =	spop (v2sf)  }
0x9b: {  	s25 =	sadd.s32 $0x10598, s31;
	s24 =	spop (v2sf)  }
0x9c: {  	s2 =	smin.u32 s0, $0x10  }
0x9d: {  	v1 =	vmov s2  }
0x9e: {  	vm1 =	vgt.u32 v1, v0  }
0x9f: {  	p3 =	sgt.s32 s0, $0x10  }
.Ltmp11:
0xa0: {  	_ = 	snop;
	(pc) =	sbr.rel @!p3 .LBB2_13-.Ltmp11, $2  }
0xa1: {  	_ =	sdelay $0x2  }
0xa2: {  	s26 =	simm.s32 $0x10;
	s29 =	sadd.s32 $0xFFFFFFF0, s0;
	s2 =	smov.u32 s25;
	vm0 =	vmmov vm1;
	v1 =	vld.msk [tilespmem:s25+$0x0 ss:$0x1], vm1  }
.LBB2_12:
0xa3: {  	s3 =	smin.u32 s29, $0x10;
	s26 =	sadd.s32 $0x10, s26  }
0xa4: {  	v2 =	vmov s3;
	p3 =	slt.s32 s26, s0  }
0xa5: {  	vm1 =	vgt.u32 v2, v0;
	_ =	sdelay $0x1  }
0xa6: {  	v2 =	vshll.u32 v1, $0x5;
	v1 =	vshll.u32 v1, $0x4  }
.Ltmp12:
0xa7: {  	v2 =	vand.u32 $0xFFFFFF00, v2;
	v1 =	vand.u32 $0x70, v1;
	(pc) =	sbr.rel @p3 .LBB2_12-.Ltmp12, $4  }
0xa8: {  	v1 =	vor.u32 v1, v2  }
0xa9: {  	[tilespmem:s2+$0x0] =	vst.msk vm0, v1;
	s2 =	sadd.s32 $0x10, s2;
	vm0 =	vmmov vm1  }
0xaa: {  	v1 =	vld.msk [tilespmem:s2+$0x0 ss:$0x1], vm1  }
0xab: {  	s29 =	sadd.s32 $0xFFFFFFF0, s29  }
.LBB2_13:
0xac: {  	_ =	sdelay $0x3  }
0xad: {  	v2 =	vshll.u32 v1, $0x5;
	v1 =	vshll.u32 v1, $0x4  }
0xae: {  	v2 =	vand.u32 $0xFFFFFF00, v2;
	v1 =	vand.u32 $0x70, v1  }
0xaf: {  	v1 =	vor.u32 v1, v2  }
0xb0: {  	[tilespmem:s2+$0x0] =	vst.msk vm0, v1  }
.LBB2_14:
0xb1: {  	s2 =	sand.u32 $0x1, s23  }
0xb2: {  	s2 =	smul.u32 $0x70, s2  }
0xb3: {  	p3 =	sne.s32 s28, $0xFFFFFFFF  }
0xb4: {  	v1 =	vld.msk @!p3 [tilespmem:s2+$0x10598], $0x1;
	_ =	sdelay $0x4  }
0xb5: {  	(v2sf) =	vpush @!p3 v1, $0x0;
	_ =	sdelay $0xc  }
.Ltmp13:
0xb6: {  	_ = 	snop;
	(pc) =	sbr.rel @p2 .LBB2_25-.Ltmp13, $4  }
0xb7: {  	_ = 	snop  }
0xb8: {  	s31 =	spop @!p3 (v2sf)  }
0xb9: {  	s24 =	simm.s32 @!p3 $0x0;
	s26 =	smov.u32 s31  }
0xba: {  	[sflag:s17] =	ssyncpa.u1 $0x0;
	s31 =	smov.u32 @p3 s5;
	s26 =	smov.u32 @p3 s28  }
0xbb: {  	v1 =	vld.msk [tilespmem:s25+$0x0], $0x1;
	_ =	sdelay $0x4  }
0xbc: {  	(v2sf) =	vpush v1, $0x0;
	_ =	sdelay $0xe  }
0xbd: {  	s7 =	smov.u32 s11;
	s5 =	spop (v2sf)  }
0xbe: {  	s17 =	smov.u32 s15;
	s2 =	smul.u32 $0x1C000, s4;
	p2 =	seq.s32 s31, s5  }
0xbf: {  	s3 =	smov.u32 s31;
	s29 =	ssub.s32 $0x0, s0;
	p3 =	sgt.s32 @!p2 s31, $0x0  }
0xc0: {  	s30 =	simm.s32 $0x0;
	s2 =	sshrl.u32 s2, $0x2;
	p3 =	por !p3, p2  }
0xc1: {  	s0 =	sadd.s32 $0x1, s29;
	s28 =	sor.u32 $0x106F8, s2;
	s3 =	simm.s32 @p3 $0x0  }
0xc2: {  	s2 =	simm.s32 @!p2 $0x1;
	p3 =	seq.s32 s0, $0x0;
	s3 =	smin.u32 @!p2 s3, $0x6B70  }
.Ltmp14:
0xc3: {  	s4 =	simm.s32 @!p2 $0x7308;
	s9 =	sand.u32 @!p2 $0x7FF8, s3;
	(pc) =	sbr.rel @p3 .LBB2_17-.Ltmp14, $4  }
0xc4: {  	s10 =	sadd.s32 @!p2 $0x80, s3;
	s11 =	sadd.s32 @!p2 s1, s9;
	s9 =	sand.u32 @!p2 $0x7, s3  }
0xc5: {  	[tilespmem:s4], [sflag:$0x2] =	stream.linear.gather @!p2 [hbm4b:s11+s9], $0x80, $0x38;
	[tilespmem:$0x1E678] =	vst v63  }
0xc6: {  	s15 =	smov.u32 s14;
	s2 =	smov.u32 @p2 s30;
	s4 =	sand.u32 @!p2 $0xFFF8, s10  }
0xc7: {  	s3 =	simm.s32 @!p2 $0x7388;
	s10 =	sadd.s32 @!p2 s1, s4;
	s4 =	sadd.s32 $0x1, s25  }
.LBB2_16:
0xc8: {  	s11 =	smov.u32 s2  }
0xc9: {  	[tilespmem:s3], [sflag:$0x2] =	stream.linear.gather @!p2 [hbm4b:s10+s9], $0x80, $0x38;
	[tilespmem:$0x1E678] =	vst v63  }
0xca: {  	s0 =	sadd.s32 $0x1, s0;
	s9 =	smov.u32 s5;
	v1 =	vld.msk [tilespmem:s4+$0x0], $0x1  }
0xcb: {  	p3 =	seq.s32 s0, $0x0;
	_ =	sdelay $0x3  }
0xcc: {  	(v2sf) =	vpush v1, $0x0;
	_ =	sdelay $0xe  }
0xcd: {  	s5 =	spop (v2sf)  }
0xce: {  	p2 =	seq.s32 s9, s5  }
0xcf: {  	p4 =	sgt.s32 @!p2 s9, $0x0;
	s3 =	sshll.u32 @!p2 s2, $0xA;
	s2 =	sadd.s32 @!p2 $0x1, s2  }
0xd0: {  	p4 =	por !p4, p2;
	s3 =	sshra.s32 @!p2 s3, $0x2;
	s2 =	smov.u32 @p2 s11  }
0xd1: {  	s9 =	simm.s32 @p4 $0x0;
	s10 =	sadd.s32 @!p2 $0x7308, s3;
	s3 =	sadd.s32 @!p2 $0x7388, s3  }
.Ltmp15:
0xd2: {  	s9 =	smin.u32 @!p2 s9, $0x6B70;
	(pc) =	sbr.rel @!p3 .LBB2_16-.Ltmp15, $4  }
0xd3: {  	s11 =	sand.u32 @!p2 $0x7FF8, s9;
	s14 =	sadd.s32 @!p2 $0x80, s9  }
0xd4: {  	s9 =	sand.u32 @!p2 $0x7, s9;
	s11 =	sadd.s32 @!p2 s1, s11;
	s14 =	sand.u32 @!p2 $0xFFF8, s14  }
0xd5: {  	[tilespmem:s10], [sflag:$0x2] =	stream.linear.gather @!p2 [hbm4b:s11+s9], $0x80, $0x38;
	[tilespmem:$0x1E678] =	vst v63  }
0xd6: {  	s4 =	sadd.s32 $0x1, s4;
	s10 =	sadd.s32 @!p2 s1, s14  }
.LBB2_17:
0xd7: {  	[tilespmem:s3], [sflag:$0x2] =	stream.linear.gather @!p2 [hbm4b:s10+s9], $0x80, $0x38;
	[tilespmem:$0x1E678] =	vst v63  }
0xd8: {  	s0 =	sshll.u32 s2, $0x8  }
.Ltmp16:
0xd9: {  	s14 =	simm.s32 $0x2;
	s0 =	sand.u32 $0x3FFFFF00, s0;
	(pc) =	sbr.rel .LBB2_18-.Ltmp16, $4  }
0xda: {  	_ =	swait.ge [sflag:s14], s0  }
0xdb: {  	s0 =	ssub.s32 $0x0, s0;
	[sflag:s14] =	ssyncset.done $0x0  }
0xdc: {  	s4 =	simm.s32 $0x0;
	s11 =	smov.u32 s7;
	[sflag:s14] =	ssyncadd.s32 s0  }
0xdd: {  	s14 =	smov.u32 s15;
	s15 =	smov.u32 s17;
	s17 =	simm.s32 $0xC  }
.LBB2_19:
0xde: {  	v1 =	vld [tilespmem:s28+$0xFFFFFF80];
	_ =	sdelay $0x4  }
0xdf: {  	[tilespmem:s5+$0x208] =	vst.add.f32.msk $0xffff, v1  }
0xe0: {  	v1 =	vld [tilespmem:s28+$0xFFFFFF90];
	_ =	sdelay $0x4  }
0xe1: {  	[tilespmem:s5+$0x218] =	vst.add.f32.msk $0xffff, v1  }
0xe2: {  	v1 =	vld [tilespmem:s28+$0xFFFFFFA0];
	_ =	sdelay $0x4  }
0xe3: {  	[tilespmem:s5+$0x228] =	vst.add.f32.msk $0xffff, v1  }
0xe4: {  	v1 =	vld [tilespmem:s28+$0xFFFFFFB0];
	_ =	sdelay $0x4  }
0xe5: {  	[tilespmem:s5+$0x238] =	vst.add.f32.msk $0xffff, v1  }
0xe6: {  	v1 =	vld [tilespmem:s28+$0xFFFFFFC0];
	_ =	sdelay $0x4  }
0xe7: {  	[tilespmem:s5+$0x248] =	vst.add.f32.msk $0xffff, v1  }
0xe8: {  	v1 =	vld [tilespmem:s28+$0xFFFFFFD0];
	_ =	sdelay $0x4  }
0xe9: {  	[tilespmem:s5+$0x258] =	vst.add.f32.msk $0xffff, v1  }
0xea: {  	v1 =	vld [tilespmem:s28+$0xFFFFFFE0];
	_ =	sdelay $0x4  }
0xeb: {  	[tilespmem:s5+$0x268] =	vst.add.f32.msk $0xffff, v1  }
0xec: {  	v1 =	vld [tilespmem:s28+$0xFFFFFFF0];
	_ =	sdelay $0x4  }
0xed: {  	[tilespmem:s5+$0x278] =	vst.add.f32.msk $0xffff, v1  }
0xee: {  	v1 =	vld [tilespmem:s28+$0x0];
	_ =	sdelay $0x4  }
0xef: {  	[tilespmem:s5+$0x288] =	vst.add.f32.msk $0xffff, v1  }
0xf0: {  	v1 =	vld [tilespmem:s28+$0x10];
	_ =	sdelay $0x4  }
0xf1: {  	[tilespmem:s5+$0x298] =	vst.add.f32.msk $0xffff, v1  }
0xf2: {  	v1 =	vld [tilespmem:s28+$0x20];
	_ =	sdelay $0x4  }
0xf3: {  	[tilespmem:s5+$0x2A8] =	vst.add.f32.msk $0xffff, v1  }
0xf4: {  	v1 =	vld [tilespmem:s28+$0x30];
	_ =	sdelay $0x4  }
0xf5: {  	[tilespmem:s5+$0x2B8] =	vst.add.f32.msk $0xffff, v1  }
0xf6: {  	v1 =	vld [tilespmem:s28+$0x40];
	_ =	sdelay $0x4  }
0xf7: {  	[tilespmem:s5+$0x2C8] =	vst.add.f32.msk $0xffff, v1  }
0xf8: {  	v1 =	vld [tilespmem:s28+$0x50];
	_ =	sdelay $0x4  }
0xf9: {  	[tilespmem:s5+$0x2D8] =	vst.add.f32.msk $0xffff, v1  }
0xfa: {  	v1 =	vld [tilespmem:s28+$0x60];
	_ =	sdelay $0x4  }
0xfb: {  	[tilespmem:s5+$0x2E8] =	vst.add.f32.msk $0xffff, v1  }
0xfc: {  	v1 =	vld [tilespmem:s28+$0x70];
	_ =	sdelay $0x4  }
0xfd: {  	[tilespmem:s5+$0x2F8] =	vst.add.f32.msk $0xffff, v1  }
.LBB2_23:
0xfe: {  	s29 =	sadd.s32 $0x1, s29  }
0xff: {  	p2 =	seq.s32 s29, $0x0  }
.Ltmp17:
0x100: {  	_ = 	snop;
	(pc) =	sbr.rel @p2 .LBB2_24-.Ltmp17, $2  }
0x101: {  	_ =	sdelay $0x2  }
0x102: {  	s25 =	sadd.s32 $0x1, s25;
	s28 =	sadd.s32 $0x100, s28;
	s31 =	smov.u32 s0  }
.LBB2_18:
0x103: {  	v1 =	vld.msk [tilespmem:s25+$0x0], $0x1;
	_ =	sdelay $0x4  }
0x104: {  	(v2sf) =	vpush v1, $0x0;
	_ =	sdelay $0xe  }
0x105: {  	s0 =	spop (v2sf)  }
0x106: {  	p2 =	sne.s32 s31, s0  }
.Ltmp18:
0x107: {  	_ = 	snop;
	(pc) =	sbr.rel @!p2 .LBB2_19-.Ltmp18, $3  }
0x108: {  	_ =	sdelay $0x1  }
0x109: {  	s2 =	sshll.u32 s24, $0xA  }
0x10a: {  	s5 =	sshra.s32 s2, $0x2  }
0x10b: {  	p2 =	seq.s32 s31, s26  }
.Ltmp19:
0x10c: {  	_ = 	snop;
	(pc) =	sbr.rel @!p2 .LBB2_21-.Ltmp19, $1  }
0x10d: {  	_ =	sdelay $0x3  }
.Ltmp20:
0x10e: {  	s2 =	sadd.s32 $0x208, s5;
	(pc) =	sbr.rel .LBB2_22-.Ltmp20, $4  }
0x10f: {  	[spmem:s16] =	stream.linear.scatter [tilespmem:s2], [sflag:$0x1], $0x100, $0x38;
	[tilespmem:$0x1E678] =	vst v63  }
0x110: {  	_ =	swait.ge [sflag:s12], $0x100  }
0x111: {  	[sflag:s12] =	ssyncset.done $0x0  }
0x112: {  	[sflag:s12] =	ssyncadd.s32 $0xFFFFFF00  }
.LBB2_21:
0x113: {  	s2 =	sshll.u32 s30, $0xA  }
0x114: {  	s2 =	sshra.s32 s2, $0x2  }
0x115: {  	v1 =	vld [tilespmem:s2+$0x7308];
	_ =	sdelay $0x4  }
0x116: {  	[tilespmem:s5+$0x208] =	vst.add.f32.msk $0xffff, v1  }
0x117: {  	v1 =	vld [tilespmem:s2+$0x7318];
	_ =	sdelay $0x4  }
0x118: {  	[tilespmem:s5+$0x218] =	vst.add.f32.msk $0xffff, v1  }
0x119: {  	v1 =	vld [tilespmem:s2+$0x7328];
	_ =	sdelay $0x4  }
0x11a: {  	[tilespmem:s5+$0x228] =	vst.add.f32.msk $0xffff, v1  }
0x11b: {  	v1 =	vld [tilespmem:s2+$0x7338];
	_ =	sdelay $0x4  }
0x11c: {  	[tilespmem:s5+$0x238] =	vst.add.f32.msk $0xffff, v1  }
0x11d: {  	v1 =	vld [tilespmem:s2+$0x7348];
	_ =	sdelay $0x4  }
0x11e: {  	[tilespmem:s5+$0x248] =	vst.add.f32.msk $0xffff, v1  }
0x11f: {  	v1 =	vld [tilespmem:s2+$0x7358];
	_ =	sdelay $0x4  }
0x120: {  	[tilespmem:s5+$0x258] =	vst.add.f32.msk $0xffff, v1  }
0x121: {  	v1 =	vld [tilespmem:s2+$0x7368];
	_ =	sdelay $0x4  }
0x122: {  	[tilespmem:s5+$0x268] =	vst.add.f32.msk $0xffff, v1  }
0x123: {  	v1 =	vld [tilespmem:s2+$0x7378];
	_ =	sdelay $0x4  }
0x124: {  	[tilespmem:s5+$0x278] =	vst.add.f32.msk $0xffff, v1  }
0x125: {  	v1 =	vld [tilespmem:s2+$0x7388];
	_ =	sdelay $0x4  }
0x126: {  	[tilespmem:s5+$0x288] =	vst.add.f32.msk $0xffff, v1  }
0x127: {  	v1 =	vld [tilespmem:s2+$0x7398];
	_ =	sdelay $0x4  }
0x128: {  	[tilespmem:s5+$0x298] =	vst.add.f32.msk $0xffff, v1  }
0x129: {  	v1 =	vld [tilespmem:s2+$0x73A8];
	_ =	sdelay $0x4  }
0x12a: {  	[tilespmem:s5+$0x2A8] =	vst.add.f32.msk $0xffff, v1  }
0x12b: {  	v1 =	vld [tilespmem:s2+$0x73B8];
	_ =	sdelay $0x4  }
0x12c: {  	[tilespmem:s5+$0x2B8] =	vst.add.f32.msk $0xffff, v1  }
0x12d: {  	v1 =	vld [tilespmem:s2+$0x73C8];
	_ =	sdelay $0x4  }
0x12e: {  	[tilespmem:s5+$0x2C8] =	vst.add.f32.msk $0xffff, v1  }
0x12f: {  	v1 =	vld [tilespmem:s2+$0x73D8];
	_ =	sdelay $0x4  }
0x130: {  	[tilespmem:s5+$0x2D8] =	vst.add.f32.msk $0xffff, v1  }
0x131: {  	v1 =	vld [tilespmem:s2+$0x73E8];
	_ =	sdelay $0x4  }
0x132: {  	[tilespmem:s5+$0x2E8] =	vst.add.f32.msk $0xffff, v1  }
0x133: {  	v1 =	vld [tilespmem:s2+$0x73F8];
	_ =	sdelay $0x2  }
0x134: {  	p2 =	sgt.u32 s31, $0x6B70  }
0x135: {  	s2 =	sand.u32 @!p2 $0x7FF8, s31  }
0x136: {  	s3 =	sadd.s32 $0x208, s5;
	s9 =	sand.u32 @!p2 $0x7, s31;
	s2 =	sadd.s32 @!p2 s1, s2;
	[tilespmem:s5+$0x2F8] =	vst.add.f32.msk $0xffff, v1  }
0x137: {  	[hbm4b:s2+s9] =	stream.linear.scatter @!p2 [tilespmem:s3], [sflag:$0xC], $0x80, $0x38;
	[tilespmem:$0x1E678] =	vst v63  }
0x138: {  	s2 =	sadd.s32 @!p2 $0x80, s31  }
0x139: {  	s2 =	sand.u32 @!p2 $0xFFF8, s2  }
0x13a: {  	s3 =	sadd.s32 $0x288, s5;
	s2 =	sadd.s32 @!p2 s1, s2  }
0x13b: {  	[hbm4b:s2+s9] =	stream.linear.scatter @!p2 [tilespmem:s3], [sflag:$0xC], $0x80, $0x38;
	[tilespmem:$0x1E678] =	vst v63  }
0x13c: {  	s2 =	simm.s32 $0x0  }
0x13d: {  	s2 =	simm.s32 @!p2 $0x400  }
0x13e: {  	s4 =	sadd.s32 s2, s4  }
.LBB2_22:
0x13f: {  	s2 =	sadd.s32 $0x1, s24  }
0x140: {  	s3 =	sshrl.u32 s2, $0x4  }
0x141: {  	s3 =	smulhi.u32 $0x24924925, s3  }
0x142: {  	v1 =	vld [tilespmem:s28+$0xFFFFFF80]  }
0x143: {  	s3 =	smul.u32 $0x70, s3;
	_ =	sdelay $0x1  }
0x144: {  	s24 =	ssub.s32 s2, s3  }
0x145: {  	s2 =	sshll.u32 s24, $0x8  }
0x146: {  	[tilespmem:s2+$0x208] =	vst v1  }
0x147: {  	v1 =	vld [tilespmem:s28+$0xFFFFFF90];
	_ =	sdelay $0x4  }
0x148: {  	[tilespmem:s2+$0x218] =	vst v1  }
0x149: {  	v1 =	vld [tilespmem:s28+$0xFFFFFFA0];
	_ =	sdelay $0x4  }
0x14a: {  	[tilespmem:s2+$0x228] =	vst v1  }
0x14b: {  	v1 =	vld [tilespmem:s28+$0xFFFFFFB0];
	_ =	sdelay $0x4  }
0x14c: {  	[tilespmem:s2+$0x238] =	vst v1  }
0x14d: {  	v1 =	vld [tilespmem:s28+$0xFFFFFFC0];
	_ =	sdelay $0x4  }
0x14e: {  	[tilespmem:s2+$0x248] =	vst v1  }
0x14f: {  	v1 =	vld [tilespmem:s28+$0xFFFFFFD0];
	_ =	sdelay $0x4  }
0x150: {  	[tilespmem:s2+$0x258] =	vst v1  }
0x151: {  	v1 =	vld [tilespmem:s28+$0xFFFFFFE0];
	_ =	sdelay $0x4  }
0x152: {  	[tilespmem:s2+$0x268] =	vst v1  }
0x153: {  	v1 =	vld [tilespmem:s28+$0xFFFFFFF0];
	_ =	sdelay $0x4  }
0x154: {  	[tilespmem:s2+$0x278] =	vst v1  }
0x155: {  	v1 =	vld [tilespmem:s28+$0x0];
	_ =	sdelay $0x4  }
0x156: {  	[tilespmem:s2+$0x288] =	vst v1  }
0x157: {  	v1 =	vld [tilespmem:s28+$0x10];
	_ =	sdelay $0x4  }
0x158: {  	[tilespmem:s2+$0x298] =	vst v1  }
0x159: {  	v1 =	vld [tilespmem:s28+$0x20];
	_ =	sdelay $0x4  }
0x15a: {  	[tilespmem:s2+$0x2A8] =	vst v1  }
0x15b: {  	v1 =	vld [tilespmem:s28+$0x30];
	_ =	sdelay $0x4  }
0x15c: {  	[tilespmem:s2+$0x2B8] =	vst v1  }
0x15d: {  	v1 =	vld [tilespmem:s28+$0x40];
	_ =	sdelay $0x4  }
0x15e: {  	[tilespmem:s2+$0x2C8] =	vst v1  }
0x15f: {  	v1 =	vld [tilespmem:s28+$0x50];
	_ =	sdelay $0x4  }
0x160: {  	[tilespmem:s2+$0x2D8] =	vst v1  }
0x161: {  	v1 =	vld [tilespmem:s28+$0x60];
	_ =	sdelay $0x4  }
0x162: {  	[tilespmem:s2+$0x2E8] =	vst v1  }
0x163: {  	v1 =	vld [tilespmem:s28+$0x70]  }
.Ltmp21:
0x164: {  	_ = 	snop;
	(pc) =	sbr.rel .LBB2_23-.Ltmp21, $2  }
0x165: {  	_ =	sdelay $0x2  }
0x166: {  	s30 =	sadd.s32 $0x1, s30;
	[tilespmem:s2+$0x2F8] =	vst v1  }
.LBB2_25:
.Ltmp22:
0x167: {  	(pc) =	sbr.rel .LBB2_26-.Ltmp22, $4  }
0x168: {  	_ = 	snop  }
0x169: {  	s0 =	simm.s32 $0x2  }
0x16a: {  	_ =	swait.ge [sflag:s0], $0x0  }
0x16b: {  	s2 =	simm.s32 $0x0;
	[sflag:s0] =	ssyncset.done $0x0;
	s0 =	smov.u32 s31  }
.LBB2_28:
0x16c: {  	_ =	sfence.sel $0x180000  }
0x16d: {  	s0 =	simm.s32 $0x9;
	[bflag:$0x0] =	sbarrier.arrive $0xFFFF  }
0x16e: {  	s24 =	simm.s32 $0xA;
	[sflag:s0] =	ssyncpa.u1 $0x1  }
0x16f: {  	s25 =	simm.s32 $0xB;
	[sflag:s24] =	ssyncpa.u1 $0x1  }
0x170: {  	s26 =	simm.s32 $0x2;
	[sflag:s25] =	ssyncpa.u1 $0x1  }
0x171: {  	[sflag:s26] =	ssyncpa.u1 $0x1  }
0x172: {  	v0 =	vld [tilespmem:$0xE408];
	_ =	sdelay $0x4  }
0x173: {  	(v2sf) =	vpush v0, $0x0  }
0x174: {  	(v2sf) =	vpush v0, $0x1;
	_ =	sdelay $0x1  }
0x175: {  	(v2sf) =	vpush v0, $0x2;
	_ =	sdelay $0xb  }
0x176: {  	s0 =	spop (v2sf)  }
0x177: {  	s2 =	spop (v2sf)  }
0x178: {  	s3 =	smov.u32 s0;
	p0 =	sne.s32 s0, s2  }
0x179: {  	s4 =	spop (v2sf);
	s3 =	simm.s32 @!p0 $0xFFFFFFFF  }
0x17a: {  	v2 =	vimm.s32 $0x1;
	v3 =	vlaneseq.u32;
	p0 =	seq.s32 s4, $0xFFFFFFFF;
	v1 =	vmov s3  }
0x17b: {  	s15 =	stileid.u32;
	v0 =	vperm.xlane v0, v2;
	p1 =	sne.s32 @!p0 s0, s2;
	v1 =	vperm.xlane v1, v3  }
0x17c: {  	vm0 =	vcmask $0x3F04;
	s6 =	simm.s32 $0xE408;
	s0 =	simm.s32 @!p0 $0x1;
	p1 =	por !p1, p0  }
0x17d: {  	s3 =	sshll.u32 s15, $0x1;
	s2 =	sshll.u32 @!p0 s4, $0xA;
	s0 =	simm.s32 @p1 $0x0;
	v0 =	vsel vm0, v1, v0  }
0x17e: {  	s5 =	sor.u32 $0x2000, s3;
	s2 =	sshra.s32 @!p0 s2, $0x2;
	s0 =	sor.u32 @!p0 s0, s3;
	[tilespmem:$0xE408] =	vst v0  }
0x17f: {  	[spmem:s5] =	stream.linear.scatter [tilespmem:s6], [sflag:$0x1], $0x2, $0x38;
	[tilespmem:$0x1E678] =	vst v63  }
0x180: {  	s2 =	sadd.s32 @!p0 $0x208, s2;
	s0 =	sshll.u32 @!p0 s0, $0x8  }
0x181: {  	[spmem:s0] =	stream.linear.scatter @!p0 [tilespmem:s2], [sflag:$0x1], $0x100, $0x38;
	[tilespmem:$0x1E678] =	vst v63  }
0x182: {  	s0 =	simm.s32 @!p0 $0x102  }
0x183: {  	s28 =	simm.s32 $0x1;
	s0 =	simm.s32 @p0 $0x2  }
0x184: {  	_ =	swait.ge [sflag:s28], s0  }
0x185: {  	s0 =	ssub.s32 $0x0, s0;
	[sflag:s28] =	ssyncset.done $0x0  }
0x186: {  	p0 =	sne.s32 s15, $0x0;
	[sflag:s28] =	ssyncadd.s32 s0  }
.Ltmp23:
0x187: {  	_ =	sfence.stream.spmem;
	(pc) =	sbr.rel @p0 .LBB2_45-.Ltmp23, $4  }
0x188: {  	s29 =	simm.s32 $0x3;
	[bflag:$0x0] =	sbarrier.arrive $0xFFFF  }
0x189: {  	s30 =	simm.s32 $0x4;
	[sflag:s29] =	ssyncpa.u1 $0x1  }
0x18a: {  	s31 =	simm.s32 $0x3C;
	[sflag:s30] =	ssyncpa.u1 $0x1  }
0x18b: {  	s14 =	rddreg [dreg:$0x6];
	[sflag:s31] =	ssyncpa.u1 $0x1  }
0x18c: {  	_ =	sfence.stream.spmem;
	s0 =	simm.s32 $0x5  }
0x18d: {  	s2 =	simm.s32 $0x2000;
	s3 =	simm.s32 $0xE418;
	[sflag:s0] =	ssyncpa.u1 $0x0  }
0x18e: {  	[tilespmem:s3], [sflag:$0x5] =	stream.linear.gather [spmem:s2], $0x20, $0x38;
	[tilespmem:$0x1E678] =	vst v63  }
0x18f: {  	s26 =	simm.s32 $0x0;
	s28 =	simm.s32 $0xE438  }
0x190: {  	[tilespmem:s28], [sflag:$0x5] =	stream.linear.gather [spmem:s26], $0x2000, $0x38;
	[tilespmem:$0x1E678] =	vst v63  }
0x191: {  	_ =	swait.ge [sflag:s0], $0x2020  }
0x192: {  	[sflag:s0] =	ssyncset.done $0x0  }
0x193: {  	s29 =	simm.s32 $0x0;
	[sflag:s0] =	ssyncadd.s32 $0xFFFFDFE0  }
0x194: {  	v0 =	vld.msk [tilespmem:s29+$0xE418], $0x1;
	_ =	sdelay $0x1  }
0x195: {  	s30 =	simm.s32 $0x1  }
0x196: {  	v1 =	vld.msk [tilespmem:s30+$0xE418], $0x1;
	_ =	sdelay $0x1  }
0x197: {  	(v2sf) =	vpush v0, $0x0;
	_ =	sdelay $0x2  }
0x198: {  	(v2sf) =	vpush v1, $0x0;
	_ =	sdelay $0x2  }
0x199: {  	s31 =	simm.s32 $0x2  }
0x19a: {  	v0 =	vld.msk [tilespmem:s31+$0xE418], $0x1;
	_ =	sdelay $0x2  }
0x19b: {  	s2 =	simm.s32 $0xFFFFFFFF;
	s3 =	simm.s32 $0xFFFFFFFF;
	s0 =	simm.s32 $0xC  }
.LBB2_30:
0x19c: {  	s4 =	smov.u32 s3;
	s5 =	smov.u32 s2  }
0x19d: {  	s2 =	sshra.s32 s0, $0x2;
	p1 =	sne.s32 s0, $0x7C;
	s0 =	sadd.s32 $0x4, s0;
	(v2sf) =	vpush v0, $0x0  }
0x19e: {  	v0 =	vld.msk [tilespmem:s2+$0xE418], $0x1  }
.Ltmp24:
0x19f: {  	(pc) =	sbr.rel @p1 .LBB2_30-.Ltmp24, $4  }
0x1a0: {  	s3 =	spop (v2sf)  }
0x1a1: {  	p2 =	sne.s32 s5, $0xFFFFFFFF;
	s2 =	smov.u32 s3  }
0x1a2: {  	p3 =	seq.s32 s3, $0xFFFFFFFF;
	s2 =	smov.u32 @p2 s5  }
0x1a3: {  	s3 =	smov.u32 @p3 s4;
	s2 =	smov.u32 @p3 s5  }
0x1a4: {  	(v2sf) =	vpush v0, $0x0;
	_ =	sdelay $0x8  }
0x1a5: {  	s0 =	spop (v2sf)  }
0x1a6: {  	p1 =	sne.s32 s2, $0xFFFFFFFF;
	s9 =	simm.s32 $0x6;
	s4 =	smov.u32 s0  }
0x1a7: {  	s6 =	simm.s32 $0x0;
	p2 =	seq.s32 s0, $0xFFFFFFFF;
	s4 =	smov.u32 @p1 s2  }
0x1a8: {  	s10 =	simm.s32 $0xE308;
	s4 =	smov.u32 @p2 s2;
	s2 =	spop (v2sf)  }
0x1a9: {  	s0 =	smov.u32 @p2 s3;
	p1 =	sne.s32 s4, $0xFFFFFFFF;
	s5 =	smov.u32 s2  }
.Ltmp25:
0x1aa: {  	p2 =	seq.s32 s2, $0xFFFFFFFF;
	s5 =	smov.u32 @p1 s4;
	(pc) =	sbr.rel .LBB2_32-.Ltmp25, $4  }
0x1ab: {  	s11 =	simm.s32 $0xE388;
	s5 =	smov.u32 @p2 s4;
	s7 =	spop (v2sf)  }
0x1ac: {  	s12 =	simm.s32 $0x0;
	p1 =	sne.s32 s5, $0xFFFFFFFF;
	s8 =	smov.u32 s7  }
0x1ad: {  	s2 =	smov.u32 @p2 s0;
	p2 =	seq.s32 s7, $0xFFFFFFFF;
	s8 =	smov.u32 @p1 s5  }
0x1ae: {  	[sflag:s9] =	ssyncpa.u1 $0x0;
	s7 =	smov.u32 @p2 s2;
	s8 =	smov.u32 @p2 s5  }
.LBB2_38:
0x1af: {  	p1 =	sgt.u32 s0, $0x6B70  }
0x1b0: {  	p2 =	seq.s32 @!p1 s0, s8  }
0x1b1: {  	p1 =	por p1, p2  }
0x1b2: {  	p2 =	sne.s32 @!p1 s0, s7  }
0x1b3: {  	p1 =	por p1, !p2  }
0x1b4: {  	s0 =	sshll.u32 @p1 s12, $0xA  }
0x1b5: {  	s2 =	sand.u32 @!p1 $0x7FF8, s0;
	s3 =	sand.u32 @!p1 $0x7, s0;
	s0 =	sadd.s32 @!p1 $0x80, s0  }
0x1b6: {  	s2 =	sadd.s32 @!p1 s1, s2;
	s0 =	sand.u32 @!p1 $0xFFF8, s0  }
0x1b7: {  	[tilespmem:s10], [sflag:$0x6] =	stream.linear.gather @!p1 [hbm4b:s2+s3], $0x80, $0x38;
	[tilespmem:$0x1E678] =	vst v63  }
0x1b8: {  	s0 =	sadd.s32 @!p1 s1, s0  }
0x1b9: {  	[tilespmem:s11], [sflag:$0x6] =	stream.linear.gather @!p1 [hbm4b:s0+s3], $0x80, $0x38;
	[tilespmem:$0x1E678] =	vst v63  }
0x1ba: {  	_ =	swait.ge @!p1 [sflag:s9], $0x100  }
0x1bb: {  	[sflag:s9] =	ssyncset.done @!p1 $0x0  }
0x1bc: {  	[sflag:s9] =	ssyncadd.s32 @!p1 $0xFFFFFF00  }
0x1bd: {  	v1 =	vld @!p1 [tilespmem:$0xE308];
	_ =	sdelay $0x2  }
0x1be: {  	s0 =	sshll.u32 @!p1 s12, $0xA  }
0x1bf: {  	s2 =	sshrl.u32 @!p1 s0, $0x2  }
0x1c0: {  	[tilespmem:s2+$0xE438] =	vst.add.f32.msk @!p1 $0xffff, v1  }
0x1c1: {  	v1 =	vld @!p1 [tilespmem:$0xE318];
	_ =	sdelay $0x4  }
0x1c2: {  	[tilespmem:s2+$0xE448] =	vst.add.f32.msk @!p1 $0xffff, v1  }
0x1c3: {  	v1 =	vld @!p1 [tilespmem:$0xE328];
	_ =	sdelay $0x4  }
0x1c4: {  	[tilespmem:s2+$0xE458] =	vst.add.f32.msk @!p1 $0xffff, v1  }
0x1c5: {  	v1 =	vld @!p1 [tilespmem:$0xE338];
	_ =	sdelay $0x4  }
0x1c6: {  	[tilespmem:s2+$0xE468] =	vst.add.f32.msk @!p1 $0xffff, v1  }
0x1c7: {  	v1 =	vld @!p1 [tilespmem:$0xE348];
	_ =	sdelay $0x4  }
0x1c8: {  	[tilespmem:s2+$0xE478] =	vst.add.f32.msk @!p1 $0xffff, v1  }
0x1c9: {  	v1 =	vld @!p1 [tilespmem:$0xE358];
	_ =	sdelay $0x4  }
0x1ca: {  	[tilespmem:s2+$0xE488] =	vst.add.f32.msk @!p1 $0xffff, v1  }
0x1cb: {  	v1 =	vld @!p1 [tilespmem:$0xE368];
	_ =	sdelay $0x4  }
0x1cc: {  	[tilespmem:s2+$0xE498] =	vst.add.f32.msk @!p1 $0xffff, v1  }
0x1cd: {  	v1 =	vld @!p1 [tilespmem:$0xE378];
	_ =	sdelay $0x4  }
0x1ce: {  	[tilespmem:s2+$0xE4A8] =	vst.add.f32.msk @!p1 $0xffff, v1  }
0x1cf: {  	v1 =	vld @!p1 [tilespmem:$0xE388];
	_ =	sdelay $0x4  }
0x1d0: {  	[tilespmem:s2+$0xE4B8] =	vst.add.f32.msk @!p1 $0xffff, v1  }
0x1d1: {  	v1 =	vld @!p1 [tilespmem:$0xE398];
	_ =	sdelay $0x4  }
0x1d2: {  	[tilespmem:s2+$0xE4C8] =	vst.add.f32.msk @!p1 $0xffff, v1  }
0x1d3: {  	v1 =	vld @!p1 [tilespmem:$0xE3A8];
	_ =	sdelay $0x4  }
0x1d4: {  	[tilespmem:s2+$0xE4D8] =	vst.add.f32.msk @!p1 $0xffff, v1  }
0x1d5: {  	v1 =	vld @!p1 [tilespmem:$0xE3B8];
	_ =	sdelay $0x4  }
0x1d6: {  	[tilespmem:s2+$0xE4E8] =	vst.add.f32.msk @!p1 $0xffff, v1  }
0x1d7: {  	v1 =	vld @!p1 [tilespmem:$0xE3C8];
	_ =	sdelay $0x4  }
0x1d8: {  	[tilespmem:s2+$0xE4F8] =	vst.add.f32.msk @!p1 $0xffff, v1  }
0x1d9: {  	v1 =	vld @!p1 [tilespmem:$0xE3D8];
	_ =	sdelay $0x4  }
0x1da: {  	[tilespmem:s2+$0xE508] =	vst.add.f32.msk @!p1 $0xffff, v1  }
0x1db: {  	v1 =	vld @!p1 [tilespmem:$0xE3E8];
	_ =	sdelay $0x4  }
0x1dc: {  	[tilespmem:s2+$0xE518] =	vst.add.f32.msk @!p1 $0xffff, v1  }
0x1dd: {  	v1 =	vld @!p1 [tilespmem:$0xE3F8];
	_ =	sdelay $0x4  }
0x1de: {  	[tilespmem:s2+$0xE528] =	vst.add.f32.msk @!p1 $0xffff, v1  }
0x1df: {  	s0 =	sshrl.u32 s0, $0x2;
	[tilespmem:s6+$0xE418] =	vst.msk $0x1, v0  }
0x1e0: {  	v0 =	vld [tilespmem:s0+$0xE438];
	_ =	sdelay $0x2  }
0x1e1: {  	s31 =	sshll.u32 s6, $0xA  }
0x1e2: {  	s2 =	sshra.s32 s31, $0x2  }
0x1e3: {  	[tilespmem:s2+$0xE438] =	vst v0  }
0x1e4: {  	v0 =	vld [tilespmem:s0+$0xE448];
	_ =	sdelay $0x4  }
0x1e5: {  	[tilespmem:s2+$0xE448] =	vst v0  }
0x1e6: {  	v0 =	vld [tilespmem:s0+$0xE458];
	_ =	sdelay $0x4  }
0x1e7: {  	[tilespmem:s2+$0xE458] =	vst v0  }
0x1e8: {  	v0 =	vld [tilespmem:s0+$0xE468];
	_ =	sdelay $0x4  }
0x1e9: {  	[tilespmem:s2+$0xE468] =	vst v0  }
0x1ea: {  	v0 =	vld [tilespmem:s0+$0xE478];
	_ =	sdelay $0x4  }
0x1eb: {  	[tilespmem:s2+$0xE478] =	vst v0  }
0x1ec: {  	v0 =	vld [tilespmem:s0+$0xE488];
	_ =	sdelay $0x4  }
0x1ed: {  	[tilespmem:s2+$0xE488] =	vst v0  }
0x1ee: {  	v0 =	vld [tilespmem:s0+$0xE498];
	_ =	sdelay $0x4  }
0x1ef: {  	[tilespmem:s2+$0xE498] =	vst v0  }
0x1f0: {  	v0 =	vld [tilespmem:s0+$0xE4A8];
	_ =	sdelay $0x4  }
0x1f1: {  	[tilespmem:s2+$0xE4A8] =	vst v0  }
0x1f2: {  	v0 =	vld [tilespmem:s0+$0xE4B8];
	_ =	sdelay $0x4  }
0x1f3: {  	[tilespmem:s2+$0xE4B8] =	vst v0  }
0x1f4: {  	v0 =	vld [tilespmem:s0+$0xE4C8];
	_ =	sdelay $0x4  }
0x1f5: {  	[tilespmem:s2+$0xE4C8] =	vst v0  }
0x1f6: {  	v0 =	vld [tilespmem:s0+$0xE4D8];
	_ =	sdelay $0x4  }
0x1f7: {  	[tilespmem:s2+$0xE4D8] =	vst v0  }
0x1f8: {  	v0 =	vld [tilespmem:s0+$0xE4E8];
	_ =	sdelay $0x4  }
0x1f9: {  	[tilespmem:s2+$0xE4E8] =	vst v0  }
0x1fa: {  	v0 =	vld [tilespmem:s0+$0xE4F8];
	_ =	sdelay $0x4  }
0x1fb: {  	[tilespmem:s2+$0xE4F8] =	vst v0  }
0x1fc: {  	v0 =	vld [tilespmem:s0+$0xE508];
	_ =	sdelay $0x4  }
0x1fd: {  	[tilespmem:s2+$0xE508] =	vst v0  }
0x1fe: {  	v0 =	vld [tilespmem:s0+$0xE518];
	_ =	sdelay $0x4  }
0x1ff: {  	[tilespmem:s2+$0xE518] =	vst v0  }
0x200: {  	v0 =	vld [tilespmem:s0+$0xE528];
	_ =	sdelay $0x4  }
0x201: {  	s6 =	sadd.s32 $0x1, s6;
	[tilespmem:s2+$0xE528] =	vst v0  }
.LBB2_39:
0x202: {  	s12 =	sadd.s32 $0x1, s12  }
0x203: {  	p1 =	sne.s32 s12, $0x20  }
.Ltmp26:
0x204: {  	_ = 	snop;
	(pc) =	sbr.rel @!p1 .LBB2_40-.Ltmp26, $1  }
0x205: {  	_ =	sdelay $0x3  }
.LBB2_32:
0x206: {  	v0 =	vld.msk [tilespmem:s12+$0xE418], $0x1;
	_ =	sdelay $0x4  }
0x207: {  	(v2sf) =	vpush v0, $0x0;
	_ =	sdelay $0xe  }
0x208: {  	s0 =	spop (v2sf)  }
0x209: {  	p1 =	seq.s32 s0, $0xFFFFFFFF  }
.Ltmp27:
0x20a: {  	_ = 	snop;
	(pc) =	sbr.rel @p1 .LBB2_39-.Ltmp27, $1  }
0x20b: {  	_ =	sdelay $0x3  }
0x20c: {  	p1 =	slt.s32 s6, $0x1  }
.Ltmp28:
0x20d: {  	_ = 	snop;
	(pc) =	sbr.rel @p1 .LBB2_38-.Ltmp28, $1  }
0x20e: {  	_ =	sdelay $0x3  }
0x20f: {  	s4 =	simm.s32 $0xE418;
	p1 =	por $0x0, $0x0  }
0x210: {  	v1 =	vld.msk @!p1 [tilespmem:s4+$0x0], $0x1;
	_ =	sdelay $0x4  }
0x211: {  	(v2sf) =	vpush @!p1 v1, $0x0;
	_ =	sdelay $0xd  }
0x212: {  	p3 =	sne.s32 s6, $0x1  }
.Ltmp29:
0x213: {  	s2 =	spop @!p1 (v2sf);
	(pc) =	sbr.rel @!p3 .LBB2_36-.Ltmp29, $4  }
0x214: {  	p2 =	seq.s32 @!p1 s0, s2  }
0x215: {  	s5 =	simm.s32 $0x0;
	p2 =	por !p2, p1  }
0x216: {  	s2 =	simm.s32 $0xFFFFFFFF;
	s5 =	simm.s32 @p2 $0xFFFFFFFF  }
0x217: {  	s13 =	simm.s32 $0x1;
	s5 =	smov.u32 @p1 s2  }
.LBB2_35:
0x218: {  	s2 =	smov.u32 s5;
	p1 =	sne.s32 s5, $0xFFFFFFFF  }
0x219: {  	s4 =	sadd.s32 $0x1, s4;
	s5 =	smov.u32 s13;
	s13 =	sadd.s32 $0x1, s13  }
0x21a: {  	p2 =	sne.s32 s6, s13;
	v1 =	vld.msk @!p1 [tilespmem:s4+$0x0], $0x1;
	_ =	sdelay $0x4  }
0x21b: {  	(v2sf) =	vpush @!p1 v1, $0x0;
	_ =	sdelay $0xe  }
.Ltmp30:
0x21c: {  	s3 =	spop @!p1 (v2sf);
	(pc) =	sbr.rel @p2 .LBB2_35-.Ltmp30, $4  }
0x21d: {  	p3 =	seq.s32 @!p1 s0, s3  }
0x21e: {  	p3 =	por !p3, p1  }
0x21f: {  	s5 =	simm.s32 @p3 $0xFFFFFFFF  }
0x220: {  	s5 =	smov.u32 @p1 s2  }
.LBB2_36:
0x221: {  	p1 =	seq.s32 s5, $0xFFFFFFFF  }
.Ltmp31:
0x222: {  	_ = 	snop;
	(pc) =	sbr.rel @p1 .LBB2_38-.Ltmp31, $1  }
0x223: {  	_ =	sdelay $0x3  }
0x224: {  	s0 =	sshll.u32 s12, $0x8  }
0x225: {  	s0 =	sand.u32 $0x3FFFFF00, s0  }
0x226: {  	v0 =	vld [tilespmem:s0+$0xE438];
	_ =	sdelay $0x2  }
0x227: {  	s2 =	sshll.u32 s5, $0xA  }
0x228: {  	s2 =	sshra.s32 s2, $0x2  }
0x229: {  	[tilespmem:s2+$0xE438] =	vst.add.f32.msk $0xffff, v0  }
0x22a: {  	v0 =	vld [tilespmem:s0+$0xE448];
	_ =	sdelay $0x4  }
0x22b: {  	[tilespmem:s2+$0xE448] =	vst.add.f32.msk $0xffff, v0  }
0x22c: {  	v0 =	vld [tilespmem:s0+$0xE458];
	_ =	sdelay $0x4  }
0x22d: {  	[tilespmem:s2+$0xE458] =	vst.add.f32.msk $0xffff, v0  }
0x22e: {  	v0 =	vld [tilespmem:s0+$0xE468];
	_ =	sdelay $0x4  }
0x22f: {  	[tilespmem:s2+$0xE468] =	vst.add.f32.msk $0xffff, v0  }
0x230: {  	v0 =	vld [tilespmem:s0+$0xE478];
	_ =	sdelay $0x4  }
0x231: {  	[tilespmem:s2+$0xE478] =	vst.add.f32.msk $0xffff, v0  }
0x232: {  	v0 =	vld [tilespmem:s0+$0xE488];
	_ =	sdelay $0x4  }
0x233: {  	[tilespmem:s2+$0xE488] =	vst.add.f32.msk $0xffff, v0  }
0x234: {  	v0 =	vld [tilespmem:s0+$0xE498];
	_ =	sdelay $0x4  }
0x235: {  	[tilespmem:s2+$0xE498] =	vst.add.f32.msk $0xffff, v0  }
0x236: {  	v0 =	vld [tilespmem:s0+$0xE4A8];
	_ =	sdelay $0x4  }
0x237: {  	[tilespmem:s2+$0xE4A8] =	vst.add.f32.msk $0xffff, v0  }
0x238: {  	v0 =	vld [tilespmem:s0+$0xE4B8];
	_ =	sdelay $0x4  }
0x239: {  	[tilespmem:s2+$0xE4B8] =	vst.add.f32.msk $0xffff, v0  }
0x23a: {  	v0 =	vld [tilespmem:s0+$0xE4C8];
	_ =	sdelay $0x4  }
0x23b: {  	[tilespmem:s2+$0xE4C8] =	vst.add.f32.msk $0xffff, v0  }
0x23c: {  	v0 =	vld [tilespmem:s0+$0xE4D8];
	_ =	sdelay $0x4  }
0x23d: {  	[tilespmem:s2+$0xE4D8] =	vst.add.f32.msk $0xffff, v0  }
0x23e: {  	v0 =	vld [tilespmem:s0+$0xE4E8];
	_ =	sdelay $0x4  }
0x23f: {  	[tilespmem:s2+$0xE4E8] =	vst.add.f32.msk $0xffff, v0  }
0x240: {  	v0 =	vld [tilespmem:s0+$0xE4F8];
	_ =	sdelay $0x4  }
0x241: {  	[tilespmem:s2+$0xE4F8] =	vst.add.f32.msk $0xffff, v0  }
0x242: {  	v0 =	vld [tilespmem:s0+$0xE508];
	_ =	sdelay $0x4  }
0x243: {  	[tilespmem:s2+$0xE508] =	vst.add.f32.msk $0xffff, v0  }
0x244: {  	v0 =	vld [tilespmem:s0+$0xE518];
	_ =	sdelay $0x4  }
0x245: {  	[tilespmem:s2+$0xE518] =	vst.add.f32.msk $0xffff, v0  }
0x246: {  	v0 =	vld [tilespmem:s0+$0xE528]  }
.Ltmp32:
0x247: {  	_ = 	snop;
	(pc) =	sbr.rel .LBB2_39-.Ltmp32, $2  }
0x248: {  	_ =	sdelay $0x2  }
0x249: {  	[tilespmem:s2+$0xE528] =	vst.add.f32.msk $0xffff, v0  }
.LBB2_40:
0x24a: {  	s0 =	simm.s32 $0x6;
	p1 =	seq.s32 s6, $0x0  }
0x24b: {  	[sflag:s0] =	ssyncpa.u1 $0x1;
	v0 =	vimm.s32 @p1 $0xFFFFFFFF  }
0x24c: {  	s0 =	sadd.s32 $0xFFFFFFFF, s6;
	[tilespmem:$0x10438] =	vst @p1 v0  }
0x24d: {  	v0 =	vld.msk @!p1 [tilespmem:s0+$0xE418], $0x1;
	_ =	sdelay $0x1  }
0x24e: {  	v1 =	vld.msk @!p1 [tilespmem:$0xE418], $0x1;
	_ =	sdelay $0x2  }
0x24f: {  	p2 =	seq.s32 @!p1 s0, $0x0;
	v0 =	vbroadcast @!p1 v0, $0x0  }
0x250: {  	vm0 =	vmmov @!p1 $0x1;
	p2 =	por !p2, p1  }
0x251: {  	v1 =	vnsel @!p1 vm0, $0xFFFFFFFF, v1;
	vm0 =	vcmask @!p1 $0x308;
	v0 =	vpsel !p2, $0xFFFFFFFF, v0  }
0x252: {  	p2 =	sne.s32 @!p1 s8, s7;
	v0 =	vsel @!p1 vm0, v1, v0  }
0x253: {  	s2 =	simm.s32 @!p1 $0xE438;
	s3 =	simm.s32 @!p1 $0x0;
	p3 =	por !p2, p1;
	[tilespmem:$0x10438] =	vst @!p1 v0  }
0x254: {  	[spmem:s3] =	stream.linear.scatter @!p1 [tilespmem:s2], [sflag:$0x1], $0x100, $0x38;
	[tilespmem:$0x1E678] =	vst v63  }
0x255: {  	s2 =	sshll.u32 @!p3 s0, $0xA  }
0x256: {  	s2 =	sshra.s32 @!p3 s2, $0x2  }
0x257: {  	s3 =	simm.s32 @!p3 $0x100;
	s2 =	sadd.s32 @!p3 $0xE438, s2  }
0x258: {  	[spmem:s3] =	stream.linear.scatter @!p3 [tilespmem:s2], [sflag:$0x1], $0x100, $0x38;
	[tilespmem:$0x1E678] =	vst v63  }
0x259: {  	s2 =	simm.s32 @!p3 $0x1  }
0x25a: {  	_ =	swait.ge @!p3 [sflag:s2], $0x200  }
0x25b: {  	p1 =	por p2, p1;
	[sflag:s2] =	ssyncset.done @!p3 $0x0  }
0x25c: {  	[sflag:s2] =	ssyncadd.s32 @!p3 $0xFFFFFE00;
	s2 =	simm.s32 @!p1 $0x1  }
0x25d: {  	_ =	swait.ge @!p1 [sflag:s2], $0x100  }
0x25e: {  	s29 =	simm.s32 $0x10438;
	[sflag:s2] =	ssyncset.done @!p1 $0x0  }
0x25f: {  	s30 =	simm.s32 $0x2000;
	s31 =	simm.s32 $0x1;
	[sflag:s2] =	ssyncadd.s32 @!p1 $0xFFFFFF00  }
0x260: {  	[spmem:s30] =	stream.linear.scatter [tilespmem:s29], [sflag:$0x1], $0x10, $0x38;
	[tilespmem:$0x1E678] =	vst v63  }
0x261: {  	_ =	swait.ge [sflag:s31], $0x10  }
0x262: {  	[sflag:s31] =	ssyncset.done $0x0  }
0x263: {  	p1 =	seq.s32 s14, $0x0;
	s9 =	rddreg [dreg:$0x3];
	[sflag:s31] =	ssyncadd.s32 $0xFFFFFFF0  }
0x264: {  	s3 =	sshll.u32 @p1 s9, $0xE;
	s8 =	rddreg [dreg:$0x4]  }
0x265: {  	s2 =	sadd.s32 @p1 $0x15C3C, s3;
	s3 =	sshll.u32 @p1 s8, $0x11  }
0x266: {  	_ =	sfence.stream.spmem;
	s2 =	sor.u32 @p1 s3, s2  }
0x267: {  	[sflag:s2] =	ssyncadd.remote.s32 @p1 $0x1;
	s2 =	simm.s32 @p1 $0x4  }
0x268: {  	s4 =	simm.s32 @!p1 $0x3C;
	s3 =	sand.u32 $0xFFFFFFFE, s9;
	_ =	swait.ge @p1 [sflag:s2], $0x42  }
0x269: {  	s5 =	simm.s32 @!p1 $0x0;
	s3 =	sadd.s32 @!p1 $0x4, s3;
	[sflag:s2] =	ssyncset.done @p1 $0x0  }
0x26a: {  	s7 =	simm.s32 @!p1 $0x200;
	[sflag:s2] =	ssyncadd.s32 @p1 $0xFFFFFFBE;
	s2 =	sshll.u32 @!p1 s3, $0x1A  }
0x26b: {  	s3 =	sshll.u32 @!p1 s3, $0xD;
	s2 =	sor.u32 @!p1 s2, s8;
	_ =	swait.eq @!p1 [sflag:s4], $0x1  }
0x26c: {  	s3 =	sor.u32 @!p1 $0x1C04, s3;
	s4 =	simm.s32 @!p1 $0x1C03;
	s2 =	sor.u32 @!p1 $0x80004000, s2  }
0x26d: {  	[spmem:s7], [sflag:s3] =	dma.general @!p1 [spmem:s5], [sflag:s4], length:$0x40, [dreg:$0x0], stride_count:$0x0, ici_dest:s2, dma_misc:DstOpCode:WRITE  }
0x26e: {  	p2 =	slt.s32 s0, $0x2;
	s5 =	simm.s32 @!p1 $0x400;
	s7 =	simm.s32 @!p1 $0x402  }
0x26f: {  	[spmem:s7], [sflag:s3] =	dma.general @!p1 [spmem:s5], [sflag:s4], length:$0x2, [dreg:$0x0], stride_count:$0x0, ici_dest:s2, dma_misc:DstOpCode:WRITE  }
.Ltmp33:
0x270: {  	s2 =	simm.s32 @!p1 $0x3;
	(pc) =	sbr.rel @p2 .LBB2_44-.Ltmp33, $4  }
0x271: {  	s3 =	sshll.u32 @!p1 s9, $0xE;
	_ =	swait.ge @!p1 [sflag:s2], $0x42  }
0x272: {  	s4 =	sshll.u32 @!p1 s8, $0x11;
	s3 =	sadd.s32 @!p1 $0x11C3C, s3;
	[sflag:s2] =	ssyncset.done @!p1 $0x0  }
0x273: {  	[sflag:s2] =	ssyncadd.s32 @!p1 $0xFFFFFFBE;
	s2 =	sor.u32 @!p1 s4, s3  }
0x274: {  	s0 =	simm.s32 $0x0;
	[sflag:s2] =	ssyncadd.remote.s32 @!p1 $0xFFFFFFFF  }
0x275: {  	s0 =	simm.s32 $0xE419  }
0x276: {  	v0 =	vld.msk [tilespmem:s0+$0x0], $0x1;
	_ =	sdelay $0x4  }
0x277: {  	(v2sf) =	vpush v0, $0x0;
	_ =	sdelay $0xd  }
0x278: {  	s31 =	sadd.s32 $0xFFFFFFFE, s6  }
0x279: {  	s6 =	simm.s32 $0x0;
	s0 =	sadd.s32 $0xFFFFFFFF, s31;
	s2 =	spop (v2sf)  }
0x27a: {  	s3 =	simm.s32 $0xE538;
	p1 =	sne.s32 s0, $0x0;
	p2 =	sgt.u32 s2, $0x6B70  }
.Ltmp34:
0x27b: {  	s4 =	simm.s32 $0xE638;
	s5 =	sand.u32 @!p2 $0x7FF8, s2;
	(pc) =	sbr.rel @!p1 .LBB2_43-.Ltmp34, $4  }
0x27c: {  	s7 =	sadd.s32 @!p2 $0x80, s2;
	s2 =	sand.u32 @!p2 $0x7, s2;
	s6 =	simm.s32 @!p2 $0x400  }
0x27d: {  	s5 =	sadd.s32 @!p2 s1, s5;
	s7 =	sand.u32 @!p2 $0xFFF8, s7;
	s6 =	sadd.s32 $0x0, s6  }
0x27e: {  	[hbm4b:s5+s2] =	stream.linear.scatter @!p2 [tilespmem:s3], [sflag:$0x5], $0x80, $0x38;
	[tilespmem:$0x1E678] =	vst v63  }
0x27f: {  	s5 =	simm.s32 $0xE41A;
	s3 =	simm.s32 @!p2 $0xE5B8;
	s7 =	sadd.s32 @!p2 s1, s7  }
.LBB2_42:
0x280: {  	[hbm4b:s7+s2] =	stream.linear.scatter @!p2 [tilespmem:s3], [sflag:$0x5], $0x80, $0x38;
	[tilespmem:$0x1E678] =	vst v63  }
0x281: {  	s0 =	sadd.s32 $0xFFFFFFFF, s0;
	s3 =	smov.u32 s4;
	v0 =	vld.msk [tilespmem:s5+$0x0], $0x1  }
0x282: {  	p1 =	sne.s32 s0, $0x0;
	_ =	sdelay $0x3  }
0x283: {  	(v2sf) =	vpush v0, $0x0;
	_ =	sdelay $0xe  }
0x284: {  	s4 =	sadd.s32 $0x100, s4;
	s8 =	simm.s32 $0x0;
	s2 =	spop (v2sf)  }
.Ltmp35:
0x285: {  	s5 =	sadd.s32 $0x1, s5;
	p2 =	sgt.u32 s2, $0x6B70;
	(pc) =	sbr.rel @p1 .LBB2_42-.Ltmp35, $4  }
0x286: {  	s8 =	simm.s32 @!p2 $0x400;
	s7 =	sand.u32 @!p2 $0x7FF8, s2;
	s9 =	sadd.s32 @!p2 $0x80, s2  }
0x287: {  	s2 =	sand.u32 @!p2 $0x7, s2;
	s7 =	sadd.s32 @!p2 s1, s7;
	s9 =	sand.u32 @!p2 $0xFFF8, s9  }
0x288: {  	[hbm4b:s7+s2] =	stream.linear.scatter @!p2 [tilespmem:s3], [sflag:$0x5], $0x80, $0x38;
	[tilespmem:$0x1E678] =	vst v63  }
0x289: {  	s6 =	sadd.s32 s6, s8;
	s3 =	sadd.s32 @!p2 $0x80, s3;
	s7 =	sadd.s32 @!p2 s1, s9  }
.LBB2_43:
0x28a: {  	[hbm4b:s7+s2] =	stream.linear.scatter @!p2 [tilespmem:s3], [sflag:$0x5], $0x80, $0x38;
	[tilespmem:$0x1E678] =	vst v63  }
0x28b: {  	s0 =	sshrl.u32 s6, $0x2  }
.LBB2_44:
0x28c: {  	s2 =	simm.s32 $0x5  }
0x28d: {  	_ =	swait.ge [sflag:s2], s0  }
0x28e: {  	s31 =	ssub.s32 $0x0, s0;
	[sflag:s2] =	ssyncset.done $0x0  }
0x28f: {  	[sflag:s2] =	ssyncadd.s32 s31  }
0x290: {  	[sflag:s2] =	ssyncpa.u1 $0x1  }
.LBB2_45:
0x291: {  	s0 =	sor.u32 s14, s15  }
0x292: {  	p1 =	sne.s32 s0, $0x0  }
.Ltmp36:
0x293: {  	_ = 	snop;
	(pc) =	sbr.rel @p1 .LBB2_60-.Ltmp36, $3  }
0x294: {  	_ =	sdelay $0x1  }
0x295: {  	[bflag:$0x0] =	sbarrier.arrive $0xFFFF  }
0x296: {  	_ =	sfence  }
0x297: {  	s0 =	simm.s32 $0x7  }
0x298: {  	s2 =	simm.s32 $0x2000;
	s3 =	simm.s32 $0xE418;
	[sflag:s0] =	ssyncpa.u1 $0x0  }
0x299: {  	[tilespmem:s3], [sflag:$0x7] =	stream.linear.gather [spmem:s2], $0x20, $0x38;
	[tilespmem:$0x1E678] =	vst v63  }
0x29a: {  	s30 =	simm.s32 $0xE438;
	s2 =	simm.s32 $0x0  }
0x29b: {  	[tilespmem:s30], [sflag:$0x7] =	stream.linear.gather [spmem:s2], $0x2000, $0x38;
	[tilespmem:$0x1E678] =	vst v63  }
.Ltmp37:
0x29c: {  	_ = 	snop;
	(pc) =	sbr.rel .LBB2_47-.Ltmp37, $4  }
0x29d: {  	_ =	swait.ge [sflag:s0], $0x2020  }
0x29e: {  	[sflag:s0] =	ssyncset.done $0x0  }
0x29f: {  	s31 =	simm.s32 $0x8;
	[sflag:s0] =	ssyncadd.s32 $0xFFFFDFE0  }
0x2a0: {  	s3 =	simm.s32 $0x0;
	[sflag:s31] =	ssyncpa.u1 $0x0  }
.LBB2_53:
0x2a1: {  	p1 =	slt.u32 s0, $0x6B71  }
0x2a2: {  	s4 =	sand.u32 @p1 $0x7FF8, s0;
	s5 =	sand.u32 @p1 $0x7, s0;
	s0 =	sadd.s32 @p1 $0x80, s0  }
0x2a3: {  	s6 =	simm.s32 @p1 $0xE308;
	s4 =	sadd.s32 @p1 s1, s4;
	s0 =	sand.u32 @p1 $0xFFF8, s0  }
0x2a4: {  	[tilespmem:s6], [sflag:$0x8] =	stream.linear.gather @p1 [hbm4b:s4+s5], $0x80, $0x38;
	[tilespmem:$0x1E678] =	vst v63  }
0x2a5: {  	s0 =	sadd.s32 @p1 s1, s0;
	s4 =	simm.s32 @p1 $0xE388  }
0x2a6: {  	[tilespmem:s4], [sflag:$0x8] =	stream.linear.gather @p1 [hbm4b:s0+s5], $0x80, $0x38;
	[tilespmem:$0x1E678] =	vst v63  }
0x2a7: {  	s0 =	simm.s32 @p1 $0x8  }
0x2a8: {  	_ =	swait.ge @p1 [sflag:s0], $0x100  }
0x2a9: {  	[sflag:s0] =	ssyncset.done @p1 $0x0  }
0x2aa: {  	[sflag:s0] =	ssyncadd.s32 @p1 $0xFFFFFF00  }
0x2ab: {  	v1 =	vld @p1 [tilespmem:$0xE308];
	_ =	sdelay $0x2  }
0x2ac: {  	s0 =	sshll.u32 @p1 s3, $0xA  }
0x2ad: {  	s4 =	sshrl.u32 @p1 s0, $0x2  }
0x2ae: {  	[tilespmem:s4+$0xE438] =	vst.add.f32.msk @p1 $0xffff, v1  }
0x2af: {  	v1 =	vld @p1 [tilespmem:$0xE318];
	_ =	sdelay $0x4  }
0x2b0: {  	[tilespmem:s4+$0xE448] =	vst.add.f32.msk @p1 $0xffff, v1  }
0x2b1: {  	v1 =	vld @p1 [tilespmem:$0xE328];
	_ =	sdelay $0x4  }
0x2b2: {  	[tilespmem:s4+$0xE458] =	vst.add.f32.msk @p1 $0xffff, v1  }
0x2b3: {  	v1 =	vld @p1 [tilespmem:$0xE338];
	_ =	sdelay $0x4  }
0x2b4: {  	[tilespmem:s4+$0xE468] =	vst.add.f32.msk @p1 $0xffff, v1  }
0x2b5: {  	v1 =	vld @p1 [tilespmem:$0xE348];
	_ =	sdelay $0x4  }
0x2b6: {  	[tilespmem:s4+$0xE478] =	vst.add.f32.msk @p1 $0xffff, v1  }
0x2b7: {  	v1 =	vld @p1 [tilespmem:$0xE358];
	_ =	sdelay $0x4  }
0x2b8: {  	[tilespmem:s4+$0xE488] =	vst.add.f32.msk @p1 $0xffff, v1  }
0x2b9: {  	v1 =	vld @p1 [tilespmem:$0xE368];
	_ =	sdelay $0x4  }
0x2ba: {  	[tilespmem:s4+$0xE498] =	vst.add.f32.msk @p1 $0xffff, v1  }
0x2bb: {  	v1 =	vld @p1 [tilespmem:$0xE378];
	_ =	sdelay $0x4  }
0x2bc: {  	[tilespmem:s4+$0xE4A8] =	vst.add.f32.msk @p1 $0xffff, v1  }
0x2bd: {  	v1 =	vld @p1 [tilespmem:$0xE388];
	_ =	sdelay $0x4  }
0x2be: {  	[tilespmem:s4+$0xE4B8] =	vst.add.f32.msk @p1 $0xffff, v1  }
0x2bf: {  	v1 =	vld @p1 [tilespmem:$0xE398];
	_ =	sdelay $0x4  }
0x2c0: {  	[tilespmem:s4+$0xE4C8] =	vst.add.f32.msk @p1 $0xffff, v1  }
0x2c1: {  	v1 =	vld @p1 [tilespmem:$0xE3A8];
	_ =	sdelay $0x4  }
0x2c2: {  	[tilespmem:s4+$0xE4D8] =	vst.add.f32.msk @p1 $0xffff, v1  }
0x2c3: {  	v1 =	vld @p1 [tilespmem:$0xE3B8];
	_ =	sdelay $0x4  }
0x2c4: {  	[tilespmem:s4+$0xE4E8] =	vst.add.f32.msk @p1 $0xffff, v1  }
0x2c5: {  	v1 =	vld @p1 [tilespmem:$0xE3C8];
	_ =	sdelay $0x4  }
0x2c6: {  	[tilespmem:s4+$0xE4F8] =	vst.add.f32.msk @p1 $0xffff, v1  }
0x2c7: {  	v1 =	vld @p1 [tilespmem:$0xE3D8];
	_ =	sdelay $0x4  }
0x2c8: {  	[tilespmem:s4+$0xE508] =	vst.add.f32.msk @p1 $0xffff, v1  }
0x2c9: {  	v1 =	vld @p1 [tilespmem:$0xE3E8];
	_ =	sdelay $0x4  }
0x2ca: {  	[tilespmem:s4+$0xE518] =	vst.add.f32.msk @p1 $0xffff, v1  }
0x2cb: {  	v1 =	vld @p1 [tilespmem:$0xE3F8];
	_ =	sdelay $0x3  }
0x2cc: {  	s5 =	sshll.u32 @!p1 s3, $0xA  }
0x2cd: {  	s5 =	smov.u32 @p1 s0;
	[tilespmem:s4+$0xE528] =	vst.add.f32.msk @p1 $0xffff, v1  }
0x2ce: {  	s0 =	sshrl.u32 s5, $0x2;
	[tilespmem:s2+$0xE418] =	vst.msk $0x1, v0  }
0x2cf: {  	v0 =	vld [tilespmem:s0+$0xE438];
	_ =	sdelay $0x2  }
0x2d0: {  	s31 =	sshll.u32 s2, $0xA  }
0x2d1: {  	s4 =	sshra.s32 s31, $0x2  }
0x2d2: {  	[tilespmem:s4+$0xE438] =	vst v0  }
0x2d3: {  	v0 =	vld [tilespmem:s0+$0xE448];
	_ =	sdelay $0x4  }
0x2d4: {  	[tilespmem:s4+$0xE448] =	vst v0  }
0x2d5: {  	v0 =	vld [tilespmem:s0+$0xE458];
	_ =	sdelay $0x4  }
0x2d6: {  	[tilespmem:s4+$0xE458] =	vst v0  }
0x2d7: {  	v0 =	vld [tilespmem:s0+$0xE468];
	_ =	sdelay $0x4  }
0x2d8: {  	[tilespmem:s4+$0xE468] =	vst v0  }
0x2d9: {  	v0 =	vld [tilespmem:s0+$0xE478];
	_ =	sdelay $0x4  }
0x2da: {  	[tilespmem:s4+$0xE478] =	vst v0  }
0x2db: {  	v0 =	vld [tilespmem:s0+$0xE488];
	_ =	sdelay $0x4  }
0x2dc: {  	[tilespmem:s4+$0xE488] =	vst v0  }
0x2dd: {  	v0 =	vld [tilespmem:s0+$0xE498];
	_ =	sdelay $0x4  }
0x2de: {  	[tilespmem:s4+$0xE498] =	vst v0  }
0x2df: {  	v0 =	vld [tilespmem:s0+$0xE4A8];
	_ =	sdelay $0x4  }
0x2e0: {  	[tilespmem:s4+$0xE4A8] =	vst v0  }
0x2e1: {  	v0 =	vld [tilespmem:s0+$0xE4B8];
	_ =	sdelay $0x4  }
0x2e2: {  	[tilespmem:s4+$0xE4B8] =	vst v0  }
0x2e3: {  	v0 =	vld [tilespmem:s0+$0xE4C8];
	_ =	sdelay $0x4  }
0x2e4: {  	[tilespmem:s4+$0xE4C8] =	vst v0  }
0x2e5: {  	v0 =	vld [tilespmem:s0+$0xE4D8];
	_ =	sdelay $0x4  }
0x2e6: {  	[tilespmem:s4+$0xE4D8] =	vst v0  }
0x2e7: {  	v0 =	vld [tilespmem:s0+$0xE4E8];
	_ =	sdelay $0x4  }
0x2e8: {  	[tilespmem:s4+$0xE4E8] =	vst v0  }
0x2e9: {  	v0 =	vld [tilespmem:s0+$0xE4F8];
	_ =	sdelay $0x4  }
0x2ea: {  	[tilespmem:s4+$0xE4F8] =	vst v0  }
0x2eb: {  	v0 =	vld [tilespmem:s0+$0xE508];
	_ =	sdelay $0x4  }
0x2ec: {  	[tilespmem:s4+$0xE508] =	vst v0  }
0x2ed: {  	v0 =	vld [tilespmem:s0+$0xE518];
	_ =	sdelay $0x4  }
0x2ee: {  	[tilespmem:s4+$0xE518] =	vst v0  }
0x2ef: {  	v0 =	vld [tilespmem:s0+$0xE528];
	_ =	sdelay $0x4  }
0x2f0: {  	s2 =	sadd.s32 $0x1, s2;
	[tilespmem:s4+$0xE528] =	vst v0  }
.LBB2_54:
0x2f1: {  	s3 =	sadd.s32 $0x1, s3  }
0x2f2: {  	p1 =	sne.s32 s3, $0x20  }
.Ltmp38:
0x2f3: {  	_ = 	snop;
	(pc) =	sbr.rel @!p1 .LBB2_55-.Ltmp38, $1  }
0x2f4: {  	_ =	sdelay $0x3  }
.LBB2_47:
0x2f5: {  	v0 =	vld.msk [tilespmem:s3+$0xE418], $0x1;
	_ =	sdelay $0x4  }
0x2f6: {  	(v2sf) =	vpush v0, $0x0;
	_ =	sdelay $0xe  }
0x2f7: {  	s0 =	spop (v2sf)  }
0x2f8: {  	p1 =	seq.s32 s0, $0xFFFFFFFF  }
.Ltmp39:
0x2f9: {  	_ = 	snop;
	(pc) =	sbr.rel @p1 .LBB2_54-.Ltmp39, $1  }
0x2fa: {  	_ =	sdelay $0x3  }
0x2fb: {  	p1 =	slt.s32 s2, $0x1  }
.Ltmp40:
0x2fc: {  	_ = 	snop;
	(pc) =	sbr.rel @p1 .LBB2_53-.Ltmp40, $1  }
0x2fd: {  	_ =	sdelay $0x3  }
0x2fe: {  	s4 =	simm.s32 $0xE418;
	p1 =	por $0x0, $0x0  }
0x2ff: {  	v1 =	vld.msk @!p1 [tilespmem:s4+$0x0], $0x1;
	_ =	sdelay $0x4  }
0x300: {  	(v2sf) =	vpush @!p1 v1, $0x0;
	_ =	sdelay $0xd  }
0x301: {  	p3 =	sne.s32 s2, $0x1  }
.Ltmp41:
0x302: {  	s5 =	spop @!p1 (v2sf);
	(pc) =	sbr.rel @!p3 .LBB2_51-.Ltmp41, $4  }
0x303: {  	p2 =	seq.s32 @!p1 s0, s5  }
0x304: {  	s5 =	simm.s32 $0x0;
	p2 =	por !p2, p1  }
0x305: {  	s7 =	simm.s32 $0xFFFFFFFF;
	s5 =	simm.s32 @p2 $0xFFFFFFFF  }
0x306: {  	s6 =	simm.s32 $0x1;
	s5 =	smov.u32 @p1 s7  }
.LBB2_50:
0x307: {  	s7 =	smov.u32 s5;
	p1 =	sne.s32 s5, $0xFFFFFFFF  }
0x308: {  	s4 =	sadd.s32 $0x1, s4;
	s5 =	smov.u32 s6;
	s6 =	sadd.s32 $0x1, s6  }
0x309: {  	p2 =	sne.s32 s2, s6;
	v1 =	vld.msk @!p1 [tilespmem:s4+$0x0], $0x1;
	_ =	sdelay $0x4  }
0x30a: {  	(v2sf) =	vpush @!p1 v1, $0x0;
	_ =	sdelay $0xe  }
.Ltmp42:
0x30b: {  	s8 =	spop @!p1 (v2sf);
	(pc) =	sbr.rel @p2 .LBB2_50-.Ltmp42, $4  }
0x30c: {  	p3 =	seq.s32 @!p1 s0, s8  }
0x30d: {  	p3 =	por !p3, p1  }
0x30e: {  	s5 =	simm.s32 @p3 $0xFFFFFFFF  }
0x30f: {  	s5 =	smov.u32 @p1 s7  }
.LBB2_51:
0x310: {  	p1 =	seq.s32 s5, $0xFFFFFFFF  }
.Ltmp43:
0x311: {  	_ = 	snop;
	(pc) =	sbr.rel @p1 .LBB2_53-.Ltmp43, $1  }
0x312: {  	_ =	sdelay $0x3  }
0x313: {  	s0 =	sshll.u32 s3, $0x8  }
0x314: {  	s0 =	sand.u32 $0x3FFFFF00, s0  }
0x315: {  	v0 =	vld [tilespmem:s0+$0xE438];
	_ =	sdelay $0x2  }
0x316: {  	s4 =	sshll.u32 s5, $0xA  }
0x317: {  	s4 =	sshra.s32 s4, $0x2  }
0x318: {  	[tilespmem:s4+$0xE438] =	vst.add.f32.msk $0xffff, v0  }
0x319: {  	v0 =	vld [tilespmem:s0+$0xE448];
	_ =	sdelay $0x4  }
0x31a: {  	[tilespmem:s4+$0xE448] =	vst.add.f32.msk $0xffff, v0  }
0x31b: {  	v0 =	vld [tilespmem:s0+$0xE458];
	_ =	sdelay $0x4  }
0x31c: {  	[tilespmem:s4+$0xE458] =	vst.add.f32.msk $0xffff, v0  }
0x31d: {  	v0 =	vld [tilespmem:s0+$0xE468];
	_ =	sdelay $0x4  }
0x31e: {  	[tilespmem:s4+$0xE468] =	vst.add.f32.msk $0xffff, v0  }
0x31f: {  	v0 =	vld [tilespmem:s0+$0xE478];
	_ =	sdelay $0x4  }
0x320: {  	[tilespmem:s4+$0xE478] =	vst.add.f32.msk $0xffff, v0  }
0x321: {  	v0 =	vld [tilespmem:s0+$0xE488];
	_ =	sdelay $0x4  }
0x322: {  	[tilespmem:s4+$0xE488] =	vst.add.f32.msk $0xffff, v0  }
0x323: {  	v0 =	vld [tilespmem:s0+$0xE498];
	_ =	sdelay $0x4  }
0x324: {  	[tilespmem:s4+$0xE498] =	vst.add.f32.msk $0xffff, v0  }
0x325: {  	v0 =	vld [tilespmem:s0+$0xE4A8];
	_ =	sdelay $0x4  }
0x326: {  	[tilespmem:s4+$0xE4A8] =	vst.add.f32.msk $0xffff, v0  }
0x327: {  	v0 =	vld [tilespmem:s0+$0xE4B8];
	_ =	sdelay $0x4  }
0x328: {  	[tilespmem:s4+$0xE4B8] =	vst.add.f32.msk $0xffff, v0  }
0x329: {  	v0 =	vld [tilespmem:s0+$0xE4C8];
	_ =	sdelay $0x4  }
0x32a: {  	[tilespmem:s4+$0xE4C8] =	vst.add.f32.msk $0xffff, v0  }
0x32b: {  	v0 =	vld [tilespmem:s0+$0xE4D8];
	_ =	sdelay $0x4  }
0x32c: {  	[tilespmem:s4+$0xE4D8] =	vst.add.f32.msk $0xffff, v0  }
0x32d: {  	v0 =	vld [tilespmem:s0+$0xE4E8];
	_ =	sdelay $0x4  }
0x32e: {  	[tilespmem:s4+$0xE4E8] =	vst.add.f32.msk $0xffff, v0  }
0x32f: {  	v0 =	vld [tilespmem:s0+$0xE4F8];
	_ =	sdelay $0x4  }
0x330: {  	[tilespmem:s4+$0xE4F8] =	vst.add.f32.msk $0xffff, v0  }
0x331: {  	v0 =	vld [tilespmem:s0+$0xE508];
	_ =	sdelay $0x4  }
0x332: {  	[tilespmem:s4+$0xE508] =	vst.add.f32.msk $0xffff, v0  }
0x333: {  	v0 =	vld [tilespmem:s0+$0xE518];
	_ =	sdelay $0x4  }
0x334: {  	[tilespmem:s4+$0xE518] =	vst.add.f32.msk $0xffff, v0  }
0x335: {  	v0 =	vld [tilespmem:s0+$0xE528]  }
.Ltmp44:
0x336: {  	_ = 	snop;
	(pc) =	sbr.rel .LBB2_54-.Ltmp44, $2  }
0x337: {  	_ =	sdelay $0x2  }
0x338: {  	[tilespmem:s4+$0xE528] =	vst.add.f32.msk $0xffff, v0  }
.LBB2_55:
0x339: {  	p1 =	slt.s32 s2, $0x1  }
.Ltmp45:
0x33a: {  	_ = 	snop;
	(pc) =	sbr.rel @p1 .LBB2_59-.Ltmp45, $3  }
0x33b: {  	_ =	sdelay $0x1  }
0x33c: {  	s0 =	simm.s32 $0x8  }
0x33d: {  	s4 =	simm.s32 $0x0;
	[sflag:s0] =	ssyncpa.u1 $0x1  }
0x33e: {  	s0 =	simm.s32 $0xE418  }
0x33f: {  	v0 =	vld.msk [tilespmem:s0+$0x0], $0x1;
	_ =	sdelay $0x4  }
0x340: {  	(v2sf) =	vpush v0, $0x0;
	_ =	sdelay $0xe  }
0x341: {  	s0 =	sadd.s32 $0xFFFFFFFF, s2;
	s3 =	spop (v2sf)  }
0x342: {  	s6 =	simm.s32 $0xE438;
	p1 =	sne.s32 s0, $0x0;
	p2 =	sgt.u32 s3, $0x6B70  }
.Ltmp46:
0x343: {  	s2 =	simm.s32 $0xE538;
	s5 =	sand.u32 @!p2 $0x7FF8, s3;
	(pc) =	sbr.rel @!p1 .LBB2_58-.Ltmp46, $4  }
0x344: {  	s7 =	sadd.s32 @!p2 $0x80, s3;
	s4 =	simm.s32 @!p2 $0x400;
	s8 =	sadd.s32 @!p2 s1, s5  }
0x345: {  	s5 =	sand.u32 @!p2 $0x7, s3;
	s3 =	simm.s32 $0xE419;
	s7 =	sand.u32 @!p2 $0xFFF8, s7  }
0x346: {  	[hbm4b:s8+s5] =	stream.linear.scatter @!p2 [tilespmem:s6], [sflag:$0x7], $0x80, $0x38;
	[tilespmem:$0x1E678] =	vst v63  }
0x347: {  	s4 =	sadd.s32 $0x0, s4;
	s6 =	simm.s32 @!p2 $0xE4B8;
	s7 =	sadd.s32 @!p2 s1, s7  }
.LBB2_57:
0x348: {  	[hbm4b:s7+s5] =	stream.linear.scatter @!p2 [tilespmem:s6], [sflag:$0x7], $0x80, $0x38;
	[tilespmem:$0x1E678] =	vst v63  }
0x349: {  	s0 =	sadd.s32 $0xFFFFFFFF, s0;
	s6 =	smov.u32 s2;
	v0 =	vld.msk [tilespmem:s3+$0x0], $0x1  }
0x34a: {  	p1 =	sne.s32 s0, $0x0;
	_ =	sdelay $0x3  }
0x34b: {  	(v2sf) =	vpush v0, $0x0;
	_ =	sdelay $0xe  }
0x34c: {  	s2 =	sadd.s32 $0x100, s2;
	s8 =	simm.s32 $0x0;
	s5 =	spop (v2sf)  }
.Ltmp47:
0x34d: {  	s3 =	sadd.s32 $0x1, s3;
	p2 =	sgt.u32 s5, $0x6B70;
	(pc) =	sbr.rel @p1 .LBB2_57-.Ltmp47, $4  }
0x34e: {  	s8 =	simm.s32 @!p2 $0x400;
	s7 =	sand.u32 @!p2 $0x7FF8, s5;
	s9 =	sadd.s32 @!p2 $0x80, s5  }
0x34f: {  	s5 =	sand.u32 @!p2 $0x7, s5;
	s7 =	sadd.s32 @!p2 s1, s7;
	s9 =	sand.u32 @!p2 $0xFFF8, s9  }
0x350: {  	[hbm4b:s7+s5] =	stream.linear.scatter @!p2 [tilespmem:s6], [sflag:$0x7], $0x80, $0x38;
	[tilespmem:$0x1E678] =	vst v63  }
0x351: {  	s4 =	sadd.s32 s4, s8;
	s6 =	sadd.s32 @!p2 $0x80, s6;
	s7 =	sadd.s32 @!p2 s1, s9  }
.LBB2_58:
0x352: {  	[hbm4b:s7+s5] =	stream.linear.scatter @!p2 [tilespmem:s6], [sflag:$0x7], $0x80, $0x38;
	[tilespmem:$0x1E678] =	vst v63  }
0x353: {  	s4 =	sshrl.u32 s4, $0x2  }
.LBB2_59:
0x354: {  	s0 =	simm.s32 $0x7  }
0x355: {  	_ =	swait.ge [sflag:s0], s4  }
0x356: {  	s1 =	ssub.s32 $0x0, s4;
	[sflag:s0] =	ssyncset.done $0x0  }
0x357: {  	[sflag:s0] =	ssyncadd.s32 s1  }
0x358: {  	[sflag:s0] =	ssyncpa.u1 $0x1  }
.LBB2_60:
0x359: {  	_ =	sfence;
	s0 =	simm.s32 $0x1  }
0x35a: {  	[sflag:s0] =	ssyncpa.u1 $0x1  }
0x35b: {  	_ =	strace $0x90000050  }
0x35c: {  	[bflag:$0x2] =	sbarrier.arrive $0xFFFF  }
0x35d: {  	s0 =	rddreg [dreg:$0x5]  }
0x35e: {  	s0 =	sadd.s32 @!p0 $0x100000, s0  }
0x35f: {  	[sflag:s0] =	ssyncadd.tile.s32 @!p0 $0x1;
	_ =	shalt  }
.Lfunc_end2:
_tile_overlayer_lowered:
.L_overlay_start_2:
0x360: {  	(tag) =	ssettag $0x2  }
0x361: {  	s0 =	rddreg [dreg:$0x0];
	s2 =	stileid.u32  }
0x362: {  	s1 =	rddreg [dreg:$0x1];
	p0 =	sne.s32 s2, $0x0  }
0x363: {  	s3 =	rddreg [dreg:$0x2];
	[bflag:$0x3] =	sbarrier.arrive $0xFFFF;
	s2 =	simm.s32 @!p0 $0x1C01  }
0x364: {  	[timem:s3], [sflag:s2] =	dma.local @!p0 [hbm:s0], s1  }
0x365: {  	s0 =	simm.s32 @!p0 $0x1  }
0x366: {  	_ =	swait.ge @!p0 [sflag:s0], s1  }
0x367: {  	s1 =	ssub.s32 @!p0 $0x0, s1;
	[sflag:s0] =	ssyncset.done @!p0 $0x0  }
0x368: {  	[sflag:s0] =	ssyncadd.s32 @!p0 s1  }
0x369: {  	[bflag:$0x3] =	sbarrier.arrive $0xFFFF  }
0x36a: {  	_ =	shalt  }

</sc_bundles>
